<compile_context>
chip_gen: v7x
topology: tpu7x:2x2x1
jax: 0.10.2.dev20260603
libtpu: 0.0.44.dev20260713+nightly
codegen_flags: <defaults>
</compile_context>

<pallas_src>
import functools

import jax
import jax.numpy as jnp
from jax import lax
from jax.experimental import pallas as pl
from jax.experimental.pallas import tpu as pltpu
from jax.experimental.pallas import tpu_sc as plsc

N_CORES = 2
N_SUBCORES = 16
N_WORKERS = N_CORES * N_SUBCORES
CHUNK = 128
K_INNER = 8

N_NODES = 100000
N_PAD = 100096
E_EDGES = 3200000
E_PAD = 3211264
E_ROWS = E_PAD // CHUNK
R_PER_W = E_ROWS // N_WORKERS
N_BLK = R_PER_W // K_INNER


def _worker_mesh():
    return plsc.VectorSubcoreMesh(core_axis_name="c", subcore_axis_name="s")


def _make_prop(d):

    @functools.partial(
        pl.kernel,
        out_type=jax.ShapeDtypeStruct((N_CORES, N_PAD, d), jnp.float32),
        mesh=_worker_mesh(),
        compiler_params=pltpu.CompilerParams(use_tc_tiling_on_sc=False),
        scratch_types=[
            pltpu.VMEM((K_INNER, CHUNK), jnp.int32),
            pltpu.VMEM((K_INNER, CHUNK), jnp.int32),
            pltpu.VMEM((K_INNER * CHUNK, d), jnp.float32),
            pltpu.VMEM_SHARED((N_PAD, d), jnp.float32),
            pltpu.SemaphoreType.DMA,
            pltpu.SemaphoreType.DMA,
        ],
    )
    def prop(u_hbm, zeros_hbm, src_hbm, dst_hbm, out_hbm,
             srcb, dstb, rows, acc, gsem, isem):
        c = lax.axis_index("c")
        s = lax.axis_index("s")
        wid = c * N_SUBCORES + s
        zr = N_PAD // N_SUBCORES
        pltpu.sync_copy(zeros_hbm.at[pl.ds(s * zr, zr)],
                        acc.at[pl.ds(s * zr, zr)])
        plsc.subcore_barrier()
        row0 = wid * R_PER_W

        def body(b, carry):
            r0 = row0 + b * K_INNER
            cps = pltpu.async_copy(src_hbm.at[pl.ds(r0, K_INNER)], srcb, isem)
            cpd = pltpu.async_copy(dst_hbm.at[pl.ds(r0, K_INNER)], dstb, isem)
            cps.wait()
            cpd.wait()
            gathers = []
            for j in range(K_INNER):
                gathers.append(pltpu.async_copy(
                    u_hbm.at[srcb.at[j]],
                    rows.at[pl.ds(j * CHUNK, CHUNK)], gsem))
            for j in range(K_INNER):
                gathers[j].wait()
                pltpu.sync_copy(rows.at[pl.ds(j * CHUNK, CHUNK)],
                                acc.at[dstb.at[j]], add=True)
            return carry

        lax.fori_loop(0, N_BLK, body, 0)
        plsc.subcore_barrier()
        pltpu.sync_copy(acc.at[pl.ds(s * zr, zr)],
                        out_hbm.at[c, pl.ds(s * zr, zr)])

    return prop


def _make_deg():

    @functools.partial(
        pl.kernel,
        out_type=jax.ShapeDtypeStruct((N_CORES, N_PAD, 1), jnp.float32),
        mesh=_worker_mesh(),
        compiler_params=pltpu.CompilerParams(use_tc_tiling_on_sc=False),
        scratch_types=[
            pltpu.VMEM((K_INNER, CHUNK), jnp.int32),
            pltpu.VMEM((CHUNK, 1), jnp.float32),
            pltpu.VMEM_SHARED((N_PAD, 1), jnp.float32),
            pltpu.SemaphoreType.DMA,
        ],
    )
    def deg(ones_hbm, zeros_hbm, dst_hbm, out_hbm, dstb, onesb, acc, isem):
        c = lax.axis_index("c")
        s = lax.axis_index("s")
        wid = c * N_SUBCORES + s
        zr = N_PAD // N_SUBCORES
        pltpu.sync_copy(zeros_hbm.at[pl.ds(s * zr, zr)],
                        acc.at[pl.ds(s * zr, zr)])
        pltpu.sync_copy(ones_hbm, onesb)
        plsc.subcore_barrier()
        row0 = wid * R_PER_W

        def body(b, carry):
            r0 = row0 + b * K_INNER
            pltpu.async_copy(dst_hbm.at[pl.ds(r0, K_INNER)], dstb, isem).wait()
            for j in range(K_INNER):
                pltpu.sync_copy(onesb, acc.at[dstb.at[j]], add=True)
            return carry

        lax.fori_loop(0, N_BLK, body, 0)
        plsc.subcore_barrier()
        pltpu.sync_copy(acc.at[pl.ds(s * zr, zr)],
                        out_hbm.at[c, pl.ds(s * zr, zr)])

    return deg



_BR = 256
_GRID = N_PAD // _BR


def _row_spec(d):
    return pl.BlockSpec((_BR, d), lambda i: (i, 0))


def _full_spec(shape):
    return pl.BlockSpec(shape, lambda i: (0, 0))


def _tc1_body(d0, d1, xp, dinv, u1):
    dv = lax.rsqrt(1.0 + d0[...] + d1[...])
    dinv[...] = dv
    u1[...] = xp[...] * dv


def _tc2_body(p0, p1, u1, dv, w, b, u2):
    h = (p0[...] + p1[...] + u1[...]) * dv[...]
    z = jnp.dot(h, w[...], preferred_element_type=jnp.float32) + b[...][0:1, :]
    u2[...] = jnp.maximum(z, 0.0) * dv[...]


def _tc3_body(p0, p1, u2, dv, w3, b3, w2, u3):
    h = (p0[...] + p1[...] + u2[...]) * dv[...]
    z = jnp.dot(h, w3[...], preferred_element_type=jnp.float32) + b3[...][0:1, :]
    t = jnp.maximum(z, 0.0)
    u3[...] = jnp.dot(t, w2[...], preferred_element_type=jnp.float32) * dv[...]


_BR_OUT = 400
_GRID_OUT = N_NODES // _BR_OUT


def _tc4_body(p0, p1, u3, dv, b2, out):
    z = (p0[...] + p1[...] + u3[...]) * dv[...] + b2[...][0:1, :]
    col = lax.broadcasted_iota(jnp.int32, z.shape, 1)
    zm = jnp.where(col < 6, z, -1e30)
    m = jnp.max(zm, axis=1, keepdims=True)
    e = jnp.exp(zm - m)
    lse = jnp.log(jnp.sum(e, axis=1, keepdims=True)) + m
    out[...] = (z - lse)[:, :6]


def kernel(x, edge_index, W1, b1, W3, b3, W2, b2):
    f32 = jnp.float32
    src = edge_index[0].astype(jnp.int32)
    dst = edge_index[1].astype(jnp.int32)
    pad = jnp.full((E_PAD - E_EDGES,), N_NODES, jnp.int32)
    src2d = jnp.concatenate([src, pad]).reshape(E_ROWS, CHUNK)
    dst2d = jnp.concatenate([dst, pad]).reshape(E_ROWS, CHUNK)

    x_pad = jnp.zeros((N_PAD, 8), f32).at[:N_NODES, :6].set(x)
    w1p = jnp.zeros((8, 16), f32).at[:6, :].set(W1)
    b1p = jnp.zeros((8, 16), f32).at[0, :].set(b1)
    b3p = jnp.zeros((8, 16), f32).at[0, :].set(b3)
    w2p = jnp.zeros((16, 8), f32).at[:, :6].set(W2)
    b2p = jnp.zeros((8, 8), f32).at[0, :6].set(b2)

    zeros1 = jnp.zeros((N_PAD, 1), f32)
    zeros8 = jnp.zeros((N_PAD, 8), f32)
    zeros16 = jnp.zeros((N_PAD, 16), f32)
    ones = jnp.ones((CHUNK, 1), f32)

    degp = _make_deg()(ones, zeros1, dst2d)

    dinv, u1 = pl.pallas_call(
        _tc1_body,
        grid=(_GRID,),
        in_specs=[_row_spec(1), _row_spec(1), _row_spec(8)],
        out_specs=[_row_spec(1), _row_spec(8)],
        out_shape=[jax.ShapeDtypeStruct((N_PAD, 1), f32),
                   jax.ShapeDtypeStruct((N_PAD, 8), f32)],
    )(degp[0], degp[1], x_pad)

    p1 = _make_prop(8)(u1, zeros8, src2d, dst2d)

    u2 = pl.pallas_call(
        _tc2_body,
        grid=(_GRID,),
        in_specs=[_row_spec(8), _row_spec(8), _row_spec(8), _row_spec(1),
                  _full_spec((8, 16)), _full_spec((8, 16))],
        out_specs=_row_spec(16),
        out_shape=jax.ShapeDtypeStruct((N_PAD, 16), f32),
    )(p1[0], p1[1], u1, dinv, w1p, b1p)

    p2 = _make_prop(16)(u2, zeros16, src2d, dst2d)

    u3 = pl.pallas_call(
        _tc3_body,
        grid=(_GRID,),
        in_specs=[_row_spec(16), _row_spec(16), _row_spec(16), _row_spec(1),
                  _full_spec((16, 16)), _full_spec((8, 16)),
                  _full_spec((16, 8))],
        out_specs=_row_spec(8),
        out_shape=jax.ShapeDtypeStruct((N_PAD, 8), f32),
    )(p2[0], p2[1], u2, dinv, W3, b3p, w2p)

    p3 = _make_prop(8)(u3, zeros8, src2d, dst2d)

    out = pl.pallas_call(
        _tc4_body,
        grid=(_GRID_OUT,),
        in_specs=[pl.BlockSpec((_BR_OUT, 8), lambda i: (i, 0)),
                  pl.BlockSpec((_BR_OUT, 8), lambda i: (i, 0)),
                  pl.BlockSpec((_BR_OUT, 8), lambda i: (i, 0)),
                  pl.BlockSpec((_BR_OUT, 1), lambda i: (i, 0)),
                  _full_spec((8, 8))],
        out_specs=pl.BlockSpec((_BR_OUT, 6), lambda i: (i, 0)),
        out_shape=jax.ShapeDtypeStruct((N_NODES, 6), f32),
    )(p3[0], p3[1], u3, dinv, b2p)

    return out

# --- scband reference (transcript-rebuilt; emitter-appended) ---
"""Pipeline reference for scband-gcn2-39642548142777 (READ-ONLY COPY).

The authoritative reference and input builder live on the scoring server;
editing this copy changes nothing except your own understanding.
"""

import jax, jax.numpy as jnp
import numpy as np

N_NODES = 100000


def gcn_conv(x, edge_index, W, b):
    n = x.shape[0]
    src = edge_index[0]
    dst = edge_index[1]
    # add self-loops (PyG GCNConv default add_self_loops=True)
    loop = jnp.arange(n, dtype=edge_index.dtype)
    src = jnp.concatenate([src, loop])
    dst = jnp.concatenate([dst, loop])
    # symmetric normalization with unit edge weights
    deg = jnp.zeros((n,), dtype=x.dtype).at[dst].add(1.0)
    deg_inv_sqrt = jnp.where(deg > 0, deg ** -0.5, 0.0)
    norm = deg_inv_sqrt[src] * deg_inv_sqrt[dst]
    # linear transform then propagate (gather -> scale -> scatter-add)
    h = x @ W
    msg = h[src] * norm[:, None]
    out = jnp.zeros((n, W.shape[1]), dtype=x.dtype).at[dst].add(msg)
    return out + b


def setup_inputs(seed: int = 0) -> dict:
    key = jax.random.key(seed)
    ks = jax.random.split(key, 8)
    x = jax.random.normal(ks[0], (N_NODES, 6), dtype=jnp.float32)
    edge_index = jax.random.randint(ks[1], (2, 3200000), 0, N_NODES, dtype=jnp.int64)
    # glorot-style init for GCNConv weights, zero bias (PyG default)
    W1 = jax.random.normal(ks[2], (6, 16), dtype=jnp.float32) * (2.0 / (6 + 16)) ** 0.5
    b1 = jnp.zeros((16,), dtype=jnp.float32)
    W3 = jax.random.normal(ks[3], (16, 16), dtype=jnp.float32) * (2.0 / (16 + 16)) ** 0.5
    b3 = jnp.zeros((16,), dtype=jnp.float32)
    W2 = jax.random.normal(ks[4], (16, 6), dtype=jnp.float32) * (2.0 / (16 + 6)) ** 0.5
    b2 = jnp.zeros((6,), dtype=jnp.float32)
    return {"x": x, "edge_index": edge_index, "W1": W1, "b1": b1, "W3": W3, "b3": b3, "W2": W2, "b2": b2}


def reference(x, edge_index, W1, b1, W3, b3, W2, b2):
    h = gcn_conv(x, edge_index, W1, b1)
    h = jax.nn.relu(h)
    h = gcn_conv(h, edge_index, W3, b3)
    h = jax.nn.relu(h)
    # dropout is identity in eval mode (training=False)
    h = gcn_conv(h, edge_index, W2, b2)
    return jax.nn.log_softmax(h, axis=1)

if __name__ == "__main__":
    import jax
    _d = setup_inputs()
    print(jax.jit(kernel)(*tuple(_d.values())))

</pallas_src>

<mosaic_0001>
#map = affine_map<(d0, d1) -> (0, 0)>
#map1 = affine_map<(d0, d1) -> (0, 0, 0)>
module attributes {stable_mosaic.version = 14 : i64} {
  func.func @prop(%arg0: i32, %arg1: i32, %arg2: memref<100096x8xf32, #tpu.memory_space<hbm>>, %arg3: memref<100096x8xf32, #tpu.memory_space<hbm>>, %arg4: memref<25088x128xi32, #tpu.memory_space<hbm>>, %arg5: memref<25088x128xi32, #tpu.memory_space<hbm>>, %arg6: memref<2x100096x8xf32, #tpu.memory_space<hbm>>, %arg7: memref<8x128xi32, #tpu.memory_space<vmem>>, %arg8: memref<8x128xi32, #tpu.memory_space<vmem>>, %arg9: memref<1024x8xf32, #tpu.memory_space<vmem>>, %arg10: memref<100096x8xf32, #tpu.memory_space<vmem_shared>>, %arg11: memref<!tpu.dma_semaphore, #tpu.memory_space<semaphore_mem>>, %arg12: memref<!tpu.dma_semaphore, #tpu.memory_space<semaphore_mem>>) attributes {dimension_semantics = [#tpu.dimension_semantics<core_parallel>, #tpu.dimension_semantics<subcore_parallel>], iteration_bounds = array<i64: 2, 16>, scalar_prefetch = 0 : i64, scratch_operands = 6 : i64, tpu.core_type = #tpu.core_type<sc_vector_subcore>, window_params = [{transform_indices = #map}, {transform_indices = #map}, {transform_indices = #map}, {transform_indices = #map}, {transform_indices = #map1}]} {
    %mul3A = arith.constant 16 : i32
    %mul3A_0 = arith.muli %arg0, %mul3A : i32
    %add3A = arith.addi %mul3A_0, %arg1 : i32
    %mul3A_1 = arith.constant 6256 : i32
    %mul3A_2 = arith.muli %arg1, %mul3A_1 : i32
    %mul3A_3 = arith.constant 6256 : i32
    %mul3A_4 = arith.muli %arg1, %mul3A_3 : i32
    "tpu.region"() ({
      %run_scoped3A = tpu.sem_alloc : memref<!tpu.dma_semaphore, #tpu.memory_space<semaphore_mem>>
      %dma_start3A = arith.constant 0 : i32
      %dma_start3A_17 = tpu.memref_slice %arg10[%mul3A_4, %dma_start3A] : memref<100096x8xf32, #tpu.memory_space<vmem_shared>> -> memref<6256x8xf32, #tpu.memory_space<vmem_shared>>
      %dma_start3A_18 = arith.constant 0 : i32
      %dma_start3A_19 = tpu.memref_slice %arg3[%mul3A_2, %dma_start3A_18] : memref<100096x8xf32, #tpu.memory_space<hbm>> -> memref<6256x8xf32, #tpu.memory_space<hbm>>
      tpu.enqueue_dma source(%dma_start3A_19 : memref<6256x8xf32, #tpu.memory_space<hbm>>) target(%dma_start3A_17 : memref<6256x8xf32, #tpu.memory_space<vmem_shared>>) target_semaphore(%run_scoped3A : memref<!tpu.dma_semaphore, #tpu.memory_space<semaphore_mem>>)
      %dma_wait3A = arith.constant 0 : i32
      %dma_wait3A_20 = tpu.memref_slice %arg10[%mul3A_4, %dma_wait3A] : memref<100096x8xf32, #tpu.memory_space<vmem_shared>> -> memref<6256x8xf32, #tpu.memory_space<vmem_shared>>
      %dma_wait3A_21 = arith.constant 0 : i32
      %dma_wait3A_22 = tpu.memref_slice %arg3[%mul3A_2, %dma_wait3A_21] : memref<100096x8xf32, #tpu.memory_space<hbm>> -> memref<6256x8xf32, #tpu.memory_space<hbm>>
      tpu.wait_dma2 semaphore(%run_scoped3A : memref<!tpu.dma_semaphore, #tpu.memory_space<semaphore_mem>>) src(%dma_wait3A_22 : memref<6256x8xf32, #tpu.memory_space<hbm>>) dst(%dma_wait3A_20 : memref<6256x8xf32, #tpu.memory_space<vmem_shared>>)
      tpu.yield
    }) : () -> ()
    %barrier3A = arith.constant 0 : index
    tpu.barrier barrier_id(%barrier3A)
    %mul3A_5 = arith.constant 784 : i32
    %mul3A_6 = arith.muli %add3A, %mul3A_5 : i32
    %scan3A = arith.constant 0 : i32
    %scan3A_7 = arith.constant 0 : i32
    %scan3A_8 = arith.constant 98 : i32
    %scan3A_9 = arith.addi %scan3A_7, %scan3A_8 : i32
    %scan3A_10 = arith.constant 1 : i32
    scf.for %scan3A_17 = %scan3A_7 to %scan3A_9 step %scan3A_10  : i32 {
      %mul3A_18 = arith.constant 8 : i32
      %mul3A_19 = arith.muli %scan3A_17, %mul3A_18 : i32
      %add3A_20 = arith.addi %mul3A_6, %mul3A_19 : i32
      %dma_start3A = arith.constant 0 : i32
      %dma_start3A_21 = tpu.memref_slice %arg4[%add3A_20, %dma_start3A] : memref<25088x128xi32, #tpu.memory_space<hbm>> -> memref<8x128xi32, #tpu.memory_space<hbm>>
      %dma_start3A_22 = arith.constant 0 : i32
      %dma_start3A_23 = tpu.memref_slice %arg4[%add3A_20, %dma_start3A_22] : memref<25088x128xi32, #tpu.memory_space<hbm>> -> memref<8x128xi32, #tpu.memory_space<hbm>>
      tpu.enqueue_dma source(%dma_start3A_23 : memref<8x128xi32, #tpu.memory_space<hbm>>) target(%arg7 : memref<8x128xi32, #tpu.memory_space<vmem>>) target_semaphore(%arg12 : memref<!tpu.dma_semaphore, #tpu.memory_space<semaphore_mem>>)
      %dma_start3A_24 = arith.constant 0 : i32
      %dma_start3A_25 = tpu.memref_slice %arg5[%add3A_20, %dma_start3A_24] : memref<25088x128xi32, #tpu.memory_space<hbm>> -> memref<8x128xi32, #tpu.memory_space<hbm>>
      %dma_start3A_26 = arith.constant 0 : i32
      %dma_start3A_27 = tpu.memref_slice %arg5[%add3A_20, %dma_start3A_26] : memref<25088x128xi32, #tpu.memory_space<hbm>> -> memref<8x128xi32, #tpu.memory_space<hbm>>
      tpu.enqueue_dma source(%dma_start3A_27 : memref<8x128xi32, #tpu.memory_space<hbm>>) target(%arg8 : memref<8x128xi32, #tpu.memory_space<vmem>>) target_semaphore(%arg12 : memref<!tpu.dma_semaphore, #tpu.memory_space<semaphore_mem>>)
      %dma_wait3A = arith.constant 0 : i32
      %dma_wait3A_28 = tpu.memref_slice %arg4[%add3A_20, %dma_wait3A] : memref<25088x128xi32, #tpu.memory_space<hbm>> -> memref<8x128xi32, #tpu.memory_space<hbm>>
      %dma_wait3A_29 = arith.constant 0 : i32
      %dma_wait3A_30 = tpu.memref_slice %arg4[%add3A_20, %dma_wait3A_29] : memref<25088x128xi32, #tpu.memory_space<hbm>> -> memref<8x128xi32, #tpu.memory_space<hbm>>
      tpu.wait_dma2 semaphore(%arg12 : memref<!tpu.dma_semaphore, #tpu.memory_space<semaphore_mem>>) src(%dma_wait3A_30 : memref<8x128xi32, #tpu.memory_space<hbm>>) dst(%arg7 : memref<8x128xi32, #tpu.memory_space<vmem>>)
      %dma_wait3A_31 = arith.constant 0 : i32
      %dma_wait3A_32 = tpu.memref_slice %arg5[%add3A_20, %dma_wait3A_31] : memref<25088x128xi32, #tpu.memory_space<hbm>> -> memref<8x128xi32, #tpu.memory_space<hbm>>
      %dma_wait3A_33 = arith.constant 0 : i32
      %dma_wait3A_34 = tpu.memref_slice %arg5[%add3A_20, %dma_wait3A_33] : memref<25088x128xi32, #tpu.memory_space<hbm>> -> memref<8x128xi32, #tpu.memory_space<hbm>>
      tpu.wait_dma2 semaphore(%arg12 : memref<!tpu.dma_semaphore, #tpu.memory_space<semaphore_mem>>) src(%dma_wait3A_34 : memref<8x128xi32, #tpu.memory_space<hbm>>) dst(%arg8 : memref<8x128xi32, #tpu.memory_space<vmem>>)
      %dma_start3A_35 = arith.constant 0 : i32
      %dma_start3A_36 = arith.constant 0 : i32
      %dma_start3A_37 = arith.constant 0 : i32
      %dma_start3A_38 = tpu.memref_slice %arg9[%dma_start3A_36, %dma_start3A_37] : memref<1024x8xf32, #tpu.memory_space<vmem>> -> memref<128x8xf32, #tpu.memory_space<vmem>>
      %dma_start3A_39 = arith.constant 0 : i32
      %dma_start3A_40 = tpu.memref_slice %arg7[%dma_start3A_35, %dma_start3A_39] : memref<8x128xi32, #tpu.memory_space<vmem>> -> memref<1x128xi32, #tpu.memory_space<vmem>>
      %dma_start3A_41 = tpu.memref_squeeze %dma_start3A_40 : memref<1x128xi32, #tpu.memory_space<vmem>> -> memref<128xi32, #tpu.memory_space<vmem>>
      %dma_start3A_42 = arith.constant 0 : i32
      %dma_start3A_43 = arith.constant 0 : i32
      %dma_start3A_44 = tpu.memref_slice %arg2[%dma_start3A_42, %dma_start3A_43] : memref<100096x8xf32, #tpu.memory_space<hbm>> -> memref<100096x8xf32, #tpu.memory_space<hbm>>
      tpu.enqueue_indirect_dma source(%dma_start3A_44 : memref<100096x8xf32, #tpu.memory_space<hbm>>) target(%dma_start3A_38 : memref<128x8xf32, #tpu.memory_space<vmem>>) offsets(%dma_start3A_41 : memref<128xi32, #tpu.memory_space<vmem>>) semaphore(%arg11 : memref<!tpu.dma_semaphore, #tpu.memory_space<semaphore_mem>>)
      %dma_start3A_45 = arith.constant 1 : i32
      %dma_start3A_46 = arith.constant 128 : i32
      %dma_start3A_47 = arith.constant 0 : i32
      %dma_start3A_48 = tpu.memref_slice %arg9[%dma_start3A_46, %dma_start3A_47] : memref<1024x8xf32, #tpu.memory_space<vmem>> -> memref<128x8xf32, #tpu.memory_space<vmem>>
      %dma_start3A_49 = arith.constant 0 : i32
      %dma_start3A_50 = tpu.memref_slice %arg7[%dma_start3A_45, %dma_start3A_49] : memref<8x128xi32, #tpu.memory_space<vmem>> -> memref<1x128xi32, #tpu.memory_space<vmem>>
      %dma_start3A_51 = tpu.memref_squeeze %dma_start3A_50 : memref<1x128xi32, #tpu.memory_space<vmem>> -> memref<128xi32, #tpu.memory_space<vmem>>
      %dma_start3A_52 = arith.constant 0 : i32
      %dma_start3A_53 = arith.constant 0 : i32
      %dma_start3A_54 = tpu.memref_slice %arg2[%dma_start3A_52, %dma_start3A_53] : memref<100096x8xf32, #tpu.memory_space<hbm>> -> memref<100096x8xf32, #tpu.memory_space<hbm>>
      tpu.enqueue_indirect_dma source(%dma_start3A_54 : memref<100096x8xf32, #tpu.memory_space<hbm>>) target(%dma_start3A_48 : memref<128x8xf32, #tpu.memory_space<vmem>>) offsets(%dma_start3A_51 : memref<128xi32, #tpu.memory_space<vmem>>) semaphore(%arg11 : memref<!tpu.dma_semaphore, #tpu.memory_space<semaphore_mem>>)
      %dma_start3A_55 = arith.constant 2 : i32
      %dma_start3A_56 = arith.constant 256 : i32
      %dma_start3A_57 = arith.constant 0 : i32
      %dma_start3A_58 = tpu.memref_slice %arg9[%dma_start3A_56, %dma_start3A_57] : memref<1024x8xf32, #tpu.memory_space<vmem>> -> memref<128x8xf32, #tpu.memory_space<vmem>>
      %dma_start3A_59 = arith.constant 0 : i32
      %dma_start3A_60 = tpu.memref_slice %arg7[%dma_start3A_55, %dma_start3A_59] : memref<8x128xi32, #tpu.memory_space<vmem>> -> memref<1x128xi32, #tpu.memory_space<vmem>>
      %dma_start3A_61 = tpu.memref_squeeze %dma_start3A_60 : memref<1x128xi32, #tpu.memory_space<vmem>> -> memref<128xi32, #tpu.memory_space<vmem>>
      %dma_start3A_62 = arith.constant 0 : i32
      %dma_start3A_63 = arith.constant 0 : i32
      %dma_start3A_64 = tpu.memref_slice %arg2[%dma_start3A_62, %dma_start3A_63] : memref<100096x8xf32, #tpu.memory_space<hbm>> -> memref<100096x8xf32, #tpu.memory_space<hbm>>
      tpu.enqueue_indirect_dma source(%dma_start3A_64 : memref<100096x8xf32, #tpu.memory_space<hbm>>) target(%dma_start3A_58 : memref<128x8xf32, #tpu.memory_space<vmem>>) offsets(%dma_start3A_61 : memref<128xi32, #tpu.memory_space<vmem>>) semaphore(%arg11 : memref<!tpu.dma_semaphore, #tpu.memory_space<semaphore_mem>>)
      %dma_start3A_65 = arith.constant 3 : i32
      %dma_start3A_66 = arith.constant 384 : i32
      %dma_start3A_67 = arith.constant 0 : i32
      %dma_start3A_68 = tpu.memref_slice %arg9[%dma_start3A_66, %dma_start3A_67] : memref<1024x8xf32, #tpu.memory_space<vmem>> -> memref<128x8xf32, #tpu.memory_space<vmem>>
      %dma_start3A_69 = arith.constant 0 : i32
      %dma_start3A_70 = tpu.memref_slice %arg7[%dma_start3A_65, %dma_start3A_69] : memref<8x128xi32, #tpu.memory_space<vmem>> -> memref<1x128xi32, #tpu.memory_space<vmem>>
      %dma_start3A_71 = tpu.memref_squeeze %dma_start3A_70 : memref<1x128xi32, #tpu.memory_space<vmem>> -> memref<128xi32, #tpu.memory_space<vmem>>
      %dma_start3A_72 = arith.constant 0 : i32
      %dma_start3A_73 = arith.constant 0 : i32
      %dma_start3A_74 = tpu.memref_slice %arg2[%dma_start3A_72, %dma_start3A_73] : memref<100096x8xf32, #tpu.memory_space<hbm>> -> memref<100096x8xf32, #tpu.memory_space<hbm>>
      tpu.enqueue_indirect_dma source(%dma_start3A_74 : memref<100096x8xf32, #tpu.memory_space<hbm>>) target(%dma_start3A_68 : memref<128x8xf32, #tpu.memory_space<vmem>>) offsets(%dma_start3A_71 : memref<128xi32, #tpu.memory_space<vmem>>) semaphore(%arg11 : memref<!tpu.dma_semaphore, #tpu.memory_space<semaphore_mem>>)
      %dma_start3A_75 = arith.constant 4 : i32
      %dma_start3A_76 = arith.constant 512 : i32
      %dma_start3A_77 = arith.constant 0 : i32
      %dma_start3A_78 = tpu.memref_slice %arg9[%dma_start3A_76, %dma_start3A_77] : memref<1024x8xf32, #tpu.memory_space<vmem>> -> memref<128x8xf32, #tpu.memory_space<vmem>>
      %dma_start3A_79 = arith.constant 0 : i32
      %dma_start3A_80 = tpu.memref_slice %arg7[%dma_start3A_75, %dma_start3A_79] : memref<8x128xi32, #tpu.memory_space<vmem>> -> memref<1x128xi32, #tpu.memory_space<vmem>>
      %dma_start3A_81 = tpu.memref_squeeze %dma_start3A_80 : memref<1x128xi32, #tpu.memory_space<vmem>> -> memref<128xi32, #tpu.memory_space<vmem>>
      %dma_start3A_82 = arith.constant 0 : i32
      %dma_start3A_83 = arith.constant 0 : i32
      %dma_start3A_84 = tpu.memref_slice %arg2[%dma_start3A_82, %dma_start3A_83] : memref<100096x8xf32, #tpu.memory_space<hbm>> -> memref<100096x8xf32, #tpu.memory_space<hbm>>
      tpu.enqueue_indirect_dma source(%dma_start3A_84 : memref<100096x8xf32, #tpu.memory_space<hbm>>) target(%dma_start3A_78 : memref<128x8xf32, #tpu.memory_space<vmem>>) offsets(%dma_start3A_81 : memref<128xi32, #tpu.memory_space<vmem>>) semaphore(%arg11 : memref<!tpu.dma_semaphore, #tpu.memory_space<semaphore_mem>>)
      %dma_start3A_85 = arith.constant 5 : i32
      %dma_start3A_86 = arith.constant 640 : i32
      %dma_start3A_87 = arith.constant 0 : i32
      %dma_start3A_88 = tpu.memref_slice %arg9[%dma_start3A_86, %dma_start3A_87] : memref<1024x8xf32, #tpu.memory_space<vmem>> -> memref<128x8xf32, #tpu.memory_space<vmem>>
      %dma_start3A_89 = arith.constant 0 : i32
      %dma_start3A_90 = tpu.memref_slice %arg7[%dma_start3A_85, %dma_start3A_89] : memref<8x128xi32, #tpu.memory_space<vmem>> -> memref<1x128xi32, #tpu.memory_space<vmem>>
      %dma_start3A_91 = tpu.memref_squeeze %dma_start3A_90 : memref<1x128xi32, #tpu.memory_space<vmem>> -> memref<128xi32, #tpu.memory_space<vmem>>
      %dma_start3A_92 = arith.constant 0 : i32
      %dma_start3A_93 = arith.constant 0 : i32
      %dma_start3A_94 = tpu.memref_slice %arg2[%dma_start3A_92, %dma_start3A_93] : memref<100096x8xf32, #tpu.memory_space<hbm>> -> memref<100096x8xf32, #tpu.memory_space<hbm>>
      tpu.enqueue_indirect_dma source(%dma_start3A_94 : memref<100096x8xf32, #tpu.memory_space<hbm>>) target(%dma_start3A_88 : memref<128x8xf32, #tpu.memory_space<vmem>>) offsets(%dma_start3A_91 : memref<128xi32, #tpu.memory_space<vmem>>) semaphore(%arg11 : memref<!tpu.dma_semaphore, #tpu.memory_space<semaphore_mem>>)
      %dma_start3A_95 = arith.constant 6 : i32
      %dma_start3A_96 = arith.constant 768 : i32
      %dma_start3A_97 = arith.constant 0 : i32
      %dma_start3A_98 = tpu.memref_slice %arg9[%dma_start3A_96, %dma_start3A_97] : memref<1024x8xf32, #tpu.memory_space<vmem>> -> memref<128x8xf32, #tpu.memory_space<vmem>>
      %dma_start3A_99 = arith.constant 0 : i32
      %dma_start3A_100 = tpu.memref_slice %arg7[%dma_start3A_95, %dma_start3A_99] : memref<8x128xi32, #tpu.memory_space<vmem>> -> memref<1x128xi32, #tpu.memory_space<vmem>>
      %dma_start3A_101 = tpu.memref_squeeze %dma_start3A_100 : memref<1x128xi32, #tpu.memory_space<vmem>> -> memref<128xi32, #tpu.memory_space<vmem>>
      %dma_start3A_102 = arith.constant 0 : i32
      %dma_start3A_103 = arith.constant 0 : i32
      %dma_start3A_104 = tpu.memref_slice %arg2[%dma_start3A_102, %dma_start3A_103] : memref<100096x8xf32, #tpu.memory_space<hbm>> -> memref<100096x8xf32, #tpu.memory_space<hbm>>
      tpu.enqueue_indirect_dma source(%dma_start3A_104 : memref<100096x8xf32, #tpu.memory_space<hbm>>) target(%dma_start3A_98 : memref<128x8xf32, #tpu.memory_space<vmem>>) offsets(%dma_start3A_101 : memref<128xi32, #tpu.memory_space<vmem>>) semaphore(%arg11 : memref<!tpu.dma_semaphore, #tpu.memory_space<semaphore_mem>>)
      %dma_start3A_105 = arith.constant 7 : i32
      %dma_start3A_106 = arith.constant 896 : i32
      %dma_start3A_107 = arith.constant 0 : i32
      %dma_start3A_108 = tpu.memref_slice %arg9[%dma_start3A_106, %dma_start3A_107] : memref<1024x8xf32, #tpu.memory_space<vmem>> -> memref<128x8xf32, #tpu.memory_space<vmem>>
      %dma_start3A_109 = arith.constant 0 : i32
      %dma_start3A_110 = tpu.memref_slice %arg7[%dma_start3A_105, %dma_start3A_109] : memref<8x128xi32, #tpu.memory_space<vmem>> -> memref<1x128xi32, #tpu.memory_space<vmem>>
      %dma_start3A_111 = tpu.memref_squeeze %dma_start3A_110 : memref<1x128xi32, #tpu.memory_space<vmem>> -> memref<128xi32, #tpu.memory_space<vmem>>
      %dma_start3A_112 = arith.constant 0 : i32
      %dma_start3A_113 = arith.constant 0 : i32
      %dma_start3A_114 = tpu.memref_slice %arg2[%dma_start3A_112, %dma_start3A_113] : memref<100096x8xf32, #tpu.memory_space<hbm>> -> memref<100096x8xf32, #tpu.memory_space<hbm>>
      tpu.enqueue_indirect_dma source(%dma_start3A_114 : memref<100096x8xf32, #tpu.memory_space<hbm>>) target(%dma_start3A_108 : memref<128x8xf32, #tpu.memory_space<vmem>>) offsets(%dma_start3A_111 : memref<128xi32, #tpu.memory_space<vmem>>) semaphore(%arg11 : memref<!tpu.dma_semaphore, #tpu.memory_space<semaphore_mem>>)
      %dma_wait3A_115 = arith.constant 0 : i32
      %dma_wait3A_116 = arith.constant 0 : i32
      %dma_wait3A_117 = arith.constant 0 : i32
      %dma_wait3A_118 = tpu.memref_slice %arg9[%dma_wait3A_116, %dma_wait3A_117] : memref<1024x8xf32, #tpu.memory_space<vmem>> -> memref<128x8xf32, #tpu.memory_space<vmem>>
      %dma_wait3A_119 = arith.constant 0 : i32
      %dma_wait3A_120 = tpu.memref_slice %arg7[%dma_wait3A_115, %dma_wait3A_119] : memref<8x128xi32, #tpu.memory_space<vmem>> -> memref<1x128xi32, #tpu.memory_space<vmem>>
      %dma_wait3A_121 = tpu.memref_squeeze %dma_wait3A_120 : memref<1x128xi32, #tpu.memory_space<vmem>> -> memref<128xi32, #tpu.memory_space<vmem>>
      %dma_wait3A_122 = arith.constant 0 : i32
      %dma_wait3A_123 = arith.constant 0 : i32
      %dma_wait3A_124 = tpu.memref_slice %arg2[%dma_wait3A_122, %dma_wait3A_123] : memref<100096x8xf32, #tpu.memory_space<hbm>> -> memref<100096x8xf32, #tpu.memory_space<hbm>>
      tpu.wait_indirect_dma semaphore(%arg11 : memref<!tpu.dma_semaphore, #tpu.memory_space<semaphore_mem>>) src(%dma_wait3A_124 : memref<100096x8xf32, #tpu.memory_space<hbm>>) dst(%dma_wait3A_118 : memref<128x8xf32, #tpu.memory_space<vmem>>)
      %run_scoped3A = arith.constant 0 : i32
      "tpu.region"() ({
        %run_scoped3A_202 = tpu.sem_alloc : memref<!tpu.dma_semaphore, #tpu.memory_space<semaphore_mem>>
        %dma_start3A_203 = arith.constant 0 : i32
        %dma_start3A_204 = arith.constant 0 : i32
        %dma_start3A_205 = tpu.memref_slice %arg9[%dma_start3A_203, %dma_start3A_204] : memref<1024x8xf32, #tpu.memory_space<vmem>> -> memref<128x8xf32, #tpu.memory_space<vmem>>
        %dma_start3A_206 = arith.constant 0 : i32
        %dma_start3A_207 = tpu.memref_slice %arg8[%run_scoped3A, %dma_start3A_206] : memref<8x128xi32, #tpu.memory_space<vmem>> -> memref<1x128xi32, #tpu.memory_space<vmem>>
        %dma_start3A_208 = tpu.memref_squeeze %dma_start3A_207 : memref<1x128xi32, #tpu.memory_space<vmem>> -> memref<128xi32, #tpu.memory_space<vmem>>
        %dma_start3A_209 = arith.constant 0 : i32
        %dma_start3A_210 = arith.constant 0 : i32
        %dma_start3A_211 = tpu.memref_slice %arg10[%dma_start3A_209, %dma_start3A_210] : memref<100096x8xf32, #tpu.memory_space<vmem_shared>> -> memref<100096x8xf32, #tpu.memory_space<vmem_shared>>
        tpu.enqueue_indirect_dma source(%dma_start3A_205 : memref<128x8xf32, #tpu.memory_space<vmem>>) target(%dma_start3A_211 : memref<100096x8xf32, #tpu.memory_space<vmem_shared>>) offsets(%dma_start3A_208 : memref<128xi32, #tpu.memory_space<vmem>>) semaphore(%run_scoped3A_202 : memref<!tpu.dma_semaphore, #tpu.memory_space<semaphore_mem>>) {add = true}
        %dma_wait3A_212 = arith.constant 0 : i32
        %dma_wait3A_213 = arith.constant 0 : i32
        %dma_wait3A_214 = tpu.memref_slice %arg9[%dma_wait3A_212, %dma_wait3A_213] : memref<1024x8xf32, #tpu.memory_space<vmem>> -> memref<128x8xf32, #tpu.memory_space<vmem>>
        %dma_wait3A_215 = arith.constant 0 : i32
        %dma_wait3A_216 = tpu.memref_slice %arg8[%run_scoped3A, %dma_wait3A_215] : memref<8x128xi32, #tpu.memory_space<vmem>> -> memref<1x128xi32, #tpu.memory_space<vmem>>
        %dma_wait3A_217 = tpu.memref_squeeze %dma_wait3A_216 : memref<1x128xi32, #tpu.memory_space<vmem>> -> memref<128xi32, #tpu.memory_space<vmem>>
        %dma_wait3A_218 = arith.constant 0 : i32
        %dma_wait3A_219 = arith.constant 0 : i32
        %dma_wait3A_220 = tpu.memref_slice %arg10[%dma_wait3A_218, %dma_wait3A_219] : memref<100096x8xf32, #tpu.memory_space<vmem_shared>> -> memref<100096x8xf32, #tpu.memory_space<vmem_shared>>
        tpu.wait_indirect_dma semaphore(%run_scoped3A_202 : memref<!tpu.dma_semaphore, #tpu.memory_space<semaphore_mem>>) src(%dma_wait3A_214 : memref<128x8xf32, #tpu.memory_space<vmem>>) dst(%dma_wait3A_220 : memref<100096x8xf32, #tpu.memory_space<vmem_shared>>)
        tpu.yield
      }) : () -> ()
      %dma_wait3A_125 = arith.constant 1 : i32
      %dma_wait3A_126 = arith.constant 128 : i32
      %dma_wait3A_127 = arith.constant 0 : i32
      %dma_wait3A_128 = tpu.memref_slice %arg9[%dma_wait3A_126, %dma_wait3A_127] : memref<1024x8xf32, #tpu.memory_space<vmem>> -> memref<128x8xf32, #tpu.memory_space<vmem>>
      %dma_wait3A_129 = arith.constant 0 : i32
      %dma_wait3A_130 = tpu.memref_slice %arg7[%dma_wait3A_125, %dma_wait3A_129] : memref<8x128xi32, #tpu.memory_space<vmem>> -> memref<1x128xi32, #tpu.memory_space<vmem>>
      %dma_wait3A_131 = tpu.memref_squeeze %dma_wait3A_130 : memref<1x128xi32, #tpu.memory_space<vmem>> -> memref<128xi32, #tpu.memory_space<vmem>>
      %dma_wait3A_132 = arith.constant 0 : i32
      %dma_wait3A_133 = arith.constant 0 : i32
      %dma_wait3A_134 = tpu.memref_slice %arg2[%dma_wait3A_132, %dma_wait3A_133] : memref<100096x8xf32, #tpu.memory_space<hbm>> -> memref<100096x8xf32, #tpu.memory_space<hbm>>
      tpu.wait_indirect_dma semaphore(%arg11 : memref<!tpu.dma_semaphore, #tpu.memory_space<semaphore_mem>>) src(%dma_wait3A_134 : memref<100096x8xf32, #tpu.memory_space<hbm>>) dst(%dma_wait3A_128 : memref<128x8xf32, #tpu.memory_space<vmem>>)
      %run_scoped3A_135 = arith.constant 1 : i32
      "tpu.region"() ({
        %run_scoped3A_202 = tpu.sem_alloc : memref<!tpu.dma_semaphore, #tpu.memory_space<semaphore_mem>>
        %dma_start3A_203 = arith.constant 128 : i32
        %dma_start3A_204 = arith.constant 0 : i32
        %dma_start3A_205 = tpu.memref_slice %arg9[%dma_start3A_203, %dma_start3A_204] : memref<1024x8xf32, #tpu.memory_space<vmem>> -> memref<128x8xf32, #tpu.memory_space<vmem>>
        %dma_start3A_206 = arith.constant 0 : i32
        %dma_start3A_207 = tpu.memref_slice %arg8[%run_scoped3A_135, %dma_start3A_206] : memref<8x128xi32, #tpu.memory_space<vmem>> -> memref<1x128xi32, #tpu.memory_space<vmem>>
        %dma_start3A_208 = tpu.memref_squeeze %dma_start3A_207 : memref<1x128xi32, #tpu.memory_space<vmem>> -> memref<128xi32, #tpu.memory_space<vmem>>
        %dma_start3A_209 = arith.constant 0 : i32
        %dma_start3A_210 = arith.constant 0 : i32
        %dma_start3A_211 = tpu.memref_slice %arg10[%dma_start3A_209, %dma_start3A_210] : memref<100096x8xf32, #tpu.memory_space<vmem_shared>> -> memref<100096x8xf32, #tpu.memory_space<vmem_shared>>
        tpu.enqueue_indirect_dma source(%dma_start3A_205 : memref<128x8xf32, #tpu.memory_space<vmem>>) target(%dma_start3A_211 : memref<100096x8xf32, #tpu.memory_space<vmem_shared>>) offsets(%dma_start3A_208 : memref<128xi32, #tpu.memory_space<vmem>>) semaphore(%run_scoped3A_202 : memref<!tpu.dma_semaphore, #tpu.memory_space<semaphore_mem>>) {add = true}
        %dma_wait3A_212 = arith.constant 128 : i32
        %dma_wait3A_213 = arith.constant 0 : i32
        %dma_wait3A_214 = tpu.memref_slice %arg9[%dma_wait3A_212, %dma_wait3A_213] : memref<1024x8xf32, #tpu.memory_space<vmem>> -> memref<128x8xf32, #tpu.memory_space<vmem>>
        %dma_wait3A_215 = arith.constant 0 : i32
        %dma_wait3A_216 = tpu.memref_slice %arg8[%run_scoped3A_135, %dma_wait3A_215] : memref<8x128xi32, #tpu.memory_space<vmem>> -> memref<1x128xi32, #tpu.memory_space<vmem>>
        %dma_wait3A_217 = tpu.memref_squeeze %dma_wait3A_216 : memref<1x128xi32, #tpu.memory_space<vmem>> -> memref<128xi32, #tpu.memory_space<vmem>>
        %dma_wait3A_218 = arith.constant 0 : i32
        %dma_wait3A_219 = arith.constant 0 : i32
        %dma_wait3A_220 = tpu.memref_slice %arg10[%dma_wait3A_218, %dma_wait3A_219] : memref<100096x8xf32, #tpu.memory_space<vmem_shared>> -> memref<100096x8xf32, #tpu.memory_space<vmem_shared>>
        tpu.wait_indirect_dma semaphore(%run_scoped3A_202 : memref<!tpu.dma_semaphore, #tpu.memory_space<semaphore_mem>>) src(%dma_wait3A_214 : memref<128x8xf32, #tpu.memory_space<vmem>>) dst(%dma_wait3A_220 : memref<100096x8xf32, #tpu.memory_space<vmem_shared>>)
        tpu.yield
      }) : () -> ()
      %dma_wait3A_136 = arith.constant 2 : i32
      %dma_wait3A_137 = arith.constant 256 : i32
      %dma_wait3A_138 = arith.constant 0 : i32
      %dma_wait3A_139 = tpu.memref_slice %arg9[%dma_wait3A_137, %dma_wait3A_138] : memref<1024x8xf32, #tpu.memory_space<vmem>> -> memref<128x8xf32, #tpu.memory_space<vmem>>
      %dma_wait3A_140 = arith.constant 0 : i32
      %dma_wait3A_141 = tpu.memref_slice %arg7[%dma_wait3A_136, %dma_wait3A_140] : memref<8x128xi32, #tpu.memory_space<vmem>> -> memref<1x128xi32, #tpu.memory_space<vmem>>
      %dma_wait3A_142 = tpu.memref_squeeze %dma_wait3A_141 : memref<1x128xi32, #tpu.memory_space<vmem>> -> memref<128xi32, #tpu.memory_space<vmem>>
      %dma_wait3A_143 = arith.constant 0 : i32
      %dma_wait3A_144 = arith.constant 0 : i32
      %dma_wait3A_145 = tpu.memref_slice %arg2[%dma_wait3A_143, %dma_wait3A_144] : memref<100096x8xf32, #tpu.memory_space<hbm>> -> memref<100096x8xf32, #tpu.memory_space<hbm>>
      tpu.wait_indirect_dma semaphore(%arg11 : memref<!tpu.dma_semaphore, #tpu.memory_space<semaphore_mem>>) src(%dma_wait3A_145 : memref<100096x8xf32, #tpu.memory_space<hbm>>) dst(%dma_wait3A_139 : memref<128x8xf32, #tpu.memory_space<vmem>>)
      %run_scoped3A_146 = arith.constant 2 : i32
      "tpu.region"() ({
        %run_scoped3A_202 = tpu.sem_alloc : memref<!tpu.dma_semaphore, #tpu.memory_space<semaphore_mem>>
        %dma_start3A_203 = arith.constant 256 : i32
        %dma_start3A_204 = arith.constant 0 : i32
        %dma_start3A_205 = tpu.memref_slice %arg9[%dma_start3A_203, %dma_start3A_204] : memref<1024x8xf32, #tpu.memory_space<vmem>> -> memref<128x8xf32, #tpu.memory_space<vmem>>
        %dma_start3A_206 = arith.constant 0 : i32
        %dma_start3A_207 = tpu.memref_slice %arg8[%run_scoped3A_146, %dma_start3A_206] : memref<8x128xi32, #tpu.memory_space<vmem>> -> memref<1x128xi32, #tpu.memory_space<vmem>>
        %dma_start3A_208 = tpu.memref_squeeze %dma_start3A_207 : memref<1x128xi32, #tpu.memory_space<vmem>> -> memref<128xi32, #tpu.memory_space<vmem>>
        %dma_start3A_209 = arith.constant 0 : i32
        %dma_start3A_210 = arith.constant 0 : i32
        %dma_start3A_211 = tpu.memref_slice %arg10[%dma_start3A_209, %dma_start3A_210] : memref<100096x8xf32, #tpu.memory_space<vmem_shared>> -> memref<100096x8xf32, #tpu.memory_space<vmem_shared>>
        tpu.enqueue_indirect_dma source(%dma_start3A_205 : memref<128x8xf32, #tpu.memory_space<vmem>>) target(%dma_start3A_211 : memref<100096x8xf32, #tpu.memory_space<vmem_shared>>) offsets(%dma_start3A_208 : memref<128xi32, #tpu.memory_space<vmem>>) semaphore(%run_scoped3A_202 : memref<!tpu.dma_semaphore, #tpu.memory_space<semaphore_mem>>) {add = true}
        %dma_wait3A_212 = arith.constant 256 : i32
        %dma_wait3A_213 = arith.constant 0 : i32
        %dma_wait3A_214 = tpu.memref_slice %arg9[%dma_wait3A_212, %dma_wait3A_213] : memref<1024x8xf32, #tpu.memory_space<vmem>> -> memref<128x8xf32, #tpu.memory_space<vmem>>
        %dma_wait3A_215 = arith.constant 0 : i32
        %dma_wait3A_216 = tpu.memref_slice %arg8[%run_scoped3A_146, %dma_wait3A_215] : memref<8x128xi32, #tpu.memory_space<vmem>> -> memref<1x128xi32, #tpu.memory_space<vmem>>
        %dma_wait3A_217 = tpu.memref_squeeze %dma_wait3A_216 : memref<1x128xi32, #tpu.memory_space<vmem>> -> memref<128xi32, #tpu.memory_space<vmem>>
        %dma_wait3A_218 = arith.constant 0 : i32
        %dma_wait3A_219 = arith.constant 0 : i32
        %dma_wait3A_220 = tpu.memref_slice %arg10[%dma_wait3A_218, %dma_wait3A_219] : memref<100096x8xf32, #tpu.memory_space<vmem_shared>> -> memref<100096x8xf32, #tpu.memory_space<vmem_shared>>
        tpu.wait_indirect_dma semaphore(%run_scoped3A_202 : memref<!tpu.dma_semaphore, #tpu.memory_space<semaphore_mem>>) src(%dma_wait3A_214 : memref<128x8xf32, #tpu.memory_space<vmem>>) dst(%dma_wait3A_220 : memref<100096x8xf32, #tpu.memory_space<vmem_shared>>)
        tpu.yield
      }) : () -> ()
      %dma_wait3A_147 = arith.constant 3 : i32
      %dma_wait3A_148 = arith.constant 384 : i32
      %dma_wait3A_149 = arith.constant 0 : i32
      %dma_wait3A_150 = tpu.memref_slice %arg9[%dma_wait3A_148, %dma_wait3A_149] : memref<1024x8xf32, #tpu.memory_space<vmem>> -> memref<128x8xf32, #tpu.memory_space<vmem>>
      %dma_wait3A_151 = arith.constant 0 : i32
      %dma_wait3A_152 = tpu.memref_slice %arg7[%dma_wait3A_147, %dma_wait3A_151] : memref<8x128xi32, #tpu.memory_space<vmem>> -> memref<1x128xi32, #tpu.memory_space<vmem>>
      %dma_wait3A_153 = tpu.memref_squeeze %dma_wait3A_152 : memref<1x128xi32, #tpu.memory_space<vmem>> -> memref<128xi32, #tpu.memory_space<vmem>>
      %dma_wait3A_154 = arith.constant 0 : i32
      %dma_wait3A_155 = arith.constant 0 : i32
      %dma_wait3A_156 = tpu.memref_slice %arg2[%dma_wait3A_154, %dma_wait3A_155] : memref<100096x8xf32, #tpu.memory_space<hbm>> -> memref<100096x8xf32, #tpu.memory_space<hbm>>
      tpu.wait_indirect_dma semaphore(%arg11 : memref<!tpu.dma_semaphore, #tpu.memory_space<semaphore_mem>>) src(%dma_wait3A_156 : memref<100096x8xf32, #tpu.memory_space<hbm>>) dst(%dma_wait3A_150 : memref<128x8xf32, #tpu.memory_space<vmem>>)
      %run_scoped3A_157 = arith.constant 3 : i32
      "tpu.region"() ({
        %run_scoped3A_202 = tpu.sem_alloc : memref<!tpu.dma_semaphore, #tpu.memory_space<semaphore_mem>>
        %dma_start3A_203 = arith.constant 384 : i32
        %dma_start3A_204 = arith.constant 0 : i32
        %dma_start3A_205 = tpu.memref_slice %arg9[%dma_start3A_203, %dma_start3A_204] : memref<1024x8xf32, #tpu.memory_space<vmem>> -> memref<128x8xf32, #tpu.memory_space<vmem>>
        %dma_start3A_206 = arith.constant 0 : i32
        %dma_start3A_207 = tpu.memref_slice %arg8[%run_scoped3A_157, %dma_start3A_206] : memref<8x128xi32, #tpu.memory_space<vmem>> -> memref<1x128xi32, #tpu.memory_space<vmem>>
        %dma_start3A_208 = tpu.memref_squeeze %dma_start3A_207 : memref<1x128xi32, #tpu.memory_space<vmem>> -> memref<128xi32, #tpu.memory_space<vmem>>
        %dma_start3A_209 = arith.constant 0 : i32
        %dma_start3A_210 = arith.constant 0 : i32
        %dma_start3A_211 = tpu.memref_slice %arg10[%dma_start3A_209, %dma_start3A_210] : memref<100096x8xf32, #tpu.memory_space<vmem_shared>> -> memref<100096x8xf32, #tpu.memory_space<vmem_shared>>
        tpu.enqueue_indirect_dma source(%dma_start3A_205 : memref<128x8xf32, #tpu.memory_space<vmem>>) target(%dma_start3A_211 : memref<100096x8xf32, #tpu.memory_space<vmem_shared>>) offsets(%dma_start3A_208 : memref<128xi32, #tpu.memory_space<vmem>>) semaphore(%run_scoped3A_202 : memref<!tpu.dma_semaphore, #tpu.memory_space<semaphore_mem>>) {add = true}
        %dma_wait3A_212 = arith.constant 384 : i32
        %dma_wait3A_213 = arith.constant 0 : i32
        %dma_wait3A_214 = tpu.memref_slice %arg9[%dma_wait3A_212, %dma_wait3A_213] : memref<1024x8xf32, #tpu.memory_space<vmem>> -> memref<128x8xf32, #tpu.memory_space<vmem>>
        %dma_wait3A_215 = arith.constant 0 : i32
        %dma_wait3A_216 = tpu.memref_slice %arg8[%run_scoped3A_157, %dma_wait3A_215] : memref<8x128xi32, #tpu.memory_space<vmem>> -> memref<1x128xi32, #tpu.memory_space<vmem>>
        %dma_wait3A_217 = tpu.memref_squeeze %dma_wait3A_216 : memref<1x128xi32, #tpu.memory_space<vmem>> -> memref<128xi32, #tpu.memory_space<vmem>>
        %dma_wait3A_218 = arith.constant 0 : i32
        %dma_wait3A_219 = arith.constant 0 : i32
        %dma_wait3A_220 = tpu.memref_slice %arg10[%dma_wait3A_218, %dma_wait3A_219] : memref<100096x8xf32, #tpu.memory_space<vmem_shared>> -> memref<100096x8xf32, #tpu.memory_space<vmem_shared>>
        tpu.wait_indirect_dma semaphore(%run_scoped3A_202 : memref<!tpu.dma_semaphore, #tpu.memory_space<semaphore_mem>>) src(%dma_wait3A_214 : memref<128x8xf32, #tpu.memory_space<vmem>>) dst(%dma_wait3A_220 : memref<100096x8xf32, #tpu.memory_space<vmem_shared>>)
        tpu.yield
      }) : () -> ()
      %dma_wait3A_158 = arith.constant 4 : i32
      %dma_wait3A_159 = arith.constant 512 : i32
      %dma_wait3A_160 = arith.constant 0 : i32
      %dma_wait3A_161 = tpu.memref_slice %arg9[%dma_wait3A_159, %dma_wait3A_160] : memref<1024x8xf32, #tpu.memory_space<vmem>> -> memref<128x8xf32, #tpu.memory_space<vmem>>
      %dma_wait3A_162 = arith.constant 0 : i32
      %dma_wait3A_163 = tpu.memref_slice %arg7[%dma_wait3A_158, %dma_wait3A_162] : memref<8x128xi32, #tpu.memory_space<vmem>> -> memref<1x128xi32, #tpu.memory_space<vmem>>
      %dma_wait3A_164 = tpu.memref_squeeze %dma_wait3A_163 : memref<1x128xi32, #tpu.memory_space<vmem>> -> memref<128xi32, #tpu.memory_space<vmem>>
      %dma_wait3A_165 = arith.constant 0 : i32
      %dma_wait3A_166 = arith.constant 0 : i32
      %dma_wait3A_167 = tpu.memref_slice %arg2[%dma_wait3A_165, %dma_wait3A_166] : memref<100096x8xf32, #tpu.memory_space<hbm>> -> memref<100096x8xf32, #tpu.memory_space<hbm>>
      tpu.wait_indirect_dma semaphore(%arg11 : memref<!tpu.dma_semaphore, #tpu.memory_space<semaphore_mem>>) src(%dma_wait3A_167 : memref<100096x8xf32, #tpu.memory_space<hbm>>) dst(%dma_wait3A_161 : memref<128x8xf32, #tpu.memory_space<vmem>>)
      %run_scoped3A_168 = arith.constant 4 : i32
      "tpu.region"() ({
        %run_scoped3A_202 = tpu.sem_alloc : memref<!tpu.dma_semaphore, #tpu.memory_space<semaphore_mem>>
        %dma_start3A_203 = arith.constant 512 : i32
        %dma_start3A_204 = arith.constant 0 : i32
        %dma_start3A_205 = tpu.memref_slice %arg9[%dma_start3A_203, %dma_start3A_204] : memref<1024x8xf32, #tpu.memory_space<vmem>> -> memref<128x8xf32, #tpu.memory_space<vmem>>
        %dma_start3A_206 = arith.constant 0 : i32
        %dma_start3A_207 = tpu.memref_slice %arg8[%run_scoped3A_168, %dma_start3A_206] : memref<8x128xi32, #tpu.memory_space<vmem>> -> memref<1x128xi32, #tpu.memory_space<vmem>>
        %dma_start3A_208 = tpu.memref_squeeze %dma_start3A_207 : memref<1x128xi32, #tpu.memory_space<vmem>> -> memref<128xi32, #tpu.memory_space<vmem>>
        %dma_start3A_209 = arith.constant 0 : i32
        %dma_start3A_210 = arith.constant 0 : i32
        %dma_start3A_211 = tpu.memref_slice %arg10[%dma_start3A_209, %dma_start3A_210] : memref<100096x8xf32, #tpu.memory_space<vmem_shared>> -> memref<100096x8xf32, #tpu.memory_space<vmem_shared>>
        tpu.enqueue_indirect_dma source(%dma_start3A_205 : memref<128x8xf32, #tpu.memory_space<vmem>>) target(%dma_start3A_211 : memref<100096x8xf32, #tpu.memory_space<vmem_shared>>) offsets(%dma_start3A_208 : memref<128xi32, #tpu.memory_space<vmem>>) semaphore(%run_scoped3A_202 : memref<!tpu.dma_semaphore, #tpu.memory_space<semaphore_mem>>) {add = true}
        %dma_wait3A_212 = arith.constant 512 : i32
        %dma_wait3A_213 = arith.constant 0 : i32
        %dma_wait3A_214 = tpu.memref_slice %arg9[%dma_wait3A_212, %dma_wait3A_213] : memref<1024x8xf32, #tpu.memory_space<vmem>> -> memref<128x8xf32, #tpu.memory_space<vmem>>
        %dma_wait3A_215 = arith.constant 0 : i32
        %dma_wait3A_216 = tpu.memref_slice %arg8[%run_scoped3A_168, %dma_wait3A_215] : memref<8x128xi32, #tpu.memory_space<vmem>> -> memref<1x128xi32, #tpu.memory_space<vmem>>
        %dma_wait3A_217 = tpu.memref_squeeze %dma_wait3A_216 : memref<1x128xi32, #tpu.memory_space<vmem>> -> memref<128xi32, #tpu.memory_space<vmem>>
        %dma_wait3A_218 = arith.constant 0 : i32
        %dma_wait3A_219 = arith.constant 0 : i32
        %dma_wait3A_220 = tpu.memref_slice %arg10[%dma_wait3A_218, %dma_wait3A_219] : memref<100096x8xf32, #tpu.memory_space<vmem_shared>> -> memref<100096x8xf32, #tpu.memory_space<vmem_shared>>
        tpu.wait_indirect_dma semaphore(%run_scoped3A_202 : memref<!tpu.dma_semaphore, #tpu.memory_space<semaphore_mem>>) src(%dma_wait3A_214 : memref<128x8xf32, #tpu.memory_space<vmem>>) dst(%dma_wait3A_220 : memref<100096x8xf32, #tpu.memory_space<vmem_shared>>)
        tpu.yield
      }) : () -> ()
      %dma_wait3A_169 = arith.constant 5 : i32
      %dma_wait3A_170 = arith.constant 640 : i32
      %dma_wait3A_171 = arith.constant 0 : i32
      %dma_wait3A_172 = tpu.memref_slice %arg9[%dma_wait3A_170, %dma_wait3A_171] : memref<1024x8xf32, #tpu.memory_space<vmem>> -> memref<128x8xf32, #tpu.memory_space<vmem>>
      %dma_wait3A_173 = arith.constant 0 : i32
      %dma_wait3A_174 = tpu.memref_slice %arg7[%dma_wait3A_169, %dma_wait3A_173] : memref<8x128xi32, #tpu.memory_space<vmem>> -> memref<1x128xi32, #tpu.memory_space<vmem>>
      %dma_wait3A_175 = tpu.memref_squeeze %dma_wait3A_174 : memref<1x128xi32, #tpu.memory_space<vmem>> -> memref<128xi32, #tpu.memory_space<vmem>>
      %dma_wait3A_176 = arith.constant 0 : i32
      %dma_wait3A_177 = arith.constant 0 : i32
      %dma_wait3A_178 = tpu.memref_slice %arg2[%dma_wait3A_176, %dma_wait3A_177] : memref<100096x8xf32, #tpu.memory_space<hbm>> -> memref<100096x8xf32, #tpu.memory_space<hbm>>
      tpu.wait_indirect_dma semaphore(%arg11 : memref<!tpu.dma_semaphore, #tpu.memory_space<semaphore_mem>>) src(%dma_wait3A_178 : memref<100096x8xf32, #tpu.memory_space<hbm>>) dst(%dma_wait3A_172 : memref<128x8xf32, #tpu.memory_space<vmem>>)
      %run_scoped3A_179 = arith.constant 5 : i32
      "tpu.region"() ({
        %run_scoped3A_202 = tpu.sem_alloc : memref<!tpu.dma_semaphore, #tpu.memory_space<semaphore_mem>>
        %dma_start3A_203 = arith.constant 640 : i32
        %dma_start3A_204 = arith.constant 0 : i32
        %dma_start3A_205 = tpu.memref_slice %arg9[%dma_start3A_203, %dma_start3A_204] : memref<1024x8xf32, #tpu.memory_space<vmem>> -> memref<128x8xf32, #tpu.memory_space<vmem>>
        %dma_start3A_206 = arith.constant 0 : i32
        %dma_start3A_207 = tpu.memref_slice %arg8[%run_scoped3A_179, %dma_start3A_206] : memref<8x128xi32, #tpu.memory_space<vmem>> -> memref<1x128xi32, #tpu.memory_space<vmem>>
        %dma_start3A_208 = tpu.memref_squeeze %dma_start3A_207 : memref<1x128xi32, #tpu.memory_space<vmem>> -> memref<128xi32, #tpu.memory_space<vmem>>
        %dma_start3A_209 = arith.constant 0 : i32
        %dma_start3A_210 = arith.constant 0 : i32
        %dma_start3A_211 = tpu.memref_slice %arg10[%dma_start3A_209, %dma_start3A_210] : memref<100096x8xf32, #tpu.memory_space<vmem_shared>> -> memref<100096x8xf32, #tpu.memory_space<vmem_shared>>
        tpu.enqueue_indirect_dma source(%dma_start3A_205 : memref<128x8xf32, #tpu.memory_space<vmem>>) target(%dma_start3A_211 : memref<100096x8xf32, #tpu.memory_space<vmem_shared>>) offsets(%dma_start3A_208 : memref<128xi32, #tpu.memory_space<vmem>>) semaphore(%run_scoped3A_202 : memref<!tpu.dma_semaphore, #tpu.memory_space<semaphore_mem>>) {add = true}
        %dma_wait3A_212 = arith.constant 640 : i32
        %dma_wait3A_213 = arith.constant 0 : i32
        %dma_wait3A_214 = tpu.memref_slice %arg9[%dma_wait3A_212, %dma_wait3A_213] : memref<1024x8xf32, #tpu.memory_space<vmem>> -> memref<128x8xf32, #tpu.memory_space<vmem>>
        %dma_wait3A_215 = arith.constant 0 : i32
        %dma_wait3A_216 = tpu.memref_slice %arg8[%run_scoped3A_179, %dma_wait3A_215] : memref<8x128xi32, #tpu.memory_space<vmem>> -> memref<1x128xi32, #tpu.memory_space<vmem>>
        %dma_wait3A_217 = tpu.memref_squeeze %dma_wait3A_216 : memref<1x128xi32, #tpu.memory_space<vmem>> -> memref<128xi32, #tpu.memory_space<vmem>>
        %dma_wait3A_218 = arith.constant 0 : i32
        %dma_wait3A_219 = arith.constant 0 : i32
        %dma_wait3A_220 = tpu.memref_slice %arg10[%dma_wait3A_218, %dma_wait3A_219] : memref<100096x8xf32, #tpu.memory_space<vmem_shared>> -> memref<100096x8xf32, #tpu.memory_space<vmem_shared>>
        tpu.wait_indirect_dma semaphore(%run_scoped3A_202 : memref<!tpu.dma_semaphore, #tpu.memory_space<semaphore_mem>>) src(%dma_wait3A_214 : memref<128x8xf32, #tpu.memory_space<vmem>>) dst(%dma_wait3A_220 : memref<100096x8xf32, #tpu.memory_space<vmem_shared>>)
        tpu.yield
      }) : () -> ()
      %dma_wait3A_180 = arith.constant 6 : i32
      %dma_wait3A_181 = arith.constant 768 : i32
      %dma_wait3A_182 = arith.constant 0 : i32
      %dma_wait3A_183 = tpu.memref_slice %arg9[%dma_wait3A_181, %dma_wait3A_182] : memref<1024x8xf32, #tpu.memory_space<vmem>> -> memref<128x8xf32, #tpu.memory_space<vmem>>
      %dma_wait3A_184 = arith.constant 0 : i32
      %dma_wait3A_185 = tpu.memref_slice %arg7[%dma_wait3A_180, %dma_wait3A_184] : memref<8x128xi32, #tpu.memory_space<vmem>> -> memref<1x128xi32, #tpu.memory_space<vmem>>
      %dma_wait3A_186 = tpu.memref_squeeze %dma_wait3A_185 : memref<1x128xi32, #tpu.memory_space<vmem>> -> memref<128xi32, #tpu.memory_space<vmem>>
      %dma_wait3A_187 = arith.constant 0 : i32
      %dma_wait3A_188 = arith.constant 0 : i32
      %dma_wait3A_189 = tpu.memref_slice %arg2[%dma_wait3A_187, %dma_wait3A_188] : memref<100096x8xf32, #tpu.memory_space<hbm>> -> memref<100096x8xf32, #tpu.memory_space<hbm>>
      tpu.wait_indirect_dma semaphore(%arg11 : memref<!tpu.dma_semaphore, #tpu.memory_space<semaphore_mem>>) src(%dma_wait3A_189 : memref<100096x8xf32, #tpu.memory_space<hbm>>) dst(%dma_wait3A_183 : memref<128x8xf32, #tpu.memory_space<vmem>>)
      %run_scoped3A_190 = arith.constant 6 : i32
      "tpu.region"() ({
        %run_scoped3A_202 = tpu.sem_alloc : memref<!tpu.dma_semaphore, #tpu.memory_space<semaphore_mem>>
        %dma_start3A_203 = arith.constant 768 : i32
        %dma_start3A_204 = arith.constant 0 : i32
        %dma_start3A_205 = tpu.memref_slice %arg9[%dma_start3A_203, %dma_start3A_204] : memref<1024x8xf32, #tpu.memory_space<vmem>> -> memref<128x8xf32, #tpu.memory_space<vmem>>
        %dma_start3A_206 = arith.constant 0 : i32
        %dma_start3A_207 = tpu.memref_slice %arg8[%run_scoped3A_190, %dma_start3A_206] : memref<8x128xi32, #tpu.memory_space<vmem>> -> memref<1x128xi32, #tpu.memory_space<vmem>>
        %dma_start3A_208 = tpu.memref_squeeze %dma_start3A_207 : memref<1x128xi32, #tpu.memory_space<vmem>> -> memref<128xi32, #tpu.memory_space<vmem>>
        %dma_start3A_209 = arith.constant 0 : i32
        %dma_start3A_210 = arith.constant 0 : i32
        %dma_start3A_211 = tpu.memref_slice %arg10[%dma_start3A_209, %dma_start3A_210] : memref<100096x8xf32, #tpu.memory_space<vmem_shared>> -> memref<100096x8xf32, #tpu.memory_space<vmem_shared>>
        tpu.enqueue_indirect_dma source(%dma_start3A_205 : memref<128x8xf32, #tpu.memory_space<vmem>>) target(%dma_start3A_211 : memref<100096x8xf32, #tpu.memory_space<vmem_shared>>) offsets(%dma_start3A_208 : memref<128xi32, #tpu.memory_space<vmem>>) semaphore(%run_scoped3A_202 : memref<!tpu.dma_semaphore, #tpu.memory_space<semaphore_mem>>) {add = true}
        %dma_wait3A_212 = arith.constant 768 : i32
        %dma_wait3A_213 = arith.constant 0 : i32
        %dma_wait3A_214 = tpu.memref_slice %arg9[%dma_wait3A_212, %dma_wait3A_213] : memref<1024x8xf32, #tpu.memory_space<vmem>> -> memref<128x8xf32, #tpu.memory_space<vmem>>
        %dma_wait3A_215 = arith.constant 0 : i32
        %dma_wait3A_216 = tpu.memref_slice %arg8[%run_scoped3A_190, %dma_wait3A_215] : memref<8x128xi32, #tpu.memory_space<vmem>> -> memref<1x128xi32, #tpu.memory_space<vmem>>
        %dma_wait3A_217 = tpu.memref_squeeze %dma_wait3A_216 : memref<1x128xi32, #tpu.memory_space<vmem>> -> memref<128xi32, #tpu.memory_space<vmem>>
        %dma_wait3A_218 = arith.constant 0 : i32
        %dma_wait3A_219 = arith.constant 0 : i32
        %dma_wait3A_220 = tpu.memref_slice %arg10[%dma_wait3A_218, %dma_wait3A_219] : memref<100096x8xf32, #tpu.memory_space<vmem_shared>> -> memref<100096x8xf32, #tpu.memory_space<vmem_shared>>
        tpu.wait_indirect_dma semaphore(%run_scoped3A_202 : memref<!tpu.dma_semaphore, #tpu.memory_space<semaphore_mem>>) src(%dma_wait3A_214 : memref<128x8xf32, #tpu.memory_space<vmem>>) dst(%dma_wait3A_220 : memref<100096x8xf32, #tpu.memory_space<vmem_shared>>)
        tpu.yield
      }) : () -> ()
      %dma_wait3A_191 = arith.constant 7 : i32
      %dma_wait3A_192 = arith.constant 896 : i32
      %dma_wait3A_193 = arith.constant 0 : i32
      %dma_wait3A_194 = tpu.memref_slice %arg9[%dma_wait3A_192, %dma_wait3A_193] : memref<1024x8xf32, #tpu.memory_space<vmem>> -> memref<128x8xf32, #tpu.memory_space<vmem>>
      %dma_wait3A_195 = arith.constant 0 : i32
      %dma_wait3A_196 = tpu.memref_slice %arg7[%dma_wait3A_191, %dma_wait3A_195] : memref<8x128xi32, #tpu.memory_space<vmem>> -> memref<1x128xi32, #tpu.memory_space<vmem>>
      %dma_wait3A_197 = tpu.memref_squeeze %dma_wait3A_196 : memref<1x128xi32, #tpu.memory_space<vmem>> -> memref<128xi32, #tpu.memory_space<vmem>>
      %dma_wait3A_198 = arith.constant 0 : i32
      %dma_wait3A_199 = arith.constant 0 : i32
      %dma_wait3A_200 = tpu.memref_slice %arg2[%dma_wait3A_198, %dma_wait3A_199] : memref<100096x8xf32, #tpu.memory_space<hbm>> -> memref<100096x8xf32, #tpu.memory_space<hbm>>
      tpu.wait_indirect_dma semaphore(%arg11 : memref<!tpu.dma_semaphore, #tpu.memory_space<semaphore_mem>>) src(%dma_wait3A_200 : memref<100096x8xf32, #tpu.memory_space<hbm>>) dst(%dma_wait3A_194 : memref<128x8xf32, #tpu.memory_space<vmem>>)
      %run_scoped3A_201 = arith.constant 7 : i32
      "tpu.region"() ({
        %run_scoped3A_202 = tpu.sem_alloc : memref<!tpu.dma_semaphore, #tpu.memory_space<semaphore_mem>>
        %dma_start3A_203 = arith.constant 896 : i32
        %dma_start3A_204 = arith.constant 0 : i32
        %dma_start3A_205 = tpu.memref_slice %arg9[%dma_start3A_203, %dma_start3A_204] : memref<1024x8xf32, #tpu.memory_space<vmem>> -> memref<128x8xf32, #tpu.memory_space<vmem>>
        %dma_start3A_206 = arith.constant 0 : i32
        %dma_start3A_207 = tpu.memref_slice %arg8[%run_scoped3A_201, %dma_start3A_206] : memref<8x128xi32, #tpu.memory_space<vmem>> -> memref<1x128xi32, #tpu.memory_space<vmem>>
        %dma_start3A_208 = tpu.memref_squeeze %dma_start3A_207 : memref<1x128xi32, #tpu.memory_space<vmem>> -> memref<128xi32, #tpu.memory_space<vmem>>
        %dma_start3A_209 = arith.constant 0 : i32
        %dma_start3A_210 = arith.constant 0 : i32
        %dma_start3A_211 = tpu.memref_slice %arg10[%dma_start3A_209, %dma_start3A_210] : memref<100096x8xf32, #tpu.memory_space<vmem_shared>> -> memref<100096x8xf32, #tpu.memory_space<vmem_shared>>
        tpu.enqueue_indirect_dma source(%dma_start3A_205 : memref<128x8xf32, #tpu.memory_space<vmem>>) target(%dma_start3A_211 : memref<100096x8xf32, #tpu.memory_space<vmem_shared>>) offsets(%dma_start3A_208 : memref<128xi32, #tpu.memory_space<vmem>>) semaphore(%run_scoped3A_202 : memref<!tpu.dma_semaphore, #tpu.memory_space<semaphore_mem>>) {add = true}
        %dma_wait3A_212 = arith.constant 896 : i32
        %dma_wait3A_213 = arith.constant 0 : i32
        %dma_wait3A_214 = tpu.memref_slice %arg9[%dma_wait3A_212, %dma_wait3A_213] : memref<1024x8xf32, #tpu.memory_space<vmem>> -> memref<128x8xf32, #tpu.memory_space<vmem>>
        %dma_wait3A_215 = arith.constant 0 : i32
        %dma_wait3A_216 = tpu.memref_slice %arg8[%run_scoped3A_201, %dma_wait3A_215] : memref<8x128xi32, #tpu.memory_space<vmem>> -> memref<1x128xi32, #tpu.memory_space<vmem>>
        %dma_wait3A_217 = tpu.memref_squeeze %dma_wait3A_216 : memref<1x128xi32, #tpu.memory_space<vmem>> -> memref<128xi32, #tpu.memory_space<vmem>>
        %dma_wait3A_218 = arith.constant 0 : i32
        %dma_wait3A_219 = arith.constant 0 : i32
        %dma_wait3A_220 = tpu.memref_slice %arg10[%dma_wait3A_218, %dma_wait3A_219] : memref<100096x8xf32, #tpu.memory_space<vmem_shared>> -> memref<100096x8xf32, #tpu.memory_space<vmem_shared>>
        tpu.wait_indirect_dma semaphore(%run_scoped3A_202 : memref<!tpu.dma_semaphore, #tpu.memory_space<semaphore_mem>>) src(%dma_wait3A_214 : memref<128x8xf32, #tpu.memory_space<vmem>>) dst(%dma_wait3A_220 : memref<100096x8xf32, #tpu.memory_space<vmem_shared>>)
        tpu.yield
      }) : () -> ()
    }
    %scan3A_11 = arith.constant 98 : i32
    %barrier3A_12 = arith.constant 0 : index
    tpu.barrier barrier_id(%barrier3A_12)
    %mul3A_13 = arith.constant 6256 : i32
    %mul3A_14 = arith.muli %arg1, %mul3A_13 : i32
    %mul3A_15 = arith.constant 6256 : i32
    %mul3A_16 = arith.muli %arg1, %mul3A_15 : i32
    "tpu.region"() ({
      %run_scoped3A = tpu.sem_alloc : memref<!tpu.dma_semaphore, #tpu.memory_space<semaphore_mem>>
      %dma_start3A = arith.constant 0 : i32
      %dma_start3A_17 = tpu.memref_slice %arg6[%arg0, %mul3A_16, %dma_start3A] : memref<2x100096x8xf32, #tpu.memory_space<hbm>> -> memref<1x6256x8xf32, #tpu.memory_space<hbm>>
      %dma_start3A_18 = tpu.memref_squeeze %dma_start3A_17 : memref<1x6256x8xf32, #tpu.memory_space<hbm>> -> memref<6256x8xf32, #tpu.memory_space<hbm>>
      %dma_start3A_19 = arith.constant 0 : i32
      %dma_start3A_20 = tpu.memref_slice %arg10[%mul3A_14, %dma_start3A_19] : memref<100096x8xf32, #tpu.memory_space<vmem_shared>> -> memref<6256x8xf32, #tpu.memory_space<vmem_shared>>
      tpu.enqueue_dma source(%dma_start3A_20 : memref<6256x8xf32, #tpu.memory_space<vmem_shared>>) target(%dma_start3A_18 : memref<6256x8xf32, #tpu.memory_space<hbm>>) target_semaphore(%run_scoped3A : memref<!tpu.dma_semaphore, #tpu.memory_space<semaphore_mem>>)
      %dma_wait3A = arith.constant 0 : i32
      %dma_wait3A_21 = tpu.memref_slice %arg6[%arg0, %mul3A_16, %dma_wait3A] : memref<2x100096x8xf32, #tpu.memory_space<hbm>> -> memref<1x6256x8xf32, #tpu.memory_space<hbm>>
      %dma_wait3A_22 = tpu.memref_squeeze %dma_wait3A_21 : memref<1x6256x8xf32, #tpu.memory_space<hbm>> -> memref<6256x8xf32, #tpu.memory_space<hbm>>
      %dma_wait3A_23 = arith.constant 0 : i32
      %dma_wait3A_24 = tpu.memref_slice %arg10[%mul3A_14, %dma_wait3A_23] : memref<100096x8xf32, #tpu.memory_space<vmem_shared>> -> memref<6256x8xf32, #tpu.memory_space<vmem_shared>>
      tpu.wait_dma2 semaphore(%run_scoped3A : memref<!tpu.dma_semaphore, #tpu.memory_space<semaphore_mem>>) src(%dma_wait3A_24 : memref<6256x8xf32, #tpu.memory_space<vmem_shared>>) dst(%dma_wait3A_22 : memref<6256x8xf32, #tpu.memory_space<hbm>>)
      tpu.yield
    }) : () -> ()
    return
  }
}

#map = affine_map<(d0, d1) -> (0, 0)>
#map1 = affine_map<(d0, d1) -> (0, 0, 0)>
module attributes {stable_mosaic.version = 14 : i64} {
  func.func @deg(%arg0: i32, %arg1: i32, %arg2: memref<128x1xf32, #tpu.memory_space<hbm>>, %arg3: memref<100096x1xf32, #tpu.memory_space<hbm>>, %arg4: memref<25088x128xi32, #tpu.memory_space<hbm>>, %arg5: memref<2x100096x1xf32, #tpu.memory_space<hbm>>, %arg6: memref<8x128xi32, #tpu.memory_space<vmem>>, %arg7: memref<128x1xf32, #tpu.memory_space<vmem>>, %arg8: memref<100096x1xf32, #tpu.memory_space<vmem_shared>>, %arg9: memref<!tpu.dma_semaphore, #tpu.memory_space<semaphore_mem>>) attributes {dimension_semantics = [#tpu.dimension_semantics<core_parallel>, #tpu.dimension_semantics<subcore_parallel>], iteration_bounds = array<i64: 2, 16>, scalar_prefetch = 0 : i64, scratch_operands = 4 : i64, tpu.core_type = #tpu.core_type<sc_vector_subcore>, window_params = [{transform_indices = #map}, {transform_indices = #map}, {transform_indices = #map}, {transform_indices = #map1}]} {
    %mul3A = arith.constant 16 : i32
    %mul3A_0 = arith.muli %arg0, %mul3A : i32
    %add3A = arith.addi %mul3A_0, %arg1 : i32
    %mul3A_1 = arith.constant 6256 : i32
    %mul3A_2 = arith.muli %arg1, %mul3A_1 : i32
    %mul3A_3 = arith.constant 6256 : i32
    %mul3A_4 = arith.muli %arg1, %mul3A_3 : i32
    "tpu.region"() ({
      %run_scoped3A = tpu.sem_alloc : memref<!tpu.dma_semaphore, #tpu.memory_space<semaphore_mem>>
      %dma_start3A = arith.constant 0 : i32
      %dma_start3A_17 = tpu.memref_slice %arg8[%mul3A_4, %dma_start3A] : memref<100096x1xf32, #tpu.memory_space<vmem_shared>> -> memref<6256x1xf32, #tpu.memory_space<vmem_shared>>
      %dma_start3A_18 = arith.constant 0 : i32
      %dma_start3A_19 = tpu.memref_slice %arg3[%mul3A_2, %dma_start3A_18] : memref<100096x1xf32, #tpu.memory_space<hbm>> -> memref<6256x1xf32, #tpu.memory_space<hbm>>
      tpu.enqueue_dma source(%dma_start3A_19 : memref<6256x1xf32, #tpu.memory_space<hbm>>) target(%dma_start3A_17 : memref<6256x1xf32, #tpu.memory_space<vmem_shared>>) target_semaphore(%run_scoped3A : memref<!tpu.dma_semaphore, #tpu.memory_space<semaphore_mem>>)
      %dma_wait3A = arith.constant 0 : i32
      %dma_wait3A_20 = tpu.memref_slice %arg8[%mul3A_4, %dma_wait3A] : memref<100096x1xf32, #tpu.memory_space<vmem_shared>> -> memref<6256x1xf32, #tpu.memory_space<vmem_shared>>
      %dma_wait3A_21 = arith.constant 0 : i32
      %dma_wait3A_22 = tpu.memref_slice %arg3[%mul3A_2, %dma_wait3A_21] : memref<100096x1xf32, #tpu.memory_space<hbm>> -> memref<6256x1xf32, #tpu.memory_space<hbm>>
      tpu.wait_dma2 semaphore(%run_scoped3A : memref<!tpu.dma_semaphore, #tpu.memory_space<semaphore_mem>>) src(%dma_wait3A_22 : memref<6256x1xf32, #tpu.memory_space<hbm>>) dst(%dma_wait3A_20 : memref<6256x1xf32, #tpu.memory_space<vmem_shared>>)
      tpu.yield
    }) : () -> ()
    "tpu.region"() ({
      %run_scoped3A = tpu.sem_alloc : memref<!tpu.dma_semaphore, #tpu.memory_space<semaphore_mem>>
      tpu.enqueue_dma source(%arg2 : memref<128x1xf32, #tpu.memory_space<hbm>>) target(%arg7 : memref<128x1xf32, #tpu.memory_space<vmem>>) target_semaphore(%run_scoped3A : memref<!tpu.dma_semaphore, #tpu.memory_space<semaphore_mem>>)
      tpu.wait_dma2 semaphore(%run_scoped3A : memref<!tpu.dma_semaphore, #tpu.memory_space<semaphore_mem>>) src(%arg2 : memref<128x1xf32, #tpu.memory_space<hbm>>) dst(%arg7 : memref<128x1xf32, #tpu.memory_space<vmem>>)
      tpu.yield
    }) : () -> ()
    %barrier3A = arith.constant 0 : index
    tpu.barrier barrier_id(%barrier3A)
    %mul3A_5 = arith.constant 784 : i32
    %mul3A_6 = arith.muli %add3A, %mul3A_5 : i32
    %scan3A = arith.constant 0 : i32
    %scan3A_7 = arith.constant 0 : i32
    %scan3A_8 = arith.constant 98 : i32
    %scan3A_9 = arith.addi %scan3A_7, %scan3A_8 : i32
    %scan3A_10 = arith.constant 1 : i32
    scf.for %scan3A_17 = %scan3A_7 to %scan3A_9 step %scan3A_10  : i32 {
      %mul3A_18 = arith.constant 8 : i32
      %mul3A_19 = arith.muli %scan3A_17, %mul3A_18 : i32
      %add3A_20 = arith.addi %mul3A_6, %mul3A_19 : i32
      %dma_start3A = arith.constant 0 : i32
      %dma_start3A_21 = tpu.memref_slice %arg4[%add3A_20, %dma_start3A] : memref<25088x128xi32, #tpu.memory_space<hbm>> -> memref<8x128xi32, #tpu.memory_space<hbm>>
      %dma_start3A_22 = arith.constant 0 : i32
      %dma_start3A_23 = tpu.memref_slice %arg4[%add3A_20, %dma_start3A_22] : memref<25088x128xi32, #tpu.memory_space<hbm>> -> memref<8x128xi32, #tpu.memory_space<hbm>>
      tpu.enqueue_dma source(%dma_start3A_23 : memref<8x128xi32, #tpu.memory_space<hbm>>) target(%arg6 : memref<8x128xi32, #tpu.memory_space<vmem>>) target_semaphore(%arg9 : memref<!tpu.dma_semaphore, #tpu.memory_space<semaphore_mem>>)
      %dma_wait3A = arith.constant 0 : i32
      %dma_wait3A_24 = tpu.memref_slice %arg4[%add3A_20, %dma_wait3A] : memref<25088x128xi32, #tpu.memory_space<hbm>> -> memref<8x128xi32, #tpu.memory_space<hbm>>
      %dma_wait3A_25 = arith.constant 0 : i32
      %dma_wait3A_26 = tpu.memref_slice %arg4[%add3A_20, %dma_wait3A_25] : memref<25088x128xi32, #tpu.memory_space<hbm>> -> memref<8x128xi32, #tpu.memory_space<hbm>>
      tpu.wait_dma2 semaphore(%arg9 : memref<!tpu.dma_semaphore, #tpu.memory_space<semaphore_mem>>) src(%dma_wait3A_26 : memref<8x128xi32, #tpu.memory_space<hbm>>) dst(%arg6 : memref<8x128xi32, #tpu.memory_space<vmem>>)
      %run_scoped3A = arith.constant 0 : i32
      "tpu.region"() ({
        %run_scoped3A_34 = tpu.sem_alloc : memref<!tpu.dma_semaphore, #tpu.memory_space<semaphore_mem>>
        %dma_start3A_35 = arith.constant 0 : i32
        %dma_start3A_36 = tpu.memref_slice %arg6[%run_scoped3A, %dma_start3A_35] : memref<8x128xi32, #tpu.memory_space<vmem>> -> memref<1x128xi32, #tpu.memory_space<vmem>>
        %dma_start3A_37 = tpu.memref_squeeze %dma_start3A_36 : memref<1x128xi32, #tpu.memory_space<vmem>> -> memref<128xi32, #tpu.memory_space<vmem>>
        %dma_start3A_38 = arith.constant 0 : i32
        %dma_start3A_39 = arith.constant 0 : i32
        %dma_start3A_40 = tpu.memref_slice %arg8[%dma_start3A_38, %dma_start3A_39] : memref<100096x1xf32, #tpu.memory_space<vmem_shared>> -> memref<100096x1xf32, #tpu.memory_space<vmem_shared>>
        tpu.enqueue_indirect_dma source(%arg7 : memref<128x1xf32, #tpu.memory_space<vmem>>) target(%dma_start3A_40 : memref<100096x1xf32, #tpu.memory_space<vmem_shared>>) offsets(%dma_start3A_37 : memref<128xi32, #tpu.memory_space<vmem>>) semaphore(%run_scoped3A_34 : memref<!tpu.dma_semaphore, #tpu.memory_space<semaphore_mem>>) {add = true}
        %dma_wait3A_41 = arith.constant 0 : i32
        %dma_wait3A_42 = tpu.memref_slice %arg6[%run_scoped3A, %dma_wait3A_41] : memref<8x128xi32, #tpu.memory_space<vmem>> -> memref<1x128xi32, #tpu.memory_space<vmem>>
        %dma_wait3A_43 = tpu.memref_squeeze %dma_wait3A_42 : memref<1x128xi32, #tpu.memory_space<vmem>> -> memref<128xi32, #tpu.memory_space<vmem>>
        %dma_wait3A_44 = arith.constant 0 : i32
        %dma_wait3A_45 = arith.constant 0 : i32
        %dma_wait3A_46 = tpu.memref_slice %arg8[%dma_wait3A_44, %dma_wait3A_45] : memref<100096x1xf32, #tpu.memory_space<vmem_shared>> -> memref<100096x1xf32, #tpu.memory_space<vmem_shared>>
        tpu.wait_indirect_dma semaphore(%run_scoped3A_34 : memref<!tpu.dma_semaphore, #tpu.memory_space<semaphore_mem>>) src(%arg7 : memref<128x1xf32, #tpu.memory_space<vmem>>) dst(%dma_wait3A_46 : memref<100096x1xf32, #tpu.memory_space<vmem_shared>>)
        tpu.yield
      }) : () -> ()
      %run_scoped3A_27 = arith.constant 1 : i32
      "tpu.region"() ({
        %run_scoped3A_34 = tpu.sem_alloc : memref<!tpu.dma_semaphore, #tpu.memory_space<semaphore_mem>>
        %dma_start3A_35 = arith.constant 0 : i32
        %dma_start3A_36 = tpu.memref_slice %arg6[%run_scoped3A_27, %dma_start3A_35] : memref<8x128xi32, #tpu.memory_space<vmem>> -> memref<1x128xi32, #tpu.memory_space<vmem>>
        %dma_start3A_37 = tpu.memref_squeeze %dma_start3A_36 : memref<1x128xi32, #tpu.memory_space<vmem>> -> memref<128xi32, #tpu.memory_space<vmem>>
        %dma_start3A_38 = arith.constant 0 : i32
        %dma_start3A_39 = arith.constant 0 : i32
        %dma_start3A_40 = tpu.memref_slice %arg8[%dma_start3A_38, %dma_start3A_39] : memref<100096x1xf32, #tpu.memory_space<vmem_shared>> -> memref<100096x1xf32, #tpu.memory_space<vmem_shared>>
        tpu.enqueue_indirect_dma source(%arg7 : memref<128x1xf32, #tpu.memory_space<vmem>>) target(%dma_start3A_40 : memref<100096x1xf32, #tpu.memory_space<vmem_shared>>) offsets(%dma_start3A_37 : memref<128xi32, #tpu.memory_space<vmem>>) semaphore(%run_scoped3A_34 : memref<!tpu.dma_semaphore, #tpu.memory_space<semaphore_mem>>) {add = true}
        %dma_wait3A_41 = arith.constant 0 : i32
        %dma_wait3A_42 = tpu.memref_slice %arg6[%run_scoped3A_27, %dma_wait3A_41] : memref<8x128xi32, #tpu.memory_space<vmem>> -> memref<1x128xi32, #tpu.memory_space<vmem>>
        %dma_wait3A_43 = tpu.memref_squeeze %dma_wait3A_42 : memref<1x128xi32, #tpu.memory_space<vmem>> -> memref<128xi32, #tpu.memory_space<vmem>>
        %dma_wait3A_44 = arith.constant 0 : i32
        %dma_wait3A_45 = arith.constant 0 : i32
        %dma_wait3A_46 = tpu.memref_slice %arg8[%dma_wait3A_44, %dma_wait3A_45] : memref<100096x1xf32, #tpu.memory_space<vmem_shared>> -> memref<100096x1xf32, #tpu.memory_space<vmem_shared>>
        tpu.wait_indirect_dma semaphore(%run_scoped3A_34 : memref<!tpu.dma_semaphore, #tpu.memory_space<semaphore_mem>>) src(%arg7 : memref<128x1xf32, #tpu.memory_space<vmem>>) dst(%dma_wait3A_46 : memref<100096x1xf32, #tpu.memory_space<vmem_shared>>)
        tpu.yield
      }) : () -> ()
      %run_scoped3A_28 = arith.constant 2 : i32
      "tpu.region"() ({
        %run_scoped3A_34 = tpu.sem_alloc : memref<!tpu.dma_semaphore, #tpu.memory_space<semaphore_mem>>
        %dma_start3A_35 = arith.constant 0 : i32
        %dma_start3A_36 = tpu.memref_slice %arg6[%run_scoped3A_28, %dma_start3A_35] : memref<8x128xi32, #tpu.memory_space<vmem>> -> memref<1x128xi32, #tpu.memory_space<vmem>>
        %dma_start3A_37 = tpu.memref_squeeze %dma_start3A_36 : memref<1x128xi32, #tpu.memory_space<vmem>> -> memref<128xi32, #tpu.memory_space<vmem>>
        %dma_start3A_38 = arith.constant 0 : i32
        %dma_start3A_39 = arith.constant 0 : i32
        %dma_start3A_40 = tpu.memref_slice %arg8[%dma_start3A_38, %dma_start3A_39] : memref<100096x1xf32, #tpu.memory_space<vmem_shared>> -> memref<100096x1xf32, #tpu.memory_space<vmem_shared>>
        tpu.enqueue_indirect_dma source(%arg7 : memref<128x1xf32, #tpu.memory_space<vmem>>) target(%dma_start3A_40 : memref<100096x1xf32, #tpu.memory_space<vmem_shared>>) offsets(%dma_start3A_37 : memref<128xi32, #tpu.memory_space<vmem>>) semaphore(%run_scoped3A_34 : memref<!tpu.dma_semaphore, #tpu.memory_space<semaphore_mem>>) {add = true}
        %dma_wait3A_41 = arith.constant 0 : i32
        %dma_wait3A_42 = tpu.memref_slice %arg6[%run_scoped3A_28, %dma_wait3A_41] : memref<8x128xi32, #tpu.memory_space<vmem>> -> memref<1x128xi32, #tpu.memory_space<vmem>>
        %dma_wait3A_43 = tpu.memref_squeeze %dma_wait3A_42 : memref<1x128xi32, #tpu.memory_space<vmem>> -> memref<128xi32, #tpu.memory_space<vmem>>
        %dma_wait3A_44 = arith.constant 0 : i32
        %dma_wait3A_45 = arith.constant 0 : i32
        %dma_wait3A_46 = tpu.memref_slice %arg8[%dma_wait3A_44, %dma_wait3A_45] : memref<100096x1xf32, #tpu.memory_space<vmem_shared>> -> memref<100096x1xf32, #tpu.memory_space<vmem_shared>>
        tpu.wait_indirect_dma semaphore(%run_scoped3A_34 : memref<!tpu.dma_semaphore, #tpu.memory_space<semaphore_mem>>) src(%arg7 : memref<128x1xf32, #tpu.memory_space<vmem>>) dst(%dma_wait3A_46 : memref<100096x1xf32, #tpu.memory_space<vmem_shared>>)
        tpu.yield
      }) : () -> ()
      %run_scoped3A_29 = arith.constant 3 : i32
      "tpu.region"() ({
        %run_scoped3A_34 = tpu.sem_alloc : memref<!tpu.dma_semaphore, #tpu.memory_space<semaphore_mem>>
        %dma_start3A_35 = arith.constant 0 : i32
        %dma_start3A_36 = tpu.memref_slice %arg6[%run_scoped3A_29, %dma_start3A_35] : memref<8x128xi32, #tpu.memory_space<vmem>> -> memref<1x128xi32, #tpu.memory_space<vmem>>
        %dma_start3A_37 = tpu.memref_squeeze %dma_start3A_36 : memref<1x128xi32, #tpu.memory_space<vmem>> -> memref<128xi32, #tpu.memory_space<vmem>>
        %dma_start3A_38 = arith.constant 0 : i32
        %dma_start3A_39 = arith.constant 0 : i32
        %dma_start3A_40 = tpu.memref_slice %arg8[%dma_start3A_38, %dma_start3A_39] : memref<100096x1xf32, #tpu.memory_space<vmem_shared>> -> memref<100096x1xf32, #tpu.memory_space<vmem_shared>>
        tpu.enqueue_indirect_dma source(%arg7 : memref<128x1xf32, #tpu.memory_space<vmem>>) target(%dma_start3A_40 : memref<100096x1xf32, #tpu.memory_space<vmem_shared>>) offsets(%dma_start3A_37 : memref<128xi32, #tpu.memory_space<vmem>>) semaphore(%run_scoped3A_34 : memref<!tpu.dma_semaphore, #tpu.memory_space<semaphore_mem>>) {add = true}
        %dma_wait3A_41 = arith.constant 0 : i32
        %dma_wait3A_42 = tpu.memref_slice %arg6[%run_scoped3A_29, %dma_wait3A_41] : memref<8x128xi32, #tpu.memory_space<vmem>> -> memref<1x128xi32, #tpu.memory_space<vmem>>
        %dma_wait3A_43 = tpu.memref_squeeze %dma_wait3A_42 : memref<1x128xi32, #tpu.memory_space<vmem>> -> memref<128xi32, #tpu.memory_space<vmem>>
        %dma_wait3A_44 = arith.constant 0 : i32
        %dma_wait3A_45 = arith.constant 0 : i32
        %dma_wait3A_46 = tpu.memref_slice %arg8[%dma_wait3A_44, %dma_wait3A_45] : memref<100096x1xf32, #tpu.memory_space<vmem_shared>> -> memref<100096x1xf32, #tpu.memory_space<vmem_shared>>
        tpu.wait_indirect_dma semaphore(%run_scoped3A_34 : memref<!tpu.dma_semaphore, #tpu.memory_space<semaphore_mem>>) src(%arg7 : memref<128x1xf32, #tpu.memory_space<vmem>>) dst(%dma_wait3A_46 : memref<100096x1xf32, #tpu.memory_space<vmem_shared>>)
        tpu.yield
      }) : () -> ()
      %run_scoped3A_30 = arith.constant 4 : i32
      "tpu.region"() ({
        %run_scoped3A_34 = tpu.sem_alloc : memref<!tpu.dma_semaphore, #tpu.memory_space<semaphore_mem>>
        %dma_start3A_35 = arith.constant 0 : i32
        %dma_start3A_36 = tpu.memref_slice %arg6[%run_scoped3A_30, %dma_start3A_35] : memref<8x128xi32, #tpu.memory_space<vmem>> -> memref<1x128xi32, #tpu.memory_space<vmem>>
        %dma_start3A_37 = tpu.memref_squeeze %dma_start3A_36 : memref<1x128xi32, #tpu.memory_space<vmem>> -> memref<128xi32, #tpu.memory_space<vmem>>
        %dma_start3A_38 = arith.constant 0 : i32
        %dma_start3A_39 = arith.constant 0 : i32
        %dma_start3A_40 = tpu.memref_slice %arg8[%dma_start3A_38, %dma_start3A_39] : memref<100096x1xf32, #tpu.memory_space<vmem_shared>> -> memref<100096x1xf32, #tpu.memory_space<vmem_shared>>
        tpu.enqueue_indirect_dma source(%arg7 : memref<128x1xf32, #tpu.memory_space<vmem>>) target(%dma_start3A_40 : memref<100096x1xf32, #tpu.memory_space<vmem_shared>>) offsets(%dma_start3A_37 : memref<128xi32, #tpu.memory_space<vmem>>) semaphore(%run_scoped3A_34 : memref<!tpu.dma_semaphore, #tpu.memory_space<semaphore_mem>>) {add = true}
        %dma_wait3A_41 = arith.constant 0 : i32
        %dma_wait3A_42 = tpu.memref_slice %arg6[%run_scoped3A_30, %dma_wait3A_41] : memref<8x128xi32, #tpu.memory_space<vmem>> -> memref<1x128xi32, #tpu.memory_space<vmem>>
        %dma_wait3A_43 = tpu.memref_squeeze %dma_wait3A_42 : memref<1x128xi32, #tpu.memory_space<vmem>> -> memref<128xi32, #tpu.memory_space<vmem>>
        %dma_wait3A_44 = arith.constant 0 : i32
        %dma_wait3A_45 = arith.constant 0 : i32
        %dma_wait3A_46 = tpu.memref_slice %arg8[%dma_wait3A_44, %dma_wait3A_45] : memref<100096x1xf32, #tpu.memory_space<vmem_shared>> -> memref<100096x1xf32, #tpu.memory_space<vmem_shared>>
        tpu.wait_indirect_dma semaphore(%run_scoped3A_34 : memref<!tpu.dma_semaphore, #tpu.memory_space<semaphore_mem>>) src(%arg7 : memref<128x1xf32, #tpu.memory_space<vmem>>) dst(%dma_wait3A_46 : memref<100096x1xf32, #tpu.memory_space<vmem_shared>>)
        tpu.yield
      }) : () -> ()
      %run_scoped3A_31 = arith.constant 5 : i32
      "tpu.region"() ({
        %run_scoped3A_34 = tpu.sem_alloc : memref<!tpu.dma_semaphore, #tpu.memory_space<semaphore_mem>>
        %dma_start3A_35 = arith.constant 0 : i32
        %dma_start3A_36 = tpu.memref_slice %arg6[%run_scoped3A_31, %dma_start3A_35] : memref<8x128xi32, #tpu.memory_space<vmem>> -> memref<1x128xi32, #tpu.memory_space<vmem>>
        %dma_start3A_37 = tpu.memref_squeeze %dma_start3A_36 : memref<1x128xi32, #tpu.memory_space<vmem>> -> memref<128xi32, #tpu.memory_space<vmem>>
        %dma_start3A_38 = arith.constant 0 : i32
        %dma_start3A_39 = arith.constant 0 : i32
        %dma_start3A_40 = tpu.memref_slice %arg8[%dma_start3A_38, %dma_start3A_39] : memref<100096x1xf32, #tpu.memory_space<vmem_shared>> -> memref<100096x1xf32, #tpu.memory_space<vmem_shared>>
        tpu.enqueue_indirect_dma source(%arg7 : memref<128x1xf32, #tpu.memory_space<vmem>>) target(%dma_start3A_40 : memref<100096x1xf32, #tpu.memory_space<vmem_shared>>) offsets(%dma_start3A_37 : memref<128xi32, #tpu.memory_space<vmem>>) semaphore(%run_scoped3A_34 : memref<!tpu.dma_semaphore, #tpu.memory_space<semaphore_mem>>) {add = true}
        %dma_wait3A_41 = arith.constant 0 : i32
        %dma_wait3A_42 = tpu.memref_slice %arg6[%run_scoped3A_31, %dma_wait3A_41] : memref<8x128xi32, #tpu.memory_space<vmem>> -> memref<1x128xi32, #tpu.memory_space<vmem>>
        %dma_wait3A_43 = tpu.memref_squeeze %dma_wait3A_42 : memref<1x128xi32, #tpu.memory_space<vmem>> -> memref<128xi32, #tpu.memory_space<vmem>>
        %dma_wait3A_44 = arith.constant 0 : i32
        %dma_wait3A_45 = arith.constant 0 : i32
        %dma_wait3A_46 = tpu.memref_slice %arg8[%dma_wait3A_44, %dma_wait3A_45] : memref<100096x1xf32, #tpu.memory_space<vmem_shared>> -> memref<100096x1xf32, #tpu.memory_space<vmem_shared>>
        tpu.wait_indirect_dma semaphore(%run_scoped3A_34 : memref<!tpu.dma_semaphore, #tpu.memory_space<semaphore_mem>>) src(%arg7 : memref<128x1xf32, #tpu.memory_space<vmem>>) dst(%dma_wait3A_46 : memref<100096x1xf32, #tpu.memory_space<vmem_shared>>)
        tpu.yield
      }) : () -> ()
      %run_scoped3A_32 = arith.constant 6 : i32
      "tpu.region"() ({
        %run_scoped3A_34 = tpu.sem_alloc : memref<!tpu.dma_semaphore, #tpu.memory_space<semaphore_mem>>
        %dma_start3A_35 = arith.constant 0 : i32
        %dma_start3A_36 = tpu.memref_slice %arg6[%run_scoped3A_32, %dma_start3A_35] : memref<8x128xi32, #tpu.memory_space<vmem>> -> memref<1x128xi32, #tpu.memory_space<vmem>>
        %dma_start3A_37 = tpu.memref_squeeze %dma_start3A_36 : memref<1x128xi32, #tpu.memory_space<vmem>> -> memref<128xi32, #tpu.memory_space<vmem>>
        %dma_start3A_38 = arith.constant 0 : i32
        %dma_start3A_39 = arith.constant 0 : i32
        %dma_start3A_40 = tpu.memref_slice %arg8[%dma_start3A_38, %dma_start3A_39] : memref<100096x1xf32, #tpu.memory_space<vmem_shared>> -> memref<100096x1xf32, #tpu.memory_space<vmem_shared>>
        tpu.enqueue_indirect_dma source(%arg7 : memref<128x1xf32, #tpu.memory_space<vmem>>) target(%dma_start3A_40 : memref<100096x1xf32, #tpu.memory_space<vmem_shared>>) offsets(%dma_start3A_37 : memref<128xi32, #tpu.memory_space<vmem>>) semaphore(%run_scoped3A_34 : memref<!tpu.dma_semaphore, #tpu.memory_space<semaphore_mem>>) {add = true}
        %dma_wait3A_41 = arith.constant 0 : i32
        %dma_wait3A_42 = tpu.memref_slice %arg6[%run_scoped3A_32, %dma_wait3A_41] : memref<8x128xi32, #tpu.memory_space<vmem>> -> memref<1x128xi32, #tpu.memory_space<vmem>>
        %dma_wait3A_43 = tpu.memref_squeeze %dma_wait3A_42 : memref<1x128xi32, #tpu.memory_space<vmem>> -> memref<128xi32, #tpu.memory_space<vmem>>
        %dma_wait3A_44 = arith.constant 0 : i32
        %dma_wait3A_45 = arith.constant 0 : i32
        %dma_wait3A_46 = tpu.memref_slice %arg8[%dma_wait3A_44, %dma_wait3A_45] : memref<100096x1xf32, #tpu.memory_space<vmem_shared>> -> memref<100096x1xf32, #tpu.memory_space<vmem_shared>>
        tpu.wait_indirect_dma semaphore(%run_scoped3A_34 : memref<!tpu.dma_semaphore, #tpu.memory_space<semaphore_mem>>) src(%arg7 : memref<128x1xf32, #tpu.memory_space<vmem>>) dst(%dma_wait3A_46 : memref<100096x1xf32, #tpu.memory_space<vmem_shared>>)
        tpu.yield
      }) : () -> ()
      %run_scoped3A_33 = arith.constant 7 : i32
      "tpu.region"() ({
        %run_scoped3A_34 = tpu.sem_alloc : memref<!tpu.dma_semaphore, #tpu.memory_space<semaphore_mem>>
        %dma_start3A_35 = arith.constant 0 : i32
        %dma_start3A_36 = tpu.memref_slice %arg6[%run_scoped3A_33, %dma_start3A_35] : memref<8x128xi32, #tpu.memory_space<vmem>> -> memref<1x128xi32, #tpu.memory_space<vmem>>
        %dma_start3A_37 = tpu.memref_squeeze %dma_start3A_36 : memref<1x128xi32, #tpu.memory_space<vmem>> -> memref<128xi32, #tpu.memory_space<vmem>>
        %dma_start3A_38 = arith.constant 0 : i32
        %dma_start3A_39 = arith.constant 0 : i32
        %dma_start3A_40 = tpu.memref_slice %arg8[%dma_start3A_38, %dma_start3A_39] : memref<100096x1xf32, #tpu.memory_space<vmem_shared>> -> memref<100096x1xf32, #tpu.memory_space<vmem_shared>>
        tpu.enqueue_indirect_dma source(%arg7 : memref<128x1xf32, #tpu.memory_space<vmem>>) target(%dma_start3A_40 : memref<100096x1xf32, #tpu.memory_space<vmem_shared>>) offsets(%dma_start3A_37 : memref<128xi32, #tpu.memory_space<vmem>>) semaphore(%run_scoped3A_34 : memref<!tpu.dma_semaphore, #tpu.memory_space<semaphore_mem>>) {add = true}
        %dma_wait3A_41 = arith.constant 0 : i32
        %dma_wait3A_42 = tpu.memref_slice %arg6[%run_scoped3A_33, %dma_wait3A_41] : memref<8x128xi32, #tpu.memory_space<vmem>> -> memref<1x128xi32, #tpu.memory_space<vmem>>
        %dma_wait3A_43 = tpu.memref_squeeze %dma_wait3A_42 : memref<1x128xi32, #tpu.memory_space<vmem>> -> memref<128xi32, #tpu.memory_space<vmem>>
        %dma_wait3A_44 = arith.constant 0 : i32
        %dma_wait3A_45 = arith.constant 0 : i32
        %dma_wait3A_46 = tpu.memref_slice %arg8[%dma_wait3A_44, %dma_wait3A_45] : memref<100096x1xf32, #tpu.memory_space<vmem_shared>> -> memref<100096x1xf32, #tpu.memory_space<vmem_shared>>
        tpu.wait_indirect_dma semaphore(%run_scoped3A_34 : memref<!tpu.dma_semaphore, #tpu.memory_space<semaphore_mem>>) src(%arg7 : memref<128x1xf32, #tpu.memory_space<vmem>>) dst(%dma_wait3A_46 : memref<100096x1xf32, #tpu.memory_space<vmem_shared>>)
        tpu.yield
      }) : () -> ()
    }
    %scan3A_11 = arith.constant 98 : i32
    %barrier3A_12 = arith.constant 0 : index
    tpu.barrier barrier_id(%barrier3A_12)
    %mul3A_13 = arith.constant 6256 : i32
    %mul3A_14 = arith.muli %arg1, %mul3A_13 : i32
    %mul3A_15 = arith.constant 6256 : i32
    %mul3A_16 = arith.muli %arg1, %mul3A_15 : i32
    "tpu.region"() ({
      %run_scoped3A = tpu.sem_alloc : memref<!tpu.dma_semaphore, #tpu.memory_space<semaphore_mem>>
      %dma_start3A = arith.constant 0 : i32
      %dma_start3A_17 = tpu.memref_slice %arg5[%arg0, %mul3A_16, %dma_start3A] : memref<2x100096x1xf32, #tpu.memory_space<hbm>> -> memref<1x6256x1xf32, #tpu.memory_space<hbm>>
      %dma_start3A_18 = tpu.memref_squeeze %dma_start3A_17 : memref<1x6256x1xf32, #tpu.memory_space<hbm>> -> memref<6256x1xf32, #tpu.memory_space<hbm>>
      %dma_start3A_19 = arith.constant 0 : i32
      %dma_start3A_20 = tpu.memref_slice %arg8[%mul3A_14, %dma_start3A_19] : memref<100096x1xf32, #tpu.memory_space<vmem_shared>> -> memref<6256x1xf32, #tpu.memory_space<vmem_shared>>
      tpu.enqueue_dma source(%dma_start3A_20 : memref<6256x1xf32, #tpu.memory_space<vmem_shared>>) target(%dma_start3A_18 : memref<6256x1xf32, #tpu.memory_space<hbm>>) target_semaphore(%run_scoped3A : memref<!tpu.dma_semaphore, #tpu.memory_space<semaphore_mem>>)
      %dma_wait3A = arith.constant 0 : i32
      %dma_wait3A_21 = tpu.memref_slice %arg5[%arg0, %mul3A_16, %dma_wait3A] : memref<2x100096x1xf32, #tpu.memory_space<hbm>> -> memref<1x6256x1xf32, #tpu.memory_space<hbm>>
      %dma_wait3A_22 = tpu.memref_squeeze %dma_wait3A_21 : memref<1x6256x1xf32, #tpu.memory_space<hbm>> -> memref<6256x1xf32, #tpu.memory_space<hbm>>
      %dma_wait3A_23 = arith.constant 0 : i32
      %dma_wait3A_24 = tpu.memref_slice %arg8[%mul3A_14, %dma_wait3A_23] : memref<100096x1xf32, #tpu.memory_space<vmem_shared>> -> memref<6256x1xf32, #tpu.memory_space<vmem_shared>>
      tpu.wait_dma2 semaphore(%run_scoped3A : memref<!tpu.dma_semaphore, #tpu.memory_space<semaphore_mem>>) src(%dma_wait3A_24 : memref<6256x1xf32, #tpu.memory_space<vmem_shared>>) dst(%dma_wait3A_22 : memref<6256x1xf32, #tpu.memory_space<hbm>>)
      tpu.yield
    }) : () -> ()
    return
  }
}

#map = affine_map<(d0, d1) -> (0, 0)>
#map1 = affine_map<(d0, d1) -> (0, 0, 0)>
module attributes {stable_mosaic.version = 14 : i64} {
  func.func @prop(%arg0: i32, %arg1: i32, %arg2: memref<100096x16xf32, #tpu.memory_space<hbm>>, %arg3: memref<100096x16xf32, #tpu.memory_space<hbm>>, %arg4: memref<25088x128xi32, #tpu.memory_space<hbm>>, %arg5: memref<25088x128xi32, #tpu.memory_space<hbm>>, %arg6: memref<2x100096x16xf32, #tpu.memory_space<hbm>>, %arg7: memref<8x128xi32, #tpu.memory_space<vmem>>, %arg8: memref<8x128xi32, #tpu.memory_space<vmem>>, %arg9: memref<1024x16xf32, #tpu.memory_space<vmem>>, %arg10: memref<100096x16xf32, #tpu.memory_space<vmem_shared>>, %arg11: memref<!tpu.dma_semaphore, #tpu.memory_space<semaphore_mem>>, %arg12: memref<!tpu.dma_semaphore, #tpu.memory_space<semaphore_mem>>) attributes {dimension_semantics = [#tpu.dimension_semantics<core_parallel>, #tpu.dimension_semantics<subcore_parallel>], iteration_bounds = array<i64: 2, 16>, scalar_prefetch = 0 : i64, scratch_operands = 6 : i64, tpu.core_type = #tpu.core_type<sc_vector_subcore>, window_params = [{transform_indices = #map}, {transform_indices = #map}, {transform_indices = #map}, {transform_indices = #map}, {transform_indices = #map1}]} {
    %mul3A = arith.constant 16 : i32
    %mul3A_0 = arith.muli %arg0, %mul3A : i32
    %add3A = arith.addi %mul3A_0, %arg1 : i32
    %mul3A_1 = arith.constant 6256 : i32
    %mul3A_2 = arith.muli %arg1, %mul3A_1 : i32
    %mul3A_3 = arith.constant 6256 : i32
    %mul3A_4 = arith.muli %arg1, %mul3A_3 : i32
    "tpu.region"() ({
      %run_scoped3A = tpu.sem_alloc : memref<!tpu.dma_semaphore, #tpu.memory_space<semaphore_mem>>
      %dma_start3A = arith.constant 0 : i32
      %dma_start3A_17 = tpu.memref_slice %arg10[%mul3A_4, %dma_start3A] : memref<100096x16xf32, #tpu.memory_space<vmem_shared>> -> memref<6256x16xf32, #tpu.memory_space<vmem_shared>>
      %dma_start3A_18 = arith.constant 0 : i32
      %dma_start3A_19 = tpu.memref_slice %arg3[%mul3A_2, %dma_start3A_18] : memref<100096x16xf32, #tpu.memory_space<hbm>> -> memref<6256x16xf32, #tpu.memory_space<hbm>>
      tpu.enqueue_dma source(%dma_start3A_19 : memref<6256x16xf32, #tpu.memory_space<hbm>>) target(%dma_start3A_17 : memref<6256x16xf32, #tpu.memory_space<vmem_shared>>) target_semaphore(%run_scoped3A : memref<!tpu.dma_semaphore, #tpu.memory_space<semaphore_mem>>)
      %dma_wait3A = arith.constant 0 : i32
      %dma_wait3A_20 = tpu.memref_slice %arg10[%mul3A_4, %dma_wait3A] : memref<100096x16xf32, #tpu.memory_space<vmem_shared>> -> memref<6256x16xf32, #tpu.memory_space<vmem_shared>>
      %dma_wait3A_21 = arith.constant 0 : i32
      %dma_wait3A_22 = tpu.memref_slice %arg3[%mul3A_2, %dma_wait3A_21] : memref<100096x16xf32, #tpu.memory_space<hbm>> -> memref<6256x16xf32, #tpu.memory_space<hbm>>
      tpu.wait_dma2 semaphore(%run_scoped3A : memref<!tpu.dma_semaphore, #tpu.memory_space<semaphore_mem>>) src(%dma_wait3A_22 : memref<6256x16xf32, #tpu.memory_space<hbm>>) dst(%dma_wait3A_20 : memref<6256x16xf32, #tpu.memory_space<vmem_shared>>)
      tpu.yield
    }) : () -> ()
    %barrier3A = arith.constant 0 : index
    tpu.barrier barrier_id(%barrier3A)
    %mul3A_5 = arith.constant 784 : i32
    %mul3A_6 = arith.muli %add3A, %mul3A_5 : i32
    %scan3A = arith.constant 0 : i32
    %scan3A_7 = arith.constant 0 : i32
    %scan3A_8 = arith.constant 98 : i32
    %scan3A_9 = arith.addi %scan3A_7, %scan3A_8 : i32
    %scan3A_10 = arith.constant 1 : i32
    scf.for %scan3A_17 = %scan3A_7 to %scan3A_9 step %scan3A_10  : i32 {
      %mul3A_18 = arith.constant 8 : i32
      %mul3A_19 = arith.muli %scan3A_17, %mul3A_18 : i32
      %add3A_20 = arith.addi %mul3A_6, %mul3A_19 : i32
      %dma_start3A = arith.constant 0 : i32
      %dma_start3A_21 = tpu.memref_slice %arg4[%add3A_20, %dma_start3A] : memref<25088x128xi32, #tpu.memory_space<hbm>> -> memref<8x128xi32, #tpu.memory_space<hbm>>
      %dma_start3A_22 = arith.constant 0 : i32
      %dma_start3A_23 = tpu.memref_slice %arg4[%add3A_20, %dma_start3A_22] : memref<25088x128xi32, #tpu.memory_space<hbm>> -> memref<8x128xi32, #tpu.memory_space<hbm>>
      tpu.enqueue_dma source(%dma_start3A_23 : memref<8x128xi32, #tpu.memory_space<hbm>>) target(%arg7 : memref<8x128xi32, #tpu.memory_space<vmem>>) target_semaphore(%arg12 : memref<!tpu.dma_semaphore, #tpu.memory_space<semaphore_mem>>)
      %dma_start3A_24 = arith.constant 0 : i32
      %dma_start3A_25 = tpu.memref_slice %arg5[%add3A_20, %dma_start3A_24] : memref<25088x128xi32, #tpu.memory_space<hbm>> -> memref<8x128xi32, #tpu.memory_space<hbm>>
      %dma_start3A_26 = arith.constant 0 : i32
      %dma_start3A_27 = tpu.memref_slice %arg5[%add3A_20, %dma_start3A_26] : memref<25088x128xi32, #tpu.memory_space<hbm>> -> memref<8x128xi32, #tpu.memory_space<hbm>>
      tpu.enqueue_dma source(%dma_start3A_27 : memref<8x128xi32, #tpu.memory_space<hbm>>) target(%arg8 : memref<8x128xi32, #tpu.memory_space<vmem>>) target_semaphore(%arg12 : memref<!tpu.dma_semaphore, #tpu.memory_space<semaphore_mem>>)
      %dma_wait3A = arith.constant 0 : i32
      %dma_wait3A_28 = tpu.memref_slice %arg4[%add3A_20, %dma_wait3A] : memref<25088x128xi32, #tpu.memory_space<hbm>> -> memref<8x128xi32, #tpu.memory_space<hbm>>
      %dma_wait3A_29 = arith.constant 0 : i32
      %dma_wait3A_30 = tpu.memref_slice %arg4[%add3A_20, %dma_wait3A_29] : memref<25088x128xi32, #tpu.memory_space<hbm>> -> memref<8x128xi32, #tpu.memory_space<hbm>>
      tpu.wait_dma2 semaphore(%arg12 : memref<!tpu.dma_semaphore, #tpu.memory_space<semaphore_mem>>) src(%dma_wait3A_30 : memref<8x128xi32, #tpu.memory_space<hbm>>) dst(%arg7 : memref<8x128xi32, #tpu.memory_space<vmem>>)
      %dma_wait3A_31 = arith.constant 0 : i32
      %dma_wait3A_32 = tpu.memref_slice %arg5[%add3A_20, %dma_wait3A_31] : memref<25088x128xi32, #tpu.memory_space<hbm>> -> memref<8x128xi32, #tpu.memory_space<hbm>>
      %dma_wait3A_33 = arith.constant 0 : i32
      %dma_wait3A_34 = tpu.memref_slice %arg5[%add3A_20, %dma_wait3A_33] : memref<25088x128xi32, #tpu.memory_space<hbm>> -> memref<8x128xi32, #tpu.memory_space<hbm>>
      tpu.wait_dma2 semaphore(%arg12 : memref<!tpu.dma_semaphore, #tpu.memory_space<semaphore_mem>>) src(%dma_wait3A_34 : memref<8x128xi32, #tpu.memory_space<hbm>>) dst(%arg8 : memref<8x128xi32, #tpu.memory_space<vmem>>)
      %dma_start3A_35 = arith.constant 0 : i32
      %dma_start3A_36 = arith.constant 0 : i32
      %dma_start3A_37 = arith.constant 0 : i32
      %dma_start3A_38 = tpu.memref_slice %arg9[%dma_start3A_36, %dma_start3A_37] : memref<1024x16xf32, #tpu.memory_space<vmem>> -> memref<128x16xf32, #tpu.memory_space<vmem>>
      %dma_start3A_39 = arith.constant 0 : i32
      %dma_start3A_40 = tpu.memref_slice %arg7[%dma_start3A_35, %dma_start3A_39] : memref<8x128xi32, #tpu.memory_space<vmem>> -> memref<1x128xi32, #tpu.memory_space<vmem>>
      %dma_start3A_41 = tpu.memref_squeeze %dma_start3A_40 : memref<1x128xi32, #tpu.memory_space<vmem>> -> memref<128xi32, #tpu.memory_space<vmem>>
      %dma_start3A_42 = arith.constant 0 : i32
      %dma_start3A_43 = arith.constant 0 : i32
      %dma_start3A_44 = tpu.memref_slice %arg2[%dma_start3A_42, %dma_start3A_43] : memref<100096x16xf32, #tpu.memory_space<hbm>> -> memref<100096x16xf32, #tpu.memory_space<hbm>>
      tpu.enqueue_indirect_dma source(%dma_start3A_44 : memref<100096x16xf32, #tpu.memory_space<hbm>>) target(%dma_start3A_38 : memref<128x16xf32, #tpu.memory_space<vmem>>) offsets(%dma_start3A_41 : memref<128xi32, #tpu.memory_space<vmem>>) semaphore(%arg11 : memref<!tpu.dma_semaphore, #tpu.memory_space<semaphore_mem>>)
      %dma_start3A_45 = arith.constant 1 : i32
      %dma_start3A_46 = arith.constant 128 : i32
      %dma_start3A_47 = arith.constant 0 : i32
      %dma_start3A_48 = tpu.memref_slice %arg9[%dma_start3A_46, %dma_start3A_47] : memref<1024x16xf32, #tpu.memory_space<vmem>> -> memref<128x16xf32, #tpu.memory_space<vmem>>
      %dma_start3A_49 = arith.constant 0 : i32
      %dma_start3A_50 = tpu.memref_slice %arg7[%dma_start3A_45, %dma_start3A_49] : memref<8x128xi32, #tpu.memory_space<vmem>> -> memref<1x128xi32, #tpu.memory_space<vmem>>
      %dma_start3A_51 = tpu.memref_squeeze %dma_start3A_50 : memref<1x128xi32, #tpu.memory_space<vmem>> -> memref<128xi32, #tpu.memory_space<vmem>>
      %dma_start3A_52 = arith.constant 0 : i32
      %dma_start3A_53 = arith.constant 0 : i32
      %dma_start3A_54 = tpu.memref_slice %arg2[%dma_start3A_52, %dma_start3A_53] : memref<100096x16xf32, #tpu.memory_space<hbm>> -> memref<100096x16xf32, #tpu.memory_space<hbm>>
      tpu.enqueue_indirect_dma source(%dma_start3A_54 : memref<100096x16xf32, #tpu.memory_space<hbm>>) target(%dma_start3A_48 : memref<128x16xf32, #tpu.memory_space<vmem>>) offsets(%dma_start3A_51 : memref<128xi32, #tpu.memory_space<vmem>>) semaphore(%arg11 : memref<!tpu.dma_semaphore, #tpu.memory_space<semaphore_mem>>)
      %dma_start3A_55 = arith.constant 2 : i32
      %dma_start3A_56 = arith.constant 256 : i32
      %dma_start3A_57 = arith.constant 0 : i32
      %dma_start3A_58 = tpu.memref_slice %arg9[%dma_start3A_56, %dma_start3A_57] : memref<1024x16xf32, #tpu.memory_space<vmem>> -> memref<128x16xf32, #tpu.memory_space<vmem>>
      %dma_start3A_59 = arith.constant 0 : i32
      %dma_start3A_60 = tpu.memref_slice %arg7[%dma_start3A_55, %dma_start3A_59] : memref<8x128xi32, #tpu.memory_space<vmem>> -> memref<1x128xi32, #tpu.memory_space<vmem>>
      %dma_start3A_61 = tpu.memref_squeeze %dma_start3A_60 : memref<1x128xi32, #tpu.memory_space<vmem>> -> memref<128xi32, #tpu.memory_space<vmem>>
      %dma_start3A_62 = arith.constant 0 : i32
      %dma_start3A_63 = arith.constant 0 : i32
      %dma_start3A_64 = tpu.memref_slice %arg2[%dma_start3A_62, %dma_start3A_63] : memref<100096x16xf32, #tpu.memory_space<hbm>> -> memref<100096x16xf32, #tpu.memory_space<hbm>>
      tpu.enqueue_indirect_dma source(%dma_start3A_64 : memref<100096x16xf32, #tpu.memory_space<hbm>>) target(%dma_start3A_58 : memref<128x16xf32, #tpu.memory_space<vmem>>) offsets(%dma_start3A_61 : memref<128xi32, #tpu.memory_space<vmem>>) semaphore(%arg11 : memref<!tpu.dma_semaphore, #tpu.memory_space<semaphore_mem>>)
      %dma_start3A_65 = arith.constant 3 : i32
      %dma_start3A_66 = arith.constant 384 : i32
      %dma_start3A_67 = arith.constant 0 : i32
      %dma_start3A_68 = tpu.memref_slice %arg9[%dma_start3A_66, %dma_start3A_67] : memref<1024x16xf32, #tpu.memory_space<vmem>> -> memref<128x16xf32, #tpu.memory_space<vmem>>
      %dma_start3A_69 = arith.constant 0 : i32
      %dma_start3A_70 = tpu.memref_slice %arg7[%dma_start3A_65, %dma_start3A_69] : memref<8x128xi32, #tpu.memory_space<vmem>> -> memref<1x128xi32, #tpu.memory_space<vmem>>
      %dma_start3A_71 = tpu.memref_squeeze %dma_start3A_70 : memref<1x128xi32, #tpu.memory_space<vmem>> -> memref<128xi32, #tpu.memory_space<vmem>>
      %dma_start3A_72 = arith.constant 0 : i32
      %dma_start3A_73 = arith.constant 0 : i32
      %dma_start3A_74 = tpu.memref_slice %arg2[%dma_start3A_72, %dma_start3A_73] : memref<100096x16xf32, #tpu.memory_space<hbm>> -> memref<100096x16xf32, #tpu.memory_space<hbm>>
      tpu.enqueue_indirect_dma source(%dma_start3A_74 : memref<100096x16xf32, #tpu.memory_space<hbm>>) target(%dma_start3A_68 : memref<128x16xf32, #tpu.memory_space<vmem>>) offsets(%dma_start3A_71 : memref<128xi32, #tpu.memory_space<vmem>>) semaphore(%arg11 : memref<!tpu.dma_semaphore, #tpu.memory_space<semaphore_mem>>)
      %dma_start3A_75 = arith.constant 4 : i32
      %dma_start3A_76 = arith.constant 512 : i32
      %dma_start3A_77 = arith.constant 0 : i32
      %dma_start3A_78 = tpu.memref_slice %arg9[%dma_start3A_76, %dma_start3A_77] : memref<1024x16xf32, #tpu.memory_space<vmem>> -> memref<128x16xf32, #tpu.memory_space<vmem>>
      %dma_start3A_79 = arith.constant 0 : i32
      %dma_start3A_80 = tpu.memref_slice %arg7[%dma_start3A_75, %dma_start3A_79] : memref<8x128xi32, #tpu.memory_space<vmem>> -> memref<1x128xi32, #tpu.memory_space<vmem>>
      %dma_start3A_81 = tpu.memref_squeeze %dma_start3A_80 : memref<1x128xi32, #tpu.memory_space<vmem>> -> memref<128xi32, #tpu.memory_space<vmem>>
      %dma_start3A_82 = arith.constant 0 : i32
      %dma_start3A_83 = arith.constant 0 : i32
      %dma_start3A_84 = tpu.memref_slice %arg2[%dma_start3A_82, %dma_start3A_83] : memref<100096x16xf32, #tpu.memory_space<hbm>> -> memref<100096x16xf32, #tpu.memory_space<hbm>>
      tpu.enqueue_indirect_dma source(%dma_start3A_84 : memref<100096x16xf32, #tpu.memory_space<hbm>>) target(%dma_start3A_78 : memref<128x16xf32, #tpu.memory_space<vmem>>) offsets(%dma_start3A_81 : memref<128xi32, #tpu.memory_space<vmem>>) semaphore(%arg11 : memref<!tpu.dma_semaphore, #tpu.memory_space<semaphore_mem>>)
      %dma_start3A_85 = arith.constant 5 : i32
      %dma_start3A_86 = arith.constant 640 : i32
      %dma_start3A_87 = arith.constant 0 : i32
      %dma_start3A_88 = tpu.memref_slice %arg9[%dma_start3A_86, %dma_start3A_87] : memref<1024x16xf32, #tpu.memory_space<vmem>> -> memref<128x16xf32, #tpu.memory_space<vmem>>
      %dma_start3A_89 = arith.constant 0 : i32
      %dma_start3A_90 = tpu.memref_slice %arg7[%dma_start3A_85, %dma_start3A_89] : memref<8x128xi32, #tpu.memory_space<vmem>> -> memref<1x128xi32, #tpu.memory_space<vmem>>
      %dma_start3A_91 = tpu.memref_squeeze %dma_start3A_90 : memref<1x128xi32, #tpu.memory_space<vmem>> -> memref<128xi32, #tpu.memory_space<vmem>>
      %dma_start3A_92 = arith.constant 0 : i32
      %dma_start3A_93 = arith.constant 0 : i32
      %dma_start3A_94 = tpu.memref_slice %arg2[%dma_start3A_92, %dma_start3A_93] : memref<100096x16xf32, #tpu.memory_space<hbm>> -> memref<100096x16xf32, #tpu.memory_space<hbm>>
      tpu.enqueue_indirect_dma source(%dma_start3A_94 : memref<100096x16xf32, #tpu.memory_space<hbm>>) target(%dma_start3A_88 : memref<128x16xf32, #tpu.memory_space<vmem>>) offsets(%dma_start3A_91 : memref<128xi32, #tpu.memory_space<vmem>>) semaphore(%arg11 : memref<!tpu.dma_semaphore, #tpu.memory_space<semaphore_mem>>)
      %dma_start3A_95 = arith.constant 6 : i32
      %dma_start3A_96 = arith.constant 768 : i32
      %dma_start3A_97 = arith.constant 0 : i32
      %dma_start3A_98 = tpu.memref_slice %arg9[%dma_start3A_96, %dma_start3A_97] : memref<1024x16xf32, #tpu.memory_space<vmem>> -> memref<128x16xf32, #tpu.memory_space<vmem>>
      %dma_start3A_99 = arith.constant 0 : i32
      %dma_start3A_100 = tpu.memref_slice %arg7[%dma_start3A_95, %dma_start3A_99] : memref<8x128xi32, #tpu.memory_space<vmem>> -> memref<1x128xi32, #tpu.memory_space<vmem>>
      %dma_start3A_101 = tpu.memref_squeeze %dma_start3A_100 : memref<1x128xi32, #tpu.memory_space<vmem>> -> memref<128xi32, #tpu.memory_space<vmem>>
      %dma_start3A_102 = arith.constant 0 : i32
      %dma_start3A_103 = arith.constant 0 : i32
      %dma_start3A_104 = tpu.memref_slice %arg2[%dma_start3A_102, %dma_start3A_103] : memref<100096x16xf32, #tpu.memory_space<hbm>> -> memref<100096x16xf32, #tpu.memory_space<hbm>>
      tpu.enqueue_indirect_dma source(%dma_start3A_104 : memref<100096x16xf32, #tpu.memory_space<hbm>>) target(%dma_start3A_98 : memref<128x16xf32, #tpu.memory_space<vmem>>) offsets(%dma_start3A_101 : memref<128xi32, #tpu.memory_space<vmem>>) semaphore(%arg11 : memref<!tpu.dma_semaphore, #tpu.memory_space<semaphore_mem>>)
      %dma_start3A_105 = arith.constant 7 : i32
      %dma_start3A_106 = arith.constant 896 : i32
      %dma_start3A_107 = arith.constant 0 : i32
      %dma_start3A_108 = tpu.memref_slice %arg9[%dma_start3A_106, %dma_start3A_107] : memref<1024x16xf32, #tpu.memory_space<vmem>> -> memref<128x16xf32, #tpu.memory_space<vmem>>
      %dma_start3A_109 = arith.constant 0 : i32
      %dma_start3A_110 = tpu.memref_slice %arg7[%dma_start3A_105, %dma_start3A_109] : memref<8x128xi32, #tpu.memory_space<vmem>> -> memref<1x128xi32, #tpu.memory_space<vmem>>
      %dma_start3A_111 = tpu.memref_squeeze %dma_start3A_110 : memref<1x128xi32, #tpu.memory_space<vmem>> -> memref<128xi32, #tpu.memory_space<vmem>>
      %dma_start3A_112 = arith.constant 0 : i32
      %dma_start3A_113 = arith.constant 0 : i32
      %dma_start3A_114 = tpu.memref_slice %arg2[%dma_start3A_112, %dma_start3A_113] : memref<100096x16xf32, #tpu.memory_space<hbm>> -> memref<100096x16xf32, #tpu.memory_space<hbm>>
      tpu.enqueue_indirect_dma source(%dma_start3A_114 : memref<100096x16xf32, #tpu.memory_space<hbm>>) target(%dma_start3A_108 : memref<128x16xf32, #tpu.memory_space<vmem>>) offsets(%dma_start3A_111 : memref<128xi32, #tpu.memory_space<vmem>>) semaphore(%arg11 : memref<!tpu.dma_semaphore, #tpu.memory_space<semaphore_mem>>)
      %dma_wait3A_115 = arith.constant 0 : i32
      %dma_wait3A_116 = arith.constant 0 : i32
      %dma_wait3A_117 = arith.constant 0 : i32
      %dma_wait3A_118 = tpu.memref_slice %arg9[%dma_wait3A_116, %dma_wait3A_117] : memref<1024x16xf32, #tpu.memory_space<vmem>> -> memref<128x16xf32, #tpu.memory_space<vmem>>
      %dma_wait3A_119 = arith.constant 0 : i32
      %dma_wait3A_120 = tpu.memref_slice %arg7[%dma_wait3A_115, %dma_wait3A_119] : memref<8x128xi32, #tpu.memory_space<vmem>> -> memref<1x128xi32, #tpu.memory_space<vmem>>
      %dma_wait3A_121 = tpu.memref_squeeze %dma_wait3A_120 : memref<1x128xi32, #tpu.memory_space<vmem>> -> memref<128xi32, #tpu.memory_space<vmem>>
      %dma_wait3A_122 = arith.constant 0 : i32
      %dma_wait3A_123 = arith.constant 0 : i32
      %dma_wait3A_124 = tpu.memref_slice %arg2[%dma_wait3A_122, %dma_wait3A_123] : memref<100096x16xf32, #tpu.memory_space<hbm>> -> memref<100096x16xf32, #tpu.memory_space<hbm>>
      tpu.wait_indirect_dma semaphore(%arg11 : memref<!tpu.dma_semaphore, #tpu.memory_space<semaphore_mem>>) src(%dma_wait3A_124 : memref<100096x16xf32, #tpu.memory_space<hbm>>) dst(%dma_wait3A_118 : memref<128x16xf32, #tpu.memory_space<vmem>>)
      %run_scoped3A = arith.constant 0 : i32
      "tpu.region"() ({
        %run_scoped3A_202 = tpu.sem_alloc : memref<!tpu.dma_semaphore, #tpu.memory_space<semaphore_mem>>
        %dma_start3A_203 = arith.constant 0 : i32
        %dma_start3A_204 = arith.constant 0 : i32
        %dma_start3A_205 = tpu.memref_slice %arg9[%dma_start3A_203, %dma_start3A_204] : memref<1024x16xf32, #tpu.memory_space<vmem>> -> memref<128x16xf32, #tpu.memory_space<vmem>>
        %dma_start3A_206 = arith.constant 0 : i32
        %dma_start3A_207 = tpu.memref_slice %arg8[%run_scoped3A, %dma_start3A_206] : memref<8x128xi32, #tpu.memory_space<vmem>> -> memref<1x128xi32, #tpu.memory_space<vmem>>
        %dma_start3A_208 = tpu.memref_squeeze %dma_start3A_207 : memref<1x128xi32, #tpu.memory_space<vmem>> -> memref<128xi32, #tpu.memory_space<vmem>>
        %dma_start3A_209 = arith.constant 0 : i32
        %dma_start3A_210 = arith.constant 0 : i32
        %dma_start3A_211 = tpu.memref_slice %arg10[%dma_start3A_209, %dma_start3A_210] : memref<100096x16xf32, #tpu.memory_space<vmem_shared>> -> memref<100096x16xf32, #tpu.memory_space<vmem_shared>>
        tpu.enqueue_indirect_dma source(%dma_start3A_205 : memref<128x16xf32, #tpu.memory_space<vmem>>) target(%dma_start3A_211 : memref<100096x16xf32, #tpu.memory_space<vmem_shared>>) offsets(%dma_start3A_208 : memref<128xi32, #tpu.memory_space<vmem>>) semaphore(%run_scoped3A_202 : memref<!tpu.dma_semaphore, #tpu.memory_space<semaphore_mem>>) {add = true}
        %dma_wait3A_212 = arith.constant 0 : i32
        %dma_wait3A_213 = arith.constant 0 : i32
        %dma_wait3A_214 = tpu.memref_slice %arg9[%dma_wait3A_212, %dma_wait3A_213] : memref<1024x16xf32, #tpu.memory_space<vmem>> -> memref<128x16xf32, #tpu.memory_space<vmem>>
        %dma_wait3A_215 = arith.constant 0 : i32
        %dma_wait3A_216 = tpu.memref_slice %arg8[%run_scoped3A, %dma_wait3A_215] : memref<8x128xi32, #tpu.memory_space<vmem>> -> memref<1x128xi32, #tpu.memory_space<vmem>>
        %dma_wait3A_217 = tpu.memref_squeeze %dma_wait3A_216 : memref<1x128xi32, #tpu.memory_space<vmem>> -> memref<128xi32, #tpu.memory_space<vmem>>
        %dma_wait3A_218 = arith.constant 0 : i32
        %dma_wait3A_219 = arith.constant 0 : i32
        %dma_wait3A_220 = tpu.memref_slice %arg10[%dma_wait3A_218, %dma_wait3A_219] : memref<100096x16xf32, #tpu.memory_space<vmem_shared>> -> memref<100096x16xf32, #tpu.memory_space<vmem_shared>>
        tpu.wait_indirect_dma semaphore(%run_scoped3A_202 : memref<!tpu.dma_semaphore, #tpu.memory_space<semaphore_mem>>) src(%dma_wait3A_214 : memref<128x16xf32, #tpu.memory_space<vmem>>) dst(%dma_wait3A_220 : memref<100096x16xf32, #tpu.memory_space<vmem_shared>>)
        tpu.yield
      }) : () -> ()
      %dma_wait3A_125 = arith.constant 1 : i32
      %dma_wait3A_126 = arith.constant 128 : i32
      %dma_wait3A_127 = arith.constant 0 : i32
      %dma_wait3A_128 = tpu.memref_slice %arg9[%dma_wait3A_126, %dma_wait3A_127] : memref<1024x16xf32, #tpu.memory_space<vmem>> -> memref<128x16xf32, #tpu.memory_space<vmem>>
      %dma_wait3A_129 = arith.constant 0 : i32
      %dma_wait3A_130 = tpu.memref_slice %arg7[%dma_wait3A_125, %dma_wait3A_129] : memref<8x128xi32, #tpu.memory_space<vmem>> -> memref<1x128xi32, #tpu.memory_space<vmem>>
      %dma_wait3A_131 = tpu.memref_squeeze %dma_wait3A_130 : memref<1x128xi32, #tpu.memory_space<vmem>> -> memref<128xi32, #tpu.memory_space<vmem>>
      %dma_wait3A_132 = arith.constant 0 : i32
      %dma_wait3A_133 = arith.constant 0 : i32
      %dma_wait3A_134 = tpu.memref_slice %arg2[%dma_wait3A_132, %dma_wait3A_133] : memref<100096x16xf32, #tpu.memory_space<hbm>> -> memref<100096x16xf32, #tpu.memory_space<hbm>>
      tpu.wait_indirect_dma semaphore(%arg11 : memref<!tpu.dma_semaphore, #tpu.memory_space<semaphore_mem>>) src(%dma_wait3A_134 : memref<100096x16xf32, #tpu.memory_space<hbm>>) dst(%dma_wait3A_128 : memref<128x16xf32, #tpu.memory_space<vmem>>)
      %run_scoped3A_135 = arith.constant 1 : i32
      "tpu.region"() ({
        %run_scoped3A_202 = tpu.sem_alloc : memref<!tpu.dma_semaphore, #tpu.memory_space<semaphore_mem>>
        %dma_start3A_203 = arith.constant 128 : i32
        %dma_start3A_204 = arith.constant 0 : i32
        %dma_start3A_205 = tpu.memref_slice %arg9[%dma_start3A_203, %dma_start3A_204] : memref<1024x16xf32, #tpu.memory_space<vmem>> -> memref<128x16xf32, #tpu.memory_space<vmem>>
        %dma_start3A_206 = arith.constant 0 : i32
        %dma_start3A_207 = tpu.memref_slice %arg8[%run_scoped3A_135, %dma_start3A_206] : memref<8x128xi32, #tpu.memory_space<vmem>> -> memref<1x128xi32, #tpu.memory_space<vmem>>
        %dma_start3A_208 = tpu.memref_squeeze %dma_start3A_207 : memref<1x128xi32, #tpu.memory_space<vmem>> -> memref<128xi32, #tpu.memory_space<vmem>>
        %dma_start3A_209 = arith.constant 0 : i32
        %dma_start3A_210 = arith.constant 0 : i32
        %dma_start3A_211 = tpu.memref_slice %arg10[%dma_start3A_209, %dma_start3A_210] : memref<100096x16xf32, #tpu.memory_space<vmem_shared>> -> memref<100096x16xf32, #tpu.memory_space<vmem_shared>>
        tpu.enqueue_indirect_dma source(%dma_start3A_205 : memref<128x16xf32, #tpu.memory_space<vmem>>) target(%dma_start3A_211 : memref<100096x16xf32, #tpu.memory_space<vmem_shared>>) offsets(%dma_start3A_208 : memref<128xi32, #tpu.memory_space<vmem>>) semaphore(%run_scoped3A_202 : memref<!tpu.dma_semaphore, #tpu.memory_space<semaphore_mem>>) {add = true}
        %dma_wait3A_212 = arith.constant 128 : i32
        %dma_wait3A_213 = arith.constant 0 : i32
        %dma_wait3A_214 = tpu.memref_slice %arg9[%dma_wait3A_212, %dma_wait3A_213] : memref<1024x16xf32, #tpu.memory_space<vmem>> -> memref<128x16xf32, #tpu.memory_space<vmem>>
        %dma_wait3A_215 = arith.constant 0 : i32
        %dma_wait3A_216 = tpu.memref_slice %arg8[%run_scoped3A_135, %dma_wait3A_215] : memref<8x128xi32, #tpu.memory_space<vmem>> -> memref<1x128xi32, #tpu.memory_space<vmem>>
        %dma_wait3A_217 = tpu.memref_squeeze %dma_wait3A_216 : memref<1x128xi32, #tpu.memory_space<vmem>> -> memref<128xi32, #tpu.memory_space<vmem>>
        %dma_wait3A_218 = arith.constant 0 : i32
        %dma_wait3A_219 = arith.constant 0 : i32
        %dma_wait3A_220 = tpu.memref_slice %arg10[%dma_wait3A_218, %dma_wait3A_219] : memref<100096x16xf32, #tpu.memory_space<vmem_shared>> -> memref<100096x16xf32, #tpu.memory_space<vmem_shared>>
        tpu.wait_indirect_dma semaphore(%run_scoped3A_202 : memref<!tpu.dma_semaphore, #tpu.memory_space<semaphore_mem>>) src(%dma_wait3A_214 : memref<128x16xf32, #tpu.memory_space<vmem>>) dst(%dma_wait3A_220 : memref<100096x16xf32, #tpu.memory_space<vmem_shared>>)
        tpu.yield
      }) : () -> ()
      %dma_wait3A_136 = arith.constant 2 : i32
      %dma_wait3A_137 = arith.constant 256 : i32
      %dma_wait3A_138 = arith.constant 0 : i32
      %dma_wait3A_139 = tpu.memref_slice %arg9[%dma_wait3A_137, %dma_wait3A_138] : memref<1024x16xf32, #tpu.memory_space<vmem>> -> memref<128x16xf32, #tpu.memory_space<vmem>>
      %dma_wait3A_140 = arith.constant 0 : i32
      %dma_wait3A_141 = tpu.memref_slice %arg7[%dma_wait3A_136, %dma_wait3A_140] : memref<8x128xi32, #tpu.memory_space<vmem>> -> memref<1x128xi32, #tpu.memory_space<vmem>>
      %dma_wait3A_142 = tpu.memref_squeeze %dma_wait3A_141 : memref<1x128xi32, #tpu.memory_space<vmem>> -> memref<128xi32, #tpu.memory_space<vmem>>
      %dma_wait3A_143 = arith.constant 0 : i32
      %dma_wait3A_144 = arith.constant 0 : i32
      %dma_wait3A_145 = tpu.memref_slice %arg2[%dma_wait3A_143, %dma_wait3A_144] : memref<100096x16xf32, #tpu.memory_space<hbm>> -> memref<100096x16xf32, #tpu.memory_space<hbm>>
      tpu.wait_indirect_dma semaphore(%arg11 : memref<!tpu.dma_semaphore, #tpu.memory_space<semaphore_mem>>) src(%dma_wait3A_145 : memref<100096x16xf32, #tpu.memory_space<hbm>>) dst(%dma_wait3A_139 : memref<128x16xf32, #tpu.memory_space<vmem>>)
      %run_scoped3A_146 = arith.constant 2 : i32
      "tpu.region"() ({
        %run_scoped3A_202 = tpu.sem_alloc : memref<!tpu.dma_semaphore, #tpu.memory_space<semaphore_mem>>
        %dma_start3A_203 = arith.constant 256 : i32
        %dma_start3A_204 = arith.constant 0 : i32
        %dma_start3A_205 = tpu.memref_slice %arg9[%dma_start3A_203, %dma_start3A_204] : memref<1024x16xf32, #tpu.memory_space<vmem>> -> memref<128x16xf32, #tpu.memory_space<vmem>>
        %dma_start3A_206 = arith.constant 0 : i32
        %dma_start3A_207 = tpu.memref_slice %arg8[%run_scoped3A_146, %dma_start3A_206] : memref<8x128xi32, #tpu.memory_space<vmem>> -> memref<1x128xi32, #tpu.memory_space<vmem>>
        %dma_start3A_208 = tpu.memref_squeeze %dma_start3A_207 : memref<1x128xi32, #tpu.memory_space<vmem>> -> memref<128xi32, #tpu.memory_space<vmem>>
        %dma_start3A_209 = arith.constant 0 : i32
        %dma_start3A_210 = arith.constant 0 : i32
        %dma_start3A_211 = tpu.memref_slice %arg10[%dma_start3A_209, %dma_start3A_210] : memref<100096x16xf32, #tpu.memory_space<vmem_shared>> -> memref<100096x16xf32, #tpu.memory_space<vmem_shared>>
        tpu.enqueue_indirect_dma source(%dma_start3A_205 : memref<128x16xf32, #tpu.memory_space<vmem>>) target(%dma_start3A_211 : memref<100096x16xf32, #tpu.memory_space<vmem_shared>>) offsets(%dma_start3A_208 : memref<128xi32, #tpu.memory_space<vmem>>) semaphore(%run_scoped3A_202 : memref<!tpu.dma_semaphore, #tpu.memory_space<semaphore_mem>>) {add = true}
        %dma_wait3A_212 = arith.constant 256 : i32
        %dma_wait3A_213 = arith.constant 0 : i32
        %dma_wait3A_214 = tpu.memref_slice %arg9[%dma_wait3A_212, %dma_wait3A_213] : memref<1024x16xf32, #tpu.memory_space<vmem>> -> memref<128x16xf32, #tpu.memory_space<vmem>>
        %dma_wait3A_215 = arith.constant 0 : i32
        %dma_wait3A_216 = tpu.memref_slice %arg8[%run_scoped3A_146, %dma_wait3A_215] : memref<8x128xi32, #tpu.memory_space<vmem>> -> memref<1x128xi32, #tpu.memory_space<vmem>>
        %dma_wait3A_217 = tpu.memref_squeeze %dma_wait3A_216 : memref<1x128xi32, #tpu.memory_space<vmem>> -> memref<128xi32, #tpu.memory_space<vmem>>
        %dma_wait3A_218 = arith.constant 0 : i32
        %dma_wait3A_219 = arith.constant 0 : i32
        %dma_wait3A_220 = tpu.memref_slice %arg10[%dma_wait3A_218, %dma_wait3A_219] : memref<100096x16xf32, #tpu.memory_space<vmem_shared>> -> memref<100096x16xf32, #tpu.memory_space<vmem_shared>>
        tpu.wait_indirect_dma semaphore(%run_scoped3A_202 : memref<!tpu.dma_semaphore, #tpu.memory_space<semaphore_mem>>) src(%dma_wait3A_214 : memref<128x16xf32, #tpu.memory_space<vmem>>) dst(%dma_wait3A_220 : memref<100096x16xf32, #tpu.memory_space<vmem_shared>>)
        tpu.yield
      }) : () -> ()
      %dma_wait3A_147 = arith.constant 3 : i32
      %dma_wait3A_148 = arith.constant 384 : i32
      %dma_wait3A_149 = arith.constant 0 : i32
      %dma_wait3A_150 = tpu.memref_slice %arg9[%dma_wait3A_148, %dma_wait3A_149] : memref<1024x16xf32, #tpu.memory_space<vmem>> -> memref<128x16xf32, #tpu.memory_space<vmem>>
      %dma_wait3A_151 = arith.constant 0 : i32
      %dma_wait3A_152 = tpu.memref_slice %arg7[%dma_wait3A_147, %dma_wait3A_151] : memref<8x128xi32, #tpu.memory_space<vmem>> -> memref<1x128xi32, #tpu.memory_space<vmem>>
      %dma_wait3A_153 = tpu.memref_squeeze %dma_wait3A_152 : memref<1x128xi32, #tpu.memory_space<vmem>> -> memref<128xi32, #tpu.memory_space<vmem>>
      %dma_wait3A_154 = arith.constant 0 : i32
      %dma_wait3A_155 = arith.constant 0 : i32
      %dma_wait3A_156 = tpu.memref_slice %arg2[%dma_wait3A_154, %dma_wait3A_155] : memref<100096x16xf32, #tpu.memory_space<hbm>> -> memref<100096x16xf32, #tpu.memory_space<hbm>>
      tpu.wait_indirect_dma semaphore(%arg11 : memref<!tpu.dma_semaphore, #tpu.memory_space<semaphore_mem>>) src(%dma_wait3A_156 : memref<100096x16xf32, #tpu.memory_space<hbm>>) dst(%dma_wait3A_150 : memref<128x16xf32, #tpu.memory_space<vmem>>)
      %run_scoped3A_157 = arith.constant 3 : i32
      "tpu.region"() ({
        %run_scoped3A_202 = tpu.sem_alloc : memref<!tpu.dma_semaphore, #tpu.memory_space<semaphore_mem>>
        %dma_start3A_203 = arith.constant 384 : i32
        %dma_start3A_204 = arith.constant 0 : i32
        %dma_start3A_205 = tpu.memref_slice %arg9[%dma_start3A_203, %dma_start3A_204] : memref<1024x16xf32, #tpu.memory_space<vmem>> -> memref<128x16xf32, #tpu.memory_space<vmem>>
        %dma_start3A_206 = arith.constant 0 : i32
        %dma_start3A_207 = tpu.memref_slice %arg8[%run_scoped3A_157, %dma_start3A_206] : memref<8x128xi32, #tpu.memory_space<vmem>> -> memref<1x128xi32, #tpu.memory_space<vmem>>
        %dma_start3A_208 = tpu.memref_squeeze %dma_start3A_207 : memref<1x128xi32, #tpu.memory_space<vmem>> -> memref<128xi32, #tpu.memory_space<vmem>>
        %dma_start3A_209 = arith.constant 0 : i32
        %dma_start3A_210 = arith.constant 0 : i32
        %dma_start3A_211 = tpu.memref_slice %arg10[%dma_start3A_209, %dma_start3A_210] : memref<100096x16xf32, #tpu.memory_space<vmem_shared>> -> memref<100096x16xf32, #tpu.memory_space<vmem_shared>>
        tpu.enqueue_indirect_dma source(%dma_start3A_205 : memref<128x16xf32, #tpu.memory_space<vmem>>) target(%dma_start3A_211 : memref<100096x16xf32, #tpu.memory_space<vmem_shared>>) offsets(%dma_start3A_208 : memref<128xi32, #tpu.memory_space<vmem>>) semaphore(%run_scoped3A_202 : memref<!tpu.dma_semaphore, #tpu.memory_space<semaphore_mem>>) {add = true}
        %dma_wait3A_212 = arith.constant 384 : i32
        %dma_wait3A_213 = arith.constant 0 : i32
        %dma_wait3A_214 = tpu.memref_slice %arg9[%dma_wait3A_212, %dma_wait3A_213] : memref<1024x16xf32, #tpu.memory_space<vmem>> -> memref<128x16xf32, #tpu.memory_space<vmem>>
        %dma_wait3A_215 = arith.constant 0 : i32
        %dma_wait3A_216 = tpu.memref_slice %arg8[%run_scoped3A_157, %dma_wait3A_215] : memref<8x128xi32, #tpu.memory_space<vmem>> -> memref<1x128xi32, #tpu.memory_space<vmem>>
        %dma_wait3A_217 = tpu.memref_squeeze %dma_wait3A_216 : memref<1x128xi32, #tpu.memory_space<vmem>> -> memref<128xi32, #tpu.memory_space<vmem>>
        %dma_wait3A_218 = arith.constant 0 : i32
        %dma_wait3A_219 = arith.constant 0 : i32
        %dma_wait3A_220 = tpu.memref_slice %arg10[%dma_wait3A_218, %dma_wait3A_219] : memref<100096x16xf32, #tpu.memory_space<vmem_shared>> -> memref<100096x16xf32, #tpu.memory_space<vmem_shared>>
        tpu.wait_indirect_dma semaphore(%run_scoped3A_202 : memref<!tpu.dma_semaphore, #tpu.memory_space<semaphore_mem>>) src(%dma_wait3A_214 : memref<128x16xf32, #tpu.memory_space<vmem>>) dst(%dma_wait3A_220 : memref<100096x16xf32, #tpu.memory_space<vmem_shared>>)
        tpu.yield
      }) : () -> ()
      %dma_wait3A_158 = arith.constant 4 : i32
      %dma_wait3A_159 = arith.constant 512 : i32
      %dma_wait3A_160 = arith.constant 0 : i32
      %dma_wait3A_161 = tpu.memref_slice %arg9[%dma_wait3A_159, %dma_wait3A_160] : memref<1024x16xf32, #tpu.memory_space<vmem>> -> memref<128x16xf32, #tpu.memory_space<vmem>>
      %dma_wait3A_162 = arith.constant 0 : i32
      %dma_wait3A_163 = tpu.memref_slice %arg7[%dma_wait3A_158, %dma_wait3A_162] : memref<8x128xi32, #tpu.memory_space<vmem>> -> memref<1x128xi32, #tpu.memory_space<vmem>>
      %dma_wait3A_164 = tpu.memref_squeeze %dma_wait3A_163 : memref<1x128xi32, #tpu.memory_space<vmem>> -> memref<128xi32, #tpu.memory_space<vmem>>
      %dma_wait3A_165 = arith.constant 0 : i32
      %dma_wait3A_166 = arith.constant 0 : i32
      %dma_wait3A_167 = tpu.memref_slice %arg2[%dma_wait3A_165, %dma_wait3A_166] : memref<100096x16xf32, #tpu.memory_space<hbm>> -> memref<100096x16xf32, #tpu.memory_space<hbm>>
      tpu.wait_indirect_dma semaphore(%arg11 : memref<!tpu.dma_semaphore, #tpu.memory_space<semaphore_mem>>) src(%dma_wait3A_167 : memref<100096x16xf32, #tpu.memory_space<hbm>>) dst(%dma_wait3A_161 : memref<128x16xf32, #tpu.memory_space<vmem>>)
      %run_scoped3A_168 = arith.constant 4 : i32
      "tpu.region"() ({
        %run_scoped3A_202 = tpu.sem_alloc : memref<!tpu.dma_semaphore, #tpu.memory_space<semaphore_mem>>
        %dma_start3A_203 = arith.constant 512 : i32
        %dma_start3A_204 = arith.constant 0 : i32
        %dma_start3A_205 = tpu.memref_slice %arg9[%dma_start3A_203, %dma_start3A_204] : memref<1024x16xf32, #tpu.memory_space<vmem>> -> memref<128x16xf32, #tpu.memory_space<vmem>>
        %dma_start3A_206 = arith.constant 0 : i32
        %dma_start3A_207 = tpu.memref_slice %arg8[%run_scoped3A_168, %dma_start3A_206] : memref<8x128xi32, #tpu.memory_space<vmem>> -> memref<1x128xi32, #tpu.memory_space<vmem>>
        %dma_start3A_208 = tpu.memref_squeeze %dma_start3A_207 : memref<1x128xi32, #tpu.memory_space<vmem>> -> memref<128xi32, #tpu.memory_space<vmem>>
        %dma_start3A_209 = arith.constant 0 : i32
        %dma_start3A_210 = arith.constant 0 : i32
        %dma_start3A_211 = tpu.memref_slice %arg10[%dma_start3A_209, %dma_start3A_210] : memref<100096x16xf32, #tpu.memory_space<vmem_shared>> -> memref<100096x16xf32, #tpu.memory_space<vmem_shared>>
        tpu.enqueue_indirect_dma source(%dma_start3A_205 : memref<128x16xf32, #tpu.memory_space<vmem>>) target(%dma_start3A_211 : memref<100096x16xf32, #tpu.memory_space<vmem_shared>>) offsets(%dma_start3A_208 : memref<128xi32, #tpu.memory_space<vmem>>) semaphore(%run_scoped3A_202 : memref<!tpu.dma_semaphore, #tpu.memory_space<semaphore_mem>>) {add = true}
        %dma_wait3A_212 = arith.constant 512 : i32
        %dma_wait3A_213 = arith.constant 0 : i32
        %dma_wait3A_214 = tpu.memref_slice %arg9[%dma_wait3A_212, %dma_wait3A_213] : memref<1024x16xf32, #tpu.memory_space<vmem>> -> memref<128x16xf32, #tpu.memory_space<vmem>>
        %dma_wait3A_215 = arith.constant 0 : i32
        %dma_wait3A_216 = tpu.memref_slice %arg8[%run_scoped3A_168, %dma_wait3A_215] : memref<8x128xi32, #tpu.memory_space<vmem>> -> memref<1x128xi32, #tpu.memory_space<vmem>>
        %dma_wait3A_217 = tpu.memref_squeeze %dma_wait3A_216 : memref<1x128xi32, #tpu.memory_space<vmem>> -> memref<128xi32, #tpu.memory_space<vmem>>
        %dma_wait3A_218 = arith.constant 0 : i32
        %dma_wait3A_219 = arith.constant 0 : i32
        %dma_wait3A_220 = tpu.memref_slice %arg10[%dma_wait3A_218, %dma_wait3A_219] : memref<100096x16xf32, #tpu.memory_space<vmem_shared>> -> memref<100096x16xf32, #tpu.memory_space<vmem_shared>>
        tpu.wait_indirect_dma semaphore(%run_scoped3A_202 : memref<!tpu.dma_semaphore, #tpu.memory_space<semaphore_mem>>) src(%dma_wait3A_214 : memref<128x16xf32, #tpu.memory_space<vmem>>) dst(%dma_wait3A_220 : memref<100096x16xf32, #tpu.memory_space<vmem_shared>>)
        tpu.yield
      }) : () -> ()
      %dma_wait3A_169 = arith.constant 5 : i32
      %dma_wait3A_170 = arith.constant 640 : i32
      %dma_wait3A_171 = arith.constant 0 : i32
      %dma_wait3A_172 = tpu.memref_slice %arg9[%dma_wait3A_170, %dma_wait3A_171] : memref<1024x16xf32, #tpu.memory_space<vmem>> -> memref<128x16xf32, #tpu.memory_space<vmem>>
      %dma_wait3A_173 = arith.constant 0 : i32
      %dma_wait3A_174 = tpu.memref_slice %arg7[%dma_wait3A_169, %dma_wait3A_173] : memref<8x128xi32, #tpu.memory_space<vmem>> -> memref<1x128xi32, #tpu.memory_space<vmem>>
      %dma_wait3A_175 = tpu.memref_squeeze %dma_wait3A_174 : memref<1x128xi32, #tpu.memory_space<vmem>> -> memref<128xi32, #tpu.memory_space<vmem>>
      %dma_wait3A_176 = arith.constant 0 : i32
      %dma_wait3A_177 = arith.constant 0 : i32
      %dma_wait3A_178 = tpu.memref_slice %arg2[%dma_wait3A_176, %dma_wait3A_177] : memref<100096x16xf32, #tpu.memory_space<hbm>> -> memref<100096x16xf32, #tpu.memory_space<hbm>>
      tpu.wait_indirect_dma semaphore(%arg11 : memref<!tpu.dma_semaphore, #tpu.memory_space<semaphore_mem>>) src(%dma_wait3A_178 : memref<100096x16xf32, #tpu.memory_space<hbm>>) dst(%dma_wait3A_172 : memref<128x16xf32, #tpu.memory_space<vmem>>)
      %run_scoped3A_179 = arith.constant 5 : i32
      "tpu.region"() ({
        %run_scoped3A_202 = tpu.sem_alloc : memref<!tpu.dma_semaphore, #tpu.memory_space<semaphore_mem>>
        %dma_start3A_203 = arith.constant 640 : i32
        %dma_start3A_204 = arith.constant 0 : i32
        %dma_start3A_205 = tpu.memref_slice %arg9[%dma_start3A_203, %dma_start3A_204] : memref<1024x16xf32, #tpu.memory_space<vmem>> -> memref<128x16xf32, #tpu.memory_space<vmem>>
        %dma_start3A_206 = arith.constant 0 : i32
        %dma_start3A_207 = tpu.memref_slice %arg8[%run_scoped3A_179, %dma_start3A_206] : memref<8x128xi32, #tpu.memory_space<vmem>> -> memref<1x128xi32, #tpu.memory_space<vmem>>
        %dma_start3A_208 = tpu.memref_squeeze %dma_start3A_207 : memref<1x128xi32, #tpu.memory_space<vmem>> -> memref<128xi32, #tpu.memory_space<vmem>>
        %dma_start3A_209 = arith.constant 0 : i32
        %dma_start3A_210 = arith.constant 0 : i32
        %dma_start3A_211 = tpu.memref_slice %arg10[%dma_start3A_209, %dma_start3A_210] : memref<100096x16xf32, #tpu.memory_space<vmem_shared>> -> memref<100096x16xf32, #tpu.memory_space<vmem_shared>>
        tpu.enqueue_indirect_dma source(%dma_start3A_205 : memref<128x16xf32, #tpu.memory_space<vmem>>) target(%dma_start3A_211 : memref<100096x16xf32, #tpu.memory_space<vmem_shared>>) offsets(%dma_start3A_208 : memref<128xi32, #tpu.memory_space<vmem>>) semaphore(%run_scoped3A_202 : memref<!tpu.dma_semaphore, #tpu.memory_space<semaphore_mem>>) {add = true}
        %dma_wait3A_212 = arith.constant 640 : i32
        %dma_wait3A_213 = arith.constant 0 : i32
        %dma_wait3A_214 = tpu.memref_slice %arg9[%dma_wait3A_212, %dma_wait3A_213] : memref<1024x16xf32, #tpu.memory_space<vmem>> -> memref<128x16xf32, #tpu.memory_space<vmem>>
        %dma_wait3A_215 = arith.constant 0 : i32
        %dma_wait3A_216 = tpu.memref_slice %arg8[%run_scoped3A_179, %dma_wait3A_215] : memref<8x128xi32, #tpu.memory_space<vmem>> -> memref<1x128xi32, #tpu.memory_space<vmem>>
        %dma_wait3A_217 = tpu.memref_squeeze %dma_wait3A_216 : memref<1x128xi32, #tpu.memory_space<vmem>> -> memref<128xi32, #tpu.memory_space<vmem>>
        %dma_wait3A_218 = arith.constant 0 : i32
        %dma_wait3A_219 = arith.constant 0 : i32
        %dma_wait3A_220 = tpu.memref_slice %arg10[%dma_wait3A_218, %dma_wait3A_219] : memref<100096x16xf32, #tpu.memory_space<vmem_shared>> -> memref<100096x16xf32, #tpu.memory_space<vmem_shared>>
        tpu.wait_indirect_dma semaphore(%run_scoped3A_202 : memref<!tpu.dma_semaphore, #tpu.memory_space<semaphore_mem>>) src(%dma_wait3A_214 : memref<128x16xf32, #tpu.memory_space<vmem>>) dst(%dma_wait3A_220 : memref<100096x16xf32, #tpu.memory_space<vmem_shared>>)
        tpu.yield
      }) : () -> ()
      %dma_wait3A_180 = arith.constant 6 : i32
      %dma_wait3A_181 = arith.constant 768 : i32
      %dma_wait3A_182 = arith.constant 0 : i32
      %dma_wait3A_183 = tpu.memref_slice %arg9[%dma_wait3A_181, %dma_wait3A_182] : memref<1024x16xf32, #tpu.memory_space<vmem>> -> memref<128x16xf32, #tpu.memory_space<vmem>>
      %dma_wait3A_184 = arith.constant 0 : i32
      %dma_wait3A_185 = tpu.memref_slice %arg7[%dma_wait3A_180, %dma_wait3A_184] : memref<8x128xi32, #tpu.memory_space<vmem>> -> memref<1x128xi32, #tpu.memory_space<vmem>>
      %dma_wait3A_186 = tpu.memref_squeeze %dma_wait3A_185 : memref<1x128xi32, #tpu.memory_space<vmem>> -> memref<128xi32, #tpu.memory_space<vmem>>
      %dma_wait3A_187 = arith.constant 0 : i32
      %dma_wait3A_188 = arith.constant 0 : i32
      %dma_wait3A_189 = tpu.memref_slice %arg2[%dma_wait3A_187, %dma_wait3A_188] : memref<100096x16xf32, #tpu.memory_space<hbm>> -> memref<100096x16xf32, #tpu.memory_space<hbm>>
      tpu.wait_indirect_dma semaphore(%arg11 : memref<!tpu.dma_semaphore, #tpu.memory_space<semaphore_mem>>) src(%dma_wait3A_189 : memref<100096x16xf32, #tpu.memory_space<hbm>>) dst(%dma_wait3A_183 : memref<128x16xf32, #tpu.memory_space<vmem>>)
      %run_scoped3A_190 = arith.constant 6 : i32
      "tpu.region"() ({
        %run_scoped3A_202 = tpu.sem_alloc : memref<!tpu.dma_semaphore, #tpu.memory_space<semaphore_mem>>
        %dma_start3A_203 = arith.constant 768 : i32
        %dma_start3A_204 = arith.constant 0 : i32
        %dma_start3A_205 = tpu.memref_slice %arg9[%dma_start3A_203, %dma_start3A_204] : memref<1024x16xf32, #tpu.memory_space<vmem>> -> memref<128x16xf32, #tpu.memory_space<vmem>>
        %dma_start3A_206 = arith.constant 0 : i32
        %dma_start3A_207 = tpu.memref_slice %arg8[%run_scoped3A_190, %dma_start3A_206] : memref<8x128xi32, #tpu.memory_space<vmem>> -> memref<1x128xi32, #tpu.memory_space<vmem>>
        %dma_start3A_208 = tpu.memref_squeeze %dma_start3A_207 : memref<1x128xi32, #tpu.memory_space<vmem>> -> memref<128xi32, #tpu.memory_space<vmem>>
        %dma_start3A_209 = arith.constant 0 : i32
        %dma_start3A_210 = arith.constant 0 : i32
        %dma_start3A_211 = tpu.memref_slice %arg10[%dma_start3A_209, %dma_start3A_210] : memref<100096x16xf32, #tpu.memory_space<vmem_shared>> -> memref<100096x16xf32, #tpu.memory_space<vmem_shared>>
        tpu.enqueue_indirect_dma source(%dma_start3A_205 : memref<128x16xf32, #tpu.memory_space<vmem>>) target(%dma_start3A_211 : memref<100096x16xf32, #tpu.memory_space<vmem_shared>>) offsets(%dma_start3A_208 : memref<128xi32, #tpu.memory_space<vmem>>) semaphore(%run_scoped3A_202 : memref<!tpu.dma_semaphore, #tpu.memory_space<semaphore_mem>>) {add = true}
        %dma_wait3A_212 = arith.constant 768 : i32
        %dma_wait3A_213 = arith.constant 0 : i32
        %dma_wait3A_214 = tpu.memref_slice %arg9[%dma_wait3A_212, %dma_wait3A_213] : memref<1024x16xf32, #tpu.memory_space<vmem>> -> memref<128x16xf32, #tpu.memory_space<vmem>>
        %dma_wait3A_215 = arith.constant 0 : i32
        %dma_wait3A_216 = tpu.memref_slice %arg8[%run_scoped3A_190, %dma_wait3A_215] : memref<8x128xi32, #tpu.memory_space<vmem>> -> memref<1x128xi32, #tpu.memory_space<vmem>>
        %dma_wait3A_217 = tpu.memref_squeeze %dma_wait3A_216 : memref<1x128xi32, #tpu.memory_space<vmem>> -> memref<128xi32, #tpu.memory_space<vmem>>
        %dma_wait3A_218 = arith.constant 0 : i32
        %dma_wait3A_219 = arith.constant 0 : i32
        %dma_wait3A_220 = tpu.memref_slice %arg10[%dma_wait3A_218, %dma_wait3A_219] : memref<100096x16xf32, #tpu.memory_space<vmem_shared>> -> memref<100096x16xf32, #tpu.memory_space<vmem_shared>>
        tpu.wait_indirect_dma semaphore(%run_scoped3A_202 : memref<!tpu.dma_semaphore, #tpu.memory_space<semaphore_mem>>) src(%dma_wait3A_214 : memref<128x16xf32, #tpu.memory_space<vmem>>) dst(%dma_wait3A_220 : memref<100096x16xf32, #tpu.memory_space<vmem_shared>>)
        tpu.yield
      }) : () -> ()
      %dma_wait3A_191 = arith.constant 7 : i32
      %dma_wait3A_192 = arith.constant 896 : i32
      %dma_wait3A_193 = arith.constant 0 : i32
      %dma_wait3A_194 = tpu.memref_slice %arg9[%dma_wait3A_192, %dma_wait3A_193] : memref<1024x16xf32, #tpu.memory_space<vmem>> -> memref<128x16xf32, #tpu.memory_space<vmem>>
      %dma_wait3A_195 = arith.constant 0 : i32
      %dma_wait3A_196 = tpu.memref_slice %arg7[%dma_wait3A_191, %dma_wait3A_195] : memref<8x128xi32, #tpu.memory_space<vmem>> -> memref<1x128xi32, #tpu.memory_space<vmem>>
      %dma_wait3A_197 = tpu.memref_squeeze %dma_wait3A_196 : memref<1x128xi32, #tpu.memory_space<vmem>> -> memref<128xi32, #tpu.memory_space<vmem>>
      %dma_wait3A_198 = arith.constant 0 : i32
      %dma_wait3A_199 = arith.constant 0 : i32
      %dma_wait3A_200 = tpu.memref_slice %arg2[%dma_wait3A_198, %dma_wait3A_199] : memref<100096x16xf32, #tpu.memory_space<hbm>> -> memref<100096x16xf32, #tpu.memory_space<hbm>>
      tpu.wait_indirect_dma semaphore(%arg11 : memref<!tpu.dma_semaphore, #tpu.memory_space<semaphore_mem>>) src(%dma_wait3A_200 : memref<100096x16xf32, #tpu.memory_space<hbm>>) dst(%dma_wait3A_194 : memref<128x16xf32, #tpu.memory_space<vmem>>)
      %run_scoped3A_201 = arith.constant 7 : i32
      "tpu.region"() ({
        %run_scoped3A_202 = tpu.sem_alloc : memref<!tpu.dma_semaphore, #tpu.memory_space<semaphore_mem>>
        %dma_start3A_203 = arith.constant 896 : i32
        %dma_start3A_204 = arith.constant 0 : i32
        %dma_start3A_205 = tpu.memref_slice %arg9[%dma_start3A_203, %dma_start3A_204] : memref<1024x16xf32, #tpu.memory_space<vmem>> -> memref<128x16xf32, #tpu.memory_space<vmem>>
        %dma_start3A_206 = arith.constant 0 : i32
        %dma_start3A_207 = tpu.memref_slice %arg8[%run_scoped3A_201, %dma_start3A_206] : memref<8x128xi32, #tpu.memory_space<vmem>> -> memref<1x128xi32, #tpu.memory_space<vmem>>
        %dma_start3A_208 = tpu.memref_squeeze %dma_start3A_207 : memref<1x128xi32, #tpu.memory_space<vmem>> -> memref<128xi32, #tpu.memory_space<vmem>>
        %dma_start3A_209 = arith.constant 0 : i32
        %dma_start3A_210 = arith.constant 0 : i32
        %dma_start3A_211 = tpu.memref_slice %arg10[%dma_start3A_209, %dma_start3A_210] : memref<100096x16xf32, #tpu.memory_space<vmem_shared>> -> memref<100096x16xf32, #tpu.memory_space<vmem_shared>>
        tpu.enqueue_indirect_dma source(%dma_start3A_205 : memref<128x16xf32, #tpu.memory_space<vmem>>) target(%dma_start3A_211 : memref<100096x16xf32, #tpu.memory_space<vmem_shared>>) offsets(%dma_start3A_208 : memref<128xi32, #tpu.memory_space<vmem>>) semaphore(%run_scoped3A_202 : memref<!tpu.dma_semaphore, #tpu.memory_space<semaphore_mem>>) {add = true}
        %dma_wait3A_212 = arith.constant 896 : i32
        %dma_wait3A_213 = arith.constant 0 : i32
        %dma_wait3A_214 = tpu.memref_slice %arg9[%dma_wait3A_212, %dma_wait3A_213] : memref<1024x16xf32, #tpu.memory_space<vmem>> -> memref<128x16xf32, #tpu.memory_space<vmem>>
        %dma_wait3A_215 = arith.constant 0 : i32
        %dma_wait3A_216 = tpu.memref_slice %arg8[%run_scoped3A_201, %dma_wait3A_215] : memref<8x128xi32, #tpu.memory_space<vmem>> -> memref<1x128xi32, #tpu.memory_space<vmem>>
        %dma_wait3A_217 = tpu.memref_squeeze %dma_wait3A_216 : memref<1x128xi32, #tpu.memory_space<vmem>> -> memref<128xi32, #tpu.memory_space<vmem>>
        %dma_wait3A_218 = arith.constant 0 : i32
        %dma_wait3A_219 = arith.constant 0 : i32
        %dma_wait3A_220 = tpu.memref_slice %arg10[%dma_wait3A_218, %dma_wait3A_219] : memref<100096x16xf32, #tpu.memory_space<vmem_shared>> -> memref<100096x16xf32, #tpu.memory_space<vmem_shared>>
        tpu.wait_indirect_dma semaphore(%run_scoped3A_202 : memref<!tpu.dma_semaphore, #tpu.memory_space<semaphore_mem>>) src(%dma_wait3A_214 : memref<128x16xf32, #tpu.memory_space<vmem>>) dst(%dma_wait3A_220 : memref<100096x16xf32, #tpu.memory_space<vmem_shared>>)
        tpu.yield
      }) : () -> ()
    }
    %scan3A_11 = arith.constant 98 : i32
    %barrier3A_12 = arith.constant 0 : index
    tpu.barrier barrier_id(%barrier3A_12)
    %mul3A_13 = arith.constant 6256 : i32
    %mul3A_14 = arith.muli %arg1, %mul3A_13 : i32
    %mul3A_15 = arith.constant 6256 : i32
    %mul3A_16 = arith.muli %arg1, %mul3A_15 : i32
    "tpu.region"() ({
      %run_scoped3A = tpu.sem_alloc : memref<!tpu.dma_semaphore, #tpu.memory_space<semaphore_mem>>
      %dma_start3A = arith.constant 0 : i32
      %dma_start3A_17 = tpu.memref_slice %arg6[%arg0, %mul3A_16, %dma_start3A] : memref<2x100096x16xf32, #tpu.memory_space<hbm>> -> memref<1x6256x16xf32, #tpu.memory_space<hbm>>
      %dma_start3A_18 = tpu.memref_squeeze %dma_start3A_17 : memref<1x6256x16xf32, #tpu.memory_space<hbm>> -> memref<6256x16xf32, #tpu.memory_space<hbm>>
      %dma_start3A_19 = arith.constant 0 : i32
      %dma_start3A_20 = tpu.memref_slice %arg10[%mul3A_14, %dma_start3A_19] : memref<100096x16xf32, #tpu.memory_space<vmem_shared>> -> memref<6256x16xf32, #tpu.memory_space<vmem_shared>>
      tpu.enqueue_dma source(%dma_start3A_20 : memref<6256x16xf32, #tpu.memory_space<vmem_shared>>) target(%dma_start3A_18 : memref<6256x16xf32, #tpu.memory_space<hbm>>) target_semaphore(%run_scoped3A : memref<!tpu.dma_semaphore, #tpu.memory_space<semaphore_mem>>)
      %dma_wait3A = arith.constant 0 : i32
      %dma_wait3A_21 = tpu.memref_slice %arg6[%arg0, %mul3A_16, %dma_wait3A] : memref<2x100096x16xf32, #tpu.memory_space<hbm>> -> memref<1x6256x16xf32, #tpu.memory_space<hbm>>
      %dma_wait3A_22 = tpu.memref_squeeze %dma_wait3A_21 : memref<1x6256x16xf32, #tpu.memory_space<hbm>> -> memref<6256x16xf32, #tpu.memory_space<hbm>>
      %dma_wait3A_23 = arith.constant 0 : i32
      %dma_wait3A_24 = tpu.memref_slice %arg10[%mul3A_14, %dma_wait3A_23] : memref<100096x16xf32, #tpu.memory_space<vmem_shared>> -> memref<6256x16xf32, #tpu.memory_space<vmem_shared>>
      tpu.wait_dma2 semaphore(%run_scoped3A : memref<!tpu.dma_semaphore, #tpu.memory_space<semaphore_mem>>) src(%dma_wait3A_24 : memref<6256x16xf32, #tpu.memory_space<vmem_shared>>) dst(%dma_wait3A_22 : memref<6256x16xf32, #tpu.memory_space<hbm>>)
      tpu.yield
    }) : () -> ()
    return
  }
}

#map = affine_map<(d0, d1) -> (0, 0)>
#map1 = affine_map<(d0, d1) -> (0, 0, 0)>
module attributes {stable_mosaic.version = 14 : i64} {
  func.func @prop(%arg0: i32, %arg1: i32, %arg2: memref<100096x8xf32, #tpu.memory_space<hbm>>, %arg3: memref<100096x8xf32, #tpu.memory_space<hbm>>, %arg4: memref<25088x128xi32, #tpu.memory_space<hbm>>, %arg5: memref<25088x128xi32, #tpu.memory_space<hbm>>, %arg6: memref<2x100096x8xf32, #tpu.memory_space<hbm>>, %arg7: memref<8x128xi32, #tpu.memory_space<vmem>>, %arg8: memref<8x128xi32, #tpu.memory_space<vmem>>, %arg9: memref<1024x8xf32, #tpu.memory_space<vmem>>, %arg10: memref<100096x8xf32, #tpu.memory_space<vmem_shared>>, %arg11: memref<!tpu.dma_semaphore, #tpu.memory_space<semaphore_mem>>, %arg12: memref<!tpu.dma_semaphore, #tpu.memory_space<semaphore_mem>>) attributes {dimension_semantics = [#tpu.dimension_semantics<core_parallel>, #tpu.dimension_semantics<subcore_parallel>], iteration_bounds = array<i64: 2, 16>, scalar_prefetch = 0 : i64, scratch_operands = 6 : i64, tpu.core_type = #tpu.core_type<sc_vector_subcore>, window_params = [{transform_indices = #map}, {transform_indices = #map}, {transform_indices = #map}, {transform_indices = #map}, {transform_indices = #map1}]} {
    %mul3A = arith.constant 16 : i32
    %mul3A_0 = arith.muli %arg0, %mul3A : i32
    %add3A = arith.addi %mul3A_0, %arg1 : i32
    %mul3A_1 = arith.constant 6256 : i32
    %mul3A_2 = arith.muli %arg1, %mul3A_1 : i32
    %mul3A_3 = arith.constant 6256 : i32
    %mul3A_4 = arith.muli %arg1, %mul3A_3 : i32
    "tpu.region"() ({
      %run_scoped3A = tpu.sem_alloc : memref<!tpu.dma_semaphore, #tpu.memory_space<semaphore_mem>>
      %dma_start3A = arith.constant 0 : i32
      %dma_start3A_17 = tpu.memref_slice %arg10[%mul3A_4, %dma_start3A] : memref<100096x8xf32, #tpu.memory_space<vmem_shared>> -> memref<6256x8xf32, #tpu.memory_space<vmem_shared>>
      %dma_start3A_18 = arith.constant 0 : i32
      %dma_start3A_19 = tpu.memref_slice %arg3[%mul3A_2, %dma_start3A_18] : memref<100096x8xf32, #tpu.memory_space<hbm>> -> memref<6256x8xf32, #tpu.memory_space<hbm>>
      tpu.enqueue_dma source(%dma_start3A_19 : memref<6256x8xf32, #tpu.memory_space<hbm>>) target(%dma_start3A_17 : memref<6256x8xf32, #tpu.memory_space<vmem_shared>>) target_semaphore(%run_scoped3A : memref<!tpu.dma_semaphore, #tpu.memory_space<semaphore_mem>>)
      %dma_wait3A = arith.constant 0 : i32
      %dma_wait3A_20 = tpu.memref_slice %arg10[%mul3A_4, %dma_wait3A] : memref<100096x8xf32, #tpu.memory_space<vmem_shared>> -> memref<6256x8xf32, #tpu.memory_space<vmem_shared>>
      %dma_wait3A_21 = arith.constant 0 : i32
      %dma_wait3A_22 = tpu.memref_slice %arg3[%mul3A_2, %dma_wait3A_21] : memref<100096x8xf32, #tpu.memory_space<hbm>> -> memref<6256x8xf32, #tpu.memory_space<hbm>>
      tpu.wait_dma2 semaphore(%run_scoped3A : memref<!tpu.dma_semaphore, #tpu.memory_space<semaphore_mem>>) src(%dma_wait3A_22 : memref<6256x8xf32, #tpu.memory_space<hbm>>) dst(%dma_wait3A_20 : memref<6256x8xf32, #tpu.memory_space<vmem_shared>>)
      tpu.yield
    }) : () -> ()
    %barrier3A = arith.constant 0 : index
    tpu.barrier barrier_id(%barrier3A)
    %mul3A_5 = arith.constant 784 : i32
    %mul3A_6 = arith.muli %add3A, %mul3A_5 : i32
    %scan3A = arith.constant 0 : i32
    %scan3A_7 = arith.constant 0 : i32
    %scan3A_8 = arith.constant 98 : i32
    %scan3A_9 = arith.addi %scan3A_7, %scan3A_8 : i32
    %scan3A_10 = arith.constant 1 : i32
    scf.for %scan3A_17 = %scan3A_7 to %scan3A_9 step %scan3A_10  : i32 {
      %mul3A_18 = arith.constant 8 : i32
      %mul3A_19 = arith.muli %scan3A_17, %mul3A_18 : i32
      %add3A_20 = arith.addi %mul3A_6, %mul3A_19 : i32
      %dma_start3A = arith.constant 0 : i32
      %dma_start3A_21 = tpu.memref_slice %arg4[%add3A_20, %dma_start3A] : memref<25088x128xi32, #tpu.memory_space<hbm>> -> memref<8x128xi32, #tpu.memory_space<hbm>>
      %dma_start3A_22 = arith.constant 0 : i32
      %dma_start3A_23 = tpu.memref_slice %arg4[%add3A_20, %dma_start3A_22] : memref<25088x128xi32, #tpu.memory_space<hbm>> -> memref<8x128xi32, #tpu.memory_space<hbm>>
      tpu.enqueue_dma source(%dma_start3A_23 : memref<8x128xi32, #tpu.memory_space<hbm>>) target(%arg7 : memref<8x128xi32, #tpu.memory_space<vmem>>) target_semaphore(%arg12 : memref<!tpu.dma_semaphore, #tpu.memory_space<semaphore_mem>>)
      %dma_start3A_24 = arith.constant 0 : i32
      %dma_start3A_25 = tpu.memref_slice %arg5[%add3A_20, %dma_start3A_24] : memref<25088x128xi32, #tpu.memory_space<hbm>> -> memref<8x128xi32, #tpu.memory_space<hbm>>
      %dma_start3A_26 = arith.constant 0 : i32
      %dma_start3A_27 = tpu.memref_slice %arg5[%add3A_20, %dma_start3A_26] : memref<25088x128xi32, #tpu.memory_space<hbm>> -> memref<8x128xi32, #tpu.memory_space<hbm>>
      tpu.enqueue_dma source(%dma_start3A_27 : memref<8x128xi32, #tpu.memory_space<hbm>>) target(%arg8 : memref<8x128xi32, #tpu.memory_space<vmem>>) target_semaphore(%arg12 : memref<!tpu.dma_semaphore, #tpu.memory_space<semaphore_mem>>)
      %dma_wait3A = arith.constant 0 : i32
      %dma_wait3A_28 = tpu.memref_slice %arg4[%add3A_20, %dma_wait3A] : memref<25088x128xi32, #tpu.memory_space<hbm>> -> memref<8x128xi32, #tpu.memory_space<hbm>>
      %dma_wait3A_29 = arith.constant 0 : i32
      %dma_wait3A_30 = tpu.memref_slice %arg4[%add3A_20, %dma_wait3A_29] : memref<25088x128xi32, #tpu.memory_space<hbm>> -> memref<8x128xi32, #tpu.memory_space<hbm>>
      tpu.wait_dma2 semaphore(%arg12 : memref<!tpu.dma_semaphore, #tpu.memory_space<semaphore_mem>>) src(%dma_wait3A_30 : memref<8x128xi32, #tpu.memory_space<hbm>>) dst(%arg7 : memref<8x128xi32, #tpu.memory_space<vmem>>)
      %dma_wait3A_31 = arith.constant 0 : i32
      %dma_wait3A_32 = tpu.memref_slice %arg5[%add3A_20, %dma_wait3A_31] : memref<25088x128xi32, #tpu.memory_space<hbm>> -> memref<8x128xi32, #tpu.memory_space<hbm>>
      %dma_wait3A_33 = arith.constant 0 : i32
      %dma_wait3A_34 = tpu.memref_slice %arg5[%add3A_20, %dma_wait3A_33] : memref<25088x128xi32, #tpu.memory_space<hbm>> -> memref<8x128xi32, #tpu.memory_space<hbm>>
      tpu.wait_dma2 semaphore(%arg12 : memref<!tpu.dma_semaphore, #tpu.memory_space<semaphore_mem>>) src(%dma_wait3A_34 : memref<8x128xi32, #tpu.memory_space<hbm>>) dst(%arg8 : memref<8x128xi32, #tpu.memory_space<vmem>>)
      %dma_start3A_35 = arith.constant 0 : i32
      %dma_start3A_36 = arith.constant 0 : i32
      %dma_start3A_37 = arith.constant 0 : i32
      %dma_start3A_38 = tpu.memref_slice %arg9[%dma_start3A_36, %dma_start3A_37] : memref<1024x8xf32, #tpu.memory_space<vmem>> -> memref<128x8xf32, #tpu.memory_space<vmem>>
      %dma_start3A_39 = arith.constant 0 : i32
      %dma_start3A_40 = tpu.memref_slice %arg7[%dma_start3A_35, %dma_start3A_39] : memref<8x128xi32, #tpu.memory_space<vmem>> -> memref<1x128xi32, #tpu.memory_space<vmem>>
      %dma_start3A_41 = tpu.memref_squeeze %dma_start3A_40 : memref<1x128xi32, #tpu.memory_space<vmem>> -> memref<128xi32, #tpu.memory_space<vmem>>
      %dma_start3A_42 = arith.constant 0 : i32
      %dma_start3A_43 = arith.constant 0 : i32
      %dma_start3A_44 = tpu.memref_slice %arg2[%dma_start3A_42, %dma_start3A_43] : memref<100096x8xf32, #tpu.memory_space<hbm>> -> memref<100096x8xf32, #tpu.memory_space<hbm>>
      tpu.enqueue_indirect_dma source(%dma_start3A_44 : memref<100096x8xf32, #tpu.memory_space<hbm>>) target(%dma_start3A_38 : memref<128x8xf32, #tpu.memory_space<vmem>>) offsets(%dma_start3A_41 : memref<128xi32, #tpu.memory_space<vmem>>) semaphore(%arg11 : memref<!tpu.dma_semaphore, #tpu.memory_space<semaphore_mem>>)
      %dma_start3A_45 = arith.constant 1 : i32
      %dma_start3A_46 = arith.constant 128 : i32
      %dma_start3A_47 = arith.constant 0 : i32
      %dma_start3A_48 = tpu.memref_slice %arg9[%dma_start3A_46, %dma_start3A_47] : memref<1024x8xf32, #tpu.memory_space<vmem>> -> memref<128x8xf32, #tpu.memory_space<vmem>>
      %dma_start3A_49 = arith.constant 0 : i32
      %dma_start3A_50 = tpu.memref_slice %arg7[%dma_start3A_45, %dma_start3A_49] : memref<8x128xi32, #tpu.memory_space<vmem>> -> memref<1x128xi32, #tpu.memory_space<vmem>>
      %dma_start3A_51 = tpu.memref_squeeze %dma_start3A_50 : memref<1x128xi32, #tpu.memory_space<vmem>> -> memref<128xi32, #tpu.memory_space<vmem>>
      %dma_start3A_52 = arith.constant 0 : i32
      %dma_start3A_53 = arith.constant 0 : i32
      %dma_start3A_54 = tpu.memref_slice %arg2[%dma_start3A_52, %dma_start3A_53] : memref<100096x8xf32, #tpu.memory_space<hbm>> -> memref<100096x8xf32, #tpu.memory_space<hbm>>
      tpu.enqueue_indirect_dma source(%dma_start3A_54 : memref<100096x8xf32, #tpu.memory_space<hbm>>) target(%dma_start3A_48 : memref<128x8xf32, #tpu.memory_space<vmem>>) offsets(%dma_start3A_51 : memref<128xi32, #tpu.memory_space<vmem>>) semaphore(%arg11 : memref<!tpu.dma_semaphore, #tpu.memory_space<semaphore_mem>>)
      %dma_start3A_55 = arith.constant 2 : i32
      %dma_start3A_56 = arith.constant 256 : i32
      %dma_start3A_57 = arith.constant 0 : i32
      %dma_start3A_58 = tpu.memref_slice %arg9[%dma_start3A_56, %dma_start3A_57] : memref<1024x8xf32, #tpu.memory_space<vmem>> -> memref<128x8xf32, #tpu.memory_space<vmem>>
      %dma_start3A_59 = arith.constant 0 : i32
      %dma_start3A_60 = tpu.memref_slice %arg7[%dma_start3A_55, %dma_start3A_59] : memref<8x128xi32, #tpu.memory_space<vmem>> -> memref<1x128xi32, #tpu.memory_space<vmem>>
      %dma_start3A_61 = tpu.memref_squeeze %dma_start3A_60 : memref<1x128xi32, #tpu.memory_space<vmem>> -> memref<128xi32, #tpu.memory_space<vmem>>
      %dma_start3A_62 = arith.constant 0 : i32
      %dma_start3A_63 = arith.constant 0 : i32
      %dma_start3A_64 = tpu.memref_slice %arg2[%dma_start3A_62, %dma_start3A_63] : memref<100096x8xf32, #tpu.memory_space<hbm>> -> memref<100096x8xf32, #tpu.memory_space<hbm>>
      tpu.enqueue_indirect_dma source(%dma_start3A_64 : memref<100096x8xf32, #tpu.memory_space<hbm>>) target(%dma_start3A_58 : memref<128x8xf32, #tpu.memory_space<vmem>>) offsets(%dma_start3A_61 : memref<128xi32, #tpu.memory_space<vmem>>) semaphore(%arg11 : memref<!tpu.dma_semaphore, #tpu.memory_space<semaphore_mem>>)
      %dma_start3A_65 = arith.constant 3 : i32
      %dma_start3A_66 = arith.constant 384 : i32
      %dma_start3A_67 = arith.constant 0 : i32
      %dma_start3A_68 = tpu.memref_slice %arg9[%dma_start3A_66, %dma_start3A_67] : memref<1024x8xf32, #tpu.memory_space<vmem>> -> memref<128x8xf32, #tpu.memory_space<vmem>>
      %dma_start3A_69 = arith.constant 0 : i32
      %dma_start3A_70 = tpu.memref_slice %arg7[%dma_start3A_65, %dma_start3A_69] : memref<8x128xi32, #tpu.memory_space<vmem>> -> memref<1x128xi32, #tpu.memory_space<vmem>>
      %dma_start3A_71 = tpu.memref_squeeze %dma_start3A_70 : memref<1x128xi32, #tpu.memory_space<vmem>> -> memref<128xi32, #tpu.memory_space<vmem>>
      %dma_start3A_72 = arith.constant 0 : i32
      %dma_start3A_73 = arith.constant 0 : i32
      %dma_start3A_74 = tpu.memref_slice %arg2[%dma_start3A_72, %dma_start3A_73] : memref<100096x8xf32, #tpu.memory_space<hbm>> -> memref<100096x8xf32, #tpu.memory_space<hbm>>
      tpu.enqueue_indirect_dma source(%dma_start3A_74 : memref<100096x8xf32, #tpu.memory_space<hbm>>) target(%dma_start3A_68 : memref<128x8xf32, #tpu.memory_space<vmem>>) offsets(%dma_start3A_71 : memref<128xi32, #tpu.memory_space<vmem>>) semaphore(%arg11 : memref<!tpu.dma_semaphore, #tpu.memory_space<semaphore_mem>>)
      %dma_start3A_75 = arith.constant 4 : i32
      %dma_start3A_76 = arith.constant 512 : i32
      %dma_start3A_77 = arith.constant 0 : i32
      %dma_start3A_78 = tpu.memref_slice %arg9[%dma_start3A_76, %dma_start3A_77] : memref<1024x8xf32, #tpu.memory_space<vmem>> -> memref<128x8xf32, #tpu.memory_space<vmem>>
      %dma_start3A_79 = arith.constant 0 : i32
      %dma_start3A_80 = tpu.memref_slice %arg7[%dma_start3A_75, %dma_start3A_79] : memref<8x128xi32, #tpu.memory_space<vmem>> -> memref<1x128xi32, #tpu.memory_space<vmem>>
      %dma_start3A_81 = tpu.memref_squeeze %dma_start3A_80 : memref<1x128xi32, #tpu.memory_space<vmem>> -> memref<128xi32, #tpu.memory_space<vmem>>
      %dma_start3A_82 = arith.constant 0 : i32
      %dma_start3A_83 = arith.constant 0 : i32
      %dma_start3A_84 = tpu.memref_slice %arg2[%dma_start3A_82, %dma_start3A_83] : memref<100096x8xf32, #tpu.memory_space<hbm>> -> memref<100096x8xf32, #tpu.memory_space<hbm>>
      tpu.enqueue_indirect_dma source(%dma_start3A_84 : memref<100096x8xf32, #tpu.memory_space<hbm>>) target(%dma_start3A_78 : memref<128x8xf32, #tpu.memory_space<vmem>>) offsets(%dma_start3A_81 : memref<128xi32, #tpu.memory_space<vmem>>) semaphore(%arg11 : memref<!tpu.dma_semaphore, #tpu.memory_space<semaphore_mem>>)
      %dma_start3A_85 = arith.constant 5 : i32
      %dma_start3A_86 = arith.constant 640 : i32
      %dma_start3A_87 = arith.constant 0 : i32
      %dma_start3A_88 = tpu.memref_slice %arg9[%dma_start3A_86, %dma_start3A_87] : memref<1024x8xf32, #tpu.memory_space<vmem>> -> memref<128x8xf32, #tpu.memory_space<vmem>>
      %dma_start3A_89 = arith.constant 0 : i32
      %dma_start3A_90 = tpu.memref_slice %arg7[%dma_start3A_85, %dma_start3A_89] : memref<8x128xi32, #tpu.memory_space<vmem>> -> memref<1x128xi32, #tpu.memory_space<vmem>>
      %dma_start3A_91 = tpu.memref_squeeze %dma_start3A_90 : memref<1x128xi32, #tpu.memory_space<vmem>> -> memref<128xi32, #tpu.memory_space<vmem>>
      %dma_start3A_92 = arith.constant 0 : i32
      %dma_start3A_93 = arith.constant 0 : i32
      %dma_start3A_94 = tpu.memref_slice %arg2[%dma_start3A_92, %dma_start3A_93] : memref<100096x8xf32, #tpu.memory_space<hbm>> -> memref<100096x8xf32, #tpu.memory_space<hbm>>
      tpu.enqueue_indirect_dma source(%dma_start3A_94 : memref<100096x8xf32, #tpu.memory_space<hbm>>) target(%dma_start3A_88 : memref<128x8xf32, #tpu.memory_space<vmem>>) offsets(%dma_start3A_91 : memref<128xi32, #tpu.memory_space<vmem>>) semaphore(%arg11 : memref<!tpu.dma_semaphore, #tpu.memory_space<semaphore_mem>>)
      %dma_start3A_95 = arith.constant 6 : i32
      %dma_start3A_96 = arith.constant 768 : i32
      %dma_start3A_97 = arith.constant 0 : i32
      %dma_start3A_98 = tpu.memref_slice %arg9[%dma_start3A_96, %dma_start3A_97] : memref<1024x8xf32, #tpu.memory_space<vmem>> -> memref<128x8xf32, #tpu.memory_space<vmem>>
      %dma_start3A_99 = arith.constant 0 : i32
      %dma_start3A_100 = tpu.memref_slice %arg7[%dma_start3A_95, %dma_start3A_99] : memref<8x128xi32, #tpu.memory_space<vmem>> -> memref<1x128xi32, #tpu.memory_space<vmem>>
      %dma_start3A_101 = tpu.memref_squeeze %dma_start3A_100 : memref<1x128xi32, #tpu.memory_space<vmem>> -> memref<128xi32, #tpu.memory_space<vmem>>
      %dma_start3A_102 = arith.constant 0 : i32
      %dma_start3A_103 = arith.constant 0 : i32
      %dma_start3A_104 = tpu.memref_slice %arg2[%dma_start3A_102, %dma_start3A_103] : memref<100096x8xf32, #tpu.memory_space<hbm>> -> memref<100096x8xf32, #tpu.memory_space<hbm>>
      tpu.enqueue_indirect_dma source(%dma_start3A_104 : memref<100096x8xf32, #tpu.memory_space<hbm>>) target(%dma_start3A_98 : memref<128x8xf32, #tpu.memory_space<vmem>>) offsets(%dma_start3A_101 : memref<128xi32, #tpu.memory_space<vmem>>) semaphore(%arg11 : memref<!tpu.dma_semaphore, #tpu.memory_space<semaphore_mem>>)
      %dma_start3A_105 = arith.constant 7 : i32
      %dma_start3A_106 = arith.constant 896 : i32
      %dma_start3A_107 = arith.constant 0 : i32
      %dma_start3A_108 = tpu.memref_slice %arg9[%dma_start3A_106, %dma_start3A_107] : memref<1024x8xf32, #tpu.memory_space<vmem>> -> memref<128x8xf32, #tpu.memory_space<vmem>>
      %dma_start3A_109 = arith.constant 0 : i32
      %dma_start3A_110 = tpu.memref_slice %arg7[%dma_start3A_105, %dma_start3A_109] : memref<8x128xi32, #tpu.memory_space<vmem>> -> memref<1x128xi32, #tpu.memory_space<vmem>>
      %dma_start3A_111 = tpu.memref_squeeze %dma_start3A_110 : memref<1x128xi32, #tpu.memory_space<vmem>> -> memref<128xi32, #tpu.memory_space<vmem>>
      %dma_start3A_112 = arith.constant 0 : i32
      %dma_start3A_113 = arith.constant 0 : i32
      %dma_start3A_114 = tpu.memref_slice %arg2[%dma_start3A_112, %dma_start3A_113] : memref<100096x8xf32, #tpu.memory_space<hbm>> -> memref<100096x8xf32, #tpu.memory_space<hbm>>
      tpu.enqueue_indirect_dma source(%dma_start3A_114 : memref<100096x8xf32, #tpu.memory_space<hbm>>) target(%dma_start3A_108 : memref<128x8xf32, #tpu.memory_space<vmem>>) offsets(%dma_start3A_111 : memref<128xi32, #tpu.memory_space<vmem>>) semaphore(%arg11 : memref<!tpu.dma_semaphore, #tpu.memory_space<semaphore_mem>>)
      %dma_wait3A_115 = arith.constant 0 : i32
      %dma_wait3A_116 = arith.constant 0 : i32
      %dma_wait3A_117 = arith.constant 0 : i32
      %dma_wait3A_118 = tpu.memref_slice %arg9[%dma_wait3A_116, %dma_wait3A_117] : memref<1024x8xf32, #tpu.memory_space<vmem>> -> memref<128x8xf32, #tpu.memory_space<vmem>>
      %dma_wait3A_119 = arith.constant 0 : i32
      %dma_wait3A_120 = tpu.memref_slice %arg7[%dma_wait3A_115, %dma_wait3A_119] : memref<8x128xi32, #tpu.memory_space<vmem>> -> memref<1x128xi32, #tpu.memory_space<vmem>>
      %dma_wait3A_121 = tpu.memref_squeeze %dma_wait3A_120 : memref<1x128xi32, #tpu.memory_space<vmem>> -> memref<128xi32, #tpu.memory_space<vmem>>
      %dma_wait3A_122 = arith.constant 0 : i32
      %dma_wait3A_123 = arith.constant 0 : i32
      %dma_wait3A_124 = tpu.memref_slice %arg2[%dma_wait3A_122, %dma_wait3A_123] : memref<100096x8xf32, #tpu.memory_space<hbm>> -> memref<100096x8xf32, #tpu.memory_space<hbm>>
      tpu.wait_indirect_dma semaphore(%arg11 : memref<!tpu.dma_semaphore, #tpu.memory_space<semaphore_mem>>) src(%dma_wait3A_124 : memref<100096x8xf32, #tpu.memory_space<hbm>>) dst(%dma_wait3A_118 : memref<128x8xf32, #tpu.memory_space<vmem>>)
      %run_scoped3A = arith.constant 0 : i32
      "tpu.region"() ({
        %run_scoped3A_202 = tpu.sem_alloc : memref<!tpu.dma_semaphore, #tpu.memory_space<semaphore_mem>>
        %dma_start3A_203 = arith.constant 0 : i32
        %dma_start3A_204 = arith.constant 0 : i32
        %dma_start3A_205 = tpu.memref_slice %arg9[%dma_start3A_203, %dma_start3A_204] : memref<1024x8xf32, #tpu.memory_space<vmem>> -> memref<128x8xf32, #tpu.memory_space<vmem>>
        %dma_start3A_206 = arith.constant 0 : i32
        %dma_start3A_207 = tpu.memref_slice %arg8[%run_scoped3A, %dma_start3A_206] : memref<8x128xi32, #tpu.memory_space<vmem>> -> memref<1x128xi32, #tpu.memory_space<vmem>>
        %dma_start3A_208 = tpu.memref_squeeze %dma_start3A_207 : memref<1x128xi32, #tpu.memory_space<vmem>> -> memref<128xi32, #tpu.memory_space<vmem>>
        %dma_start3A_209 = arith.constant 0 : i32
        %dma_start3A_210 = arith.constant 0 : i32
        %dma_start3A_211 = tpu.memref_slice %arg10[%dma_start3A_209, %dma_start3A_210] : memref<100096x8xf32, #tpu.memory_space<vmem_shared>> -> memref<100096x8xf32, #tpu.memory_space<vmem_shared>>
        tpu.enqueue_indirect_dma source(%dma_start3A_205 : memref<128x8xf32, #tpu.memory_space<vmem>>) target(%dma_start3A_211 : memref<100096x8xf32, #tpu.memory_space<vmem_shared>>) offsets(%dma_start3A_208 : memref<128xi32, #tpu.memory_space<vmem>>) semaphore(%run_scoped3A_202 : memref<!tpu.dma_semaphore, #tpu.memory_space<semaphore_mem>>) {add = true}
        %dma_wait3A_212 = arith.constant 0 : i32
        %dma_wait3A_213 = arith.constant 0 : i32
        %dma_wait3A_214 = tpu.memref_slice %arg9[%dma_wait3A_212, %dma_wait3A_213] : memref<1024x8xf32, #tpu.memory_space<vmem>> -> memref<128x8xf32, #tpu.memory_space<vmem>>
        %dma_wait3A_215 = arith.constant 0 : i32
        %dma_wait3A_216 = tpu.memref_slice %arg8[%run_scoped3A, %dma_wait3A_215] : memref<8x128xi32, #tpu.memory_space<vmem>> -> memref<1x128xi32, #tpu.memory_space<vmem>>
        %dma_wait3A_217 = tpu.memref_squeeze %dma_wait3A_216 : memref<1x128xi32, #tpu.memory_space<vmem>> -> memref<128xi32, #tpu.memory_space<vmem>>
        %dma_wait3A_218 = arith.constant 0 : i32
        %dma_wait3A_219 = arith.constant 0 : i32
        %dma_wait3A_220 = tpu.memref_slice %arg10[%dma_wait3A_218, %dma_wait3A_219] : memref<100096x8xf32, #tpu.memory_space<vmem_shared>> -> memref<100096x8xf32, #tpu.memory_space<vmem_shared>>
        tpu.wait_indirect_dma semaphore(%run_scoped3A_202 : memref<!tpu.dma_semaphore, #tpu.memory_space<semaphore_mem>>) src(%dma_wait3A_214 : memref<128x8xf32, #tpu.memory_space<vmem>>) dst(%dma_wait3A_220 : memref<100096x8xf32, #tpu.memory_space<vmem_shared>>)
        tpu.yield
      }) : () -> ()
      %dma_wait3A_125 = arith.constant 1 : i32
      %dma_wait3A_126 = arith.constant 128 : i32
      %dma_wait3A_127 = arith.constant 0 : i32
      %dma_wait3A_128 = tpu.memref_slice %arg9[%dma_wait3A_126, %dma_wait3A_127] : memref<1024x8xf32, #tpu.memory_space<vmem>> -> memref<128x8xf32, #tpu.memory_space<vmem>>
      %dma_wait3A_129 = arith.constant 0 : i32
      %dma_wait3A_130 = tpu.memref_slice %arg7[%dma_wait3A_125, %dma_wait3A_129] : memref<8x128xi32, #tpu.memory_space<vmem>> -> memref<1x128xi32, #tpu.memory_space<vmem>>
      %dma_wait3A_131 = tpu.memref_squeeze %dma_wait3A_130 : memref<1x128xi32, #tpu.memory_space<vmem>> -> memref<128xi32, #tpu.memory_space<vmem>>
      %dma_wait3A_132 = arith.constant 0 : i32
      %dma_wait3A_133 = arith.constant 0 : i32
      %dma_wait3A_134 = tpu.memref_slice %arg2[%dma_wait3A_132, %dma_wait3A_133] : memref<100096x8xf32, #tpu.memory_space<hbm>> -> memref<100096x8xf32, #tpu.memory_space<hbm>>
      tpu.wait_indirect_dma semaphore(%arg11 : memref<!tpu.dma_semaphore, #tpu.memory_space<semaphore_mem>>) src(%dma_wait3A_134 : memref<100096x8xf32, #tpu.memory_space<hbm>>) dst(%dma_wait3A_128 : memref<128x8xf32, #tpu.memory_space<vmem>>)
      %run_scoped3A_135 = arith.constant 1 : i32
      "tpu.region"() ({
        %run_scoped3A_202 = tpu.sem_alloc : memref<!tpu.dma_semaphore, #tpu.memory_space<semaphore_mem>>
        %dma_start3A_203 = arith.constant 128 : i32
        %dma_start3A_204 = arith.constant 0 : i32
        %dma_start3A_205 = tpu.memref_slice %arg9[%dma_start3A_203, %dma_start3A_204] : memref<1024x8xf32, #tpu.memory_space<vmem>> -> memref<128x8xf32, #tpu.memory_space<vmem>>
        %dma_start3A_206 = arith.constant 0 : i32
        %dma_start3A_207 = tpu.memref_slice %arg8[%run_scoped3A_135, %dma_start3A_206] : memref<8x128xi32, #tpu.memory_space<vmem>> -> memref<1x128xi32, #tpu.memory_space<vmem>>
        %dma_start3A_208 = tpu.memref_squeeze %dma_start3A_207 : memref<1x128xi32, #tpu.memory_space<vmem>> -> memref<128xi32, #tpu.memory_space<vmem>>
        %dma_start3A_209 = arith.constant 0 : i32
        %dma_start3A_210 = arith.constant 0 : i32
        %dma_start3A_211 = tpu.memref_slice %arg10[%dma_start3A_209, %dma_start3A_210] : memref<100096x8xf32, #tpu.memory_space<vmem_shared>> -> memref<100096x8xf32, #tpu.memory_space<vmem_shared>>
        tpu.enqueue_indirect_dma source(%dma_start3A_205 : memref<128x8xf32, #tpu.memory_space<vmem>>) target(%dma_start3A_211 : memref<100096x8xf32, #tpu.memory_space<vmem_shared>>) offsets(%dma_start3A_208 : memref<128xi32, #tpu.memory_space<vmem>>) semaphore(%run_scoped3A_202 : memref<!tpu.dma_semaphore, #tpu.memory_space<semaphore_mem>>) {add = true}
        %dma_wait3A_212 = arith.constant 128 : i32
        %dma_wait3A_213 = arith.constant 0 : i32
        %dma_wait3A_214 = tpu.memref_slice %arg9[%dma_wait3A_212, %dma_wait3A_213] : memref<1024x8xf32, #tpu.memory_space<vmem>> -> memref<128x8xf32, #tpu.memory_space<vmem>>
        %dma_wait3A_215 = arith.constant 0 : i32
        %dma_wait3A_216 = tpu.memref_slice %arg8[%run_scoped3A_135, %dma_wait3A_215] : memref<8x128xi32, #tpu.memory_space<vmem>> -> memref<1x128xi32, #tpu.memory_space<vmem>>
        %dma_wait3A_217 = tpu.memref_squeeze %dma_wait3A_216 : memref<1x128xi32, #tpu.memory_space<vmem>> -> memref<128xi32, #tpu.memory_space<vmem>>
        %dma_wait3A_218 = arith.constant 0 : i32
        %dma_wait3A_219 = arith.constant 0 : i32
        %dma_wait3A_220 = tpu.memref_slice %arg10[%dma_wait3A_218, %dma_wait3A_219] : memref<100096x8xf32, #tpu.memory_space<vmem_shared>> -> memref<100096x8xf32, #tpu.memory_space<vmem_shared>>
        tpu.wait_indirect_dma semaphore(%run_scoped3A_202 : memref<!tpu.dma_semaphore, #tpu.memory_space<semaphore_mem>>) src(%dma_wait3A_214 : memref<128x8xf32, #tpu.memory_space<vmem>>) dst(%dma_wait3A_220 : memref<100096x8xf32, #tpu.memory_space<vmem_shared>>)
        tpu.yield
      }) : () -> ()
      %dma_wait3A_136 = arith.constant 2 : i32
      %dma_wait3A_137 = arith.constant 256 : i32
      %dma_wait3A_138 = arith.constant 0 : i32
      %dma_wait3A_139 = tpu.memref_slice %arg9[%dma_wait3A_137, %dma_wait3A_138] : memref<1024x8xf32, #tpu.memory_space<vmem>> -> memref<128x8xf32, #tpu.memory_space<vmem>>
      %dma_wait3A_140 = arith.constant 0 : i32
      %dma_wait3A_141 = tpu.memref_slice %arg7[%dma_wait3A_136, %dma_wait3A_140] : memref<8x128xi32, #tpu.memory_space<vmem>> -> memref<1x128xi32, #tpu.memory_space<vmem>>
      %dma_wait3A_142 = tpu.memref_squeeze %dma_wait3A_141 : memref<1x128xi32, #tpu.memory_space<vmem>> -> memref<128xi32, #tpu.memory_space<vmem>>
      %dma_wait3A_143 = arith.constant 0 : i32
      %dma_wait3A_144 = arith.constant 0 : i32
      %dma_wait3A_145 = tpu.memref_slice %arg2[%dma_wait3A_143, %dma_wait3A_144] : memref<100096x8xf32, #tpu.memory_space<hbm>> -> memref<100096x8xf32, #tpu.memory_space<hbm>>
      tpu.wait_indirect_dma semaphore(%arg11 : memref<!tpu.dma_semaphore, #tpu.memory_space<semaphore_mem>>) src(%dma_wait3A_145 : memref<100096x8xf32, #tpu.memory_space<hbm>>) dst(%dma_wait3A_139 : memref<128x8xf32, #tpu.memory_space<vmem>>)
      %run_scoped3A_146 = arith.constant 2 : i32
      "tpu.region"() ({
        %run_scoped3A_202 = tpu.sem_alloc : memref<!tpu.dma_semaphore, #tpu.memory_space<semaphore_mem>>
        %dma_start3A_203 = arith.constant 256 : i32
        %dma_start3A_204 = arith.constant 0 : i32
        %dma_start3A_205 = tpu.memref_slice %arg9[%dma_start3A_203, %dma_start3A_204] : memref<1024x8xf32, #tpu.memory_space<vmem>> -> memref<128x8xf32, #tpu.memory_space<vmem>>
        %dma_start3A_206 = arith.constant 0 : i32
        %dma_start3A_207 = tpu.memref_slice %arg8[%run_scoped3A_146, %dma_start3A_206] : memref<8x128xi32, #tpu.memory_space<vmem>> -> memref<1x128xi32, #tpu.memory_space<vmem>>
        %dma_start3A_208 = tpu.memref_squeeze %dma_start3A_207 : memref<1x128xi32, #tpu.memory_space<vmem>> -> memref<128xi32, #tpu.memory_space<vmem>>
        %dma_start3A_209 = arith.constant 0 : i32
        %dma_start3A_210 = arith.constant 0 : i32
        %dma_start3A_211 = tpu.memref_slice %arg10[%dma_start3A_209, %dma_start3A_210] : memref<100096x8xf32, #tpu.memory_space<vmem_shared>> -> memref<100096x8xf32, #tpu.memory_space<vmem_shared>>
        tpu.enqueue_indirect_dma source(%dma_start3A_205 : memref<128x8xf32, #tpu.memory_space<vmem>>) target(%dma_start3A_211 : memref<100096x8xf32, #tpu.memory_space<vmem_shared>>) offsets(%dma_start3A_208 : memref<128xi32, #tpu.memory_space<vmem>>) semaphore(%run_scoped3A_202 : memref<!tpu.dma_semaphore, #tpu.memory_space<semaphore_mem>>) {add = true}
        %dma_wait3A_212 = arith.constant 256 : i32
        %dma_wait3A_213 = arith.constant 0 : i32
        %dma_wait3A_214 = tpu.memref_slice %arg9[%dma_wait3A_212, %dma_wait3A_213] : memref<1024x8xf32, #tpu.memory_space<vmem>> -> memref<128x8xf32, #tpu.memory_space<vmem>>
        %dma_wait3A_215 = arith.constant 0 : i32
        %dma_wait3A_216 = tpu.memref_slice %arg8[%run_scoped3A_146, %dma_wait3A_215] : memref<8x128xi32, #tpu.memory_space<vmem>> -> memref<1x128xi32, #tpu.memory_space<vmem>>
        %dma_wait3A_217 = tpu.memref_squeeze %dma_wait3A_216 : memref<1x128xi32, #tpu.memory_space<vmem>> -> memref<128xi32, #tpu.memory_space<vmem>>
        %dma_wait3A_218 = arith.constant 0 : i32
        %dma_wait3A_219 = arith.constant 0 : i32
        %dma_wait3A_220 = tpu.memref_slice %arg10[%dma_wait3A_218, %dma_wait3A_219] : memref<100096x8xf32, #tpu.memory_space<vmem_shared>> -> memref<100096x8xf32, #tpu.memory_space<vmem_shared>>
        tpu.wait_indirect_dma semaphore(%run_scoped3A_202 : memref<!tpu.dma_semaphore, #tpu.memory_space<semaphore_mem>>) src(%dma_wait3A_214 : memref<128x8xf32, #tpu.memory_space<vmem>>) dst(%dma_wait3A_220 : memref<100096x8xf32, #tpu.memory_space<vmem_shared>>)
        tpu.yield
      }) : () -> ()
      %dma_wait3A_147 = arith.constant 3 : i32
      %dma_wait3A_148 = arith.constant 384 : i32
      %dma_wait3A_149 = arith.constant 0 : i32
      %dma_wait3A_150 = tpu.memref_slice %arg9[%dma_wait3A_148, %dma_wait3A_149] : memref<1024x8xf32, #tpu.memory_space<vmem>> -> memref<128x8xf32, #tpu.memory_space<vmem>>
      %dma_wait3A_151 = arith.constant 0 : i32
      %dma_wait3A_152 = tpu.memref_slice %arg7[%dma_wait3A_147, %dma_wait3A_151] : memref<8x128xi32, #tpu.memory_space<vmem>> -> memref<1x128xi32, #tpu.memory_space<vmem>>
      %dma_wait3A_153 = tpu.memref_squeeze %dma_wait3A_152 : memref<1x128xi32, #tpu.memory_space<vmem>> -> memref<128xi32, #tpu.memory_space<vmem>>
      %dma_wait3A_154 = arith.constant 0 : i32
      %dma_wait3A_155 = arith.constant 0 : i32
      %dma_wait3A_156 = tpu.memref_slice %arg2[%dma_wait3A_154, %dma_wait3A_155] : memref<100096x8xf32, #tpu.memory_space<hbm>> -> memref<100096x8xf32, #tpu.memory_space<hbm>>
      tpu.wait_indirect_dma semaphore(%arg11 : memref<!tpu.dma_semaphore, #tpu.memory_space<semaphore_mem>>) src(%dma_wait3A_156 : memref<100096x8xf32, #tpu.memory_space<hbm>>) dst(%dma_wait3A_150 : memref<128x8xf32, #tpu.memory_space<vmem>>)
      %run_scoped3A_157 = arith.constant 3 : i32
      "tpu.region"() ({
        %run_scoped3A_202 = tpu.sem_alloc : memref<!tpu.dma_semaphore, #tpu.memory_space<semaphore_mem>>
        %dma_start3A_203 = arith.constant 384 : i32
        %dma_start3A_204 = arith.constant 0 : i32
        %dma_start3A_205 = tpu.memref_slice %arg9[%dma_start3A_203, %dma_start3A_204] : memref<1024x8xf32, #tpu.memory_space<vmem>> -> memref<128x8xf32, #tpu.memory_space<vmem>>
        %dma_start3A_206 = arith.constant 0 : i32
        %dma_start3A_207 = tpu.memref_slice %arg8[%run_scoped3A_157, %dma_start3A_206] : memref<8x128xi32, #tpu.memory_space<vmem>> -> memref<1x128xi32, #tpu.memory_space<vmem>>
        %dma_start3A_208 = tpu.memref_squeeze %dma_start3A_207 : memref<1x128xi32, #tpu.memory_space<vmem>> -> memref<128xi32, #tpu.memory_space<vmem>>
        %dma_start3A_209 = arith.constant 0 : i32
        %dma_start3A_210 = arith.constant 0 : i32
        %dma_start3A_211 = tpu.memref_slice %arg10[%dma_start3A_209, %dma_start3A_210] : memref<100096x8xf32, #tpu.memory_space<vmem_shared>> -> memref<100096x8xf32, #tpu.memory_space<vmem_shared>>
        tpu.enqueue_indirect_dma source(%dma_start3A_205 : memref<128x8xf32, #tpu.memory_space<vmem>>) target(%dma_start3A_211 : memref<100096x8xf32, #tpu.memory_space<vmem_shared>>) offsets(%dma_start3A_208 : memref<128xi32, #tpu.memory_space<vmem>>) semaphore(%run_scoped3A_202 : memref<!tpu.dma_semaphore, #tpu.memory_space<semaphore_mem>>) {add = true}
        %dma_wait3A_212 = arith.constant 384 : i32
        %dma_wait3A_213 = arith.constant 0 : i32
        %dma_wait3A_214 = tpu.memref_slice %arg9[%dma_wait3A_212, %dma_wait3A_213] : memref<1024x8xf32, #tpu.memory_space<vmem>> -> memref<128x8xf32, #tpu.memory_space<vmem>>
        %dma_wait3A_215 = arith.constant 0 : i32
        %dma_wait3A_216 = tpu.memref_slice %arg8[%run_scoped3A_157, %dma_wait3A_215] : memref<8x128xi32, #tpu.memory_space<vmem>> -> memref<1x128xi32, #tpu.memory_space<vmem>>
        %dma_wait3A_217 = tpu.memref_squeeze %dma_wait3A_216 : memref<1x128xi32, #tpu.memory_space<vmem>> -> memref<128xi32, #tpu.memory_space<vmem>>
        %dma_wait3A_218 = arith.constant 0 : i32
        %dma_wait3A_219 = arith.constant 0 : i32
        %dma_wait3A_220 = tpu.memref_slice %arg10[%dma_wait3A_218, %dma_wait3A_219] : memref<100096x8xf32, #tpu.memory_space<vmem_shared>> -> memref<100096x8xf32, #tpu.memory_space<vmem_shared>>
        tpu.wait_indirect_dma semaphore(%run_scoped3A_202 : memref<!tpu.dma_semaphore, #tpu.memory_space<semaphore_mem>>) src(%dma_wait3A_214 : memref<128x8xf32, #tpu.memory_space<vmem>>) dst(%dma_wait3A_220 : memref<100096x8xf32, #tpu.memory_space<vmem_shared>>)
        tpu.yield
      }) : () -> ()
      %dma_wait3A_158 = arith.constant 4 : i32
      %dma_wait3A_159 = arith.constant 512 : i32
      %dma_wait3A_160 = arith.constant 0 : i32
      %dma_wait3A_161 = tpu.memref_slice %arg9[%dma_wait3A_159, %dma_wait3A_160] : memref<1024x8xf32, #tpu.memory_space<vmem>> -> memref<128x8xf32, #tpu.memory_space<vmem>>
      %dma_wait3A_162 = arith.constant 0 : i32
      %dma_wait3A_163 = tpu.memref_slice %arg7[%dma_wait3A_158, %dma_wait3A_162] : memref<8x128xi32, #tpu.memory_space<vmem>> -> memref<1x128xi32, #tpu.memory_space<vmem>>
      %dma_wait3A_164 = tpu.memref_squeeze %dma_wait3A_163 : memref<1x128xi32, #tpu.memory_space<vmem>> -> memref<128xi32, #tpu.memory_space<vmem>>
      %dma_wait3A_165 = arith.constant 0 : i32
      %dma_wait3A_166 = arith.constant 0 : i32
      %dma_wait3A_167 = tpu.memref_slice %arg2[%dma_wait3A_165, %dma_wait3A_166] : memref<100096x8xf32, #tpu.memory_space<hbm>> -> memref<100096x8xf32, #tpu.memory_space<hbm>>
      tpu.wait_indirect_dma semaphore(%arg11 : memref<!tpu.dma_semaphore, #tpu.memory_space<semaphore_mem>>) src(%dma_wait3A_167 : memref<100096x8xf32, #tpu.memory_space<hbm>>) dst(%dma_wait3A_161 : memref<128x8xf32, #tpu.memory_space<vmem>>)
      %run_scoped3A_168 = arith.constant 4 : i32
      "tpu.region"() ({
        %run_scoped3A_202 = tpu.sem_alloc : memref<!tpu.dma_semaphore, #tpu.memory_space<semaphore_mem>>
        %dma_start3A_203 = arith.constant 512 : i32
        %dma_start3A_204 = arith.constant 0 : i32
        %dma_start3A_205 = tpu.memref_slice %arg9[%dma_start3A_203, %dma_start3A_204] : memref<1024x8xf32, #tpu.memory_space<vmem>> -> memref<128x8xf32, #tpu.memory_space<vmem>>
        %dma_start3A_206 = arith.constant 0 : i32
        %dma_start3A_207 = tpu.memref_slice %arg8[%run_scoped3A_168, %dma_start3A_206] : memref<8x128xi32, #tpu.memory_space<vmem>> -> memref<1x128xi32, #tpu.memory_space<vmem>>
        %dma_start3A_208 = tpu.memref_squeeze %dma_start3A_207 : memref<1x128xi32, #tpu.memory_space<vmem>> -> memref<128xi32, #tpu.memory_space<vmem>>
        %dma_start3A_209 = arith.constant 0 : i32
        %dma_start3A_210 = arith.constant 0 : i32
        %dma_start3A_211 = tpu.memref_slice %arg10[%dma_start3A_209, %dma_start3A_210] : memref<100096x8xf32, #tpu.memory_space<vmem_shared>> -> memref<100096x8xf32, #tpu.memory_space<vmem_shared>>
        tpu.enqueue_indirect_dma source(%dma_start3A_205 : memref<128x8xf32, #tpu.memory_space<vmem>>) target(%dma_start3A_211 : memref<100096x8xf32, #tpu.memory_space<vmem_shared>>) offsets(%dma_start3A_208 : memref<128xi32, #tpu.memory_space<vmem>>) semaphore(%run_scoped3A_202 : memref<!tpu.dma_semaphore, #tpu.memory_space<semaphore_mem>>) {add = true}
        %dma_wait3A_212 = arith.constant 512 : i32
        %dma_wait3A_213 = arith.constant 0 : i32
        %dma_wait3A_214 = tpu.memref_slice %arg9[%dma_wait3A_212, %dma_wait3A_213] : memref<1024x8xf32, #tpu.memory_space<vmem>> -> memref<128x8xf32, #tpu.memory_space<vmem>>
        %dma_wait3A_215 = arith.constant 0 : i32
        %dma_wait3A_216 = tpu.memref_slice %arg8[%run_scoped3A_168, %dma_wait3A_215] : memref<8x128xi32, #tpu.memory_space<vmem>> -> memref<1x128xi32, #tpu.memory_space<vmem>>
        %dma_wait3A_217 = tpu.memref_squeeze %dma_wait3A_216 : memref<1x128xi32, #tpu.memory_space<vmem>> -> memref<128xi32, #tpu.memory_space<vmem>>
        %dma_wait3A_218 = arith.constant 0 : i32
        %dma_wait3A_219 = arith.constant 0 : i32
        %dma_wait3A_220 = tpu.memref_slice %arg10[%dma_wait3A_218, %dma_wait3A_219] : memref<100096x8xf32, #tpu.memory_space<vmem_shared>> -> memref<100096x8xf32, #tpu.memory_space<vmem_shared>>
        tpu.wait_indirect_dma semaphore(%run_scoped3A_202 : memref<!tpu.dma_semaphore, #tpu.memory_space<semaphore_mem>>) src(%dma_wait3A_214 : memref<128x8xf32, #tpu.memory_space<vmem>>) dst(%dma_wait3A_220 : memref<100096x8xf32, #tpu.memory_space<vmem_shared>>)
        tpu.yield
      }) : () -> ()
      %dma_wait3A_169 = arith.constant 5 : i32
      %dma_wait3A_170 = arith.constant 640 : i32
      %dma_wait3A_171 = arith.constant 0 : i32
      %dma_wait3A_172 = tpu.memref_slice %arg9[%dma_wait3A_170, %dma_wait3A_171] : memref<1024x8xf32, #tpu.memory_space<vmem>> -> memref<128x8xf32, #tpu.memory_space<vmem>>
      %dma_wait3A_173 = arith.constant 0 : i32
      %dma_wait3A_174 = tpu.memref_slice %arg7[%dma_wait3A_169, %dma_wait3A_173] : memref<8x128xi32, #tpu.memory_space<vmem>> -> memref<1x128xi32, #tpu.memory_space<vmem>>
      %dma_wait3A_175 = tpu.memref_squeeze %dma_wait3A_174 : memref<1x128xi32, #tpu.memory_space<vmem>> -> memref<128xi32, #tpu.memory_space<vmem>>
      %dma_wait3A_176 = arith.constant 0 : i32
      %dma_wait3A_177 = arith.constant 0 : i32
      %dma_wait3A_178 = tpu.memref_slice %arg2[%dma_wait3A_176, %dma_wait3A_177] : memref<100096x8xf32, #tpu.memory_space<hbm>> -> memref<100096x8xf32, #tpu.memory_space<hbm>>
      tpu.wait_indirect_dma semaphore(%arg11 : memref<!tpu.dma_semaphore, #tpu.memory_space<semaphore_mem>>) src(%dma_wait3A_178 : memref<100096x8xf32, #tpu.memory_space<hbm>>) dst(%dma_wait3A_172 : memref<128x8xf32, #tpu.memory_space<vmem>>)
      %run_scoped3A_179 = arith.constant 5 : i32
      "tpu.region"() ({
        %run_scoped3A_202 = tpu.sem_alloc : memref<!tpu.dma_semaphore, #tpu.memory_space<semaphore_mem>>
        %dma_start3A_203 = arith.constant 640 : i32
        %dma_start3A_204 = arith.constant 0 : i32
        %dma_start3A_205 = tpu.memref_slice %arg9[%dma_start3A_203, %dma_start3A_204] : memref<1024x8xf32, #tpu.memory_space<vmem>> -> memref<128x8xf32, #tpu.memory_space<vmem>>
        %dma_start3A_206 = arith.constant 0 : i32
        %dma_start3A_207 = tpu.memref_slice %arg8[%run_scoped3A_179, %dma_start3A_206] : memref<8x128xi32, #tpu.memory_space<vmem>> -> memref<1x128xi32, #tpu.memory_space<vmem>>
        %dma_start3A_208 = tpu.memref_squeeze %dma_start3A_207 : memref<1x128xi32, #tpu.memory_space<vmem>> -> memref<128xi32, #tpu.memory_space<vmem>>
        %dma_start3A_209 = arith.constant 0 : i32
        %dma_start3A_210 = arith.constant 0 : i32
        %dma_start3A_211 = tpu.memref_slice %arg10[%dma_start3A_209, %dma_start3A_210] : memref<100096x8xf32, #tpu.memory_space<vmem_shared>> -> memref<100096x8xf32, #tpu.memory_space<vmem_shared>>
        tpu.enqueue_indirect_dma source(%dma_start3A_205 : memref<128x8xf32, #tpu.memory_space<vmem>>) target(%dma_start3A_211 : memref<100096x8xf32, #tpu.memory_space<vmem_shared>>) offsets(%dma_start3A_208 : memref<128xi32, #tpu.memory_space<vmem>>) semaphore(%run_scoped3A_202 : memref<!tpu.dma_semaphore, #tpu.memory_space<semaphore_mem>>) {add = true}
        %dma_wait3A_212 = arith.constant 640 : i32
        %dma_wait3A_213 = arith.constant 0 : i32
        %dma_wait3A_214 = tpu.memref_slice %arg9[%dma_wait3A_212, %dma_wait3A_213] : memref<1024x8xf32, #tpu.memory_space<vmem>> -> memref<128x8xf32, #tpu.memory_space<vmem>>
        %dma_wait3A_215 = arith.constant 0 : i32
        %dma_wait3A_216 = tpu.memref_slice %arg8[%run_scoped3A_179, %dma_wait3A_215] : memref<8x128xi32, #tpu.memory_space<vmem>> -> memref<1x128xi32, #tpu.memory_space<vmem>>
        %dma_wait3A_217 = tpu.memref_squeeze %dma_wait3A_216 : memref<1x128xi32, #tpu.memory_space<vmem>> -> memref<128xi32, #tpu.memory_space<vmem>>
        %dma_wait3A_218 = arith.constant 0 : i32
        %dma_wait3A_219 = arith.constant 0 : i32
        %dma_wait3A_220 = tpu.memref_slice %arg10[%dma_wait3A_218, %dma_wait3A_219] : memref<100096x8xf32, #tpu.memory_space<vmem_shared>> -> memref<100096x8xf32, #tpu.memory_space<vmem_shared>>
        tpu.wait_indirect_dma semaphore(%run_scoped3A_202 : memref<!tpu.dma_semaphore, #tpu.memory_space<semaphore_mem>>) src(%dma_wait3A_214 : memref<128x8xf32, #tpu.memory_space<vmem>>) dst(%dma_wait3A_220 : memref<100096x8xf32, #tpu.memory_space<vmem_shared>>)
        tpu.yield
      }) : () -> ()
      %dma_wait3A_180 = arith.constant 6 : i32
      %dma_wait3A_181 = arith.constant 768 : i32
      %dma_wait3A_182 = arith.constant 0 : i32
      %dma_wait3A_183 = tpu.memref_slice %arg9[%dma_wait3A_181, %dma_wait3A_182] : memref<1024x8xf32, #tpu.memory_space<vmem>> -> memref<128x8xf32, #tpu.memory_space<vmem>>
      %dma_wait3A_184 = arith.constant 0 : i32
      %dma_wait3A_185 = tpu.memref_slice %arg7[%dma_wait3A_180, %dma_wait3A_184] : memref<8x128xi32, #tpu.memory_space<vmem>> -> memref<1x128xi32, #tpu.memory_space<vmem>>
      %dma_wait3A_186 = tpu.memref_squeeze %dma_wait3A_185 : memref<1x128xi32, #tpu.memory_space<vmem>> -> memref<128xi32, #tpu.memory_space<vmem>>
      %dma_wait3A_187 = arith.constant 0 : i32
      %dma_wait3A_188 = arith.constant 0 : i32
      %dma_wait3A_189 = tpu.memref_slice %arg2[%dma_wait3A_187, %dma_wait3A_188] : memref<100096x8xf32, #tpu.memory_space<hbm>> -> memref<100096x8xf32, #tpu.memory_space<hbm>>
      tpu.wait_indirect_dma semaphore(%arg11 : memref<!tpu.dma_semaphore, #tpu.memory_space<semaphore_mem>>) src(%dma_wait3A_189 : memref<100096x8xf32, #tpu.memory_space<hbm>>) dst(%dma_wait3A_183 : memref<128x8xf32, #tpu.memory_space<vmem>>)
      %run_scoped3A_190 = arith.constant 6 : i32
      "tpu.region"() ({
        %run_scoped3A_202 = tpu.sem_alloc : memref<!tpu.dma_semaphore, #tpu.memory_space<semaphore_mem>>
        %dma_start3A_203 = arith.constant 768 : i32
        %dma_start3A_204 = arith.constant 0 : i32
        %dma_start3A_205 = tpu.memref_slice %arg9[%dma_start3A_203, %dma_start3A_204] : memref<1024x8xf32, #tpu.memory_space<vmem>> -> memref<128x8xf32, #tpu.memory_space<vmem>>
        %dma_start3A_206 = arith.constant 0 : i32
        %dma_start3A_207 = tpu.memref_slice %arg8[%run_scoped3A_190, %dma_start3A_206] : memref<8x128xi32, #tpu.memory_space<vmem>> -> memref<1x128xi32, #tpu.memory_space<vmem>>
        %dma_start3A_208 = tpu.memref_squeeze %dma_start3A_207 : memref<1x128xi32, #tpu.memory_space<vmem>> -> memref<128xi32, #tpu.memory_space<vmem>>
        %dma_start3A_209 = arith.constant 0 : i32
        %dma_start3A_210 = arith.constant 0 : i32
        %dma_start3A_211 = tpu.memref_slice %arg10[%dma_start3A_209, %dma_start3A_210] : memref<100096x8xf32, #tpu.memory_space<vmem_shared>> -> memref<100096x8xf32, #tpu.memory_space<vmem_shared>>
        tpu.enqueue_indirect_dma source(%dma_start3A_205 : memref<128x8xf32, #tpu.memory_space<vmem>>) target(%dma_start3A_211 : memref<100096x8xf32, #tpu.memory_space<vmem_shared>>) offsets(%dma_start3A_208 : memref<128xi32, #tpu.memory_space<vmem>>) semaphore(%run_scoped3A_202 : memref<!tpu.dma_semaphore, #tpu.memory_space<semaphore_mem>>) {add = true}
        %dma_wait3A_212 = arith.constant 768 : i32
        %dma_wait3A_213 = arith.constant 0 : i32
        %dma_wait3A_214 = tpu.memref_slice %arg9[%dma_wait3A_212, %dma_wait3A_213] : memref<1024x8xf32, #tpu.memory_space<vmem>> -> memref<128x8xf32, #tpu.memory_space<vmem>>
        %dma_wait3A_215 = arith.constant 0 : i32
        %dma_wait3A_216 = tpu.memref_slice %arg8[%run_scoped3A_190, %dma_wait3A_215] : memref<8x128xi32, #tpu.memory_space<vmem>> -> memref<1x128xi32, #tpu.memory_space<vmem>>
        %dma_wait3A_217 = tpu.memref_squeeze %dma_wait3A_216 : memref<1x128xi32, #tpu.memory_space<vmem>> -> memref<128xi32, #tpu.memory_space<vmem>>
        %dma_wait3A_218 = arith.constant 0 : i32
        %dma_wait3A_219 = arith.constant 0 : i32
        %dma_wait3A_220 = tpu.memref_slice %arg10[%dma_wait3A_218, %dma_wait3A_219] : memref<100096x8xf32, #tpu.memory_space<vmem_shared>> -> memref<100096x8xf32, #tpu.memory_space<vmem_shared>>
        tpu.wait_indirect_dma semaphore(%run_scoped3A_202 : memref<!tpu.dma_semaphore, #tpu.memory_space<semaphore_mem>>) src(%dma_wait3A_214 : memref<128x8xf32, #tpu.memory_space<vmem>>) dst(%dma_wait3A_220 : memref<100096x8xf32, #tpu.memory_space<vmem_shared>>)
        tpu.yield
      }) : () -> ()
      %dma_wait3A_191 = arith.constant 7 : i32
      %dma_wait3A_192 = arith.constant 896 : i32
      %dma_wait3A_193 = arith.constant 0 : i32
      %dma_wait3A_194 = tpu.memref_slice %arg9[%dma_wait3A_192, %dma_wait3A_193] : memref<1024x8xf32, #tpu.memory_space<vmem>> -> memref<128x8xf32, #tpu.memory_space<vmem>>
      %dma_wait3A_195 = arith.constant 0 : i32
      %dma_wait3A_196 = tpu.memref_slice %arg7[%dma_wait3A_191, %dma_wait3A_195] : memref<8x128xi32, #tpu.memory_space<vmem>> -> memref<1x128xi32, #tpu.memory_space<vmem>>
      %dma_wait3A_197 = tpu.memref_squeeze %dma_wait3A_196 : memref<1x128xi32, #tpu.memory_space<vmem>> -> memref<128xi32, #tpu.memory_space<vmem>>
      %dma_wait3A_198 = arith.constant 0 : i32
      %dma_wait3A_199 = arith.constant 0 : i32
      %dma_wait3A_200 = tpu.memref_slice %arg2[%dma_wait3A_198, %dma_wait3A_199] : memref<100096x8xf32, #tpu.memory_space<hbm>> -> memref<100096x8xf32, #tpu.memory_space<hbm>>
      tpu.wait_indirect_dma semaphore(%arg11 : memref<!tpu.dma_semaphore, #tpu.memory_space<semaphore_mem>>) src(%dma_wait3A_200 : memref<100096x8xf32, #tpu.memory_space<hbm>>) dst(%dma_wait3A_194 : memref<128x8xf32, #tpu.memory_space<vmem>>)
      %run_scoped3A_201 = arith.constant 7 : i32
      "tpu.region"() ({
        %run_scoped3A_202 = tpu.sem_alloc : memref<!tpu.dma_semaphore, #tpu.memory_space<semaphore_mem>>
        %dma_start3A_203 = arith.constant 896 : i32
        %dma_start3A_204 = arith.constant 0 : i32
        %dma_start3A_205 = tpu.memref_slice %arg9[%dma_start3A_203, %dma_start3A_204] : memref<1024x8xf32, #tpu.memory_space<vmem>> -> memref<128x8xf32, #tpu.memory_space<vmem>>
        %dma_start3A_206 = arith.constant 0 : i32
        %dma_start3A_207 = tpu.memref_slice %arg8[%run_scoped3A_201, %dma_start3A_206] : memref<8x128xi32, #tpu.memory_space<vmem>> -> memref<1x128xi32, #tpu.memory_space<vmem>>
        %dma_start3A_208 = tpu.memref_squeeze %dma_start3A_207 : memref<1x128xi32, #tpu.memory_space<vmem>> -> memref<128xi32, #tpu.memory_space<vmem>>
        %dma_start3A_209 = arith.constant 0 : i32
        %dma_start3A_210 = arith.constant 0 : i32
        %dma_start3A_211 = tpu.memref_slice %arg10[%dma_start3A_209, %dma_start3A_210] : memref<100096x8xf32, #tpu.memory_space<vmem_shared>> -> memref<100096x8xf32, #tpu.memory_space<vmem_shared>>
        tpu.enqueue_indirect_dma source(%dma_start3A_205 : memref<128x8xf32, #tpu.memory_space<vmem>>) target(%dma_start3A_211 : memref<100096x8xf32, #tpu.memory_space<vmem_shared>>) offsets(%dma_start3A_208 : memref<128xi32, #tpu.memory_space<vmem>>) semaphore(%run_scoped3A_202 : memref<!tpu.dma_semaphore, #tpu.memory_space<semaphore_mem>>) {add = true}
        %dma_wait3A_212 = arith.constant 896 : i32
        %dma_wait3A_213 = arith.constant 0 : i32
        %dma_wait3A_214 = tpu.memref_slice %arg9[%dma_wait3A_212, %dma_wait3A_213] : memref<1024x8xf32, #tpu.memory_space<vmem>> -> memref<128x8xf32, #tpu.memory_space<vmem>>
        %dma_wait3A_215 = arith.constant 0 : i32
        %dma_wait3A_216 = tpu.memref_slice %arg8[%run_scoped3A_201, %dma_wait3A_215] : memref<8x128xi32, #tpu.memory_space<vmem>> -> memref<1x128xi32, #tpu.memory_space<vmem>>
        %dma_wait3A_217 = tpu.memref_squeeze %dma_wait3A_216 : memref<1x128xi32, #tpu.memory_space<vmem>> -> memref<128xi32, #tpu.memory_space<vmem>>
        %dma_wait3A_218 = arith.constant 0 : i32
        %dma_wait3A_219 = arith.constant 0 : i32
        %dma_wait3A_220 = tpu.memref_slice %arg10[%dma_wait3A_218, %dma_wait3A_219] : memref<100096x8xf32, #tpu.memory_space<vmem_shared>> -> memref<100096x8xf32, #tpu.memory_space<vmem_shared>>
        tpu.wait_indirect_dma semaphore(%run_scoped3A_202 : memref<!tpu.dma_semaphore, #tpu.memory_space<semaphore_mem>>) src(%dma_wait3A_214 : memref<128x8xf32, #tpu.memory_space<vmem>>) dst(%dma_wait3A_220 : memref<100096x8xf32, #tpu.memory_space<vmem_shared>>)
        tpu.yield
      }) : () -> ()
    }
    %scan3A_11 = arith.constant 98 : i32
    %barrier3A_12 = arith.constant 0 : index
    tpu.barrier barrier_id(%barrier3A_12)
    %mul3A_13 = arith.constant 6256 : i32
    %mul3A_14 = arith.muli %arg1, %mul3A_13 : i32
    %mul3A_15 = arith.constant 6256 : i32
    %mul3A_16 = arith.muli %arg1, %mul3A_15 : i32
    "tpu.region"() ({
      %run_scoped3A = tpu.sem_alloc : memref<!tpu.dma_semaphore, #tpu.memory_space<semaphore_mem>>
      %dma_start3A = arith.constant 0 : i32
      %dma_start3A_17 = tpu.memref_slice %arg6[%arg0, %mul3A_16, %dma_start3A] : memref<2x100096x8xf32, #tpu.memory_space<hbm>> -> memref<1x6256x8xf32, #tpu.memory_space<hbm>>
      %dma_start3A_18 = tpu.memref_squeeze %dma_start3A_17 : memref<1x6256x8xf32, #tpu.memory_space<hbm>> -> memref<6256x8xf32, #tpu.memory_space<hbm>>
      %dma_start3A_19 = arith.constant 0 : i32
      %dma_start3A_20 = tpu.memref_slice %arg10[%mul3A_14, %dma_start3A_19] : memref<100096x8xf32, #tpu.memory_space<vmem_shared>> -> memref<6256x8xf32, #tpu.memory_space<vmem_shared>>
      tpu.enqueue_dma source(%dma_start3A_20 : memref<6256x8xf32, #tpu.memory_space<vmem_shared>>) target(%dma_start3A_18 : memref<6256x8xf32, #tpu.memory_space<hbm>>) target_semaphore(%run_scoped3A : memref<!tpu.dma_semaphore, #tpu.memory_space<semaphore_mem>>)
      %dma_wait3A = arith.constant 0 : i32
      %dma_wait3A_21 = tpu.memref_slice %arg6[%arg0, %mul3A_16, %dma_wait3A] : memref<2x100096x8xf32, #tpu.memory_space<hbm>> -> memref<1x6256x8xf32, #tpu.memory_space<hbm>>
      %dma_wait3A_22 = tpu.memref_squeeze %dma_wait3A_21 : memref<1x6256x8xf32, #tpu.memory_space<hbm>> -> memref<6256x8xf32, #tpu.memory_space<hbm>>
      %dma_wait3A_23 = arith.constant 0 : i32
      %dma_wait3A_24 = tpu.memref_slice %arg10[%mul3A_14, %dma_wait3A_23] : memref<100096x8xf32, #tpu.memory_space<vmem_shared>> -> memref<6256x8xf32, #tpu.memory_space<vmem_shared>>
      tpu.wait_dma2 semaphore(%run_scoped3A : memref<!tpu.dma_semaphore, #tpu.memory_space<semaphore_mem>>) src(%dma_wait3A_24 : memref<6256x8xf32, #tpu.memory_space<vmem_shared>>) dst(%dma_wait3A_22 : memref<6256x8xf32, #tpu.memory_space<hbm>>)
      tpu.yield
    }) : () -> ()
    return
  }
}

module attributes {stable_mosaic.version = 14 : i64} {
  func.func @_tc1_body(%arg0: i32, %arg1: memref<256x1xf32, #tpu.memory_space<vmem>>, %arg2: memref<256x1xf32, #tpu.memory_space<vmem>>, %arg3: memref<256x8xf32, #tpu.memory_space<vmem>>, %arg4: memref<256x1xf32, #tpu.memory_space<vmem>>, %arg5: memref<256x8xf32, #tpu.memory_space<vmem>>) attributes {dimension_semantics = [#tpu.dimension_semantics<arbitrary>], iteration_bounds = array<i64: 391>, scalar_prefetch = 0 : i64, scratch_operands = 0 : i64, tpu.core_type = #tpu.core_type<tc>, window_params = [{transform_indices = @transform_0, window_bounds = array<i64: 256, 1>}, {transform_indices = @transform_1, window_bounds = array<i64: 256, 1>}, {transform_indices = @transform_2, window_bounds = array<i64: 256, 8>}, {transform_indices = @transform_3, window_bounds = array<i64: 256, 1>}, {transform_indices = @transform_4, window_bounds = array<i64: 256, 8>}]} {
    %get3A = arith.constant 0 : index
    %get3A_0 = arith.constant 0 : index
    %get3A_1 = vector.load %arg1[%get3A, %get3A_0] : memref<256x1xf32, #tpu.memory_space<vmem>>, vector<256x1xf32>
    %add3A = arith.constant 1.000000e+00 : f32
    %add3A_2 = vector.broadcast %add3A : f32 to vector<256x1xf32>
    %add3A_3 = arith.addf %add3A_2, %get3A_1 : vector<256x1xf32>
    %get3A_4 = arith.constant 0 : index
    %get3A_5 = arith.constant 0 : index
    %get3A_6 = vector.load %arg2[%get3A_4, %get3A_5] : memref<256x1xf32, #tpu.memory_space<vmem>>, vector<256x1xf32>
    %add3A_7 = arith.addf %add3A_3, %get3A_6 : vector<256x1xf32>
    %rsqrt3A = math.rsqrt %add3A_7 : vector<256x1xf32>
    %swap3A = arith.constant 0 : index
    %swap3A_8 = arith.constant 0 : index
    %swap3A_9 = vector.load %arg4[%swap3A, %swap3A_8] : memref<256x1xf32, #tpu.memory_space<vmem>>, vector<256x1xf32>
    tpu.vector_store %arg4[%swap3A, %swap3A_8], %rsqrt3A {strides = array<i32>} : memref<256x1xf32, #tpu.memory_space<vmem>>, vector<256x1xf32>,
    %get3A_10 = arith.constant 0 : index
    %get3A_11 = arith.constant 0 : index
    %get3A_12 = vector.load %arg3[%get3A_10, %get3A_11] : memref<256x8xf32, #tpu.memory_space<vmem>>, vector<256x8xf32>
    %mul3A = vector.broadcast %rsqrt3A : vector<256x1xf32> to vector<256x8xf32>
    %mul3A_13 = arith.mulf %get3A_12, %mul3A : vector<256x8xf32>
    %swap3A_14 = arith.constant 0 : index
    %swap3A_15 = arith.constant 0 : index
    %swap3A_16 = vector.load %arg5[%swap3A_14, %swap3A_15] : memref<256x8xf32, #tpu.memory_space<vmem>>, vector<256x8xf32>
    tpu.vector_store %arg5[%swap3A_14, %swap3A_15], %mul3A_13 {strides = array<i32>} : memref<256x8xf32, #tpu.memory_space<vmem>>, vector<256x8xf32>,
    return
  }
  func.func @transform_0(%arg0: i32) -> (i32, i32) {
    %c0_i32 = arith.constant 0 : i32
    %c0_i32_0 = arith.constant 0 : i32
    return %arg0, %c0_i32 : i32, i32
  }
  func.func @transform_1(%arg0: i32) -> (i32, i32) {
    %c0_i32 = arith.constant 0 : i32
    %c0_i32_0 = arith.constant 0 : i32
    return %arg0, %c0_i32 : i32, i32
  }
  func.func @transform_2(%arg0: i32) -> (i32, i32) {
    %c0_i32 = arith.constant 0 : i32
    %c0_i32_0 = arith.constant 0 : i32
    return %arg0, %c0_i32 : i32, i32
  }
  func.func @transform_3(%arg0: i32) -> (i32, i32) {
    %c0_i32 = arith.constant 0 : i32
    %c0_i32_0 = arith.constant 0 : i32
    return %arg0, %c0_i32 : i32, i32
  }
  func.func @transform_4(%arg0: i32) -> (i32, i32) {
    %c0_i32 = arith.constant 0 : i32
    %c0_i32_0 = arith.constant 0 : i32
    return %arg0, %c0_i32 : i32, i32
  }
}

module attributes {stable_mosaic.version = 14 : i64} {
  func.func @_tc2_body(%arg0: i32, %arg1: memref<256x8xf32, #tpu.memory_space<vmem>>, %arg2: memref<256x8xf32, #tpu.memory_space<vmem>>, %arg3: memref<256x8xf32, #tpu.memory_space<vmem>>, %arg4: memref<256x1xf32, #tpu.memory_space<vmem>>, %arg5: memref<8x16xf32, #tpu.memory_space<vmem>>, %arg6: memref<8x16xf32, #tpu.memory_space<vmem>>, %arg7: memref<256x16xf32, #tpu.memory_space<vmem>>) attributes {dimension_semantics = [#tpu.dimension_semantics<arbitrary>], iteration_bounds = array<i64: 391>, scalar_prefetch = 0 : i64, scratch_operands = 0 : i64, tpu.core_type = #tpu.core_type<tc>, window_params = [{transform_indices = @transform_0, window_bounds = array<i64: 256, 8>}, {transform_indices = @transform_1, window_bounds = array<i64: 256, 8>}, {transform_indices = @transform_2, window_bounds = array<i64: 256, 8>}, {transform_indices = @transform_3, window_bounds = array<i64: 256, 1>}, {pipeline_mode = #tpu.pipeline_mode<synchronous>, transform_indices = @transform_4, window_bounds = array<i64: 8, 16>}, {pipeline_mode = #tpu.pipeline_mode<synchronous>, transform_indices = @transform_5, window_bounds = array<i64: 8, 16>}, {transform_indices = @transform_6, window_bounds = array<i64: 256, 16>}]} {
    %get3A = arith.constant 0 : index
    %get3A_0 = arith.constant 0 : index
    %get3A_1 = vector.load %arg1[%get3A, %get3A_0] : memref<256x8xf32, #tpu.memory_space<vmem>>, vector<256x8xf32>
    %get3A_2 = arith.constant 0 : index
    %get3A_3 = arith.constant 0 : index
    %get3A_4 = vector.load %arg2[%get3A_2, %get3A_3] : memref<256x8xf32, #tpu.memory_space<vmem>>, vector<256x8xf32>
    %add3A = arith.addf %get3A_1, %get3A_4 : vector<256x8xf32>
    %get3A_5 = arith.constant 0 : index
    %get3A_6 = arith.constant 0 : index
    %get3A_7 = vector.load %arg3[%get3A_5, %get3A_6] : memref<256x8xf32, #tpu.memory_space<vmem>>, vector<256x8xf32>
    %add3A_8 = arith.addf %add3A, %get3A_7 : vector<256x8xf32>
    %get3A_9 = arith.constant 0 : index
    %get3A_10 = arith.constant 0 : index
    %get3A_11 = vector.load %arg4[%get3A_9, %get3A_10] : memref<256x1xf32, #tpu.memory_space<vmem>>, vector<256x1xf32>
    %mul3A = vector.broadcast %get3A_11 : vector<256x1xf32> to vector<256x8xf32>
    %mul3A_12 = arith.mulf %add3A_8, %mul3A : vector<256x8xf32>
    %get3A_13 = arith.constant 0 : index
    %get3A_14 = arith.constant 0 : index
    %get3A_15 = vector.load %arg5[%get3A_13, %get3A_14] : memref<8x16xf32, #tpu.memory_space<vmem>>, vector<8x16xf32>
    %dot_general3A = arith.constant dense<0.000000e+00> : vector<256x16xf32>
    %dot_general3A_16 = tpu.matmul %mul3A_12, %get3A_15, %dot_general3A {dimension_numbers = #tpu.dot_dimension_numbers<[1], [0], [0], [1], [0, 0, 1, 1], [], []>, transpose_lhs_hint = false} : vector<256x8xf32>, vector<8x16xf32>, vector<256x16xf32> -> vector<256x16xf32>
    %get3A_17 = arith.constant 0 : index
    %get3A_18 = arith.constant 0 : index
    %get3A_19 = vector.load %arg6[%get3A_17, %get3A_18] : memref<8x16xf32, #tpu.memory_space<vmem>>, vector<8x16xf32>
    %slice3A = vector.extract_strided_slice %get3A_19 {offsets = [0, 0], sizes = [1, 16], strides = [1, 1]} : vector<8x16xf32> to vector<1x16xf32>
    %add3A_20 = vector.broadcast %slice3A : vector<1x16xf32> to vector<256x16xf32>
    %add3A_21 = arith.addf %dot_general3A_16, %add3A_20 : vector<256x16xf32>
    %max3A = arith.constant 0.000000e+00 : f32
    %max3A_22 = vector.broadcast %max3A : f32 to vector<256x16xf32>
    %max3A_23 = arith.maximumf %add3A_21, %max3A_22 : vector<256x16xf32>
    %get3A_24 = arith.constant 0 : index
    %get3A_25 = arith.constant 0 : index
    %get3A_26 = vector.load %arg4[%get3A_24, %get3A_25] : memref<256x1xf32, #tpu.memory_space<vmem>>, vector<256x1xf32>
    %mul3A_27 = vector.broadcast %get3A_26 : vector<256x1xf32> to vector<256x16xf32>
    %mul3A_28 = arith.mulf %max3A_23, %mul3A_27 : vector<256x16xf32>
    %swap3A = arith.constant 0 : index
    %swap3A_29 = arith.constant 0 : index
    %swap3A_30 = vector.load %arg7[%swap3A, %swap3A_29] : memref<256x16xf32, #tpu.memory_space<vmem>>, vector<256x16xf32>
    tpu.vector_store %arg7[%swap3A, %swap3A_29], %mul3A_28 {strides = array<i32>} : memref<256x16xf32, #tpu.memory_space<vmem>>, vector<256x16xf32>,
    return
  }
  func.func @transform_0(%arg0: i32) -> (i32, i32) {
    %c0_i32 = arith.constant 0 : i32
    %c0_i32_0 = arith.constant 0 : i32
    return %arg0, %c0_i32 : i32, i32
  }
  func.func @transform_1(%arg0: i32) -> (i32, i32) {
    %c0_i32 = arith.constant 0 : i32
    %c0_i32_0 = arith.constant 0 : i32
    return %arg0, %c0_i32 : i32, i32
  }
  func.func @transform_2(%arg0: i32) -> (i32, i32) {
    %c0_i32 = arith.constant 0 : i32
    %c0_i32_0 = arith.constant 0 : i32
    return %arg0, %c0_i32 : i32, i32
  }
  func.func @transform_3(%arg0: i32) -> (i32, i32) {
    %c0_i32 = arith.constant 0 : i32
    %c0_i32_0 = arith.constant 0 : i32
    return %arg0, %c0_i32 : i32, i32
  }
  func.func @transform_4(%arg0: i32) -> (i32, i32) {
    %c0_i32 = arith.constant 0 : i32
    %c0_i32_0 = arith.constant 0 : i32
    %c0_i32_1 = arith.constant 0 : i32
    return %c0_i32, %c0_i32_0 : i32, i32
  }
  func.func @transform_5(%arg0: i32) -> (i32, i32) {
    %c0_i32 = arith.constant 0 : i32
    %c0_i32_0 = arith.constant 0 : i32
    %c0_i32_1 = arith.constant 0 : i32
    return %c0_i32, %c0_i32_0 : i32, i32
  }
  func.func @transform_6(%arg0: i32) -> (i32, i32) {
    %c0_i32 = arith.constant 0 : i32
    %c0_i32_0 = arith.constant 0 : i32
    return %arg0, %c0_i32 : i32, i32
  }
}

module attributes {stable_mosaic.version = 14 : i64} {
  func.func @_tc3_body(%arg0: i32, %arg1: memref<256x16xf32, #tpu.memory_space<vmem>>, %arg2: memref<256x16xf32, #tpu.memory_space<vmem>>, %arg3: memref<256x16xf32, #tpu.memory_space<vmem>>, %arg4: memref<256x1xf32, #tpu.memory_space<vmem>>, %arg5: memref<16x16xf32, #tpu.memory_space<vmem>>, %arg6: memref<8x16xf32, #tpu.memory_space<vmem>>, %arg7: memref<16x8xf32, #tpu.memory_space<vmem>>, %arg8: memref<256x8xf32, #tpu.memory_space<vmem>>) attributes {dimension_semantics = [#tpu.dimension_semantics<arbitrary>], iteration_bounds = array<i64: 391>, scalar_prefetch = 0 : i64, scratch_operands = 0 : i64, tpu.core_type = #tpu.core_type<tc>, window_params = [{transform_indices = @transform_0, window_bounds = array<i64: 256, 16>}, {transform_indices = @transform_1, window_bounds = array<i64: 256, 16>}, {transform_indices = @transform_2, window_bounds = array<i64: 256, 16>}, {transform_indices = @transform_3, window_bounds = array<i64: 256, 1>}, {pipeline_mode = #tpu.pipeline_mode<synchronous>, transform_indices = @transform_4, window_bounds = array<i64: 16, 16>}, {pipeline_mode = #tpu.pipeline_mode<synchronous>, transform_indices = @transform_5, window_bounds = array<i64: 8, 16>}, {pipeline_mode = #tpu.pipeline_mode<synchronous>, transform_indices = @transform_6, window_bounds = array<i64: 16, 8>}, {transform_indices = @transform_7, window_bounds = array<i64: 256, 8>}]} {
    %get3A = arith.constant 0 : index
    %get3A_0 = arith.constant 0 : index
    %get3A_1 = vector.load %arg1[%get3A, %get3A_0] : memref<256x16xf32, #tpu.memory_space<vmem>>, vector<256x16xf32>
    %get3A_2 = arith.constant 0 : index
    %get3A_3 = arith.constant 0 : index
    %get3A_4 = vector.load %arg2[%get3A_2, %get3A_3] : memref<256x16xf32, #tpu.memory_space<vmem>>, vector<256x16xf32>
    %add3A = arith.addf %get3A_1, %get3A_4 : vector<256x16xf32>
    %get3A_5 = arith.constant 0 : index
    %get3A_6 = arith.constant 0 : index
    %get3A_7 = vector.load %arg3[%get3A_5, %get3A_6] : memref<256x16xf32, #tpu.memory_space<vmem>>, vector<256x16xf32>
    %add3A_8 = arith.addf %add3A, %get3A_7 : vector<256x16xf32>
    %get3A_9 = arith.constant 0 : index
    %get3A_10 = arith.constant 0 : index
    %get3A_11 = vector.load %arg4[%get3A_9, %get3A_10] : memref<256x1xf32, #tpu.memory_space<vmem>>, vector<256x1xf32>
    %mul3A = vector.broadcast %get3A_11 : vector<256x1xf32> to vector<256x16xf32>
    %mul3A_12 = arith.mulf %add3A_8, %mul3A : vector<256x16xf32>
    %get3A_13 = arith.constant 0 : index
    %get3A_14 = arith.constant 0 : index
    %get3A_15 = vector.load %arg5[%get3A_13, %get3A_14] : memref<16x16xf32, #tpu.memory_space<vmem>>, vector<16x16xf32>
    %dot_general3A = arith.constant dense<0.000000e+00> : vector<256x16xf32>
    %dot_general3A_16 = tpu.matmul %mul3A_12, %get3A_15, %dot_general3A {dimension_numbers = #tpu.dot_dimension_numbers<[1], [0], [0], [1], [0, 0, 1, 1], [], []>, transpose_lhs_hint = false} : vector<256x16xf32>, vector<16x16xf32>, vector<256x16xf32> -> vector<256x16xf32>
    %get3A_17 = arith.constant 0 : index
    %get3A_18 = arith.constant 0 : index
    %get3A_19 = vector.load %arg6[%get3A_17, %get3A_18] : memref<8x16xf32, #tpu.memory_space<vmem>>, vector<8x16xf32>
    %slice3A = vector.extract_strided_slice %get3A_19 {offsets = [0, 0], sizes = [1, 16], strides = [1, 1]} : vector<8x16xf32> to vector<1x16xf32>
    %add3A_20 = vector.broadcast %slice3A : vector<1x16xf32> to vector<256x16xf32>
    %add3A_21 = arith.addf %dot_general3A_16, %add3A_20 : vector<256x16xf32>
    %max3A = arith.constant 0.000000e+00 : f32
    %max3A_22 = vector.broadcast %max3A : f32 to vector<256x16xf32>
    %max3A_23 = arith.maximumf %add3A_21, %max3A_22 : vector<256x16xf32>
    %get3A_24 = arith.constant 0 : index
    %get3A_25 = arith.constant 0 : index
    %get3A_26 = vector.load %arg7[%get3A_24, %get3A_25] : memref<16x8xf32, #tpu.memory_space<vmem>>, vector<16x8xf32>
    %dot_general3A_27 = arith.constant dense<0.000000e+00> : vector<256x8xf32>
    %dot_general3A_28 = tpu.matmul %max3A_23, %get3A_26, %dot_general3A_27 {dimension_numbers = #tpu.dot_dimension_numbers<[1], [0], [0], [1], [0, 0, 1, 1], [], []>, transpose_lhs_hint = false} : vector<256x16xf32>, vector<16x8xf32>, vector<256x8xf32> -> vector<256x8xf32>
    %get3A_29 = arith.constant 0 : index
    %get3A_30 = arith.constant 0 : index
    %get3A_31 = vector.load %arg4[%get3A_29, %get3A_30] : memref<256x1xf32, #tpu.memory_space<vmem>>, vector<256x1xf32>
    %mul3A_32 = vector.broadcast %get3A_31 : vector<256x1xf32> to vector<256x8xf32>
    %mul3A_33 = arith.mulf %dot_general3A_28, %mul3A_32 : vector<256x8xf32>
    %swap3A = arith.constant 0 : index
    %swap3A_34 = arith.constant 0 : index
    %swap3A_35 = vector.load %arg8[%swap3A, %swap3A_34] : memref<256x8xf32, #tpu.memory_space<vmem>>, vector<256x8xf32>
    tpu.vector_store %arg8[%swap3A, %swap3A_34], %mul3A_33 {strides = array<i32>} : memref<256x8xf32, #tpu.memory_space<vmem>>, vector<256x8xf32>,
    return
  }
  func.func @transform_0(%arg0: i32) -> (i32, i32) {
    %c0_i32 = arith.constant 0 : i32
    %c0_i32_0 = arith.constant 0 : i32
    return %arg0, %c0_i32 : i32, i32
  }
  func.func @transform_1(%arg0: i32) -> (i32, i32) {
    %c0_i32 = arith.constant 0 : i32
    %c0_i32_0 = arith.constant 0 : i32
    return %arg0, %c0_i32 : i32, i32
  }
  func.func @transform_2(%arg0: i32) -> (i32, i32) {
    %c0_i32 = arith.constant 0 : i32
    %c0_i32_0 = arith.constant 0 : i32
    return %arg0, %c0_i32 : i32, i32
  }
  func.func @transform_3(%arg0: i32) -> (i32, i32) {
    %c0_i32 = arith.constant 0 : i32
    %c0_i32_0 = arith.constant 0 : i32
    return %arg0, %c0_i32 : i32, i32
  }
  func.func @transform_4(%arg0: i32) -> (i32, i32) {
    %c0_i32 = arith.constant 0 : i32
    %c0_i32_0 = arith.constant 0 : i32
    %c0_i32_1 = arith.constant 0 : i32
    return %c0_i32, %c0_i32_0 : i32, i32
  }
  func.func @transform_5(%arg0: i32) -> (i32, i32) {
    %c0_i32 = arith.constant 0 : i32
    %c0_i32_0 = arith.constant 0 : i32
    %c0_i32_1 = arith.constant 0 : i32
    return %c0_i32, %c0_i32_0 : i32, i32
  }
  func.func @transform_6(%arg0: i32) -> (i32, i32) {
    %c0_i32 = arith.constant 0 : i32
    %c0_i32_0 = arith.constant 0 : i32
    %c0_i32_1 = arith.constant 0 : i32
    return %c0_i32, %c0_i32_0 : i32, i32
  }
  func.func @transform_7(%arg0: i32) -> (i32, i32) {
    %c0_i32 = arith.constant 0 : i32
    %c0_i32_0 = arith.constant 0 : i32
    return %arg0, %c0_i32 : i32, i32
  }
}

module attributes {stable_mosaic.version = 14 : i64} {
  func.func @_tc4_body(%arg0: i32, %arg1: memref<400x8xf32, #tpu.memory_space<vmem>>, %arg2: memref<400x8xf32, #tpu.memory_space<vmem>>, %arg3: memref<400x8xf32, #tpu.memory_space<vmem>>, %arg4: memref<400x1xf32, #tpu.memory_space<vmem>>, %arg5: memref<8x8xf32, #tpu.memory_space<vmem>>, %arg6: memref<400x6xf32, #tpu.memory_space<vmem>>) attributes {dimension_semantics = [#tpu.dimension_semantics<arbitrary>], iteration_bounds = array<i64: 250>, scalar_prefetch = 0 : i64, scratch_operands = 0 : i64, tpu.core_type = #tpu.core_type<tc>, window_params = [{transform_indices = @transform_0, window_bounds = array<i64: 400, 8>}, {transform_indices = @transform_1, window_bounds = array<i64: 400, 8>}, {transform_indices = @transform_2, window_bounds = array<i64: 400, 8>}, {transform_indices = @transform_3, window_bounds = array<i64: 400, 1>}, {pipeline_mode = #tpu.pipeline_mode<synchronous>, transform_indices = @transform_4, window_bounds = array<i64: 8, 8>}, {transform_indices = @transform_5, window_bounds = array<i64: 400, 6>}]} {
    %get3A = arith.constant 0 : index
    %get3A_0 = arith.constant 0 : index
    %get3A_1 = vector.load %arg1[%get3A, %get3A_0] : memref<400x8xf32, #tpu.memory_space<vmem>>, vector<400x8xf32>
    %get3A_2 = arith.constant 0 : index
    %get3A_3 = arith.constant 0 : index
    %get3A_4 = vector.load %arg2[%get3A_2, %get3A_3] : memref<400x8xf32, #tpu.memory_space<vmem>>, vector<400x8xf32>
    %add3A = arith.addf %get3A_1, %get3A_4 : vector<400x8xf32>
    %get3A_5 = arith.constant 0 : index
    %get3A_6 = arith.constant 0 : index
    %get3A_7 = vector.load %arg3[%get3A_5, %get3A_6] : memref<400x8xf32, #tpu.memory_space<vmem>>, vector<400x8xf32>
    %add3A_8 = arith.addf %add3A, %get3A_7 : vector<400x8xf32>
    %get3A_9 = arith.constant 0 : index
    %get3A_10 = arith.constant 0 : index
    %get3A_11 = vector.load %arg4[%get3A_9, %get3A_10] : memref<400x1xf32, #tpu.memory_space<vmem>>, vector<400x1xf32>
    %mul3A = vector.broadcast %get3A_11 : vector<400x1xf32> to vector<400x8xf32>
    %mul3A_12 = arith.mulf %add3A_8, %mul3A : vector<400x8xf32>
    %get3A_13 = arith.constant 0 : index
    %get3A_14 = arith.constant 0 : index
    %get3A_15 = vector.load %arg5[%get3A_13, %get3A_14] : memref<8x8xf32, #tpu.memory_space<vmem>>, vector<8x8xf32>
    %slice3A = vector.extract_strided_slice %get3A_15 {offsets = [0, 0], sizes = [1, 8], strides = [1, 1]} : vector<8x8xf32> to vector<1x8xf32>
    %add3A_16 = vector.broadcast %slice3A : vector<1x8xf32> to vector<400x8xf32>
    %add3A_17 = arith.addf %mul3A_12, %add3A_16 : vector<400x8xf32>
    %iota3A = tpu.iota {dimensions = array<i32: 1>} : vector<400x8xi32>
    %lt3A = arith.constant 6 : i32
    %lt3A_18 = vector.broadcast %lt3A : i32 to vector<400x8xi32>
    %lt3A_19 = arith.cmpi slt, %iota3A, %lt3A_18 : vector<400x8xi32>
    %jit3A = arith.constant -1.000000e+30 : f32
    %broadcast_in_dim3A = vector.broadcast %jit3A : f32 to vector<400x8xf32>
    %select_n3A = arith.select %lt3A_19, %add3A_17, %broadcast_in_dim3A : vector<400x8xi1>, vector<400x8xf32>
    %reduce_max3A = arith.constant dense<0xFF800000> : vector<400xf32>
    %reduce_max3A_20 = vector.multi_reduction <maximumf>, %select_n3A, %reduce_max3A [1] : vector<400x8xf32> to vector<400xf32>
    %broadcast_in_dim3A_21 = vector.shape_cast %reduce_max3A_20 : vector<400xf32> to vector<400x1xf32>
    %sub3A = vector.broadcast %broadcast_in_dim3A_21 : vector<400x1xf32> to vector<400x8xf32>
    %sub3A_22 = arith.subf %select_n3A, %sub3A : vector<400x8xf32>
    %exp3A = math.exp %sub3A_22 : vector<400x8xf32>
    %reduce_sum3A = arith.constant dense<0.000000e+00> : vector<400xf32>
    %reduce_sum3A_23 = vector.multi_reduction <add>, %exp3A, %reduce_sum3A [1] : vector<400x8xf32> to vector<400xf32>
    %broadcast_in_dim3A_24 = vector.shape_cast %reduce_sum3A_23 : vector<400xf32> to vector<400x1xf32>
    %log3A = math.log %broadcast_in_dim3A_24 : vector<400x1xf32>
    %add3A_25 = arith.addf %log3A, %broadcast_in_dim3A_21 : vector<400x1xf32>
    %sub3A_26 = vector.broadcast %add3A_25 : vector<400x1xf32> to vector<400x8xf32>
    %sub3A_27 = arith.subf %add3A_17, %sub3A_26 : vector<400x8xf32>
    %slice3A_28 = vector.extract_strided_slice %sub3A_27 {offsets = [0, 0], sizes = [400, 6], strides = [1, 1]} : vector<400x8xf32> to vector<400x6xf32>
    %swap3A = arith.constant 0 : index
    %swap3A_29 = arith.constant 0 : index
    %swap3A_30 = vector.load %arg6[%swap3A, %swap3A_29] : memref<400x6xf32, #tpu.memory_space<vmem>>, vector<400x6xf32>
    tpu.vector_store %arg6[%swap3A, %swap3A_29], %slice3A_28 {strides = array<i32>} : memref<400x6xf32, #tpu.memory_space<vmem>>, vector<400x6xf32>,
    return
  }
  func.func @transform_0(%arg0: i32) -> (i32, i32) {
    %c0_i32 = arith.constant 0 : i32
    %c0_i32_0 = arith.constant 0 : i32
    return %arg0, %c0_i32 : i32, i32
  }
  func.func @transform_1(%arg0: i32) -> (i32, i32) {
    %c0_i32 = arith.constant 0 : i32
    %c0_i32_0 = arith.constant 0 : i32
    return %arg0, %c0_i32 : i32, i32
  }
  func.func @transform_2(%arg0: i32) -> (i32, i32) {
    %c0_i32 = arith.constant 0 : i32
    %c0_i32_0 = arith.constant 0 : i32
    return %arg0, %c0_i32 : i32, i32
  }
  func.func @transform_3(%arg0: i32) -> (i32, i32) {
    %c0_i32 = arith.constant 0 : i32
    %c0_i32_0 = arith.constant 0 : i32
    return %arg0, %c0_i32 : i32, i32
  }
  func.func @transform_4(%arg0: i32) -> (i32, i32) {
    %c0_i32 = arith.constant 0 : i32
    %c0_i32_0 = arith.constant 0 : i32
    %c0_i32_1 = arith.constant 0 : i32
    return %c0_i32, %c0_i32_0 : i32, i32
  }
  func.func @transform_5(%arg0: i32) -> (i32, i32) {
    %c0_i32 = arith.constant 0 : i32
    %c0_i32_0 = arith.constant 0 : i32
    return %arg0, %c0_i32 : i32, i32
  }
}

</mosaic_0001>

<sc_bundles>
// kernel: kernel.10.cloned.1.call-start
scs
__scs_entry_jumppad:
0x0: {  	(pc) =	sbr.rel $0x88, $3  }
0x1: {  	(tag) =	ssettag $0x0;
	lr =	simm.s32 $0x1  }
0x2: {  	[smem:$0x3F99] =	sst lr;
	_ =	strace $0xD0000000  }
0x3: {  	_ = 	snop  }
0x4: {  	_ = 	snop  }
0x5: {  	_ = 	snop  }
0x6: {  	_ = 	snop  }
0x7: {  	_ = 	snop  }
__scs_overlays_trampoline_lowered:
0x8: {  	[smem:$0x3FA8] =	sst s0  }
0x9: {  	[smem:$0x3FA9] =	sst s1  }
0xa: {  	[smem:$0x3FAA] =	sst s2  }
0xb: {  	[smem:$0x3FAB] =	sst s3  }
0xc: {  	[smem:$0x3FAC] =	sst s4  }
0xd: {  	[smem:$0x3FAD] =	sst s5  }
0xe: {  	[smem:$0x3FAE] =	sst s6  }
0xf: {  	[smem:$0x3FAF] =	sst s7  }
0x10: {  	[smem:$0x3FB0] =	sst s8  }
0x11: {  	[smem:$0x3FB1] =	sst s9;
	s0 =	simm.s32 @!p0 $0x0  }
0x12: {  	s1 =	sld [smem:$0x3F97];
	s0 =	simm.s32 @p0 $0x1  }
0x13: {  	[smem:$0x3FB2] =	sst s0;
	s0 =	simm.s32 @!p1 $0x0  }
0x14: {  	s2 =	sld [smem:$0x3F96];
	s0 =	simm.s32 @p1 $0x1  }
0x15: {  	[smem:$0x3FB3] =	sst s0;
	s0 =	simm.s32 @!p2 $0x0  }
0x16: {  	s3 =	sld [smem:$0x3FDB];
	s0 =	simm.s32 @p2 $0x1  }
0x17: {  	s4 =	simm.s32 $0x1BF5;
	[smem:$0x3FB5] =	sst s0  }
0x18: {  	s0 =	sld [smem:$0x3F98];
	_ =	swait.ge [sflag:s4], $0x0  }
0x19: {  	s7 =	sld [smem:$0x3F99]  }
0x1a: {  	s8 =	sadd.s32 $0xFFFFE003, lr  }
0x1b: {  	s9 =	sadd.s32 $0xFFFFFEF7, lr;
	s5 =	simm.s32 $0xFFFFFFFF;
	p2 =	slt.u32 s8, $0xFFFFF086  }
0x1c: {  	p1 =	slt.u32 s9, $0xF7A;
	s5 =	simm.s32 @!p2 $0x0  }
0x1d: {  	s5 =	simm.s32 @p1 $0x1;
	p0 =	seq.s32 s7, s2  }
0x1e: {  	s7 =	smul.u32 @!p0 $0xF7A, s2;
	p2 =	seq.s32 @!p0 s5, $0x0  }
0x1f: {  	s9 =	smul.u32 $0xF7A, s1;
	s8 =	simm.s32 @!p0 $0x1BF5;
	p2 =	por !p2, p0  }
0x20: {  	[sflag:s8] =	ssyncset.s32 @!p0 $0xFFFFF086;
	s6 =	sadd.s32 @!p0 s3, s7;
	s7 =	simm.s32 @!p0 $0x108  }
0x21: {  	s3 =	sadd.s32 s3, s9;
	s6 =	sadd.s32 @!p0 $0x88, s6;
	s7 =	simm.s32 @p2 $0x1082  }
0x22: {  	[simem:s7], [sflag:s8] =	dma.local @!p0 [hbm:s6], $0xF7A  }
0x23: {  	s9 =	sor.u32 $0xD0000000, s2;
	s6 =	simm.s32 $0x108;
	_ =	swait.ge @!p0 [sflag:s8], $0x0  }
0x24: {  	s3 =	sadd.s32 $0x88, s3;
	s6 =	simm.s32 @!p1 $0x1082;
	[sflag:s4] =	ssyncset.s32 $0xFFFFF086  }
0x25: {  	[simem:s6], [sflag:s4] =	dma.local [hbm:s3], $0xF7A  }
0x26: {  	[smem:$0x3F99] =	sst s1;
	(tag) =	ssettag s2;
	_ =	strace s9  }
0x27: {  	s1 =	sld [smem:$0x3FA9]  }
0x28: {  	s2 =	sld [smem:$0x3FAA]  }
0x29: {  	s4 =	sld [smem:$0x3FAC]  }
0x2a: {  	p0 =	seq.s32 s5, $0x0;
	s5 =	sld [smem:$0x3FAD]  }
0x2b: {  	s6 =	sld [smem:$0x3FAE]  }
0x2c: {  	s7 =	sld [smem:$0x3FAF]  }
0x2d: {  	s3 =	simm.s32 $0x108;
	s8 =	sld [smem:$0x3FB0]  }
0x2e: {  	s3 =	simm.s32 @!p0 $0x1082;
	s9 =	sld [smem:$0x3FB1]  }
0x2f: {  	lr =	sadd.s32 s0, s3;
	s0 =	sld [smem:$0x3FA8]  }
0x30: {  	s3 =	sld [smem:$0x3FAB]  }
0x31: {  	[smem:$0x3FB4] =	sst s10  }
0x32: {  	s10 =	sld [smem:$0x3FB2];
	_ =	sdelay $0x3  }
0x33: {  	p0 =	seq.s32 s10, $0x1;
	s10 =	sld [smem:$0x3FB4];
	_ =	sdelay $0x3  }
0x34: {  	[smem:$0x3FB4] =	sst s10  }
0x35: {  	s10 =	sld [smem:$0x3FB3];
	_ =	sdelay $0x3  }
0x36: {  	p1 =	seq.s32 s10, $0x1;
	s10 =	sld [smem:$0x3FB4];
	_ =	sdelay $0x3  }
0x37: {  	[smem:$0x3FB4] =	sst s10  }
0x38: {  	s10 =	sld [smem:$0x3FB5]  }
0x39: {  	_ = 	snop;
	(pc) =	sbr.ind lr, $3  }
0x3a: {  	_ = 	snop  }
0x3b: {  	_ = 	snop  }
0x3c: {  	p2 =	seq.s32 s10, $0x1;
	s10 =	sld [smem:$0x3FB4]  }
0x3d: {  	_ =	shalt  }
0x3e: {  	_ =	shalt  }
0x3f: {  	_ =	shalt  }
0x40: {  	_ =	shalt  }
0x41: {  	_ =	shalt  }
0x42: {  	_ =	shalt  }
0x43: {  	_ =	shalt  }
0x44: {  	_ =	shalt  }
0x45: {  	_ =	shalt  }
0x46: {  	_ =	shalt  }
0x47: {  	_ =	shalt  }
0x48: {  	_ =	shalt  }
0x49: {  	_ =	shalt  }
0x4a: {  	_ =	shalt  }
0x4b: {  	_ =	shalt  }
0x4c: {  	_ =	shalt  }
0x4d: {  	_ =	shalt  }
0x4e: {  	_ =	shalt  }
0x4f: {  	_ =	shalt  }
0x50: {  	_ =	shalt  }
0x51: {  	_ =	shalt  }
0x52: {  	_ =	shalt  }
0x53: {  	_ =	shalt  }
0x54: {  	_ =	shalt  }
0x55: {  	_ =	shalt  }
0x56: {  	_ =	shalt  }
0x57: {  	_ =	shalt  }
0x58: {  	_ =	shalt  }
0x59: {  	_ =	shalt  }
0x5a: {  	_ =	shalt  }
0x5b: {  	_ =	shalt  }
0x5c: {  	_ =	shalt  }
0x5d: {  	_ =	shalt  }
0x5e: {  	_ =	shalt  }
0x5f: {  	_ =	shalt  }
0x60: {  	_ =	shalt  }
0x61: {  	_ =	shalt  }
0x62: {  	_ =	shalt  }
0x63: {  	_ =	shalt  }
0x64: {  	_ =	shalt  }
0x65: {  	_ =	shalt  }
0x66: {  	_ =	shalt  }
0x67: {  	_ =	shalt  }
0x68: {  	_ =	shalt  }
0x69: {  	_ =	shalt  }
0x6a: {  	_ =	shalt  }
0x6b: {  	_ =	shalt  }
0x6c: {  	_ =	shalt  }
0x6d: {  	_ =	shalt  }
0x6e: {  	_ =	shalt  }
0x6f: {  	_ =	shalt  }
0x70: {  	_ =	shalt  }
0x71: {  	_ =	shalt  }
0x72: {  	_ =	shalt  }
0x73: {  	_ =	shalt  }
0x74: {  	_ =	shalt  }
0x75: {  	_ =	shalt  }
0x76: {  	_ =	shalt  }
0x77: {  	_ =	shalt  }
0x78: {  	_ =	shalt  }
0x79: {  	_ =	shalt  }
0x7a: {  	_ =	shalt  }
0x7b: {  	_ =	shalt  }
0x7c: {  	_ =	shalt  }
0x7d: {  	_ =	shalt  }
0x7e: {  	_ =	shalt  }
0x7f: {  	_ =	shalt  }
0x80: {  	_ =	shalt  }
0x81: {  	_ =	shalt  }
0x82: {  	_ =	shalt  }
0x83: {  	_ =	shalt  }
0x84: {  	_ =	shalt  }
0x85: {  	_ =	shalt  }
0x86: {  	_ =	shalt  }
0x87: {  	_ =	shalt  }
.Lfunc_end0:
.L_simem_size_0:
called_computation_lowered:
.L_overlay_start_0:
0x88: {  	s2 =	sld [smem:$0x3FD9]  }
0x89: {  	s3 =	sld [smem:$0x3FFE];
	_ =	sdelay $0x1  }
0x8a: {  	s1 =	srdreg.scid  }
0x8b: {  	s0 =	sand.u32 $0x1, s1  }
0x8c: {  	s17 =	sshll.u32 s0, $0xA;
	s2 =	sadd.s32 s3, s2  }
0x8d: {  	s2 =	sadd.s32 s2, s17  }
0x8e: {  	[smem:$0x3FC0] =	sst s2  }
0x8f: {  	_ = 	snop  }
0x90: {  	s2 =	sld [smem:$0x3FD0];
	(tm) =	ssettm $0x1  }
0x91: {  	s18 =	sld [smem:$0x3FFB];
	_ =	sdelay $0x3  }
0x92: {  	_ =	strace s18  }
0x93: {  	s3 =	sld [smem:$0x3FFC];
	_ =	sdelay $0x3  }
0x94: {  	_ =	strace s3  }
0x95: {  	s3 =	sld [smem:$0x3FFD];
	_ =	sdelay $0x3  }
0x96: {  	_ =	strace s3  }
0x97: {  	_ =	strace $0x8FFFFFFF  }
0x98: {  	s19 =	sld [smem:$0x3FDB];
	_ =	sdelay $0x1  }
0x99: {  	s4 =	simm.s32 $_scs_section_size  }
0x9a: {  	s5 =	simm.s32 $_size__tile_overlayer_lowered;
	s6 =	simm.s32 $_tile_overlayer_lowered  }
0x9b: {  	s22 =	simm.s32 $0x1BFF;
	s21 =	sshll.u32 s6, $0x1;
	s3 =	sadd.s32 s4, s19  }
0x9c: {  	s7 =	simm.s32 $0x0;
	s20 =	sshll.u32 s5, $0x1;
	s5 =	sadd.s32 s21, s3  }
0x9d: {  	[timem:s7], [sflag:s22] =	dma.local [hbm:s5], s20  }
0x9e: {  	_ =	swait.ge [sflag:s22], s20  }
0x9f: {  	s4 =	ssub.s32 $0x0, s20;
	[sflag:s22] =	ssyncset.done $0x0  }
0xa0: {  	[sflag:s22] =	ssyncadd.s32 s4;
	_ =	sdelay $0x1  }
0xa1: {  	s23 =	simm.s32 $0x1B8B  }
0xa2: {  	_ =	swait.ge [sflag:s23], $0x1  }
0xa3: {  	[sflag:s23] =	ssyncset.done $0x0  }
0xa4: {  	s25 =	simm.s32 $0x1B8E;
	s24 =	sld [smem:$0x3FFE];
	[sflag:s23] =	ssyncadd.s32 $0xFFFFFFFF  }
0xa5: {  	s26 =	simm.s32 $execute0_lowered;
	[smem:$0x3FD2] =	sst s25  }
0xa6: {  	s5 =	sshll.u32 s26, $0x1;
	_ =	strace $0x80000046;
	[dreg:$0x1] =	wrdreg $0xFFFFFFFF  }
0xa7: {  	s28 =	simm.s32 $_size_execute0_lowered;
	s3 =	sadd.s32 s3, s5;
	[dreg:$0x0] =	wrdreg $0x0  }
0xa8: {  	s5 =	sshll.u32 s28, $0x1;
	[dreg:$0x2] =	wrdreg s3  }
0xa9: {  	[dreg:$0x3] =	wrdreg s5  }
0xaa: {  	[dreg:$0x4] =	wrdreg $0xC0  }
0xab: {  	_ =	task [dreg:s7], $0x5FFFF  }
0xac: {  	[dreg:$0x1] =	wrdreg $0xFFFFFFFF  }
0xad: {  	[dreg:$0x0] =	wrdreg $0x60  }
0xae: {  	[dreg:$0x2] =	wrdreg s24  }
0xaf: {  	[dreg:$0x3] =	wrdreg s2  }
0xb0: {  	[dreg:$0x4] =	wrdreg $0x8000  }
0xb1: {  	[dreg:$0x5] =	wrdreg $0x9  }
0xb2: {  	_ =	task.clear_ibuf [dreg:s7], $0x6FFFF;
	_ =	strace $0x90000046  }
0xb3: {  	s29 =	simm.s32 $0x9;
	_ =	strace $0x80000048  }
0xb4: {  	_ =	swait.ge [sflag:s29], $0x1  }
0xb5: {  	[sflag:s29] =	ssyncadd.s32 $0xFFFFFFFF  }
0xb6: {  	_ =	strace $0x90000048  }
0xb7: {  	_ =	sfence  }
0xb8: {  	s30 =	sld [smem:$0x0];
	_ =	sdelay $0x2  }
0xb9: {  	s31 =	sshll.u32 s1, $0xD;
	s1 =	sshrl.u32 s1, $0x2  }
0xba: {  	s3 =	sand.u32 $0x4000, s31;
	s1 =	sadd.s32 s1, s30  }
0xbb: {  	s0 =	sor.u32 s3, s0;
	s1 =	sshll.u32 s1, $0x11  }
0xbc: {  	s0 =	sor.u32 s1, s0  }
0xbd: {  	s0 =	sadd.s32 $0x8F2B, s0  }
0xbe: {  	[sflag:s0] =	ssyncadd.remote.s32 $0x1  }
0xbf: {  	_ =	sfence.sel $0xFFFF  }
0xc0: {  	[dreg:$0x0] =	wrdreg $0xFFFFFFFF;
	(pc) =	sbr.abs _section_cstart, $3  }
0xc1: {  	[dreg:$0x1] =	wrdreg $0xFFFFFFFF  }
0xc2: {  	_ =	task.clear_ibuf [dreg:s7], $0x2FFFF;
	_ =	strace $0x9FFFFFFF  }
0xc3: {  	(tm) =	ssettm $0x7FFFFFFF  }
tec
execute0_lowered:
.L_overlay_start_1:
0x0: {  	(tag) =	ssettag $0x1  }
0x1: {  	s5 =	rddreg [dreg:$0x0]  }
0x2: {  	s6 =	rddreg [dreg:$0x1]  }
0x3: {  	s2 =	rddreg [dreg:$0x2]  }
0x4: {  	s0 =	srdreg.scid;
	s1 =	rddreg [dreg:$0x3]  }
0x5: {  	s3 =	simm.s32 $0x0;
	s12 =	simm.s32 $0x400;
	s13 =	simm.s32 $0x1  }
0x6: {  	s14 =	simm.s32 $0x80;
	s15 =	simm.s32 $0x100;
	s16 =	simm.s32 $0x180  }
0x7: {  	s17 =	simm.s32 $0x200;
	s18 =	simm.s32 $0x280;
	s7 =	sand.u32 $0x1, s0  }
0x8: {  	s19 =	simm.s32 $0x300;
	s0 =	stileid.u32;
	s8 =	smul.u32 $0x188000, s7  }
0x9: {  	s20 =	simm.s32 $0x380;
	s21 =	simm.s32 $0x0;
	s9 =	smul.u32 $0x18800, s0  }
0xa: {  	[smem:$0x7FF] =	sst s3;
	s4 =	sadd.s32 $0x2600, s5;
	s10 =	smul.u32 $0xC380, s0  }
0xb: {  	s11 =	smul.u32 $0xC3800, s7;
	_ =	strace $0x80000047;
	s7 =	ssub.s32 $0x2, s7  }
0xc: {  	s31 =	sshll.u32 s0, $0x6;
	s28 =	sshrl.u32 s7, $0x1;
	s8 =	sadd.s32 s9, s8  }
0xd: {  	s24 =	sadd.s32 s10, s11;
	s29 =	ssub.s32 s7, s28;
	s30 =	sshrl.u32 s10, $0x3  }
0xe: {  	s10 =	sadd.s32 s10, s2;
	s11 =	simm.s32 $0x2;
	s8 =	sshrl.u32 s8, $0x3  }
0xf: {  	s9 =	sshrl.u32 s24, $0x3;
	s10 =	sshrl.u32 s10, $0x3;
	s25 =	sadd.s32 s8, s5  }
0x10: {  	s26 =	sadd.s32 s9, s5;
	s5 =	sadd.s32 s6, s30;
	s6 =	sor.u32 $0x1C02, s31  }
0x11: {  	s8 =	smax.u32 s29, $0x1;
	s7 =	sadd.s32 $0x64800, s26;
	s9 =	sadd.s32 $0x2800, s25  }
.LBB2_1:
0x12: {  	[spmem:s10], [sflag:s6] =	dma.local [hbm:s5], $0x1870  }
0x13: {  	_ =	swait.ge [sflag:s11], $0x1870  }
0x14: {  	[sflag:s11] =	ssyncset.done $0x0  }
0x15: {  	[sflag:s11] =	ssyncadd.s32 $0xFFFFE790  }
0x16: {  	[tilespmem:s12], [sflag:$0x2] =	stream.linear.gather [hbm4b:s4+s3], $0x400, $0x38;
	[tilespmem:$0x2070] =	vst v63  }
0x17: {  	_ =	swait.ge [sflag:s11], $0x400  }
0x18: {  	[sflag:s11] =	ssyncset.done $0x0  }
0x19: {  	[sflag:s11] =	ssyncadd.s32 $0xFFFFFC00  }
0x1a: {  	s22 =	sadd.s32 $0x0, s9;
	[bflag:$0x0] =	sbarrier.arrive $0xFFFF  }
0x1b: {  	[tilespmem:s3], [sflag:$0x1] =	stream.linear.gather [hbm4b:s22+s3], $0x400, $0x38;
	[tilespmem:$0x2070] =	vst v63  }
0x1c: {  	_ =	swait.ge [sflag:s13], $0x400  }
0x1d: {  	[sflag:s13] =	ssyncset.done $0x0  }
0x1e: {  	[sflag:s13] =	ssyncadd.s32 $0xFFFFFC00  }
0x1f: {  	[spmem:s2] =	stream.indirect.scatter.add.f32 [tilespmem:s12], [sflag:$0x2], $0x1, s3, s14, $0xb8;
	[tilespmem:$0x2070] =	vst v63  }
0x20: {  	_ =	swait.ge [sflag:s11], $0x80  }
0x21: {  	[sflag:s11] =	ssyncset.done $0x0  }
0x22: {  	[sflag:s11] =	ssyncadd.s32 $0xFFFFFF80  }
0x23: {  	[spmem:s2] =	stream.indirect.scatter.add.f32 [tilespmem:s12], [sflag:$0x2], $0x1, s14, s14, $0xb8;
	[tilespmem:$0x2070] =	vst v63  }
0x24: {  	_ =	swait.ge [sflag:s11], $0x80  }
0x25: {  	[sflag:s11] =	ssyncset.done $0x0  }
0x26: {  	[sflag:s11] =	ssyncadd.s32 $0xFFFFFF80  }
0x27: {  	[spmem:s2] =	stream.indirect.scatter.add.f32 [tilespmem:s12], [sflag:$0x2], $0x1, s15, s14, $0xb8;
	[tilespmem:$0x2070] =	vst v63  }
0x28: {  	_ =	swait.ge [sflag:s11], $0x80  }
0x29: {  	[sflag:s11] =	ssyncset.done $0x0  }
0x2a: {  	[sflag:s11] =	ssyncadd.s32 $0xFFFFFF80  }
0x2b: {  	[spmem:s2] =	stream.indirect.scatter.add.f32 [tilespmem:s12], [sflag:$0x2], $0x1, s16, s14, $0xb8;
	[tilespmem:$0x2070] =	vst v63  }
0x2c: {  	_ =	swait.ge [sflag:s11], $0x80  }
0x2d: {  	[sflag:s11] =	ssyncset.done $0x0  }
0x2e: {  	[sflag:s11] =	ssyncadd.s32 $0xFFFFFF80  }
0x2f: {  	[spmem:s2] =	stream.indirect.scatter.add.f32 [tilespmem:s12], [sflag:$0x2], $0x1, s17, s14, $0xb8;
	[tilespmem:$0x2070] =	vst v63  }
0x30: {  	_ =	swait.ge [sflag:s11], $0x80  }
0x31: {  	[sflag:s11] =	ssyncset.done $0x0  }
0x32: {  	[sflag:s11] =	ssyncadd.s32 $0xFFFFFF80  }
0x33: {  	[spmem:s2] =	stream.indirect.scatter.add.f32 [tilespmem:s12], [sflag:$0x2], $0x1, s18, s14, $0xb8;
	[tilespmem:$0x2070] =	vst v63  }
0x34: {  	_ =	swait.ge [sflag:s11], $0x80  }
0x35: {  	[sflag:s11] =	ssyncset.done $0x0  }
0x36: {  	[sflag:s11] =	ssyncadd.s32 $0xFFFFFF80  }
0x37: {  	[spmem:s2] =	stream.indirect.scatter.add.f32 [tilespmem:s12], [sflag:$0x2], $0x1, s19, s14, $0xb8;
	[tilespmem:$0x2070] =	vst v63  }
0x38: {  	_ =	swait.ge [sflag:s11], $0x80  }
0x39: {  	[sflag:s11] =	ssyncset.done $0x0  }
0x3a: {  	[sflag:s11] =	ssyncadd.s32 $0xFFFFFF80  }
0x3b: {  	[spmem:s2] =	stream.indirect.scatter.add.f32 [tilespmem:s12], [sflag:$0x2], $0x1, s20, s14, $0xb8;
	[tilespmem:$0x2070] =	vst v63  }
0x3c: {  	_ =	swait.ge [sflag:s11], $0x80  }
0x3d: {  	s24 =	simm.s32 $0x100;
	s22 =	simm.s32 $0x80;
	[sflag:s11] =	ssyncset.done $0x0  }
.LBB2_2:
0x3e: {  	s25 =	sadd.s32 s22, s9  }
0x3f: {  	[sflag:s11] =	ssyncadd.s32 $0xFFFFFF80;
	s22 =	smov.u32 s24;
	s23 =	sadd.s32 $0x80, s24  }
0x40: {  	[tilespmem:s3], [sflag:$0x1] =	stream.linear.gather [hbm4b:s25+s3], $0x400, $0x38;
	[tilespmem:$0x2070] =	vst v63  }
0x41: {  	p0 =	sne.s32 s24, $0x3080;
	_ =	swait.ge [sflag:s13], $0x400  }
0x42: {  	[sflag:s13] =	ssyncset.done $0x0  }
0x43: {  	[sflag:s13] =	ssyncadd.s32 $0xFFFFFC00  }
0x44: {  	[spmem:s2] =	stream.indirect.scatter.add.f32 [tilespmem:s12], [sflag:$0x2], $0x1, s3, s14, $0xb8;
	[tilespmem:$0x2070] =	vst v63  }
0x45: {  	_ =	swait.ge [sflag:s11], $0x80  }
0x46: {  	[sflag:s11] =	ssyncset.done $0x0  }
0x47: {  	[sflag:s11] =	ssyncadd.s32 $0xFFFFFF80  }
0x48: {  	[spmem:s2] =	stream.indirect.scatter.add.f32 [tilespmem:s12], [sflag:$0x2], $0x1, s14, s14, $0xb8;
	[tilespmem:$0x2070] =	vst v63  }
0x49: {  	_ =	swait.ge [sflag:s11], $0x80  }
0x4a: {  	[sflag:s11] =	ssyncset.done $0x0  }
0x4b: {  	[sflag:s11] =	ssyncadd.s32 $0xFFFFFF80  }
0x4c: {  	[spmem:s2] =	stream.indirect.scatter.add.f32 [tilespmem:s12], [sflag:$0x2], $0x1, s15, s14, $0xb8;
	[tilespmem:$0x2070] =	vst v63  }
0x4d: {  	_ =	swait.ge [sflag:s11], $0x80  }
0x4e: {  	[sflag:s11] =	ssyncset.done $0x0  }
0x4f: {  	[sflag:s11] =	ssyncadd.s32 $0xFFFFFF80  }
0x50: {  	[spmem:s2] =	stream.indirect.scatter.add.f32 [tilespmem:s12], [sflag:$0x2], $0x1, s16, s14, $0xb8;
	[tilespmem:$0x2070] =	vst v63  }
0x51: {  	_ =	swait.ge [sflag:s11], $0x80  }
0x52: {  	[sflag:s11] =	ssyncset.done $0x0  }
0x53: {  	[sflag:s11] =	ssyncadd.s32 $0xFFFFFF80  }
0x54: {  	[spmem:s2] =	stream.indirect.scatter.add.f32 [tilespmem:s12], [sflag:$0x2], $0x1, s17, s14, $0xb8;
	[tilespmem:$0x2070] =	vst v63  }
0x55: {  	_ =	swait.ge [sflag:s11], $0x80  }
0x56: {  	[sflag:s11] =	ssyncset.done $0x0  }
0x57: {  	[sflag:s11] =	ssyncadd.s32 $0xFFFFFF80  }
0x58: {  	[spmem:s2] =	stream.indirect.scatter.add.f32 [tilespmem:s12], [sflag:$0x2], $0x1, s18, s14, $0xb8;
	[tilespmem:$0x2070] =	vst v63  }
0x59: {  	_ =	swait.ge [sflag:s11], $0x80  }
0x5a: {  	[sflag:s11] =	ssyncset.done $0x0  }
0x5b: {  	[sflag:s11] =	ssyncadd.s32 $0xFFFFFF80  }
0x5c: {  	[spmem:s2] =	stream.indirect.scatter.add.f32 [tilespmem:s12], [sflag:$0x2], $0x1, s19, s14, $0xb8;
	[tilespmem:$0x2070] =	vst v63  }
0x5d: {  	_ =	swait.ge [sflag:s11], $0x80  }
.Ltmp0:
0x5e: {  	[sflag:s11] =	ssyncset.done $0x0;
	(pc) =	sbr.rel @p0 .LBB2_2-.Ltmp0, $4  }
0x5f: {  	[sflag:s11] =	ssyncadd.s32 $0xFFFFFF80  }
0x60: {  	[spmem:s2] =	stream.indirect.scatter.add.f32 [tilespmem:s12], [sflag:$0x2], $0x1, s20, s14, $0xb8;
	[tilespmem:$0x2070] =	vst v63  }
0x61: {  	_ =	swait.ge [sflag:s11], $0x80  }
0x62: {  	s24 =	smov.u32 s23;
	[sflag:s11] =	ssyncset.done $0x0  }
0x63: {  	s22 =	sadd.s32 s22, s9;
	[sflag:s11] =	ssyncadd.s32 $0xFFFFFF80  }
0x64: {  	[tilespmem:s3], [sflag:$0x1] =	stream.linear.gather [hbm4b:s22+s3], $0x400, $0x38;
	[tilespmem:$0x2070] =	vst v63  }
0x65: {  	_ =	swait.ge [sflag:s13], $0x400  }
0x66: {  	[sflag:s13] =	ssyncset.done $0x0  }
0x67: {  	[sflag:s13] =	ssyncadd.s32 $0xFFFFFC00  }
0x68: {  	[spmem:s2] =	stream.indirect.scatter.add.f32 [tilespmem:s12], [sflag:$0x2], $0x1, s3, s14, $0xb8;
	[tilespmem:$0x2070] =	vst v63  }
0x69: {  	_ =	swait.ge [sflag:s11], $0x80  }
0x6a: {  	[sflag:s11] =	ssyncset.done $0x0  }
0x6b: {  	[sflag:s11] =	ssyncadd.s32 $0xFFFFFF80  }
0x6c: {  	[spmem:s2] =	stream.indirect.scatter.add.f32 [tilespmem:s12], [sflag:$0x2], $0x1, s14, s14, $0xb8;
	[tilespmem:$0x2070] =	vst v63  }
0x6d: {  	_ =	swait.ge [sflag:s11], $0x80  }
0x6e: {  	[sflag:s11] =	ssyncset.done $0x0  }
0x6f: {  	[sflag:s11] =	ssyncadd.s32 $0xFFFFFF80  }
0x70: {  	[spmem:s2] =	stream.indirect.scatter.add.f32 [tilespmem:s12], [sflag:$0x2], $0x1, s15, s14, $0xb8;
	[tilespmem:$0x2070] =	vst v63  }
0x71: {  	_ =	swait.ge [sflag:s11], $0x80  }
0x72: {  	[sflag:s11] =	ssyncset.done $0x0  }
0x73: {  	[sflag:s11] =	ssyncadd.s32 $0xFFFFFF80  }
0x74: {  	[spmem:s2] =	stream.indirect.scatter.add.f32 [tilespmem:s12], [sflag:$0x2], $0x1, s16, s14, $0xb8;
	[tilespmem:$0x2070] =	vst v63  }
0x75: {  	_ =	swait.ge [sflag:s11], $0x80  }
0x76: {  	[sflag:s11] =	ssyncset.done $0x0  }
0x77: {  	[sflag:s11] =	ssyncadd.s32 $0xFFFFFF80  }
0x78: {  	[spmem:s2] =	stream.indirect.scatter.add.f32 [tilespmem:s12], [sflag:$0x2], $0x1, s17, s14, $0xb8;
	[tilespmem:$0x2070] =	vst v63  }
0x79: {  	_ =	swait.ge [sflag:s11], $0x80  }
0x7a: {  	[sflag:s11] =	ssyncset.done $0x0  }
0x7b: {  	[sflag:s11] =	ssyncadd.s32 $0xFFFFFF80  }
0x7c: {  	[spmem:s2] =	stream.indirect.scatter.add.f32 [tilespmem:s12], [sflag:$0x2], $0x1, s18, s14, $0xb8;
	[tilespmem:$0x2070] =	vst v63  }
0x7d: {  	_ =	swait.ge [sflag:s11], $0x80  }
0x7e: {  	[sflag:s11] =	ssyncset.done $0x0  }
0x7f: {  	[sflag:s11] =	ssyncadd.s32 $0xFFFFFF80  }
0x80: {  	[spmem:s2] =	stream.indirect.scatter.add.f32 [tilespmem:s12], [sflag:$0x2], $0x1, s19, s14, $0xb8;
	[tilespmem:$0x2070] =	vst v63  }
0x81: {  	_ =	swait.ge [sflag:s11], $0x80  }
0x82: {  	[sflag:s11] =	ssyncset.done $0x0  }
0x83: {  	[sflag:s11] =	ssyncadd.s32 $0xFFFFFF80  }
0x84: {  	[spmem:s2] =	stream.indirect.scatter.add.f32 [tilespmem:s12], [sflag:$0x2], $0x1, s20, s14, $0xb8;
	[tilespmem:$0x2070] =	vst v63  }
0x85: {  	_ =	swait.ge [sflag:s11], $0x80  }
0x86: {  	s21 =	sadd.s32 $0x1, s21;
	[sflag:s11] =	ssyncset.done $0x0  }
0x87: {  	p0 =	sne.s32 s21, s8;
	[sflag:s11] =	ssyncadd.s32 $0xFFFFFF80  }
.Ltmp1:
0x88: {  	[bflag:$0x0] =	sbarrier.arrive $0xFFFF;
	(pc) =	sbr.rel @p0 .LBB2_1-.Ltmp1, $4  }
0x89: {  	[hbm:s7], [sflag:s6] =	dma.local [spmem:s10], $0x1870  }
0x8a: {  	_ =	swait.ge [sflag:s11], $0x1870  }
0x8b: {  	[sflag:s11] =	ssyncset.done $0x0  }
0x8c: {  	[sflag:s11] =	ssyncadd.s32 $0xFFFFE790  }
0x8d: {  	_ =	sfence.sel $0x180000  }
0x8e: {  	[bflag:$0x0] =	sbarrier.arrive $0xFFFF  }
0x8f: {  	p0 =	sne.s32 s0, $0x0;
	_ =	strace $0x90000047  }
0x90: {  	s0 =	sadd.s32 @!p0 $0x100000, s1;
	[bflag:$0x2] =	sbarrier.arrive $0xFFFF  }
0x91: {  	[sflag:s0] =	ssyncadd.tile.s32 @!p0 $0x1;
	_ =	shalt  }
.Lfunc_end2:
_tile_overlayer_lowered:
.L_overlay_start_2:
0x92: {  	(tag) =	ssettag $0x2  }
0x93: {  	s0 =	rddreg [dreg:$0x0];
	s2 =	stileid.u32  }
0x94: {  	s1 =	rddreg [dreg:$0x1];
	p0 =	sne.s32 s2, $0x0  }
0x95: {  	s3 =	rddreg [dreg:$0x2];
	[bflag:$0x3] =	sbarrier.arrive $0xFFFF;
	s2 =	simm.s32 @!p0 $0x1C02  }
0x96: {  	[timem:s3], [sflag:s2] =	dma.local @!p0 [hbm:s0], s1  }
0x97: {  	s0 =	simm.s32 @!p0 $0x2  }
0x98: {  	_ =	swait.ge @!p0 [sflag:s0], s1  }
0x99: {  	s1 =	ssub.s32 @!p0 $0x0, s1;
	[sflag:s0] =	ssyncset.done @!p0 $0x0  }
0x9a: {  	[sflag:s0] =	ssyncadd.s32 @!p0 s1  }
0x9b: {  	[bflag:$0x3] =	sbarrier.arrive $0xFFFF  }
0x9c: {  	_ =	shalt  }

// kernel: kernel.13.cloned.1.call-start
scs
__scs_entry_jumppad:
0x0: {  	(pc) =	sbr.rel $0x88, $3  }
0x1: {  	(tag) =	ssettag $0x0;
	lr =	simm.s32 $0x1  }
0x2: {  	[smem:$0x3F99] =	sst lr;
	_ =	strace $0xD0000000  }
0x3: {  	_ = 	snop  }
0x4: {  	_ = 	snop  }
0x5: {  	_ = 	snop  }
0x6: {  	_ = 	snop  }
0x7: {  	_ = 	snop  }
__scs_overlays_trampoline_lowered:
0x8: {  	[smem:$0x3FA8] =	sst s0  }
0x9: {  	[smem:$0x3FA9] =	sst s1  }
0xa: {  	[smem:$0x3FAA] =	sst s2  }
0xb: {  	[smem:$0x3FAB] =	sst s3  }
0xc: {  	[smem:$0x3FAC] =	sst s4  }
0xd: {  	[smem:$0x3FAD] =	sst s5  }
0xe: {  	[smem:$0x3FAE] =	sst s6  }
0xf: {  	[smem:$0x3FAF] =	sst s7  }
0x10: {  	[smem:$0x3FB0] =	sst s8  }
0x11: {  	[smem:$0x3FB1] =	sst s9;
	s0 =	simm.s32 @!p0 $0x0  }
0x12: {  	s1 =	sld [smem:$0x3F97];
	s0 =	simm.s32 @p0 $0x1  }
0x13: {  	[smem:$0x3FB2] =	sst s0;
	s0 =	simm.s32 @!p1 $0x0  }
0x14: {  	s2 =	sld [smem:$0x3F96];
	s0 =	simm.s32 @p1 $0x1  }
0x15: {  	[smem:$0x3FB3] =	sst s0;
	s0 =	simm.s32 @!p2 $0x0  }
0x16: {  	s3 =	sld [smem:$0x3FDB];
	s0 =	simm.s32 @p2 $0x1  }
0x17: {  	s4 =	simm.s32 $0x1BF5;
	[smem:$0x3FB5] =	sst s0  }
0x18: {  	s0 =	sld [smem:$0x3F98];
	_ =	swait.ge [sflag:s4], $0x0  }
0x19: {  	s7 =	sld [smem:$0x3F99]  }
0x1a: {  	s8 =	sadd.s32 $0xFFFFE003, lr  }
0x1b: {  	s9 =	sadd.s32 $0xFFFFFEF7, lr;
	s5 =	simm.s32 $0xFFFFFFFF;
	p2 =	slt.u32 s8, $0xFFFFF086  }
0x1c: {  	p1 =	slt.u32 s9, $0xF7A;
	s5 =	simm.s32 @!p2 $0x0  }
0x1d: {  	s5 =	simm.s32 @p1 $0x1;
	p0 =	seq.s32 s7, s2  }
0x1e: {  	s7 =	smul.u32 @!p0 $0xF7A, s2;
	p2 =	seq.s32 @!p0 s5, $0x0  }
0x1f: {  	s9 =	smul.u32 $0xF7A, s1;
	s8 =	simm.s32 @!p0 $0x1BF5;
	p2 =	por !p2, p0  }
0x20: {  	[sflag:s8] =	ssyncset.s32 @!p0 $0xFFFFF086;
	s6 =	sadd.s32 @!p0 s3, s7;
	s7 =	simm.s32 @!p0 $0x108  }
0x21: {  	s3 =	sadd.s32 s3, s9;
	s6 =	sadd.s32 @!p0 $0x88, s6;
	s7 =	simm.s32 @p2 $0x1082  }
0x22: {  	[simem:s7], [sflag:s8] =	dma.local @!p0 [hbm:s6], $0xF7A  }
0x23: {  	s9 =	sor.u32 $0xD0000000, s2;
	s6 =	simm.s32 $0x108;
	_ =	swait.ge @!p0 [sflag:s8], $0x0  }
0x24: {  	s3 =	sadd.s32 $0x88, s3;
	s6 =	simm.s32 @!p1 $0x1082;
	[sflag:s4] =	ssyncset.s32 $0xFFFFF086  }
0x25: {  	[simem:s6], [sflag:s4] =	dma.local [hbm:s3], $0xF7A  }
0x26: {  	[smem:$0x3F99] =	sst s1;
	(tag) =	ssettag s2;
	_ =	strace s9  }
0x27: {  	s1 =	sld [smem:$0x3FA9]  }
0x28: {  	s2 =	sld [smem:$0x3FAA]  }
0x29: {  	s4 =	sld [smem:$0x3FAC]  }
0x2a: {  	p0 =	seq.s32 s5, $0x0;
	s5 =	sld [smem:$0x3FAD]  }
0x2b: {  	s6 =	sld [smem:$0x3FAE]  }
0x2c: {  	s7 =	sld [smem:$0x3FAF]  }
0x2d: {  	s3 =	simm.s32 $0x108;
	s8 =	sld [smem:$0x3FB0]  }
0x2e: {  	s3 =	simm.s32 @!p0 $0x1082;
	s9 =	sld [smem:$0x3FB1]  }
0x2f: {  	lr =	sadd.s32 s0, s3;
	s0 =	sld [smem:$0x3FA8]  }
0x30: {  	s3 =	sld [smem:$0x3FAB]  }
0x31: {  	[smem:$0x3FB4] =	sst s10  }
0x32: {  	s10 =	sld [smem:$0x3FB2];
	_ =	sdelay $0x3  }
0x33: {  	p0 =	seq.s32 s10, $0x1;
	s10 =	sld [smem:$0x3FB4];
	_ =	sdelay $0x3  }
0x34: {  	[smem:$0x3FB4] =	sst s10  }
0x35: {  	s10 =	sld [smem:$0x3FB3];
	_ =	sdelay $0x3  }
0x36: {  	p1 =	seq.s32 s10, $0x1;
	s10 =	sld [smem:$0x3FB4];
	_ =	sdelay $0x3  }
0x37: {  	[smem:$0x3FB4] =	sst s10  }
0x38: {  	s10 =	sld [smem:$0x3FB5]  }
0x39: {  	_ = 	snop;
	(pc) =	sbr.ind lr, $3  }
0x3a: {  	_ = 	snop  }
0x3b: {  	_ = 	snop  }
0x3c: {  	p2 =	seq.s32 s10, $0x1;
	s10 =	sld [smem:$0x3FB4]  }
0x3d: {  	_ =	shalt  }
0x3e: {  	_ =	shalt  }
0x3f: {  	_ =	shalt  }
0x40: {  	_ =	shalt  }
0x41: {  	_ =	shalt  }
0x42: {  	_ =	shalt  }
0x43: {  	_ =	shalt  }
0x44: {  	_ =	shalt  }
0x45: {  	_ =	shalt  }
0x46: {  	_ =	shalt  }
0x47: {  	_ =	shalt  }
0x48: {  	_ =	shalt  }
0x49: {  	_ =	shalt  }
0x4a: {  	_ =	shalt  }
0x4b: {  	_ =	shalt  }
0x4c: {  	_ =	shalt  }
0x4d: {  	_ =	shalt  }
0x4e: {  	_ =	shalt  }
0x4f: {  	_ =	shalt  }
0x50: {  	_ =	shalt  }
0x51: {  	_ =	shalt  }
0x52: {  	_ =	shalt  }
0x53: {  	_ =	shalt  }
0x54: {  	_ =	shalt  }
0x55: {  	_ =	shalt  }
0x56: {  	_ =	shalt  }
0x57: {  	_ =	shalt  }
0x58: {  	_ =	shalt  }
0x59: {  	_ =	shalt  }
0x5a: {  	_ =	shalt  }
0x5b: {  	_ =	shalt  }
0x5c: {  	_ =	shalt  }
0x5d: {  	_ =	shalt  }
0x5e: {  	_ =	shalt  }
0x5f: {  	_ =	shalt  }
0x60: {  	_ =	shalt  }
0x61: {  	_ =	shalt  }
0x62: {  	_ =	shalt  }
0x63: {  	_ =	shalt  }
0x64: {  	_ =	shalt  }
0x65: {  	_ =	shalt  }
0x66: {  	_ =	shalt  }
0x67: {  	_ =	shalt  }
0x68: {  	_ =	shalt  }
0x69: {  	_ =	shalt  }
0x6a: {  	_ =	shalt  }
0x6b: {  	_ =	shalt  }
0x6c: {  	_ =	shalt  }
0x6d: {  	_ =	shalt  }
0x6e: {  	_ =	shalt  }
0x6f: {  	_ =	shalt  }
0x70: {  	_ =	shalt  }
0x71: {  	_ =	shalt  }
0x72: {  	_ =	shalt  }
0x73: {  	_ =	shalt  }
0x74: {  	_ =	shalt  }
0x75: {  	_ =	shalt  }
0x76: {  	_ =	shalt  }
0x77: {  	_ =	shalt  }
0x78: {  	_ =	shalt  }
0x79: {  	_ =	shalt  }
0x7a: {  	_ =	shalt  }
0x7b: {  	_ =	shalt  }
0x7c: {  	_ =	shalt  }
0x7d: {  	_ =	shalt  }
0x7e: {  	_ =	shalt  }
0x7f: {  	_ =	shalt  }
0x80: {  	_ =	shalt  }
0x81: {  	_ =	shalt  }
0x82: {  	_ =	shalt  }
0x83: {  	_ =	shalt  }
0x84: {  	_ =	shalt  }
0x85: {  	_ =	shalt  }
0x86: {  	_ =	shalt  }
0x87: {  	_ =	shalt  }
.Lfunc_end0:
.L_simem_size_0:
called_computation.1_lowered:
.L_overlay_start_0:
0x88: {  	s2 =	sld [smem:$0x3FD9]  }
0x89: {  	s3 =	sld [smem:$0x3FFE];
	_ =	sdelay $0x1  }
0x8a: {  	s1 =	srdreg.scid  }
0x8b: {  	s0 =	sand.u32 $0x1, s1  }
0x8c: {  	s17 =	sshll.u32 s0, $0xA;
	s2 =	sadd.s32 s3, s2  }
0x8d: {  	s2 =	sadd.s32 s2, s17  }
0x8e: {  	[smem:$0x3FC0] =	sst s2  }
0x8f: {  	_ = 	snop  }
0x90: {  	s2 =	sld [smem:$0x3FD0];
	(tm) =	ssettm $0x1  }
0x91: {  	s18 =	sld [smem:$0x3FFB];
	_ =	sdelay $0x3  }
0x92: {  	_ =	strace s18  }
0x93: {  	s3 =	sld [smem:$0x3FFC];
	_ =	sdelay $0x3  }
0x94: {  	_ =	strace s3  }
0x95: {  	s3 =	sld [smem:$0x3FFD];
	_ =	sdelay $0x3  }
0x96: {  	_ =	strace s3  }
0x97: {  	_ =	strace $0x8FFFFFFF  }
0x98: {  	s19 =	sld [smem:$0x3FDB];
	_ =	sdelay $0x1  }
0x99: {  	s4 =	simm.s32 $_scs_section_size  }
0x9a: {  	s5 =	simm.s32 $_size__tile_overlayer_lowered;
	s6 =	simm.s32 $_tile_overlayer_lowered  }
0x9b: {  	s22 =	simm.s32 $0x1BFF;
	s21 =	sshll.u32 s6, $0x1;
	s3 =	sadd.s32 s4, s19  }
0x9c: {  	s7 =	simm.s32 $0x0;
	s20 =	sshll.u32 s5, $0x1;
	s5 =	sadd.s32 s21, s3  }
0x9d: {  	[timem:s7], [sflag:s22] =	dma.local [hbm:s5], s20  }
0x9e: {  	_ =	swait.ge [sflag:s22], s20  }
0x9f: {  	s4 =	ssub.s32 $0x0, s20;
	[sflag:s22] =	ssyncset.done $0x0  }
0xa0: {  	[sflag:s22] =	ssyncadd.s32 s4;
	_ =	sdelay $0x1  }
0xa1: {  	s23 =	simm.s32 $0x1B8B  }
0xa2: {  	_ =	swait.ge [sflag:s23], $0x1  }
0xa3: {  	[sflag:s23] =	ssyncset.done $0x0  }
0xa4: {  	s25 =	simm.s32 $0x1B8E;
	s24 =	sld [smem:$0x3FFE];
	[sflag:s23] =	ssyncadd.s32 $0xFFFFFFFF  }
0xa5: {  	s26 =	simm.s32 $execute0_lowered;
	[smem:$0x3FD2] =	sst s25  }
0xa6: {  	s5 =	sshll.u32 s26, $0x1;
	_ =	strace $0x80000049;
	[dreg:$0x1] =	wrdreg $0xFFFFFFFF  }
0xa7: {  	s28 =	simm.s32 $_size_execute0_lowered;
	s3 =	sadd.s32 s3, s5;
	[dreg:$0x0] =	wrdreg $0x0  }
0xa8: {  	s5 =	sshll.u32 s28, $0x1;
	[dreg:$0x2] =	wrdreg s3  }
0xa9: {  	[dreg:$0x3] =	wrdreg s5  }
0xaa: {  	[dreg:$0x4] =	wrdreg $0xC0  }
0xab: {  	_ =	task [dreg:s7], $0x5FFFF  }
0xac: {  	[dreg:$0x1] =	wrdreg $0xFFFFFFFF  }
0xad: {  	[dreg:$0x0] =	wrdreg $0x60  }
0xae: {  	[dreg:$0x2] =	wrdreg s2  }
0xaf: {  	[dreg:$0x3] =	wrdreg s24  }
0xb0: {  	[dreg:$0x4] =	wrdreg $0x28000  }
0xb1: {  	[dreg:$0x5] =	wrdreg $0x9  }
0xb2: {  	_ =	task.clear_ibuf [dreg:s7], $0x6FFFF;
	_ =	strace $0x90000049  }
0xb3: {  	s29 =	simm.s32 $0x9;
	_ =	strace $0x8000004B  }
0xb4: {  	_ =	swait.ge [sflag:s29], $0x1  }
0xb5: {  	[sflag:s29] =	ssyncadd.s32 $0xFFFFFFFF  }
0xb6: {  	_ =	strace $0x9000004B  }
0xb7: {  	_ =	sfence  }
0xb8: {  	s30 =	sld [smem:$0x0];
	_ =	sdelay $0x2  }
0xb9: {  	s31 =	sshll.u32 s1, $0xD;
	s1 =	sshrl.u32 s1, $0x2  }
0xba: {  	s3 =	sand.u32 $0x4000, s31;
	s1 =	sadd.s32 s1, s30  }
0xbb: {  	s0 =	sor.u32 s3, s0;
	s1 =	sshll.u32 s1, $0x11  }
0xbc: {  	s0 =	sor.u32 s1, s0  }
0xbd: {  	s0 =	sadd.s32 $0x8F2B, s0  }
0xbe: {  	[sflag:s0] =	ssyncadd.remote.s32 $0x1  }
0xbf: {  	_ =	sfence.sel $0xFFFF  }
0xc0: {  	[dreg:$0x0] =	wrdreg $0xFFFFFFFF;
	(pc) =	sbr.abs _section_cstart, $3  }
0xc1: {  	[dreg:$0x1] =	wrdreg $0xFFFFFFFF  }
0xc2: {  	_ =	task.clear_ibuf [dreg:s7], $0x2FFFF;
	_ =	strace $0x9FFFFFFF  }
0xc3: {  	(tm) =	ssettm $0x7FFFFFFF  }
tec
execute0_lowered:
.L_overlay_start_1:
0x0: {  	(tag) =	ssettag $0x1  }
0x1: {  	s1 =	rddreg [dreg:$0x0]  }
0x2: {  	s10 =	stileid.u32;
	s2 =	rddreg [dreg:$0x1]  }
0x3: {  	s0 =	srdreg.scid;
	s3 =	rddreg [dreg:$0x2]  }
0x4: {  	s4 =	simm.s32 $0x0;
	s11 =	simm.s32 $0x400;
	s12 =	simm.s32 $0x2  }
0x5: {  	s13 =	simm.s32 $0x80;
	s25 =	simm.s32 $0x100;
	s14 =	simm.s32 $0x800  }
0x6: {  	s26 =	simm.s32 $0x180;
	s15 =	simm.s32 $0xC00;
	s16 =	simm.s32 $0x1000  }
0x7: {  	s17 =	simm.s32 $0x1400;
	s19 =	simm.s32 $0x1800;
	s28 =	simm.s32 $0x480  }
0x8: {  	s29 =	simm.s32 $0x500;
	s30 =	simm.s32 $0x580;
	s5 =	smul.u32 $0xC380, s10  }
0x9: {  	s31 =	simm.s32 $0x600;
	s0 =	sand.u32 $0x1, s0;
	s7 =	smul.u32 $0x18800, s10  }
0xa: {  	[smem:$0x7FF] =	sst s4;
	s23 =	sshll.u32 s10, $0x6;
	s10 =	simm.s32 $0x3  }
0xb: {  	s6 =	smul.u32 $0x188000, s0;
	_ =	strace $0x8000004A;
	[dreg:$0x6] =	wrdreg s25  }
0xc: {  	s9 =	smul.u32 $0xC3800, s0;
	s0 =	ssub.s32 $0x2, s0;
	[dreg:$0x7] =	wrdreg s26  }
0xd: {  	s25 =	simm.s32 $0x2400;
	s26 =	simm.s32 $0x1;
	s8 =	sshrl.u32 s5, $0x3  }
0xe: {  	s21 =	sshrl.u32 s0, $0x1;
	s8 =	sadd.s32 s8, s2;
	s6 =	sadd.s32 s7, s6  }
0xf: {  	s20 =	sadd.s32 s5, s9;
	s0 =	ssub.s32 s0, s21;
	s5 =	sadd.s32 s5, s3  }
0x10: {  	s21 =	simm.s32 $0x1C00;
	s9 =	simm.s32 $0x0;
	s6 =	sshrl.u32 s6, $0x3  }
0x11: {  	s7 =	sshrl.u32 s20, $0x3;
	s22 =	sadd.s32 $0x64800, s8;
	s0 =	smax.u32 s0, $0x1  }
0x12: {  	s8 =	sshrl.u32 s5, $0x3;
	s20 =	simm.s32 $0x280;
	[dreg:$0x8] =	wrdreg s22  }
0x13: {  	s5 =	simm.s32 $0x780;
	s6 =	sadd.s32 s6, s2;
	[dreg:$0xb] =	wrdreg s0  }
0x14: {  	s2 =	sadd.s32 s7, s2;
	s7 =	sor.u32 $0x1C03, s23;
	[dreg:$0xc] =	wrdreg s8  }
0x15: {  	s22 =	simm.s32 $0x300;
	s24 =	sadd.s32 $0x2800, s6;
	[dreg:$0x9] =	wrdreg s7  }
0x16: {  	s23 =	simm.s32 $0x2000;
	s2 =	sadd.s32 $0xF7600, s2;
	[dreg:$0x4] =	wrdreg s24  }
0x17: {  	s0 =	simm.s32 $0x700;
	s6 =	sadd.s32 $0x95600, s6;
	[dreg:$0xa] =	wrdreg s2  }
0x18: {  	[dreg:$0x5] =	wrdreg s6;
	s24 =	simm.s32 $0x380;
	s2 =	simm.s32 $0x680  }
.LBB2_1:
0x19: {  	[dreg:$0xd] =	wrdreg s9  }
0x1a: {  	s6 =	rddreg [dreg:$0x8]  }
0x1b: {  	[spmem:s8], [sflag:s7] =	dma.local [hbm:s6], $0x1870  }
0x1c: {  	_ =	swait.ge [sflag:s10], $0x1870  }
0x1d: {  	[sflag:s10] =	ssyncset.done $0x0  }
0x1e: {  	[sflag:s10] =	ssyncadd.s32 $0xFFFFE790  }
0x1f: {  	[bflag:$0x0] =	sbarrier.arrive $0xFFFF  }
0x20: {  	s9 =	rddreg [dreg:$0x5]  }
0x21: {  	s18 =	rddreg [dreg:$0x4];
	s6 =	sadd.s32 $0x0, s9  }
0x22: {  	[tilespmem:s4], [sflag:$0x2] =	stream.linear.gather [hbm4b:s6+s4], $0x400, $0x38;
	[tilespmem:$0xEB80] =	vst v63  }
0x23: {  	s7 =	sadd.s32 $0x0, s18  }
0x24: {  	[tilespmem:s11], [sflag:$0x2] =	stream.linear.gather [hbm4b:s7+s4], $0x400, $0x38;
	[tilespmem:$0xEB80] =	vst v63  }
0x25: {  	_ =	swait.ge [sflag:s12], $0x400  }
0x26: {  	[sflag:s12] =	ssyncset.done $0x0  }
0x27: {  	[sflag:s12] =	ssyncadd.s32 $0xFFFFFC00  }
0x28: {  	_ =	swait.ge [sflag:s12], $0x400  }
0x29: {  	[sflag:s12] =	ssyncset.done $0x0  }
0x2a: {  	[sflag:s12] =	ssyncadd.s32 $0xFFFFFC00  }
0x2b: {  	[tilespmem:s14], [sflag:$0x1] =	stream.indirect.gather [hbm4b:s1+s13], $0x8, s4, s13, $0xb8;
	[tilespmem:$0xEB80] =	vst v63  }
0x2c: {  	_ = 	snop  }
0x2d: {  	[tilespmem:s15], [sflag:$0x1] =	stream.indirect.gather [hbm4b:s1+s13], $0x8, s13, s13, $0xb8;
	[tilespmem:$0xEB80] =	vst v63  }
0x2e: {  	s8 =	rddreg [dreg:$0x6]  }
0x2f: {  	[tilespmem:s16], [sflag:$0x1] =	stream.indirect.gather [hbm4b:s1+s13], $0x8, s8, s13, $0xb8;
	[tilespmem:$0xEB80] =	vst v63  }
0x30: {  	s9 =	rddreg [dreg:$0x7]  }
0x31: {  	[tilespmem:s17], [sflag:$0x1] =	stream.indirect.gather [hbm4b:s1+s13], $0x8, s9, s13, $0xb8;
	[tilespmem:$0xEB80] =	vst v63  }
0x32: {  	s18 =	simm.s32 $0x200  }
0x33: {  	[tilespmem:s19], [sflag:$0x1] =	stream.indirect.gather [hbm4b:s1+s13], $0x8, s18, s13, $0xb8;
	[tilespmem:$0xEB80] =	vst v63  }
0x34: {  	_ = 	snop  }
0x35: {  	[tilespmem:s21], [sflag:$0x1] =	stream.indirect.gather [hbm4b:s1+s13], $0x8, s20, s13, $0xb8;
	[tilespmem:$0xEB80] =	vst v63  }
0x36: {  	_ = 	snop  }
0x37: {  	[tilespmem:s23], [sflag:$0x1] =	stream.indirect.gather [hbm4b:s1+s13], $0x8, s22, s13, $0xb8;
	[tilespmem:$0xEB80] =	vst v63  }
0x38: {  	_ = 	snop  }
0x39: {  	[tilespmem:s25], [sflag:$0x1] =	stream.indirect.gather [hbm4b:s1+s13], $0x8, s24, s13, $0xb8;
	[tilespmem:$0xEB80] =	vst v63  }
0x3a: {  	_ =	swait.ge [sflag:s26], $0x400  }
0x3b: {  	[sflag:s26] =	ssyncset.done $0x0  }
0x3c: {  	[sflag:s26] =	ssyncadd.s32 $0xFFFFFC00  }
0x3d: {  	[spmem:s3] =	stream.indirect.scatter.add.f32 [tilespmem:s14], [sflag:$0x3], $0x8, s11, s13, $0xb8;
	[tilespmem:$0xEB80] =	vst v63  }
0x3e: {  	_ =	swait.ge [sflag:s10], $0x400  }
0x3f: {  	[sflag:s10] =	ssyncset.done $0x0  }
0x40: {  	[sflag:s10] =	ssyncadd.s32 $0xFFFFFC00  }
0x41: {  	_ =	swait.ge [sflag:s26], $0x400  }
0x42: {  	[sflag:s26] =	ssyncset.done $0x0  }
0x43: {  	[sflag:s26] =	ssyncadd.s32 $0xFFFFFC00  }
0x44: {  	[spmem:s3] =	stream.indirect.scatter.add.f32 [tilespmem:s15], [sflag:$0x3], $0x8, s28, s13, $0xb8;
	[tilespmem:$0xEB80] =	vst v63  }
0x45: {  	_ =	swait.ge [sflag:s10], $0x400  }
0x46: {  	[sflag:s10] =	ssyncset.done $0x0  }
0x47: {  	[sflag:s10] =	ssyncadd.s32 $0xFFFFFC00  }
0x48: {  	_ =	swait.ge [sflag:s26], $0x400  }
0x49: {  	[sflag:s26] =	ssyncset.done $0x0  }
0x4a: {  	[sflag:s26] =	ssyncadd.s32 $0xFFFFFC00  }
0x4b: {  	[spmem:s3] =	stream.indirect.scatter.add.f32 [tilespmem:s16], [sflag:$0x3], $0x8, s29, s13, $0xb8;
	[tilespmem:$0xEB80] =	vst v63  }
0x4c: {  	_ =	swait.ge [sflag:s10], $0x400  }
0x4d: {  	[sflag:s10] =	ssyncset.done $0x0  }
0x4e: {  	[sflag:s10] =	ssyncadd.s32 $0xFFFFFC00  }
0x4f: {  	_ =	swait.ge [sflag:s26], $0x400  }
0x50: {  	[sflag:s26] =	ssyncset.done $0x0  }
0x51: {  	[sflag:s26] =	ssyncadd.s32 $0xFFFFFC00  }
0x52: {  	[spmem:s3] =	stream.indirect.scatter.add.f32 [tilespmem:s17], [sflag:$0x3], $0x8, s30, s13, $0xb8;
	[tilespmem:$0xEB80] =	vst v63  }
0x53: {  	_ =	swait.ge [sflag:s10], $0x400  }
0x54: {  	[sflag:s10] =	ssyncset.done $0x0  }
0x55: {  	[sflag:s10] =	ssyncadd.s32 $0xFFFFFC00  }
0x56: {  	_ =	swait.ge [sflag:s26], $0x400  }
0x57: {  	[sflag:s26] =	ssyncset.done $0x0  }
0x58: {  	[sflag:s26] =	ssyncadd.s32 $0xFFFFFC00  }
0x59: {  	[spmem:s3] =	stream.indirect.scatter.add.f32 [tilespmem:s19], [sflag:$0x3], $0x8, s31, s13, $0xb8;
	[tilespmem:$0xEB80] =	vst v63  }
0x5a: {  	_ =	swait.ge [sflag:s10], $0x400  }
0x5b: {  	[sflag:s10] =	ssyncset.done $0x0  }
0x5c: {  	[sflag:s10] =	ssyncadd.s32 $0xFFFFFC00  }
0x5d: {  	_ =	swait.ge [sflag:s26], $0x400  }
0x5e: {  	[sflag:s26] =	ssyncset.done $0x0  }
0x5f: {  	[sflag:s26] =	ssyncadd.s32 $0xFFFFFC00  }
0x60: {  	[spmem:s3] =	stream.indirect.scatter.add.f32 [tilespmem:s21], [sflag:$0x3], $0x8, s2, s13, $0xb8;
	[tilespmem:$0xEB80] =	vst v63  }
0x61: {  	_ =	swait.ge [sflag:s10], $0x400  }
0x62: {  	[sflag:s10] =	ssyncset.done $0x0  }
0x63: {  	[sflag:s10] =	ssyncadd.s32 $0xFFFFFC00  }
0x64: {  	_ =	swait.ge [sflag:s26], $0x400  }
0x65: {  	[sflag:s26] =	ssyncset.done $0x0  }
0x66: {  	[sflag:s26] =	ssyncadd.s32 $0xFFFFFC00  }
0x67: {  	[spmem:s3] =	stream.indirect.scatter.add.f32 [tilespmem:s23], [sflag:$0x3], $0x8, s0, s13, $0xb8;
	[tilespmem:$0xEB80] =	vst v63  }
0x68: {  	_ =	swait.ge [sflag:s10], $0x400  }
0x69: {  	[sflag:s10] =	ssyncset.done $0x0  }
0x6a: {  	[sflag:s10] =	ssyncadd.s32 $0xFFFFFC00  }
0x6b: {  	_ =	swait.ge [sflag:s26], $0x400  }
0x6c: {  	[sflag:s26] =	ssyncset.done $0x0  }
0x6d: {  	[sflag:s26] =	ssyncadd.s32 $0xFFFFFC00  }
0x6e: {  	[spmem:s3] =	stream.indirect.scatter.add.f32 [tilespmem:s25], [sflag:$0x3], $0x8, s5, s13, $0xb8;
	[tilespmem:$0xEB80] =	vst v63  }
0x6f: {  	s6 =	simm.s32 $0x100;
	_ =	swait.ge [sflag:s10], $0x400  }
0x70: {  	s8 =	simm.s32 $0x80;
	s9 =	rddreg [dreg:$0x5];
	[sflag:s10] =	ssyncset.done $0x0  }
.LBB2_2:
0x71: {  	[sflag:s10] =	ssyncadd.s32 $0xFFFFFC00;
	s18 =	rddreg [dreg:$0x4];
	s9 =	sadd.s32 s8, s9  }
0x72: {  	[tilespmem:s4], [sflag:$0x2] =	stream.linear.gather [hbm4b:s9+s4], $0x400, $0x38;
	[tilespmem:$0xEB80] =	vst v63  }
0x73: {  	s18 =	sadd.s32 s8, s18  }
0x74: {  	[tilespmem:s11], [sflag:$0x2] =	stream.linear.gather [hbm4b:s18+s4], $0x400, $0x38;
	[tilespmem:$0xEB80] =	vst v63  }
0x75: {  	_ =	swait.ge [sflag:s12], $0x400  }
0x76: {  	[sflag:s12] =	ssyncset.done $0x0  }
0x77: {  	[sflag:s12] =	ssyncadd.s32 $0xFFFFFC00  }
0x78: {  	_ =	swait.ge [sflag:s12], $0x400  }
0x79: {  	[sflag:s12] =	ssyncset.done $0x0  }
0x7a: {  	[sflag:s12] =	ssyncadd.s32 $0xFFFFFC00  }
0x7b: {  	[tilespmem:s14], [sflag:$0x1] =	stream.indirect.gather [hbm4b:s1+s13], $0x8, s4, s13, $0xb8;
	[tilespmem:$0xEB80] =	vst v63  }
0x7c: {  	_ = 	snop  }
0x7d: {  	[tilespmem:s15], [sflag:$0x1] =	stream.indirect.gather [hbm4b:s1+s13], $0x8, s13, s13, $0xb8;
	[tilespmem:$0xEB80] =	vst v63  }
0x7e: {  	s9 =	rddreg [dreg:$0x6]  }
0x7f: {  	[tilespmem:s16], [sflag:$0x1] =	stream.indirect.gather [hbm4b:s1+s13], $0x8, s9, s13, $0xb8;
	[tilespmem:$0xEB80] =	vst v63  }
0x80: {  	s18 =	rddreg [dreg:$0x7]  }
0x81: {  	[tilespmem:s17], [sflag:$0x1] =	stream.indirect.gather [hbm4b:s1+s13], $0x8, s18, s13, $0xb8;
	[tilespmem:$0xEB80] =	vst v63  }
0x82: {  	s18 =	simm.s32 $0x200  }
0x83: {  	[tilespmem:s19], [sflag:$0x1] =	stream.indirect.gather [hbm4b:s1+s13], $0x8, s18, s13, $0xb8;
	[tilespmem:$0xEB80] =	vst v63  }
0x84: {  	_ = 	snop  }
0x85: {  	[tilespmem:s21], [sflag:$0x1] =	stream.indirect.gather [hbm4b:s1+s13], $0x8, s20, s13, $0xb8;
	[tilespmem:$0xEB80] =	vst v63  }
0x86: {  	_ = 	snop  }
0x87: {  	[tilespmem:s23], [sflag:$0x1] =	stream.indirect.gather [hbm4b:s1+s13], $0x8, s22, s13, $0xb8;
	[tilespmem:$0xEB80] =	vst v63  }
0x88: {  	_ = 	snop  }
0x89: {  	[tilespmem:s25], [sflag:$0x1] =	stream.indirect.gather [hbm4b:s1+s13], $0x8, s24, s13, $0xb8;
	[tilespmem:$0xEB80] =	vst v63  }
0x8a: {  	_ =	swait.ge [sflag:s26], $0x400  }
0x8b: {  	[sflag:s26] =	ssyncset.done $0x0  }
0x8c: {  	[sflag:s26] =	ssyncadd.s32 $0xFFFFFC00  }
0x8d: {  	[spmem:s3] =	stream.indirect.scatter.add.f32 [tilespmem:s14], [sflag:$0x3], $0x8, s11, s13, $0xb8;
	[tilespmem:$0xEB80] =	vst v63  }
0x8e: {  	_ =	swait.ge [sflag:s10], $0x400  }
0x8f: {  	[sflag:s10] =	ssyncset.done $0x0  }
0x90: {  	[sflag:s10] =	ssyncadd.s32 $0xFFFFFC00  }
0x91: {  	_ =	swait.ge [sflag:s26], $0x400  }
0x92: {  	[sflag:s26] =	ssyncset.done $0x0  }
0x93: {  	[sflag:s26] =	ssyncadd.s32 $0xFFFFFC00  }
0x94: {  	[spmem:s3] =	stream.indirect.scatter.add.f32 [tilespmem:s15], [sflag:$0x3], $0x8, s28, s13, $0xb8;
	[tilespmem:$0xEB80] =	vst v63  }
0x95: {  	_ =	swait.ge [sflag:s10], $0x400  }
0x96: {  	[sflag:s10] =	ssyncset.done $0x0  }
0x97: {  	[sflag:s10] =	ssyncadd.s32 $0xFFFFFC00  }
0x98: {  	_ =	swait.ge [sflag:s26], $0x400  }
0x99: {  	[sflag:s26] =	ssyncset.done $0x0  }
0x9a: {  	[sflag:s26] =	ssyncadd.s32 $0xFFFFFC00  }
0x9b: {  	[spmem:s3] =	stream.indirect.scatter.add.f32 [tilespmem:s16], [sflag:$0x3], $0x8, s29, s13, $0xb8;
	[tilespmem:$0xEB80] =	vst v63  }
0x9c: {  	_ =	swait.ge [sflag:s10], $0x400  }
0x9d: {  	[sflag:s10] =	ssyncset.done $0x0  }
0x9e: {  	[sflag:s10] =	ssyncadd.s32 $0xFFFFFC00  }
0x9f: {  	_ =	swait.ge [sflag:s26], $0x400  }
0xa0: {  	[sflag:s26] =	ssyncset.done $0x0  }
0xa1: {  	[sflag:s26] =	ssyncadd.s32 $0xFFFFFC00  }
0xa2: {  	[spmem:s3] =	stream.indirect.scatter.add.f32 [tilespmem:s17], [sflag:$0x3], $0x8, s30, s13, $0xb8;
	[tilespmem:$0xEB80] =	vst v63  }
0xa3: {  	_ =	swait.ge [sflag:s10], $0x400  }
0xa4: {  	[sflag:s10] =	ssyncset.done $0x0  }
0xa5: {  	[sflag:s10] =	ssyncadd.s32 $0xFFFFFC00  }
0xa6: {  	_ =	swait.ge [sflag:s26], $0x400  }
0xa7: {  	[sflag:s26] =	ssyncset.done $0x0  }
0xa8: {  	[sflag:s26] =	ssyncadd.s32 $0xFFFFFC00  }
0xa9: {  	[spmem:s3] =	stream.indirect.scatter.add.f32 [tilespmem:s19], [sflag:$0x3], $0x8, s31, s13, $0xb8;
	[tilespmem:$0xEB80] =	vst v63  }
0xaa: {  	_ =	swait.ge [sflag:s10], $0x400  }
0xab: {  	[sflag:s10] =	ssyncset.done $0x0  }
0xac: {  	[sflag:s10] =	ssyncadd.s32 $0xFFFFFC00  }
0xad: {  	_ =	swait.ge [sflag:s26], $0x400  }
0xae: {  	[sflag:s26] =	ssyncset.done $0x0  }
0xaf: {  	[sflag:s26] =	ssyncadd.s32 $0xFFFFFC00  }
0xb0: {  	[spmem:s3] =	stream.indirect.scatter.add.f32 [tilespmem:s21], [sflag:$0x3], $0x8, s2, s13, $0xb8;
	[tilespmem:$0xEB80] =	vst v63  }
0xb1: {  	_ =	swait.ge [sflag:s10], $0x400  }
0xb2: {  	[sflag:s10] =	ssyncset.done $0x0  }
0xb3: {  	[sflag:s10] =	ssyncadd.s32 $0xFFFFFC00  }
0xb4: {  	_ =	swait.ge [sflag:s26], $0x400  }
0xb5: {  	[sflag:s26] =	ssyncset.done $0x0  }
0xb6: {  	[sflag:s26] =	ssyncadd.s32 $0xFFFFFC00  }
0xb7: {  	[spmem:s3] =	stream.indirect.scatter.add.f32 [tilespmem:s23], [sflag:$0x3], $0x8, s0, s13, $0xb8;
	[tilespmem:$0xEB80] =	vst v63  }
0xb8: {  	_ =	swait.ge [sflag:s10], $0x400  }
0xb9: {  	[sflag:s10] =	ssyncset.done $0x0  }
0xba: {  	[sflag:s10] =	ssyncadd.s32 $0xFFFFFC00  }
0xbb: {  	p0 =	sne.s32 s6, $0x3080;
	_ =	swait.ge [sflag:s26], $0x400  }
.Ltmp0:
0xbc: {  	[sflag:s26] =	ssyncset.done $0x0;
	(pc) =	sbr.rel @p0 .LBB2_2-.Ltmp0, $4  }
0xbd: {  	[sflag:s26] =	ssyncadd.s32 $0xFFFFFC00  }
0xbe: {  	[spmem:s3] =	stream.indirect.scatter.add.f32 [tilespmem:s25], [sflag:$0x3], $0x8, s5, s13, $0xb8;
	[tilespmem:$0xEB80] =	vst v63  }
0xbf: {  	s7 =	smov.u32 s6;
	s6 =	sadd.s32 $0x80, s6;
	_ =	swait.ge [sflag:s10], $0x400  }
0xc0: {  	s8 =	smov.u32 s7;
	s9 =	rddreg [dreg:$0x5];
	[sflag:s10] =	ssyncset.done $0x0  }
0xc1: {  	s6 =	rddreg [dreg:$0x4];
	[sflag:s10] =	ssyncadd.s32 $0xFFFFFC00;
	s7 =	sadd.s32 s8, s9  }
0xc2: {  	[tilespmem:s4], [sflag:$0x2] =	stream.linear.gather [hbm4b:s7+s4], $0x400, $0x38;
	[tilespmem:$0xEB80] =	vst v63  }
0xc3: {  	s6 =	sadd.s32 s8, s6  }
0xc4: {  	[tilespmem:s11], [sflag:$0x2] =	stream.linear.gather [hbm4b:s6+s4], $0x400, $0x38;
	[tilespmem:$0xEB80] =	vst v63  }
0xc5: {  	_ =	swait.ge [sflag:s12], $0x400  }
0xc6: {  	[sflag:s12] =	ssyncset.done $0x0  }
0xc7: {  	[sflag:s12] =	ssyncadd.s32 $0xFFFFFC00  }
0xc8: {  	_ =	swait.ge [sflag:s12], $0x400  }
0xc9: {  	[sflag:s12] =	ssyncset.done $0x0  }
0xca: {  	[sflag:s12] =	ssyncadd.s32 $0xFFFFFC00  }
0xcb: {  	[tilespmem:s14], [sflag:$0x1] =	stream.indirect.gather [hbm4b:s1+s13], $0x8, s4, s13, $0xb8;
	[tilespmem:$0xEB80] =	vst v63  }
0xcc: {  	_ = 	snop  }
0xcd: {  	[tilespmem:s15], [sflag:$0x1] =	stream.indirect.gather [hbm4b:s1+s13], $0x8, s13, s13, $0xb8;
	[tilespmem:$0xEB80] =	vst v63  }
0xce: {  	s7 =	rddreg [dreg:$0x6]  }
0xcf: {  	[tilespmem:s16], [sflag:$0x1] =	stream.indirect.gather [hbm4b:s1+s13], $0x8, s7, s13, $0xb8;
	[tilespmem:$0xEB80] =	vst v63  }
0xd0: {  	s8 =	rddreg [dreg:$0x7]  }
0xd1: {  	[tilespmem:s17], [sflag:$0x1] =	stream.indirect.gather [hbm4b:s1+s13], $0x8, s8, s13, $0xb8;
	[tilespmem:$0xEB80] =	vst v63  }
0xd2: {  	s9 =	simm.s32 $0x200  }
0xd3: {  	[tilespmem:s19], [sflag:$0x1] =	stream.indirect.gather [hbm4b:s1+s13], $0x8, s9, s13, $0xb8;
	[tilespmem:$0xEB80] =	vst v63  }
0xd4: {  	_ = 	snop  }
0xd5: {  	[tilespmem:s21], [sflag:$0x1] =	stream.indirect.gather [hbm4b:s1+s13], $0x8, s20, s13, $0xb8;
	[tilespmem:$0xEB80] =	vst v63  }
0xd6: {  	_ = 	snop  }
0xd7: {  	[tilespmem:s23], [sflag:$0x1] =	stream.indirect.gather [hbm4b:s1+s13], $0x8, s22, s13, $0xb8;
	[tilespmem:$0xEB80] =	vst v63  }
0xd8: {  	_ = 	snop  }
0xd9: {  	[tilespmem:s25], [sflag:$0x1] =	stream.indirect.gather [hbm4b:s1+s13], $0x8, s24, s13, $0xb8;
	[tilespmem:$0xEB80] =	vst v63  }
0xda: {  	_ =	swait.ge [sflag:s26], $0x400  }
0xdb: {  	[sflag:s26] =	ssyncset.done $0x0  }
0xdc: {  	[sflag:s26] =	ssyncadd.s32 $0xFFFFFC00  }
0xdd: {  	[spmem:s3] =	stream.indirect.scatter.add.f32 [tilespmem:s14], [sflag:$0x3], $0x8, s11, s13, $0xb8;
	[tilespmem:$0xEB80] =	vst v63  }
0xde: {  	_ =	swait.ge [sflag:s10], $0x400  }
0xdf: {  	[sflag:s10] =	ssyncset.done $0x0  }
0xe0: {  	[sflag:s10] =	ssyncadd.s32 $0xFFFFFC00  }
0xe1: {  	_ =	swait.ge [sflag:s26], $0x400  }
0xe2: {  	[sflag:s26] =	ssyncset.done $0x0  }
0xe3: {  	[sflag:s26] =	ssyncadd.s32 $0xFFFFFC00  }
0xe4: {  	[spmem:s3] =	stream.indirect.scatter.add.f32 [tilespmem:s15], [sflag:$0x3], $0x8, s28, s13, $0xb8;
	[tilespmem:$0xEB80] =	vst v63  }
0xe5: {  	_ =	swait.ge [sflag:s10], $0x400  }
0xe6: {  	[sflag:s10] =	ssyncset.done $0x0  }
0xe7: {  	[sflag:s10] =	ssyncadd.s32 $0xFFFFFC00  }
0xe8: {  	_ =	swait.ge [sflag:s26], $0x400  }
0xe9: {  	[sflag:s26] =	ssyncset.done $0x0  }
0xea: {  	[sflag:s26] =	ssyncadd.s32 $0xFFFFFC00  }
0xeb: {  	[spmem:s3] =	stream.indirect.scatter.add.f32 [tilespmem:s16], [sflag:$0x3], $0x8, s29, s13, $0xb8;
	[tilespmem:$0xEB80] =	vst v63  }
0xec: {  	_ =	swait.ge [sflag:s10], $0x400  }
0xed: {  	[sflag:s10] =	ssyncset.done $0x0  }
0xee: {  	[sflag:s10] =	ssyncadd.s32 $0xFFFFFC00  }
0xef: {  	_ =	swait.ge [sflag:s26], $0x400  }
0xf0: {  	[sflag:s26] =	ssyncset.done $0x0  }
0xf1: {  	[sflag:s26] =	ssyncadd.s32 $0xFFFFFC00  }
0xf2: {  	[spmem:s3] =	stream.indirect.scatter.add.f32 [tilespmem:s17], [sflag:$0x3], $0x8, s30, s13, $0xb8;
	[tilespmem:$0xEB80] =	vst v63  }
0xf3: {  	_ =	swait.ge [sflag:s10], $0x400  }
0xf4: {  	[sflag:s10] =	ssyncset.done $0x0  }
0xf5: {  	[sflag:s10] =	ssyncadd.s32 $0xFFFFFC00  }
0xf6: {  	_ =	swait.ge [sflag:s26], $0x400  }
0xf7: {  	[sflag:s26] =	ssyncset.done $0x0  }
0xf8: {  	[sflag:s26] =	ssyncadd.s32 $0xFFFFFC00  }
0xf9: {  	[spmem:s3] =	stream.indirect.scatter.add.f32 [tilespmem:s19], [sflag:$0x3], $0x8, s31, s13, $0xb8;
	[tilespmem:$0xEB80] =	vst v63  }
0xfa: {  	_ =	swait.ge [sflag:s10], $0x400  }
0xfb: {  	[sflag:s10] =	ssyncset.done $0x0  }
0xfc: {  	[sflag:s10] =	ssyncadd.s32 $0xFFFFFC00  }
0xfd: {  	_ =	swait.ge [sflag:s26], $0x400  }
0xfe: {  	[sflag:s26] =	ssyncset.done $0x0  }
0xff: {  	[sflag:s26] =	ssyncadd.s32 $0xFFFFFC00  }
0x100: {  	[spmem:s3] =	stream.indirect.scatter.add.f32 [tilespmem:s21], [sflag:$0x3], $0x8, s2, s13, $0xb8;
	[tilespmem:$0xEB80] =	vst v63  }
0x101: {  	_ =	swait.ge [sflag:s10], $0x400  }
0x102: {  	[sflag:s10] =	ssyncset.done $0x0  }
0x103: {  	[sflag:s10] =	ssyncadd.s32 $0xFFFFFC00  }
0x104: {  	_ =	swait.ge [sflag:s26], $0x400  }
0x105: {  	[sflag:s26] =	ssyncset.done $0x0  }
0x106: {  	[sflag:s26] =	ssyncadd.s32 $0xFFFFFC00  }
0x107: {  	[spmem:s3] =	stream.indirect.scatter.add.f32 [tilespmem:s23], [sflag:$0x3], $0x8, s0, s13, $0xb8;
	[tilespmem:$0xEB80] =	vst v63  }
0x108: {  	_ =	swait.ge [sflag:s10], $0x400  }
0x109: {  	[sflag:s10] =	ssyncset.done $0x0  }
0x10a: {  	[sflag:s10] =	ssyncadd.s32 $0xFFFFFC00  }
0x10b: {  	_ =	swait.ge [sflag:s26], $0x400  }
0x10c: {  	[sflag:s26] =	ssyncset.done $0x0  }
0x10d: {  	[sflag:s26] =	ssyncadd.s32 $0xFFFFFC00  }
0x10e: {  	[spmem:s3] =	stream.indirect.scatter.add.f32 [tilespmem:s25], [sflag:$0x3], $0x8, s5, s13, $0xb8;
	[tilespmem:$0xEB80] =	vst v63  }
0x10f: {  	_ =	swait.ge [sflag:s10], $0x400  }
0x110: {  	[sflag:s10] =	ssyncset.done $0x0  }
0x111: {  	[sflag:s10] =	ssyncadd.s32 $0xFFFFFC00  }
0x112: {  	[bflag:$0x0] =	sbarrier.arrive $0xFFFF  }
0x113: {  	s7 =	rddreg [dreg:$0x9]  }
0x114: {  	s18 =	rddreg [dreg:$0xa]  }
0x115: {  	s8 =	rddreg [dreg:$0xc]  }
0x116: {  	[hbm:s18], [sflag:s7] =	dma.local [spmem:s8], $0x1870  }
0x117: {  	_ =	swait.ge [sflag:s10], $0x1870  }
0x118: {  	s6 =	rddreg [dreg:$0xd]  }
0x119: {  	s18 =	rddreg [dreg:$0xb];
	s9 =	sadd.s32 $0x1, s6  }
0x11a: {  	p0 =	sne.s32 s9, s18  }
.Ltmp1:
0x11b: {  	_ = 	snop;
	(pc) =	sbr.rel @p0 .LBB2_1-.Ltmp1, $3  }
0x11c: {  	_ =	sdelay $0x1  }
0x11d: {  	[sflag:s10] =	ssyncset.done $0x0  }
0x11e: {  	[sflag:s10] =	ssyncadd.s32 $0xFFFFE790  }
0x11f: {  	_ =	sfence.sel $0x180000  }
0x120: {  	[bflag:$0x0] =	sbarrier.arrive $0xFFFF  }
0x121: {  	_ =	strace $0x9000004A  }
0x122: {  	s0 =	stileid.u32;
	[bflag:$0x2] =	sbarrier.arrive $0xFFFF  }
0x123: {  	p0 =	sne.s32 s0, $0x0;
	s0 =	rddreg [dreg:$0x3]  }
0x124: {  	s0 =	sadd.s32 @!p0 $0x100000, s0  }
0x125: {  	[sflag:s0] =	ssyncadd.tile.s32 @!p0 $0x1;
	_ =	shalt  }
.Lfunc_end2:
_tile_overlayer_lowered:
.L_overlay_start_2:
0x126: {  	(tag) =	ssettag $0x2  }
0x127: {  	s0 =	rddreg [dreg:$0x0];
	s2 =	stileid.u32  }
0x128: {  	s1 =	rddreg [dreg:$0x1];
	p0 =	sne.s32 s2, $0x0  }
0x129: {  	s3 =	rddreg [dreg:$0x2];
	[bflag:$0x3] =	sbarrier.arrive $0xFFFF;
	s2 =	simm.s32 @!p0 $0x1C03  }
0x12a: {  	[timem:s3], [sflag:s2] =	dma.local @!p0 [hbm:s0], s1  }
0x12b: {  	s0 =	simm.s32 @!p0 $0x3  }
0x12c: {  	_ =	swait.ge @!p0 [sflag:s0], s1  }
0x12d: {  	s1 =	ssub.s32 @!p0 $0x0, s1;
	[sflag:s0] =	ssyncset.done @!p0 $0x0  }
0x12e: {  	[sflag:s0] =	ssyncadd.s32 @!p0 s1  }
0x12f: {  	[bflag:$0x3] =	sbarrier.arrive $0xFFFF  }
0x130: {  	_ =	shalt  }

// kernel: kernel.16.cloned.1.call-start
scs
__scs_entry_jumppad:
0x0: {  	(pc) =	sbr.rel $0x88, $3  }
0x1: {  	(tag) =	ssettag $0x0;
	lr =	simm.s32 $0x1  }
0x2: {  	[smem:$0x3F99] =	sst lr;
	_ =	strace $0xD0000000  }
0x3: {  	_ = 	snop  }
0x4: {  	_ = 	snop  }
0x5: {  	_ = 	snop  }
0x6: {  	_ = 	snop  }
0x7: {  	_ = 	snop  }
__scs_overlays_trampoline_lowered:
0x8: {  	[smem:$0x3FA8] =	sst s0  }
0x9: {  	[smem:$0x3FA9] =	sst s1  }
0xa: {  	[smem:$0x3FAA] =	sst s2  }
0xb: {  	[smem:$0x3FAB] =	sst s3  }
0xc: {  	[smem:$0x3FAC] =	sst s4  }
0xd: {  	[smem:$0x3FAD] =	sst s5  }
0xe: {  	[smem:$0x3FAE] =	sst s6  }
0xf: {  	[smem:$0x3FAF] =	sst s7  }
0x10: {  	[smem:$0x3FB0] =	sst s8  }
0x11: {  	[smem:$0x3FB1] =	sst s9;
	s0 =	simm.s32 @!p0 $0x0  }
0x12: {  	s1 =	sld [smem:$0x3F97];
	s0 =	simm.s32 @p0 $0x1  }
0x13: {  	[smem:$0x3FB2] =	sst s0;
	s0 =	simm.s32 @!p1 $0x0  }
0x14: {  	s2 =	sld [smem:$0x3F96];
	s0 =	simm.s32 @p1 $0x1  }
0x15: {  	[smem:$0x3FB3] =	sst s0;
	s0 =	simm.s32 @!p2 $0x0  }
0x16: {  	s3 =	sld [smem:$0x3FDB];
	s0 =	simm.s32 @p2 $0x1  }
0x17: {  	s4 =	simm.s32 $0x1BF5;
	[smem:$0x3FB5] =	sst s0  }
0x18: {  	s0 =	sld [smem:$0x3F98];
	_ =	swait.ge [sflag:s4], $0x0  }
0x19: {  	s7 =	sld [smem:$0x3F99]  }
0x1a: {  	s8 =	sadd.s32 $0xFFFFE003, lr  }
0x1b: {  	s9 =	sadd.s32 $0xFFFFFEF7, lr;
	s5 =	simm.s32 $0xFFFFFFFF;
	p2 =	slt.u32 s8, $0xFFFFF086  }
0x1c: {  	p1 =	slt.u32 s9, $0xF7A;
	s5 =	simm.s32 @!p2 $0x0  }
0x1d: {  	s5 =	simm.s32 @p1 $0x1;
	p0 =	seq.s32 s7, s2  }
0x1e: {  	s7 =	smul.u32 @!p0 $0xF7A, s2;
	p2 =	seq.s32 @!p0 s5, $0x0  }
0x1f: {  	s9 =	smul.u32 $0xF7A, s1;
	s8 =	simm.s32 @!p0 $0x1BF5;
	p2 =	por !p2, p0  }
0x20: {  	[sflag:s8] =	ssyncset.s32 @!p0 $0xFFFFF086;
	s6 =	sadd.s32 @!p0 s3, s7;
	s7 =	simm.s32 @!p0 $0x108  }
0x21: {  	s3 =	sadd.s32 s3, s9;
	s6 =	sadd.s32 @!p0 $0x88, s6;
	s7 =	simm.s32 @p2 $0x1082  }
0x22: {  	[simem:s7], [sflag:s8] =	dma.local @!p0 [hbm:s6], $0xF7A  }
0x23: {  	s9 =	sor.u32 $0xD0000000, s2;
	s6 =	simm.s32 $0x108;
	_ =	swait.ge @!p0 [sflag:s8], $0x0  }
0x24: {  	s3 =	sadd.s32 $0x88, s3;
	s6 =	simm.s32 @!p1 $0x1082;
	[sflag:s4] =	ssyncset.s32 $0xFFFFF086  }
0x25: {  	[simem:s6], [sflag:s4] =	dma.local [hbm:s3], $0xF7A  }
0x26: {  	[smem:$0x3F99] =	sst s1;
	(tag) =	ssettag s2;
	_ =	strace s9  }
0x27: {  	s1 =	sld [smem:$0x3FA9]  }
0x28: {  	s2 =	sld [smem:$0x3FAA]  }
0x29: {  	s4 =	sld [smem:$0x3FAC]  }
0x2a: {  	p0 =	seq.s32 s5, $0x0;
	s5 =	sld [smem:$0x3FAD]  }
0x2b: {  	s6 =	sld [smem:$0x3FAE]  }
0x2c: {  	s7 =	sld [smem:$0x3FAF]  }
0x2d: {  	s3 =	simm.s32 $0x108;
	s8 =	sld [smem:$0x3FB0]  }
0x2e: {  	s3 =	simm.s32 @!p0 $0x1082;
	s9 =	sld [smem:$0x3FB1]  }
0x2f: {  	lr =	sadd.s32 s0, s3;
	s0 =	sld [smem:$0x3FA8]  }
0x30: {  	s3 =	sld [smem:$0x3FAB]  }
0x31: {  	[smem:$0x3FB4] =	sst s10  }
0x32: {  	s10 =	sld [smem:$0x3FB2];
	_ =	sdelay $0x3  }
0x33: {  	p0 =	seq.s32 s10, $0x1;
	s10 =	sld [smem:$0x3FB4];
	_ =	sdelay $0x3  }
0x34: {  	[smem:$0x3FB4] =	sst s10  }
0x35: {  	s10 =	sld [smem:$0x3FB3];
	_ =	sdelay $0x3  }
0x36: {  	p1 =	seq.s32 s10, $0x1;
	s10 =	sld [smem:$0x3FB4];
	_ =	sdelay $0x3  }
0x37: {  	[smem:$0x3FB4] =	sst s10  }
0x38: {  	s10 =	sld [smem:$0x3FB5]  }
0x39: {  	_ = 	snop;
	(pc) =	sbr.ind lr, $3  }
0x3a: {  	_ = 	snop  }
0x3b: {  	_ = 	snop  }
0x3c: {  	p2 =	seq.s32 s10, $0x1;
	s10 =	sld [smem:$0x3FB4]  }
0x3d: {  	_ =	shalt  }
0x3e: {  	_ =	shalt  }
0x3f: {  	_ =	shalt  }
0x40: {  	_ =	shalt  }
0x41: {  	_ =	shalt  }
0x42: {  	_ =	shalt  }
0x43: {  	_ =	shalt  }
0x44: {  	_ =	shalt  }
0x45: {  	_ =	shalt  }
0x46: {  	_ =	shalt  }
0x47: {  	_ =	shalt  }
0x48: {  	_ =	shalt  }
0x49: {  	_ =	shalt  }
0x4a: {  	_ =	shalt  }
0x4b: {  	_ =	shalt  }
0x4c: {  	_ =	shalt  }
0x4d: {  	_ =	shalt  }
0x4e: {  	_ =	shalt  }
0x4f: {  	_ =	shalt  }
0x50: {  	_ =	shalt  }
0x51: {  	_ =	shalt  }
0x52: {  	_ =	shalt  }
0x53: {  	_ =	shalt  }
0x54: {  	_ =	shalt  }
0x55: {  	_ =	shalt  }
0x56: {  	_ =	shalt  }
0x57: {  	_ =	shalt  }
0x58: {  	_ =	shalt  }
0x59: {  	_ =	shalt  }
0x5a: {  	_ =	shalt  }
0x5b: {  	_ =	shalt  }
0x5c: {  	_ =	shalt  }
0x5d: {  	_ =	shalt  }
0x5e: {  	_ =	shalt  }
0x5f: {  	_ =	shalt  }
0x60: {  	_ =	shalt  }
0x61: {  	_ =	shalt  }
0x62: {  	_ =	shalt  }
0x63: {  	_ =	shalt  }
0x64: {  	_ =	shalt  }
0x65: {  	_ =	shalt  }
0x66: {  	_ =	shalt  }
0x67: {  	_ =	shalt  }
0x68: {  	_ =	shalt  }
0x69: {  	_ =	shalt  }
0x6a: {  	_ =	shalt  }
0x6b: {  	_ =	shalt  }
0x6c: {  	_ =	shalt  }
0x6d: {  	_ =	shalt  }
0x6e: {  	_ =	shalt  }
0x6f: {  	_ =	shalt  }
0x70: {  	_ =	shalt  }
0x71: {  	_ =	shalt  }
0x72: {  	_ =	shalt  }
0x73: {  	_ =	shalt  }
0x74: {  	_ =	shalt  }
0x75: {  	_ =	shalt  }
0x76: {  	_ =	shalt  }
0x77: {  	_ =	shalt  }
0x78: {  	_ =	shalt  }
0x79: {  	_ =	shalt  }
0x7a: {  	_ =	shalt  }
0x7b: {  	_ =	shalt  }
0x7c: {  	_ =	shalt  }
0x7d: {  	_ =	shalt  }
0x7e: {  	_ =	shalt  }
0x7f: {  	_ =	shalt  }
0x80: {  	_ =	shalt  }
0x81: {  	_ =	shalt  }
0x82: {  	_ =	shalt  }
0x83: {  	_ =	shalt  }
0x84: {  	_ =	shalt  }
0x85: {  	_ =	shalt  }
0x86: {  	_ =	shalt  }
0x87: {  	_ =	shalt  }
.Lfunc_end0:
.L_simem_size_0:
called_computation.2_lowered:
.L_overlay_start_0:
0x88: {  	s2 =	sld [smem:$0x3FD9]  }
0x89: {  	s3 =	sld [smem:$0x3FFE];
	_ =	sdelay $0x1  }
0x8a: {  	s1 =	srdreg.scid  }
0x8b: {  	s0 =	sand.u32 $0x1, s1  }
0x8c: {  	s16 =	sshll.u32 s0, $0xA;
	s2 =	sadd.s32 s3, s2  }
0x8d: {  	s2 =	sadd.s32 s2, s16  }
0x8e: {  	[smem:$0x3FC0] =	sst s2  }
0x8f: {  	_ = 	snop  }
0x90: {  	(tm) =	ssettm $0x1  }
0x91: {  	s17 =	sld [smem:$0x3FFB];
	_ =	sdelay $0x3  }
0x92: {  	_ =	strace s17  }
0x93: {  	s2 =	sld [smem:$0x3FFC];
	_ =	sdelay $0x3  }
0x94: {  	_ =	strace s2  }
0x95: {  	s2 =	sld [smem:$0x3FFD];
	_ =	sdelay $0x3  }
0x96: {  	_ =	strace s2  }
0x97: {  	_ =	strace $0x8FFFFFFF  }
0x98: {  	s18 =	sld [smem:$0x3FDB];
	_ =	sdelay $0x1  }
0x99: {  	s19 =	simm.s32 $_scs_section_size  }
0x9a: {  	s4 =	simm.s32 $_size__tile_overlayer_lowered;
	s5 =	simm.s32 $_tile_overlayer_lowered  }
0x9b: {  	s22 =	simm.s32 $0x1BFF;
	s21 =	sshll.u32 s5, $0x1;
	s2 =	sadd.s32 s19, s18  }
0x9c: {  	s6 =	simm.s32 $0x0;
	s20 =	sshll.u32 s4, $0x1;
	s4 =	sadd.s32 s21, s2  }
0x9d: {  	[timem:s6], [sflag:s22] =	dma.local [hbm:s4], s20  }
0x9e: {  	_ =	swait.ge [sflag:s22], s20  }
0x9f: {  	s3 =	ssub.s32 $0x0, s20;
	[sflag:s22] =	ssyncset.done $0x0  }
0xa0: {  	[sflag:s22] =	ssyncadd.s32 s3;
	_ =	sdelay $0x1  }
0xa1: {  	s23 =	simm.s32 $0x1B8B  }
0xa2: {  	_ =	swait.ge [sflag:s23], $0x1  }
0xa3: {  	[sflag:s23] =	ssyncset.done $0x0  }
0xa4: {  	s25 =	simm.s32 $0x1B8E;
	s24 =	sld [smem:$0x3FFE];
	[sflag:s23] =	ssyncadd.s32 $0xFFFFFFFF  }
0xa5: {  	s26 =	simm.s32 $execute0_lowered;
	[smem:$0x3FD2] =	sst s25  }
0xa6: {  	s4 =	sshll.u32 s26, $0x1;
	_ =	strace $0x8000004C;
	[dreg:$0x1] =	wrdreg $0xFFFFFFFF  }
0xa7: {  	s28 =	simm.s32 $_size_execute0_lowered;
	s2 =	sadd.s32 s2, s4;
	[dreg:$0x0] =	wrdreg $0x0  }
0xa8: {  	s4 =	sshll.u32 s28, $0x1;
	[dreg:$0x2] =	wrdreg s2  }
0xa9: {  	[dreg:$0x3] =	wrdreg s4  }
0xaa: {  	[dreg:$0x4] =	wrdreg $0xC0  }
0xab: {  	_ =	task [dreg:s6], $0x5FFFF  }
0xac: {  	[dreg:$0x1] =	wrdreg $0xFFFFFFFF  }
0xad: {  	[dreg:$0x0] =	wrdreg $0x60  }
0xae: {  	[dreg:$0x2] =	wrdreg s24  }
0xaf: {  	[dreg:$0x3] =	wrdreg $0x48000  }
0xb0: {  	[dreg:$0x4] =	wrdreg $0x9  }
0xb1: {  	_ =	task.clear_ibuf [dreg:s6], $0x5FFFF;
	_ =	strace $0x9000004C  }
0xb2: {  	s29 =	simm.s32 $0x9;
	_ =	strace $0x8000004E  }
0xb3: {  	_ =	swait.ge [sflag:s29], $0x1  }
0xb4: {  	[sflag:s29] =	ssyncadd.s32 $0xFFFFFFFF  }
0xb5: {  	_ =	strace $0x9000004E  }
0xb6: {  	_ =	sfence  }
0xb7: {  	s30 =	sld [smem:$0x0];
	_ =	sdelay $0x2  }
0xb8: {  	s31 =	sshll.u32 s1, $0xD;
	s1 =	sshrl.u32 s1, $0x2  }
0xb9: {  	s3 =	sand.u32 $0x4000, s31;
	s1 =	sadd.s32 s1, s30  }
0xba: {  	s0 =	sor.u32 s3, s0;
	s1 =	sshll.u32 s1, $0x11  }
0xbb: {  	s0 =	sor.u32 s1, s0  }
0xbc: {  	s0 =	sadd.s32 $0x8F2B, s0  }
0xbd: {  	[sflag:s0] =	ssyncadd.remote.s32 $0x1  }
0xbe: {  	_ =	sfence.sel $0xFFFF  }
0xbf: {  	[dreg:$0x0] =	wrdreg $0xFFFFFFFF;
	(pc) =	sbr.abs _section_cstart, $3  }
0xc0: {  	[dreg:$0x1] =	wrdreg $0xFFFFFFFF  }
0xc1: {  	_ =	task.clear_ibuf [dreg:s6], $0x2FFFF;
	_ =	strace $0x9FFFFFFF  }
0xc2: {  	(tm) =	ssettm $0x7FFFFFFF  }
0xc3: {  	_ =	shalt  }
tec
execute0_lowered:
.L_overlay_start_1:
0x0: {  	(tag) =	ssettag $0x1  }
0x1: {  	s0 =	rddreg [dreg:$0x0];
	s10 =	stileid.u32  }
0x2: {  	s1 =	srdreg.scid;
	s2 =	rddreg [dreg:$0x1];
	s3 =	simm.s32 $0x0  }
0x3: {  	s11 =	simm.s32 $0x400;
	s12 =	simm.s32 $0x2;
	s13 =	simm.s32 $0x80  }
0x4: {  	s25 =	simm.s32 $0x100;
	s14 =	simm.s32 $0x800;
	s26 =	simm.s32 $0x180  }
0x5: {  	s15 =	simm.s32 $0x1000;
	s16 =	simm.s32 $0x1800;
	s17 =	simm.s32 $0x2000  }
0x6: {  	s28 =	simm.s32 $0x480;
	s29 =	simm.s32 $0x500;
	s30 =	simm.s32 $0x580  }
0x7: {  	s31 =	simm.s32 $0x600;
	s5 =	smul.u32 $0x18700, s10;
	s1 =	sand.u32 $0x1, s1  }
0x8: {  	[smem:$0x7FF] =	sst s3;
	s7 =	smul.u32 $0x18800, s10;
	s4 =	sadd.s32 $0xF7600, s0  }
0x9: {  	s22 =	sshll.u32 s10, $0x6;
	s10 =	simm.s32 $0x3;
	s6 =	smul.u32 $0x188000, s1  }
0xa: {  	_ =	strace $0x8000004D;
	s9 =	smul.u32 $0x187000, s1;
	[dreg:$0x5] =	wrdreg s25  }
0xb: {  	s1 =	ssub.s32 $0x2, s1;
	[dreg:$0x6] =	wrdreg s26;
	s25 =	simm.s32 $0x4000  }
0xc: {  	s26 =	simm.s32 $0x1;
	s8 =	sshrl.u32 s5, $0x3;
	s20 =	sshrl.u32 s1, $0x1  }
0xd: {  	s8 =	sadd.s32 s8, s0;
	s6 =	sadd.s32 s7, s6;
	s19 =	sadd.s32 s5, s9  }
0xe: {  	s1 =	ssub.s32 s1, s20;
	s5 =	sadd.s32 s5, s2;
	s20 =	simm.s32 $0x280  }
0xf: {  	s9 =	simm.s32 $0x0;
	s6 =	sshrl.u32 s6, $0x3;
	s7 =	sshrl.u32 s19, $0x3  }
0x10: {  	s21 =	sadd.s32 $0x128400, s8;
	s24 =	smax.u32 s1, $0x1;
	s8 =	sshrl.u32 s5, $0x3  }
0x11: {  	s19 =	simm.s32 $0x2800;
	s1 =	simm.s32 $0x680;
	[dreg:$0x7] =	wrdreg s21  }
0x12: {  	s5 =	simm.s32 $0x780;
	s6 =	sadd.s32 s6, s0;
	[dreg:$0xa] =	wrdreg s24  }
0x13: {  	s0 =	sadd.s32 s7, s0;
	s7 =	sor.u32 $0x1C03, s22;
	[dreg:$0xb] =	wrdreg s8  }
0x14: {  	s21 =	simm.s32 $0x3000;
	s23 =	sadd.s32 $0x2800, s6;
	[dreg:$0x8] =	wrdreg s7  }
0x15: {  	s22 =	simm.s32 $0x300;
	s0 =	sadd.s32 $0x159200, s0;
	[dreg:$0x3] =	wrdreg s23  }
0x16: {  	s24 =	simm.s32 $0x380;
	s6 =	sadd.s32 $0x95600, s6;
	[dreg:$0x9] =	wrdreg s0  }
0x17: {  	[dreg:$0x4] =	wrdreg s6;
	s23 =	simm.s32 $0x3800;
	s0 =	simm.s32 $0x700  }
.LBB2_1:
0x18: {  	[dreg:$0xc] =	wrdreg s9  }
0x19: {  	s6 =	rddreg [dreg:$0x7]  }
0x1a: {  	[spmem:s8], [sflag:s7] =	dma.local [hbm:s6], $0x30E0  }
0x1b: {  	_ =	swait.ge [sflag:s10], $0x30E0  }
0x1c: {  	[sflag:s10] =	ssyncset.done $0x0  }
0x1d: {  	[sflag:s10] =	ssyncadd.s32 $0xFFFFCF20  }
0x1e: {  	[bflag:$0x0] =	sbarrier.arrive $0xFFFF  }
0x1f: {  	s9 =	rddreg [dreg:$0x4]  }
0x20: {  	s18 =	rddreg [dreg:$0x3];
	s6 =	sadd.s32 $0x0, s9  }
0x21: {  	[tilespmem:s3], [sflag:$0x2] =	stream.linear.gather [hbm4b:s6+s3], $0x400, $0x38;
	[tilespmem:$0x1CF00] =	vst v63  }
0x22: {  	s7 =	sadd.s32 $0x0, s18  }
0x23: {  	[tilespmem:s11], [sflag:$0x2] =	stream.linear.gather [hbm4b:s7+s3], $0x400, $0x38;
	[tilespmem:$0x1CF00] =	vst v63  }
0x24: {  	_ =	swait.ge [sflag:s12], $0x400  }
0x25: {  	[sflag:s12] =	ssyncset.done $0x0  }
0x26: {  	[sflag:s12] =	ssyncadd.s32 $0xFFFFFC00  }
0x27: {  	_ =	swait.ge [sflag:s12], $0x400  }
0x28: {  	[sflag:s12] =	ssyncset.done $0x0  }
0x29: {  	[sflag:s12] =	ssyncadd.s32 $0xFFFFFC00  }
0x2a: {  	[tilespmem:s14], [sflag:$0x1] =	stream.indirect.gather [hbm4b:s4+s13], $0x10, s3, s13, $0xb8;
	[tilespmem:$0x1CF00] =	vst v63  }
0x2b: {  	_ = 	snop  }
0x2c: {  	[tilespmem:s15], [sflag:$0x1] =	stream.indirect.gather [hbm4b:s4+s13], $0x10, s13, s13, $0xb8;
	[tilespmem:$0x1CF00] =	vst v63  }
0x2d: {  	s8 =	rddreg [dreg:$0x5]  }
0x2e: {  	[tilespmem:s16], [sflag:$0x1] =	stream.indirect.gather [hbm4b:s4+s13], $0x10, s8, s13, $0xb8;
	[tilespmem:$0x1CF00] =	vst v63  }
0x2f: {  	s9 =	rddreg [dreg:$0x6]  }
0x30: {  	[tilespmem:s17], [sflag:$0x1] =	stream.indirect.gather [hbm4b:s4+s13], $0x10, s9, s13, $0xb8;
	[tilespmem:$0x1CF00] =	vst v63  }
0x31: {  	s18 =	simm.s32 $0x200  }
0x32: {  	[tilespmem:s19], [sflag:$0x1] =	stream.indirect.gather [hbm4b:s4+s13], $0x10, s18, s13, $0xb8;
	[tilespmem:$0x1CF00] =	vst v63  }
0x33: {  	_ = 	snop  }
0x34: {  	[tilespmem:s21], [sflag:$0x1] =	stream.indirect.gather [hbm4b:s4+s13], $0x10, s20, s13, $0xb8;
	[tilespmem:$0x1CF00] =	vst v63  }
0x35: {  	_ = 	snop  }
0x36: {  	[tilespmem:s23], [sflag:$0x1] =	stream.indirect.gather [hbm4b:s4+s13], $0x10, s22, s13, $0xb8;
	[tilespmem:$0x1CF00] =	vst v63  }
0x37: {  	_ = 	snop  }
0x38: {  	[tilespmem:s25], [sflag:$0x1] =	stream.indirect.gather [hbm4b:s4+s13], $0x10, s24, s13, $0xb8;
	[tilespmem:$0x1CF00] =	vst v63  }
0x39: {  	_ =	swait.ge [sflag:s26], $0x800  }
0x3a: {  	[sflag:s26] =	ssyncset.done $0x0  }
0x3b: {  	[sflag:s26] =	ssyncadd.s32 $0xFFFFF800  }
0x3c: {  	[spmem:s2] =	stream.indirect.scatter.add.f32 [tilespmem:s14], [sflag:$0x3], $0x10, s11, s13, $0xb8;
	[tilespmem:$0x1CF00] =	vst v63  }
0x3d: {  	_ =	swait.ge [sflag:s10], $0x800  }
0x3e: {  	[sflag:s10] =	ssyncset.done $0x0  }
0x3f: {  	[sflag:s10] =	ssyncadd.s32 $0xFFFFF800  }
0x40: {  	_ =	swait.ge [sflag:s26], $0x800  }
0x41: {  	[sflag:s26] =	ssyncset.done $0x0  }
0x42: {  	[sflag:s26] =	ssyncadd.s32 $0xFFFFF800  }
0x43: {  	[spmem:s2] =	stream.indirect.scatter.add.f32 [tilespmem:s15], [sflag:$0x3], $0x10, s28, s13, $0xb8;
	[tilespmem:$0x1CF00] =	vst v63  }
0x44: {  	_ =	swait.ge [sflag:s10], $0x800  }
0x45: {  	[sflag:s10] =	ssyncset.done $0x0  }
0x46: {  	[sflag:s10] =	ssyncadd.s32 $0xFFFFF800  }
0x47: {  	_ =	swait.ge [sflag:s26], $0x800  }
0x48: {  	[sflag:s26] =	ssyncset.done $0x0  }
0x49: {  	[sflag:s26] =	ssyncadd.s32 $0xFFFFF800  }
0x4a: {  	[spmem:s2] =	stream.indirect.scatter.add.f32 [tilespmem:s16], [sflag:$0x3], $0x10, s29, s13, $0xb8;
	[tilespmem:$0x1CF00] =	vst v63  }
0x4b: {  	_ =	swait.ge [sflag:s10], $0x800  }
0x4c: {  	[sflag:s10] =	ssyncset.done $0x0  }
0x4d: {  	[sflag:s10] =	ssyncadd.s32 $0xFFFFF800  }
0x4e: {  	_ =	swait.ge [sflag:s26], $0x800  }
0x4f: {  	[sflag:s26] =	ssyncset.done $0x0  }
0x50: {  	[sflag:s26] =	ssyncadd.s32 $0xFFFFF800  }
0x51: {  	[spmem:s2] =	stream.indirect.scatter.add.f32 [tilespmem:s17], [sflag:$0x3], $0x10, s30, s13, $0xb8;
	[tilespmem:$0x1CF00] =	vst v63  }
0x52: {  	_ =	swait.ge [sflag:s10], $0x800  }
0x53: {  	[sflag:s10] =	ssyncset.done $0x0  }
0x54: {  	[sflag:s10] =	ssyncadd.s32 $0xFFFFF800  }
0x55: {  	_ =	swait.ge [sflag:s26], $0x800  }
0x56: {  	[sflag:s26] =	ssyncset.done $0x0  }
0x57: {  	[sflag:s26] =	ssyncadd.s32 $0xFFFFF800  }
0x58: {  	[spmem:s2] =	stream.indirect.scatter.add.f32 [tilespmem:s19], [sflag:$0x3], $0x10, s31, s13, $0xb8;
	[tilespmem:$0x1CF00] =	vst v63  }
0x59: {  	_ =	swait.ge [sflag:s10], $0x800  }
0x5a: {  	[sflag:s10] =	ssyncset.done $0x0  }
0x5b: {  	[sflag:s10] =	ssyncadd.s32 $0xFFFFF800  }
0x5c: {  	_ =	swait.ge [sflag:s26], $0x800  }
0x5d: {  	[sflag:s26] =	ssyncset.done $0x0  }
0x5e: {  	[sflag:s26] =	ssyncadd.s32 $0xFFFFF800  }
0x5f: {  	[spmem:s2] =	stream.indirect.scatter.add.f32 [tilespmem:s21], [sflag:$0x3], $0x10, s1, s13, $0xb8;
	[tilespmem:$0x1CF00] =	vst v63  }
0x60: {  	_ =	swait.ge [sflag:s10], $0x800  }
0x61: {  	[sflag:s10] =	ssyncset.done $0x0  }
0x62: {  	[sflag:s10] =	ssyncadd.s32 $0xFFFFF800  }
0x63: {  	_ =	swait.ge [sflag:s26], $0x800  }
0x64: {  	[sflag:s26] =	ssyncset.done $0x0  }
0x65: {  	[sflag:s26] =	ssyncadd.s32 $0xFFFFF800  }
0x66: {  	[spmem:s2] =	stream.indirect.scatter.add.f32 [tilespmem:s23], [sflag:$0x3], $0x10, s0, s13, $0xb8;
	[tilespmem:$0x1CF00] =	vst v63  }
0x67: {  	_ =	swait.ge [sflag:s10], $0x800  }
0x68: {  	[sflag:s10] =	ssyncset.done $0x0  }
0x69: {  	[sflag:s10] =	ssyncadd.s32 $0xFFFFF800  }
0x6a: {  	_ =	swait.ge [sflag:s26], $0x800  }
0x6b: {  	[sflag:s26] =	ssyncset.done $0x0  }
0x6c: {  	[sflag:s26] =	ssyncadd.s32 $0xFFFFF800  }
0x6d: {  	[spmem:s2] =	stream.indirect.scatter.add.f32 [tilespmem:s25], [sflag:$0x3], $0x10, s5, s13, $0xb8;
	[tilespmem:$0x1CF00] =	vst v63  }
0x6e: {  	s6 =	simm.s32 $0x100;
	_ =	swait.ge [sflag:s10], $0x800  }
0x6f: {  	s8 =	simm.s32 $0x80;
	s9 =	rddreg [dreg:$0x4];
	[sflag:s10] =	ssyncset.done $0x0  }
.LBB2_2:
0x70: {  	[sflag:s10] =	ssyncadd.s32 $0xFFFFF800;
	s18 =	rddreg [dreg:$0x3];
	s9 =	sadd.s32 s8, s9  }
0x71: {  	[tilespmem:s3], [sflag:$0x2] =	stream.linear.gather [hbm4b:s9+s3], $0x400, $0x38;
	[tilespmem:$0x1CF00] =	vst v63  }
0x72: {  	s18 =	sadd.s32 s8, s18  }
0x73: {  	[tilespmem:s11], [sflag:$0x2] =	stream.linear.gather [hbm4b:s18+s3], $0x400, $0x38;
	[tilespmem:$0x1CF00] =	vst v63  }
0x74: {  	_ =	swait.ge [sflag:s12], $0x400  }
0x75: {  	[sflag:s12] =	ssyncset.done $0x0  }
0x76: {  	[sflag:s12] =	ssyncadd.s32 $0xFFFFFC00  }
0x77: {  	_ =	swait.ge [sflag:s12], $0x400  }
0x78: {  	[sflag:s12] =	ssyncset.done $0x0  }
0x79: {  	[sflag:s12] =	ssyncadd.s32 $0xFFFFFC00  }
0x7a: {  	[tilespmem:s14], [sflag:$0x1] =	stream.indirect.gather [hbm4b:s4+s13], $0x10, s3, s13, $0xb8;
	[tilespmem:$0x1CF00] =	vst v63  }
0x7b: {  	_ = 	snop  }
0x7c: {  	[tilespmem:s15], [sflag:$0x1] =	stream.indirect.gather [hbm4b:s4+s13], $0x10, s13, s13, $0xb8;
	[tilespmem:$0x1CF00] =	vst v63  }
0x7d: {  	s9 =	rddreg [dreg:$0x5]  }
0x7e: {  	[tilespmem:s16], [sflag:$0x1] =	stream.indirect.gather [hbm4b:s4+s13], $0x10, s9, s13, $0xb8;
	[tilespmem:$0x1CF00] =	vst v63  }
0x7f: {  	s18 =	rddreg [dreg:$0x6]  }
0x80: {  	[tilespmem:s17], [sflag:$0x1] =	stream.indirect.gather [hbm4b:s4+s13], $0x10, s18, s13, $0xb8;
	[tilespmem:$0x1CF00] =	vst v63  }
0x81: {  	s18 =	simm.s32 $0x200  }
0x82: {  	[tilespmem:s19], [sflag:$0x1] =	stream.indirect.gather [hbm4b:s4+s13], $0x10, s18, s13, $0xb8;
	[tilespmem:$0x1CF00] =	vst v63  }
0x83: {  	_ = 	snop  }
0x84: {  	[tilespmem:s21], [sflag:$0x1] =	stream.indirect.gather [hbm4b:s4+s13], $0x10, s20, s13, $0xb8;
	[tilespmem:$0x1CF00] =	vst v63  }
0x85: {  	_ = 	snop  }
0x86: {  	[tilespmem:s23], [sflag:$0x1] =	stream.indirect.gather [hbm4b:s4+s13], $0x10, s22, s13, $0xb8;
	[tilespmem:$0x1CF00] =	vst v63  }
0x87: {  	_ = 	snop  }
0x88: {  	[tilespmem:s25], [sflag:$0x1] =	stream.indirect.gather [hbm4b:s4+s13], $0x10, s24, s13, $0xb8;
	[tilespmem:$0x1CF00] =	vst v63  }
0x89: {  	_ =	swait.ge [sflag:s26], $0x800  }
0x8a: {  	[sflag:s26] =	ssyncset.done $0x0  }
0x8b: {  	[sflag:s26] =	ssyncadd.s32 $0xFFFFF800  }
0x8c: {  	[spmem:s2] =	stream.indirect.scatter.add.f32 [tilespmem:s14], [sflag:$0x3], $0x10, s11, s13, $0xb8;
	[tilespmem:$0x1CF00] =	vst v63  }
0x8d: {  	_ =	swait.ge [sflag:s10], $0x800  }
0x8e: {  	[sflag:s10] =	ssyncset.done $0x0  }
0x8f: {  	[sflag:s10] =	ssyncadd.s32 $0xFFFFF800  }
0x90: {  	_ =	swait.ge [sflag:s26], $0x800  }
0x91: {  	[sflag:s26] =	ssyncset.done $0x0  }
0x92: {  	[sflag:s26] =	ssyncadd.s32 $0xFFFFF800  }
0x93: {  	[spmem:s2] =	stream.indirect.scatter.add.f32 [tilespmem:s15], [sflag:$0x3], $0x10, s28, s13, $0xb8;
	[tilespmem:$0x1CF00] =	vst v63  }
0x94: {  	_ =	swait.ge [sflag:s10], $0x800  }
0x95: {  	[sflag:s10] =	ssyncset.done $0x0  }
0x96: {  	[sflag:s10] =	ssyncadd.s32 $0xFFFFF800  }
0x97: {  	_ =	swait.ge [sflag:s26], $0x800  }
0x98: {  	[sflag:s26] =	ssyncset.done $0x0  }
0x99: {  	[sflag:s26] =	ssyncadd.s32 $0xFFFFF800  }
0x9a: {  	[spmem:s2] =	stream.indirect.scatter.add.f32 [tilespmem:s16], [sflag:$0x3], $0x10, s29, s13, $0xb8;
	[tilespmem:$0x1CF00] =	vst v63  }
0x9b: {  	_ =	swait.ge [sflag:s10], $0x800  }
0x9c: {  	[sflag:s10] =	ssyncset.done $0x0  }
0x9d: {  	[sflag:s10] =	ssyncadd.s32 $0xFFFFF800  }
0x9e: {  	_ =	swait.ge [sflag:s26], $0x800  }
0x9f: {  	[sflag:s26] =	ssyncset.done $0x0  }
0xa0: {  	[sflag:s26] =	ssyncadd.s32 $0xFFFFF800  }
0xa1: {  	[spmem:s2] =	stream.indirect.scatter.add.f32 [tilespmem:s17], [sflag:$0x3], $0x10, s30, s13, $0xb8;
	[tilespmem:$0x1CF00] =	vst v63  }
0xa2: {  	_ =	swait.ge [sflag:s10], $0x800  }
0xa3: {  	[sflag:s10] =	ssyncset.done $0x0  }
0xa4: {  	[sflag:s10] =	ssyncadd.s32 $0xFFFFF800  }
0xa5: {  	_ =	swait.ge [sflag:s26], $0x800  }
0xa6: {  	[sflag:s26] =	ssyncset.done $0x0  }
0xa7: {  	[sflag:s26] =	ssyncadd.s32 $0xFFFFF800  }
0xa8: {  	[spmem:s2] =	stream.indirect.scatter.add.f32 [tilespmem:s19], [sflag:$0x3], $0x10, s31, s13, $0xb8;
	[tilespmem:$0x1CF00] =	vst v63  }
0xa9: {  	_ =	swait.ge [sflag:s10], $0x800  }
0xaa: {  	[sflag:s10] =	ssyncset.done $0x0  }
0xab: {  	[sflag:s10] =	ssyncadd.s32 $0xFFFFF800  }
0xac: {  	_ =	swait.ge [sflag:s26], $0x800  }
0xad: {  	[sflag:s26] =	ssyncset.done $0x0  }
0xae: {  	[sflag:s26] =	ssyncadd.s32 $0xFFFFF800  }
0xaf: {  	[spmem:s2] =	stream.indirect.scatter.add.f32 [tilespmem:s21], [sflag:$0x3], $0x10, s1, s13, $0xb8;
	[tilespmem:$0x1CF00] =	vst v63  }
0xb0: {  	_ =	swait.ge [sflag:s10], $0x800  }
0xb1: {  	[sflag:s10] =	ssyncset.done $0x0  }
0xb2: {  	[sflag:s10] =	ssyncadd.s32 $0xFFFFF800  }
0xb3: {  	_ =	swait.ge [sflag:s26], $0x800  }
0xb4: {  	[sflag:s26] =	ssyncset.done $0x0  }
0xb5: {  	[sflag:s26] =	ssyncadd.s32 $0xFFFFF800  }
0xb6: {  	[spmem:s2] =	stream.indirect.scatter.add.f32 [tilespmem:s23], [sflag:$0x3], $0x10, s0, s13, $0xb8;
	[tilespmem:$0x1CF00] =	vst v63  }
0xb7: {  	_ =	swait.ge [sflag:s10], $0x800  }
0xb8: {  	[sflag:s10] =	ssyncset.done $0x0  }
0xb9: {  	[sflag:s10] =	ssyncadd.s32 $0xFFFFF800  }
0xba: {  	p0 =	sne.s32 s6, $0x3080;
	_ =	swait.ge [sflag:s26], $0x800  }
.Ltmp0:
0xbb: {  	[sflag:s26] =	ssyncset.done $0x0;
	(pc) =	sbr.rel @p0 .LBB2_2-.Ltmp0, $4  }
0xbc: {  	[sflag:s26] =	ssyncadd.s32 $0xFFFFF800  }
0xbd: {  	[spmem:s2] =	stream.indirect.scatter.add.f32 [tilespmem:s25], [sflag:$0x3], $0x10, s5, s13, $0xb8;
	[tilespmem:$0x1CF00] =	vst v63  }
0xbe: {  	s7 =	smov.u32 s6;
	s6 =	sadd.s32 $0x80, s6;
	_ =	swait.ge [sflag:s10], $0x800  }
0xbf: {  	s8 =	smov.u32 s7;
	s9 =	rddreg [dreg:$0x4];
	[sflag:s10] =	ssyncset.done $0x0  }
0xc0: {  	s6 =	rddreg [dreg:$0x3];
	[sflag:s10] =	ssyncadd.s32 $0xFFFFF800;
	s7 =	sadd.s32 s8, s9  }
0xc1: {  	[tilespmem:s3], [sflag:$0x2] =	stream.linear.gather [hbm4b:s7+s3], $0x400, $0x38;
	[tilespmem:$0x1CF00] =	vst v63  }
0xc2: {  	s6 =	sadd.s32 s8, s6  }
0xc3: {  	[tilespmem:s11], [sflag:$0x2] =	stream.linear.gather [hbm4b:s6+s3], $0x400, $0x38;
	[tilespmem:$0x1CF00] =	vst v63  }
0xc4: {  	_ =	swait.ge [sflag:s12], $0x400  }
0xc5: {  	[sflag:s12] =	ssyncset.done $0x0  }
0xc6: {  	[sflag:s12] =	ssyncadd.s32 $0xFFFFFC00  }
0xc7: {  	_ =	swait.ge [sflag:s12], $0x400  }
0xc8: {  	[sflag:s12] =	ssyncset.done $0x0  }
0xc9: {  	[sflag:s12] =	ssyncadd.s32 $0xFFFFFC00  }
0xca: {  	[tilespmem:s14], [sflag:$0x1] =	stream.indirect.gather [hbm4b:s4+s13], $0x10, s3, s13, $0xb8;
	[tilespmem:$0x1CF00] =	vst v63  }
0xcb: {  	_ = 	snop  }
0xcc: {  	[tilespmem:s15], [sflag:$0x1] =	stream.indirect.gather [hbm4b:s4+s13], $0x10, s13, s13, $0xb8;
	[tilespmem:$0x1CF00] =	vst v63  }
0xcd: {  	s7 =	rddreg [dreg:$0x5]  }
0xce: {  	[tilespmem:s16], [sflag:$0x1] =	stream.indirect.gather [hbm4b:s4+s13], $0x10, s7, s13, $0xb8;
	[tilespmem:$0x1CF00] =	vst v63  }
0xcf: {  	s8 =	rddreg [dreg:$0x6]  }
0xd0: {  	[tilespmem:s17], [sflag:$0x1] =	stream.indirect.gather [hbm4b:s4+s13], $0x10, s8, s13, $0xb8;
	[tilespmem:$0x1CF00] =	vst v63  }
0xd1: {  	s9 =	simm.s32 $0x200  }
0xd2: {  	[tilespmem:s19], [sflag:$0x1] =	stream.indirect.gather [hbm4b:s4+s13], $0x10, s9, s13, $0xb8;
	[tilespmem:$0x1CF00] =	vst v63  }
0xd3: {  	_ = 	snop  }
0xd4: {  	[tilespmem:s21], [sflag:$0x1] =	stream.indirect.gather [hbm4b:s4+s13], $0x10, s20, s13, $0xb8;
	[tilespmem:$0x1CF00] =	vst v63  }
0xd5: {  	_ = 	snop  }
0xd6: {  	[tilespmem:s23], [sflag:$0x1] =	stream.indirect.gather [hbm4b:s4+s13], $0x10, s22, s13, $0xb8;
	[tilespmem:$0x1CF00] =	vst v63  }
0xd7: {  	_ = 	snop  }
0xd8: {  	[tilespmem:s25], [sflag:$0x1] =	stream.indirect.gather [hbm4b:s4+s13], $0x10, s24, s13, $0xb8;
	[tilespmem:$0x1CF00] =	vst v63  }
0xd9: {  	_ =	swait.ge [sflag:s26], $0x800  }
0xda: {  	[sflag:s26] =	ssyncset.done $0x0  }
0xdb: {  	[sflag:s26] =	ssyncadd.s32 $0xFFFFF800  }
0xdc: {  	[spmem:s2] =	stream.indirect.scatter.add.f32 [tilespmem:s14], [sflag:$0x3], $0x10, s11, s13, $0xb8;
	[tilespmem:$0x1CF00] =	vst v63  }
0xdd: {  	_ =	swait.ge [sflag:s10], $0x800  }
0xde: {  	[sflag:s10] =	ssyncset.done $0x0  }
0xdf: {  	[sflag:s10] =	ssyncadd.s32 $0xFFFFF800  }
0xe0: {  	_ =	swait.ge [sflag:s26], $0x800  }
0xe1: {  	[sflag:s26] =	ssyncset.done $0x0  }
0xe2: {  	[sflag:s26] =	ssyncadd.s32 $0xFFFFF800  }
0xe3: {  	[spmem:s2] =	stream.indirect.scatter.add.f32 [tilespmem:s15], [sflag:$0x3], $0x10, s28, s13, $0xb8;
	[tilespmem:$0x1CF00] =	vst v63  }
0xe4: {  	_ =	swait.ge [sflag:s10], $0x800  }
0xe5: {  	[sflag:s10] =	ssyncset.done $0x0  }
0xe6: {  	[sflag:s10] =	ssyncadd.s32 $0xFFFFF800  }
0xe7: {  	_ =	swait.ge [sflag:s26], $0x800  }
0xe8: {  	[sflag:s26] =	ssyncset.done $0x0  }
0xe9: {  	[sflag:s26] =	ssyncadd.s32 $0xFFFFF800  }
0xea: {  	[spmem:s2] =	stream.indirect.scatter.add.f32 [tilespmem:s16], [sflag:$0x3], $0x10, s29, s13, $0xb8;
	[tilespmem:$0x1CF00] =	vst v63  }
0xeb: {  	_ =	swait.ge [sflag:s10], $0x800  }
0xec: {  	[sflag:s10] =	ssyncset.done $0x0  }
0xed: {  	[sflag:s10] =	ssyncadd.s32 $0xFFFFF800  }
0xee: {  	_ =	swait.ge [sflag:s26], $0x800  }
0xef: {  	[sflag:s26] =	ssyncset.done $0x0  }
0xf0: {  	[sflag:s26] =	ssyncadd.s32 $0xFFFFF800  }
0xf1: {  	[spmem:s2] =	stream.indirect.scatter.add.f32 [tilespmem:s17], [sflag:$0x3], $0x10, s30, s13, $0xb8;
	[tilespmem:$0x1CF00] =	vst v63  }
0xf2: {  	_ =	swait.ge [sflag:s10], $0x800  }
0xf3: {  	[sflag:s10] =	ssyncset.done $0x0  }
0xf4: {  	[sflag:s10] =	ssyncadd.s32 $0xFFFFF800  }
0xf5: {  	_ =	swait.ge [sflag:s26], $0x800  }
0xf6: {  	[sflag:s26] =	ssyncset.done $0x0  }
0xf7: {  	[sflag:s26] =	ssyncadd.s32 $0xFFFFF800  }
0xf8: {  	[spmem:s2] =	stream.indirect.scatter.add.f32 [tilespmem:s19], [sflag:$0x3], $0x10, s31, s13, $0xb8;
	[tilespmem:$0x1CF00] =	vst v63  }
0xf9: {  	_ =	swait.ge [sflag:s10], $0x800  }
0xfa: {  	[sflag:s10] =	ssyncset.done $0x0  }
0xfb: {  	[sflag:s10] =	ssyncadd.s32 $0xFFFFF800  }
0xfc: {  	_ =	swait.ge [sflag:s26], $0x800  }
0xfd: {  	[sflag:s26] =	ssyncset.done $0x0  }
0xfe: {  	[sflag:s26] =	ssyncadd.s32 $0xFFFFF800  }
0xff: {  	[spmem:s2] =	stream.indirect.scatter.add.f32 [tilespmem:s21], [sflag:$0x3], $0x10, s1, s13, $0xb8;
	[tilespmem:$0x1CF00] =	vst v63  }
0x100: {  	_ =	swait.ge [sflag:s10], $0x800  }
0x101: {  	[sflag:s10] =	ssyncset.done $0x0  }
0x102: {  	[sflag:s10] =	ssyncadd.s32 $0xFFFFF800  }
0x103: {  	_ =	swait.ge [sflag:s26], $0x800  }
0x104: {  	[sflag:s26] =	ssyncset.done $0x0  }
0x105: {  	[sflag:s26] =	ssyncadd.s32 $0xFFFFF800  }
0x106: {  	[spmem:s2] =	stream.indirect.scatter.add.f32 [tilespmem:s23], [sflag:$0x3], $0x10, s0, s13, $0xb8;
	[tilespmem:$0x1CF00] =	vst v63  }
0x107: {  	_ =	swait.ge [sflag:s10], $0x800  }
0x108: {  	[sflag:s10] =	ssyncset.done $0x0  }
0x109: {  	[sflag:s10] =	ssyncadd.s32 $0xFFFFF800  }
0x10a: {  	_ =	swait.ge [sflag:s26], $0x800  }
0x10b: {  	[sflag:s26] =	ssyncset.done $0x0  }
0x10c: {  	[sflag:s26] =	ssyncadd.s32 $0xFFFFF800  }
0x10d: {  	[spmem:s2] =	stream.indirect.scatter.add.f32 [tilespmem:s25], [sflag:$0x3], $0x10, s5, s13, $0xb8;
	[tilespmem:$0x1CF00] =	vst v63  }
0x10e: {  	_ =	swait.ge [sflag:s10], $0x800  }
0x10f: {  	[sflag:s10] =	ssyncset.done $0x0  }
0x110: {  	[sflag:s10] =	ssyncadd.s32 $0xFFFFF800  }
0x111: {  	[bflag:$0x0] =	sbarrier.arrive $0xFFFF  }
0x112: {  	s7 =	rddreg [dreg:$0x8]  }
0x113: {  	s18 =	rddreg [dreg:$0x9]  }
0x114: {  	s8 =	rddreg [dreg:$0xb]  }
0x115: {  	[hbm:s18], [sflag:s7] =	dma.local [spmem:s8], $0x30E0  }
0x116: {  	_ =	swait.ge [sflag:s10], $0x30E0  }
0x117: {  	s6 =	rddreg [dreg:$0xc]  }
0x118: {  	s18 =	rddreg [dreg:$0xa];
	s9 =	sadd.s32 $0x1, s6  }
0x119: {  	p0 =	sne.s32 s9, s18  }
.Ltmp1:
0x11a: {  	_ = 	snop;
	(pc) =	sbr.rel @p0 .LBB2_1-.Ltmp1, $3  }
0x11b: {  	_ =	sdelay $0x1  }
0x11c: {  	[sflag:s10] =	ssyncset.done $0x0  }
0x11d: {  	[sflag:s10] =	ssyncadd.s32 $0xFFFFCF20  }
0x11e: {  	_ =	sfence.sel $0x180000  }
0x11f: {  	[bflag:$0x0] =	sbarrier.arrive $0xFFFF  }
0x120: {  	_ =	strace $0x9000004D  }
0x121: {  	s0 =	stileid.u32;
	[bflag:$0x2] =	sbarrier.arrive $0xFFFF  }
0x122: {  	p0 =	sne.s32 s0, $0x0;
	s0 =	rddreg [dreg:$0x2]  }
0x123: {  	s0 =	sadd.s32 @!p0 $0x100000, s0  }
0x124: {  	[sflag:s0] =	ssyncadd.tile.s32 @!p0 $0x1;
	_ =	shalt  }
.Lfunc_end2:
_tile_overlayer_lowered:
.L_overlay_start_2:
0x125: {  	(tag) =	ssettag $0x2  }
0x126: {  	s0 =	rddreg [dreg:$0x0];
	s2 =	stileid.u32  }
0x127: {  	s1 =	rddreg [dreg:$0x1];
	p0 =	sne.s32 s2, $0x0  }
0x128: {  	s3 =	rddreg [dreg:$0x2];
	[bflag:$0x3] =	sbarrier.arrive $0xFFFF;
	s2 =	simm.s32 @!p0 $0x1C03  }
0x129: {  	[timem:s3], [sflag:s2] =	dma.local @!p0 [hbm:s0], s1  }
0x12a: {  	s0 =	simm.s32 @!p0 $0x3  }
0x12b: {  	_ =	swait.ge @!p0 [sflag:s0], s1  }
0x12c: {  	s1 =	ssub.s32 @!p0 $0x0, s1;
	[sflag:s0] =	ssyncset.done @!p0 $0x0  }
0x12d: {  	[sflag:s0] =	ssyncadd.s32 @!p0 s1  }
0x12e: {  	[bflag:$0x3] =	sbarrier.arrive $0xFFFF  }
0x12f: {  	_ =	shalt  }

// kernel: kernel.19.cloned.1.call-start
scs
__scs_entry_jumppad:
0x0: {  	(pc) =	sbr.rel $0x88, $3  }
0x1: {  	(tag) =	ssettag $0x0;
	lr =	simm.s32 $0x1  }
0x2: {  	[smem:$0x3F99] =	sst lr;
	_ =	strace $0xD0000000  }
0x3: {  	_ = 	snop  }
0x4: {  	_ = 	snop  }
0x5: {  	_ = 	snop  }
0x6: {  	_ = 	snop  }
0x7: {  	_ = 	snop  }
__scs_overlays_trampoline_lowered:
0x8: {  	[smem:$0x3FA8] =	sst s0  }
0x9: {  	[smem:$0x3FA9] =	sst s1  }
0xa: {  	[smem:$0x3FAA] =	sst s2  }
0xb: {  	[smem:$0x3FAB] =	sst s3  }
0xc: {  	[smem:$0x3FAC] =	sst s4  }
0xd: {  	[smem:$0x3FAD] =	sst s5  }
0xe: {  	[smem:$0x3FAE] =	sst s6  }
0xf: {  	[smem:$0x3FAF] =	sst s7  }
0x10: {  	[smem:$0x3FB0] =	sst s8  }
0x11: {  	[smem:$0x3FB1] =	sst s9;
	s0 =	simm.s32 @!p0 $0x0  }
0x12: {  	s1 =	sld [smem:$0x3F97];
	s0 =	simm.s32 @p0 $0x1  }
0x13: {  	[smem:$0x3FB2] =	sst s0;
	s0 =	simm.s32 @!p1 $0x0  }
0x14: {  	s2 =	sld [smem:$0x3F96];
	s0 =	simm.s32 @p1 $0x1  }
0x15: {  	[smem:$0x3FB3] =	sst s0;
	s0 =	simm.s32 @!p2 $0x0  }
0x16: {  	s3 =	sld [smem:$0x3FDB];
	s0 =	simm.s32 @p2 $0x1  }
0x17: {  	s4 =	simm.s32 $0x1BF5;
	[smem:$0x3FB5] =	sst s0  }
0x18: {  	s0 =	sld [smem:$0x3F98];
	_ =	swait.ge [sflag:s4], $0x0  }
0x19: {  	s7 =	sld [smem:$0x3F99]  }
0x1a: {  	s8 =	sadd.s32 $0xFFFFE003, lr  }
0x1b: {  	s9 =	sadd.s32 $0xFFFFFEF7, lr;
	s5 =	simm.s32 $0xFFFFFFFF;
	p2 =	slt.u32 s8, $0xFFFFF086  }
0x1c: {  	p1 =	slt.u32 s9, $0xF7A;
	s5 =	simm.s32 @!p2 $0x0  }
0x1d: {  	s5 =	simm.s32 @p1 $0x1;
	p0 =	seq.s32 s7, s2  }
0x1e: {  	s7 =	smul.u32 @!p0 $0xF7A, s2;
	p2 =	seq.s32 @!p0 s5, $0x0  }
0x1f: {  	s9 =	smul.u32 $0xF7A, s1;
	s8 =	simm.s32 @!p0 $0x1BF5;
	p2 =	por !p2, p0  }
0x20: {  	[sflag:s8] =	ssyncset.s32 @!p0 $0xFFFFF086;
	s6 =	sadd.s32 @!p0 s3, s7;
	s7 =	simm.s32 @!p0 $0x108  }
0x21: {  	s3 =	sadd.s32 s3, s9;
	s6 =	sadd.s32 @!p0 $0x88, s6;
	s7 =	simm.s32 @p2 $0x1082  }
0x22: {  	[simem:s7], [sflag:s8] =	dma.local @!p0 [hbm:s6], $0xF7A  }
0x23: {  	s9 =	sor.u32 $0xD0000000, s2;
	s6 =	simm.s32 $0x108;
	_ =	swait.ge @!p0 [sflag:s8], $0x0  }
0x24: {  	s3 =	sadd.s32 $0x88, s3;
	s6 =	simm.s32 @!p1 $0x1082;
	[sflag:s4] =	ssyncset.s32 $0xFFFFF086  }
0x25: {  	[simem:s6], [sflag:s4] =	dma.local [hbm:s3], $0xF7A  }
0x26: {  	[smem:$0x3F99] =	sst s1;
	(tag) =	ssettag s2;
	_ =	strace s9  }
0x27: {  	s1 =	sld [smem:$0x3FA9]  }
0x28: {  	s2 =	sld [smem:$0x3FAA]  }
0x29: {  	s4 =	sld [smem:$0x3FAC]  }
0x2a: {  	p0 =	seq.s32 s5, $0x0;
	s5 =	sld [smem:$0x3FAD]  }
0x2b: {  	s6 =	sld [smem:$0x3FAE]  }
0x2c: {  	s7 =	sld [smem:$0x3FAF]  }
0x2d: {  	s3 =	simm.s32 $0x108;
	s8 =	sld [smem:$0x3FB0]  }
0x2e: {  	s3 =	simm.s32 @!p0 $0x1082;
	s9 =	sld [smem:$0x3FB1]  }
0x2f: {  	lr =	sadd.s32 s0, s3;
	s0 =	sld [smem:$0x3FA8]  }
0x30: {  	s3 =	sld [smem:$0x3FAB]  }
0x31: {  	[smem:$0x3FB4] =	sst s10  }
0x32: {  	s10 =	sld [smem:$0x3FB2];
	_ =	sdelay $0x3  }
0x33: {  	p0 =	seq.s32 s10, $0x1;
	s10 =	sld [smem:$0x3FB4];
	_ =	sdelay $0x3  }
0x34: {  	[smem:$0x3FB4] =	sst s10  }
0x35: {  	s10 =	sld [smem:$0x3FB3];
	_ =	sdelay $0x3  }
0x36: {  	p1 =	seq.s32 s10, $0x1;
	s10 =	sld [smem:$0x3FB4];
	_ =	sdelay $0x3  }
0x37: {  	[smem:$0x3FB4] =	sst s10  }
0x38: {  	s10 =	sld [smem:$0x3FB5]  }
0x39: {  	_ = 	snop;
	(pc) =	sbr.ind lr, $3  }
0x3a: {  	_ = 	snop  }
0x3b: {  	_ = 	snop  }
0x3c: {  	p2 =	seq.s32 s10, $0x1;
	s10 =	sld [smem:$0x3FB4]  }
0x3d: {  	_ =	shalt  }
0x3e: {  	_ =	shalt  }
0x3f: {  	_ =	shalt  }
0x40: {  	_ =	shalt  }
0x41: {  	_ =	shalt  }
0x42: {  	_ =	shalt  }
0x43: {  	_ =	shalt  }
0x44: {  	_ =	shalt  }
0x45: {  	_ =	shalt  }
0x46: {  	_ =	shalt  }
0x47: {  	_ =	shalt  }
0x48: {  	_ =	shalt  }
0x49: {  	_ =	shalt  }
0x4a: {  	_ =	shalt  }
0x4b: {  	_ =	shalt  }
0x4c: {  	_ =	shalt  }
0x4d: {  	_ =	shalt  }
0x4e: {  	_ =	shalt  }
0x4f: {  	_ =	shalt  }
0x50: {  	_ =	shalt  }
0x51: {  	_ =	shalt  }
0x52: {  	_ =	shalt  }
0x53: {  	_ =	shalt  }
0x54: {  	_ =	shalt  }
0x55: {  	_ =	shalt  }
0x56: {  	_ =	shalt  }
0x57: {  	_ =	shalt  }
0x58: {  	_ =	shalt  }
0x59: {  	_ =	shalt  }
0x5a: {  	_ =	shalt  }
0x5b: {  	_ =	shalt  }
0x5c: {  	_ =	shalt  }
0x5d: {  	_ =	shalt  }
0x5e: {  	_ =	shalt  }
0x5f: {  	_ =	shalt  }
0x60: {  	_ =	shalt  }
0x61: {  	_ =	shalt  }
0x62: {  	_ =	shalt  }
0x63: {  	_ =	shalt  }
0x64: {  	_ =	shalt  }
0x65: {  	_ =	shalt  }
0x66: {  	_ =	shalt  }
0x67: {  	_ =	shalt  }
0x68: {  	_ =	shalt  }
0x69: {  	_ =	shalt  }
0x6a: {  	_ =	shalt  }
0x6b: {  	_ =	shalt  }
0x6c: {  	_ =	shalt  }
0x6d: {  	_ =	shalt  }
0x6e: {  	_ =	shalt  }
0x6f: {  	_ =	shalt  }
0x70: {  	_ =	shalt  }
0x71: {  	_ =	shalt  }
0x72: {  	_ =	shalt  }
0x73: {  	_ =	shalt  }
0x74: {  	_ =	shalt  }
0x75: {  	_ =	shalt  }
0x76: {  	_ =	shalt  }
0x77: {  	_ =	shalt  }
0x78: {  	_ =	shalt  }
0x79: {  	_ =	shalt  }
0x7a: {  	_ =	shalt  }
0x7b: {  	_ =	shalt  }
0x7c: {  	_ =	shalt  }
0x7d: {  	_ =	shalt  }
0x7e: {  	_ =	shalt  }
0x7f: {  	_ =	shalt  }
0x80: {  	_ =	shalt  }
0x81: {  	_ =	shalt  }
0x82: {  	_ =	shalt  }
0x83: {  	_ =	shalt  }
0x84: {  	_ =	shalt  }
0x85: {  	_ =	shalt  }
0x86: {  	_ =	shalt  }
0x87: {  	_ =	shalt  }
.Lfunc_end0:
.L_simem_size_0:
called_computation.3_lowered:
.L_overlay_start_0:
0x88: {  	s2 =	sld [smem:$0x3FD9]  }
0x89: {  	s3 =	sld [smem:$0x3FFE];
	_ =	sdelay $0x1  }
0x8a: {  	s1 =	srdreg.scid  }
0x8b: {  	s0 =	sand.u32 $0x1, s1  }
0x8c: {  	s17 =	sshll.u32 s0, $0xA;
	s2 =	sadd.s32 s3, s2  }
0x8d: {  	s2 =	sadd.s32 s2, s17  }
0x8e: {  	[smem:$0x3FC0] =	sst s2  }
0x8f: {  	_ = 	snop  }
0x90: {  	s2 =	sld [smem:$0x3FD0];
	(tm) =	ssettm $0x1  }
0x91: {  	s18 =	sld [smem:$0x3FFB];
	_ =	sdelay $0x3  }
0x92: {  	_ =	strace s18  }
0x93: {  	s3 =	sld [smem:$0x3FFC];
	_ =	sdelay $0x3  }
0x94: {  	_ =	strace s3  }
0x95: {  	s3 =	sld [smem:$0x3FFD];
	_ =	sdelay $0x3  }
0x96: {  	_ =	strace s3  }
0x97: {  	_ =	strace $0x8FFFFFFF  }
0x98: {  	s19 =	sld [smem:$0x3FDB];
	_ =	sdelay $0x1  }
0x99: {  	s4 =	simm.s32 $_scs_section_size  }
0x9a: {  	s5 =	simm.s32 $_size__tile_overlayer_lowered;
	s6 =	simm.s32 $_tile_overlayer_lowered  }
0x9b: {  	s22 =	simm.s32 $0x1BFF;
	s21 =	sshll.u32 s6, $0x1;
	s3 =	sadd.s32 s4, s19  }
0x9c: {  	s7 =	simm.s32 $0x0;
	s20 =	sshll.u32 s5, $0x1;
	s5 =	sadd.s32 s21, s3  }
0x9d: {  	[timem:s7], [sflag:s22] =	dma.local [hbm:s5], s20  }
0x9e: {  	_ =	swait.ge [sflag:s22], s20  }
0x9f: {  	s4 =	ssub.s32 $0x0, s20;
	[sflag:s22] =	ssyncset.done $0x0  }
0xa0: {  	[sflag:s22] =	ssyncadd.s32 s4;
	_ =	sdelay $0x1  }
0xa1: {  	s23 =	simm.s32 $0x1B8B  }
0xa2: {  	_ =	swait.ge [sflag:s23], $0x1  }
0xa3: {  	[sflag:s23] =	ssyncset.done $0x0  }
0xa4: {  	s25 =	simm.s32 $0x1B8E;
	s24 =	sld [smem:$0x3FFE];
	[sflag:s23] =	ssyncadd.s32 $0xFFFFFFFF  }
0xa5: {  	s26 =	simm.s32 $execute0_lowered;
	[smem:$0x3FD2] =	sst s25  }
0xa6: {  	s5 =	sshll.u32 s26, $0x1;
	_ =	strace $0x8000004F;
	[dreg:$0x1] =	wrdreg $0xFFFFFFFF  }
0xa7: {  	s28 =	simm.s32 $_size_execute0_lowered;
	s3 =	sadd.s32 s3, s5;
	[dreg:$0x0] =	wrdreg $0x0  }
0xa8: {  	s5 =	sshll.u32 s28, $0x1;
	[dreg:$0x2] =	wrdreg s3  }
0xa9: {  	[dreg:$0x3] =	wrdreg s5  }
0xaa: {  	[dreg:$0x4] =	wrdreg $0xC0  }
0xab: {  	_ =	task [dreg:s7], $0x5FFFF  }
0xac: {  	[dreg:$0x1] =	wrdreg $0xFFFFFFFF  }
0xad: {  	[dreg:$0x0] =	wrdreg $0x60  }
0xae: {  	[dreg:$0x2] =	wrdreg s2  }
0xaf: {  	[dreg:$0x3] =	wrdreg s24  }
0xb0: {  	[dreg:$0x4] =	wrdreg $0x28000  }
0xb1: {  	[dreg:$0x5] =	wrdreg $0x9  }
0xb2: {  	_ =	task.clear_ibuf [dreg:s7], $0x6FFFF;
	_ =	strace $0x9000004F  }
0xb3: {  	s29 =	simm.s32 $0x9;
	_ =	strace $0x80000051  }
0xb4: {  	_ =	swait.ge [sflag:s29], $0x1  }
0xb5: {  	[sflag:s29] =	ssyncadd.s32 $0xFFFFFFFF  }
0xb6: {  	_ =	strace $0x90000051  }
0xb7: {  	_ =	sfence  }
0xb8: {  	s30 =	sld [smem:$0x0];
	_ =	sdelay $0x2  }
0xb9: {  	s31 =	sshll.u32 s1, $0xD;
	s1 =	sshrl.u32 s1, $0x2  }
0xba: {  	s3 =	sand.u32 $0x4000, s31;
	s1 =	sadd.s32 s1, s30  }
0xbb: {  	s0 =	sor.u32 s3, s0;
	s1 =	sshll.u32 s1, $0x11  }
0xbc: {  	s0 =	sor.u32 s1, s0  }
0xbd: {  	s0 =	sadd.s32 $0x8F2B, s0  }
0xbe: {  	[sflag:s0] =	ssyncadd.remote.s32 $0x1  }
0xbf: {  	_ =	sfence.sel $0xFFFF  }
0xc0: {  	[dreg:$0x0] =	wrdreg $0xFFFFFFFF;
	(pc) =	sbr.abs _section_cstart, $3  }
0xc1: {  	[dreg:$0x1] =	wrdreg $0xFFFFFFFF  }
0xc2: {  	_ =	task.clear_ibuf [dreg:s7], $0x2FFFF;
	_ =	strace $0x9FFFFFFF  }
0xc3: {  	(tm) =	ssettm $0x7FFFFFFF  }
tec
execute0_lowered:
.L_overlay_start_1:
0x0: {  	(tag) =	ssettag $0x1  }
0x1: {  	s1 =	rddreg [dreg:$0x0]  }
0x2: {  	s10 =	stileid.u32;
	s2 =	rddreg [dreg:$0x1]  }
0x3: {  	s0 =	srdreg.scid;
	s3 =	rddreg [dreg:$0x2]  }
0x4: {  	s4 =	simm.s32 $0x0;
	s11 =	simm.s32 $0x400;
	s12 =	simm.s32 $0x2  }
0x5: {  	s13 =	simm.s32 $0x80;
	s25 =	simm.s32 $0x100;
	s14 =	simm.s32 $0x800  }
0x6: {  	s26 =	simm.s32 $0x180;
	s15 =	simm.s32 $0xC00;
	s16 =	simm.s32 $0x1000  }
0x7: {  	s17 =	simm.s32 $0x1400;
	s19 =	simm.s32 $0x1800;
	s28 =	simm.s32 $0x480  }
0x8: {  	s29 =	simm.s32 $0x500;
	s30 =	simm.s32 $0x580;
	s5 =	smul.u32 $0xC380, s10  }
0x9: {  	s31 =	simm.s32 $0x600;
	s0 =	sand.u32 $0x1, s0;
	s7 =	smul.u32 $0x18800, s10  }
0xa: {  	[smem:$0x7FF] =	sst s4;
	s23 =	sshll.u32 s10, $0x6;
	s10 =	simm.s32 $0x3  }
0xb: {  	s6 =	smul.u32 $0x188000, s0;
	_ =	strace $0x80000050;
	[dreg:$0x6] =	wrdreg s25  }
0xc: {  	s9 =	smul.u32 $0xC3800, s0;
	s0 =	ssub.s32 $0x2, s0;
	[dreg:$0x7] =	wrdreg s26  }
0xd: {  	s25 =	simm.s32 $0x2400;
	s26 =	simm.s32 $0x1;
	s8 =	sshrl.u32 s5, $0x3  }
0xe: {  	s21 =	sshrl.u32 s0, $0x1;
	s8 =	sadd.s32 s8, s2;
	s6 =	sadd.s32 s7, s6  }
0xf: {  	s20 =	sadd.s32 s5, s9;
	s0 =	ssub.s32 s0, s21;
	s5 =	sadd.s32 s5, s3  }
0x10: {  	s21 =	simm.s32 $0x1C00;
	s9 =	simm.s32 $0x0;
	s6 =	sshrl.u32 s6, $0x3  }
0x11: {  	s7 =	sshrl.u32 s20, $0x3;
	s22 =	sadd.s32 $0x64800, s8;
	s0 =	smax.u32 s0, $0x1  }
0x12: {  	s8 =	sshrl.u32 s5, $0x3;
	s20 =	simm.s32 $0x280;
	[dreg:$0x8] =	wrdreg s22  }
0x13: {  	s5 =	simm.s32 $0x780;
	s6 =	sadd.s32 s6, s2;
	[dreg:$0xb] =	wrdreg s0  }
0x14: {  	s2 =	sadd.s32 s7, s2;
	s7 =	sor.u32 $0x1C03, s23;
	[dreg:$0xc] =	wrdreg s8  }
0x15: {  	s22 =	simm.s32 $0x300;
	s24 =	sadd.s32 $0x2800, s6;
	[dreg:$0x9] =	wrdreg s7  }
0x16: {  	s23 =	simm.s32 $0x2000;
	s2 =	sadd.s32 $0x27E600, s2;
	[dreg:$0x4] =	wrdreg s24  }
0x17: {  	s0 =	simm.s32 $0x700;
	s6 =	sadd.s32 $0x95600, s6;
	[dreg:$0xa] =	wrdreg s2  }
0x18: {  	[dreg:$0x5] =	wrdreg s6;
	s24 =	simm.s32 $0x380;
	s2 =	simm.s32 $0x680  }
.LBB2_1:
0x19: {  	[dreg:$0xd] =	wrdreg s9  }
0x1a: {  	s6 =	rddreg [dreg:$0x8]  }
0x1b: {  	[spmem:s8], [sflag:s7] =	dma.local [hbm:s6], $0x1870  }
0x1c: {  	_ =	swait.ge [sflag:s10], $0x1870  }
0x1d: {  	[sflag:s10] =	ssyncset.done $0x0  }
0x1e: {  	[sflag:s10] =	ssyncadd.s32 $0xFFFFE790  }
0x1f: {  	[bflag:$0x0] =	sbarrier.arrive $0xFFFF  }
0x20: {  	s9 =	rddreg [dreg:$0x5]  }
0x21: {  	s18 =	rddreg [dreg:$0x4];
	s6 =	sadd.s32 $0x0, s9  }
0x22: {  	[tilespmem:s4], [sflag:$0x2] =	stream.linear.gather [hbm4b:s6+s4], $0x400, $0x38;
	[tilespmem:$0xEB80] =	vst v63  }
0x23: {  	s7 =	sadd.s32 $0x0, s18  }
0x24: {  	[tilespmem:s11], [sflag:$0x2] =	stream.linear.gather [hbm4b:s7+s4], $0x400, $0x38;
	[tilespmem:$0xEB80] =	vst v63  }
0x25: {  	_ =	swait.ge [sflag:s12], $0x400  }
0x26: {  	[sflag:s12] =	ssyncset.done $0x0  }
0x27: {  	[sflag:s12] =	ssyncadd.s32 $0xFFFFFC00  }
0x28: {  	_ =	swait.ge [sflag:s12], $0x400  }
0x29: {  	[sflag:s12] =	ssyncset.done $0x0  }
0x2a: {  	[sflag:s12] =	ssyncadd.s32 $0xFFFFFC00  }
0x2b: {  	[tilespmem:s14], [sflag:$0x1] =	stream.indirect.gather [hbm4b:s1+s13], $0x8, s4, s13, $0xb8;
	[tilespmem:$0xEB80] =	vst v63  }
0x2c: {  	_ = 	snop  }
0x2d: {  	[tilespmem:s15], [sflag:$0x1] =	stream.indirect.gather [hbm4b:s1+s13], $0x8, s13, s13, $0xb8;
	[tilespmem:$0xEB80] =	vst v63  }
0x2e: {  	s8 =	rddreg [dreg:$0x6]  }
0x2f: {  	[tilespmem:s16], [sflag:$0x1] =	stream.indirect.gather [hbm4b:s1+s13], $0x8, s8, s13, $0xb8;
	[tilespmem:$0xEB80] =	vst v63  }
0x30: {  	s9 =	rddreg [dreg:$0x7]  }
0x31: {  	[tilespmem:s17], [sflag:$0x1] =	stream.indirect.gather [hbm4b:s1+s13], $0x8, s9, s13, $0xb8;
	[tilespmem:$0xEB80] =	vst v63  }
0x32: {  	s18 =	simm.s32 $0x200  }
0x33: {  	[tilespmem:s19], [sflag:$0x1] =	stream.indirect.gather [hbm4b:s1+s13], $0x8, s18, s13, $0xb8;
	[tilespmem:$0xEB80] =	vst v63  }
0x34: {  	_ = 	snop  }
0x35: {  	[tilespmem:s21], [sflag:$0x1] =	stream.indirect.gather [hbm4b:s1+s13], $0x8, s20, s13, $0xb8;
	[tilespmem:$0xEB80] =	vst v63  }
0x36: {  	_ = 	snop  }
0x37: {  	[tilespmem:s23], [sflag:$0x1] =	stream.indirect.gather [hbm4b:s1+s13], $0x8, s22, s13, $0xb8;
	[tilespmem:$0xEB80] =	vst v63  }
0x38: {  	_ = 	snop  }
0x39: {  	[tilespmem:s25], [sflag:$0x1] =	stream.indirect.gather [hbm4b:s1+s13], $0x8, s24, s13, $0xb8;
	[tilespmem:$0xEB80] =	vst v63  }
0x3a: {  	_ =	swait.ge [sflag:s26], $0x400  }
0x3b: {  	[sflag:s26] =	ssyncset.done $0x0  }
0x3c: {  	[sflag:s26] =	ssyncadd.s32 $0xFFFFFC00  }
0x3d: {  	[spmem:s3] =	stream.indirect.scatter.add.f32 [tilespmem:s14], [sflag:$0x3], $0x8, s11, s13, $0xb8;
	[tilespmem:$0xEB80] =	vst v63  }
0x3e: {  	_ =	swait.ge [sflag:s10], $0x400  }
0x3f: {  	[sflag:s10] =	ssyncset.done $0x0  }
0x40: {  	[sflag:s10] =	ssyncadd.s32 $0xFFFFFC00  }
0x41: {  	_ =	swait.ge [sflag:s26], $0x400  }
0x42: {  	[sflag:s26] =	ssyncset.done $0x0  }
0x43: {  	[sflag:s26] =	ssyncadd.s32 $0xFFFFFC00  }
0x44: {  	[spmem:s3] =	stream.indirect.scatter.add.f32 [tilespmem:s15], [sflag:$0x3], $0x8, s28, s13, $0xb8;
	[tilespmem:$0xEB80] =	vst v63  }
0x45: {  	_ =	swait.ge [sflag:s10], $0x400  }
0x46: {  	[sflag:s10] =	ssyncset.done $0x0  }
0x47: {  	[sflag:s10] =	ssyncadd.s32 $0xFFFFFC00  }
0x48: {  	_ =	swait.ge [sflag:s26], $0x400  }
0x49: {  	[sflag:s26] =	ssyncset.done $0x0  }
0x4a: {  	[sflag:s26] =	ssyncadd.s32 $0xFFFFFC00  }
0x4b: {  	[spmem:s3] =	stream.indirect.scatter.add.f32 [tilespmem:s16], [sflag:$0x3], $0x8, s29, s13, $0xb8;
	[tilespmem:$0xEB80] =	vst v63  }
0x4c: {  	_ =	swait.ge [sflag:s10], $0x400  }
0x4d: {  	[sflag:s10] =	ssyncset.done $0x0  }
0x4e: {  	[sflag:s10] =	ssyncadd.s32 $0xFFFFFC00  }
0x4f: {  	_ =	swait.ge [sflag:s26], $0x400  }
0x50: {  	[sflag:s26] =	ssyncset.done $0x0  }
0x51: {  	[sflag:s26] =	ssyncadd.s32 $0xFFFFFC00  }
0x52: {  	[spmem:s3] =	stream.indirect.scatter.add.f32 [tilespmem:s17], [sflag:$0x3], $0x8, s30, s13, $0xb8;
	[tilespmem:$0xEB80] =	vst v63  }
0x53: {  	_ =	swait.ge [sflag:s10], $0x400  }
0x54: {  	[sflag:s10] =	ssyncset.done $0x0  }
0x55: {  	[sflag:s10] =	ssyncadd.s32 $0xFFFFFC00  }
0x56: {  	_ =	swait.ge [sflag:s26], $0x400  }
0x57: {  	[sflag:s26] =	ssyncset.done $0x0  }
0x58: {  	[sflag:s26] =	ssyncadd.s32 $0xFFFFFC00  }
0x59: {  	[spmem:s3] =	stream.indirect.scatter.add.f32 [tilespmem:s19], [sflag:$0x3], $0x8, s31, s13, $0xb8;
	[tilespmem:$0xEB80] =	vst v63  }
0x5a: {  	_ =	swait.ge [sflag:s10], $0x400  }
0x5b: {  	[sflag:s10] =	ssyncset.done $0x0  }
0x5c: {  	[sflag:s10] =	ssyncadd.s32 $0xFFFFFC00  }
0x5d: {  	_ =	swait.ge [sflag:s26], $0x400  }
0x5e: {  	[sflag:s26] =	ssyncset.done $0x0  }
0x5f: {  	[sflag:s26] =	ssyncadd.s32 $0xFFFFFC00  }
0x60: {  	[spmem:s3] =	stream.indirect.scatter.add.f32 [tilespmem:s21], [sflag:$0x3], $0x8, s2, s13, $0xb8;
	[tilespmem:$0xEB80] =	vst v63  }
0x61: {  	_ =	swait.ge [sflag:s10], $0x400  }
0x62: {  	[sflag:s10] =	ssyncset.done $0x0  }
0x63: {  	[sflag:s10] =	ssyncadd.s32 $0xFFFFFC00  }
0x64: {  	_ =	swait.ge [sflag:s26], $0x400  }
0x65: {  	[sflag:s26] =	ssyncset.done $0x0  }
0x66: {  	[sflag:s26] =	ssyncadd.s32 $0xFFFFFC00  }
0x67: {  	[spmem:s3] =	stream.indirect.scatter.add.f32 [tilespmem:s23], [sflag:$0x3], $0x8, s0, s13, $0xb8;
	[tilespmem:$0xEB80] =	vst v63  }
0x68: {  	_ =	swait.ge [sflag:s10], $0x400  }
0x69: {  	[sflag:s10] =	ssyncset.done $0x0  }
0x6a: {  	[sflag:s10] =	ssyncadd.s32 $0xFFFFFC00  }
0x6b: {  	_ =	swait.ge [sflag:s26], $0x400  }
0x6c: {  	[sflag:s26] =	ssyncset.done $0x0  }
0x6d: {  	[sflag:s26] =	ssyncadd.s32 $0xFFFFFC00  }
0x6e: {  	[spmem:s3] =	stream.indirect.scatter.add.f32 [tilespmem:s25], [sflag:$0x3], $0x8, s5, s13, $0xb8;
	[tilespmem:$0xEB80] =	vst v63  }
0x6f: {  	s6 =	simm.s32 $0x100;
	_ =	swait.ge [sflag:s10], $0x400  }
0x70: {  	s8 =	simm.s32 $0x80;
	s9 =	rddreg [dreg:$0x5];
	[sflag:s10] =	ssyncset.done $0x0  }
.LBB2_2:
0x71: {  	[sflag:s10] =	ssyncadd.s32 $0xFFFFFC00;
	s18 =	rddreg [dreg:$0x4];
	s9 =	sadd.s32 s8, s9  }
0x72: {  	[tilespmem:s4], [sflag:$0x2] =	stream.linear.gather [hbm4b:s9+s4], $0x400, $0x38;
	[tilespmem:$0xEB80] =	vst v63  }
0x73: {  	s18 =	sadd.s32 s8, s18  }
0x74: {  	[tilespmem:s11], [sflag:$0x2] =	stream.linear.gather [hbm4b:s18+s4], $0x400, $0x38;
	[tilespmem:$0xEB80] =	vst v63  }
0x75: {  	_ =	swait.ge [sflag:s12], $0x400  }
0x76: {  	[sflag:s12] =	ssyncset.done $0x0  }
0x77: {  	[sflag:s12] =	ssyncadd.s32 $0xFFFFFC00  }
0x78: {  	_ =	swait.ge [sflag:s12], $0x400  }
0x79: {  	[sflag:s12] =	ssyncset.done $0x0  }
0x7a: {  	[sflag:s12] =	ssyncadd.s32 $0xFFFFFC00  }
0x7b: {  	[tilespmem:s14], [sflag:$0x1] =	stream.indirect.gather [hbm4b:s1+s13], $0x8, s4, s13, $0xb8;
	[tilespmem:$0xEB80] =	vst v63  }
0x7c: {  	_ = 	snop  }
0x7d: {  	[tilespmem:s15], [sflag:$0x1] =	stream.indirect.gather [hbm4b:s1+s13], $0x8, s13, s13, $0xb8;
	[tilespmem:$0xEB80] =	vst v63  }
0x7e: {  	s9 =	rddreg [dreg:$0x6]  }
0x7f: {  	[tilespmem:s16], [sflag:$0x1] =	stream.indirect.gather [hbm4b:s1+s13], $0x8, s9, s13, $0xb8;
	[tilespmem:$0xEB80] =	vst v63  }
0x80: {  	s18 =	rddreg [dreg:$0x7]  }
0x81: {  	[tilespmem:s17], [sflag:$0x1] =	stream.indirect.gather [hbm4b:s1+s13], $0x8, s18, s13, $0xb8;
	[tilespmem:$0xEB80] =	vst v63  }
0x82: {  	s18 =	simm.s32 $0x200  }
0x83: {  	[tilespmem:s19], [sflag:$0x1] =	stream.indirect.gather [hbm4b:s1+s13], $0x8, s18, s13, $0xb8;
	[tilespmem:$0xEB80] =	vst v63  }
0x84: {  	_ = 	snop  }
0x85: {  	[tilespmem:s21], [sflag:$0x1] =	stream.indirect.gather [hbm4b:s1+s13], $0x8, s20, s13, $0xb8;
	[tilespmem:$0xEB80] =	vst v63  }
0x86: {  	_ = 	snop  }
0x87: {  	[tilespmem:s23], [sflag:$0x1] =	stream.indirect.gather [hbm4b:s1+s13], $0x8, s22, s13, $0xb8;
	[tilespmem:$0xEB80] =	vst v63  }
0x88: {  	_ = 	snop  }
0x89: {  	[tilespmem:s25], [sflag:$0x1] =	stream.indirect.gather [hbm4b:s1+s13], $0x8, s24, s13, $0xb8;
	[tilespmem:$0xEB80] =	vst v63  }
0x8a: {  	_ =	swait.ge [sflag:s26], $0x400  }
0x8b: {  	[sflag:s26] =	ssyncset.done $0x0  }
0x8c: {  	[sflag:s26] =	ssyncadd.s32 $0xFFFFFC00  }
0x8d: {  	[spmem:s3] =	stream.indirect.scatter.add.f32 [tilespmem:s14], [sflag:$0x3], $0x8, s11, s13, $0xb8;
	[tilespmem:$0xEB80] =	vst v63  }
0x8e: {  	_ =	swait.ge [sflag:s10], $0x400  }
0x8f: {  	[sflag:s10] =	ssyncset.done $0x0  }
0x90: {  	[sflag:s10] =	ssyncadd.s32 $0xFFFFFC00  }
0x91: {  	_ =	swait.ge [sflag:s26], $0x400  }
0x92: {  	[sflag:s26] =	ssyncset.done $0x0  }
0x93: {  	[sflag:s26] =	ssyncadd.s32 $0xFFFFFC00  }
0x94: {  	[spmem:s3] =	stream.indirect.scatter.add.f32 [tilespmem:s15], [sflag:$0x3], $0x8, s28, s13, $0xb8;
	[tilespmem:$0xEB80] =	vst v63  }
0x95: {  	_ =	swait.ge [sflag:s10], $0x400  }
0x96: {  	[sflag:s10] =	ssyncset.done $0x0  }
0x97: {  	[sflag:s10] =	ssyncadd.s32 $0xFFFFFC00  }
0x98: {  	_ =	swait.ge [sflag:s26], $0x400  }
0x99: {  	[sflag:s26] =	ssyncset.done $0x0  }
0x9a: {  	[sflag:s26] =	ssyncadd.s32 $0xFFFFFC00  }
0x9b: {  	[spmem:s3] =	stream.indirect.scatter.add.f32 [tilespmem:s16], [sflag:$0x3], $0x8, s29, s13, $0xb8;
	[tilespmem:$0xEB80] =	vst v63  }
0x9c: {  	_ =	swait.ge [sflag:s10], $0x400  }
0x9d: {  	[sflag:s10] =	ssyncset.done $0x0  }
0x9e: {  	[sflag:s10] =	ssyncadd.s32 $0xFFFFFC00  }
0x9f: {  	_ =	swait.ge [sflag:s26], $0x400  }
0xa0: {  	[sflag:s26] =	ssyncset.done $0x0  }
0xa1: {  	[sflag:s26] =	ssyncadd.s32 $0xFFFFFC00  }
0xa2: {  	[spmem:s3] =	stream.indirect.scatter.add.f32 [tilespmem:s17], [sflag:$0x3], $0x8, s30, s13, $0xb8;
	[tilespmem:$0xEB80] =	vst v63  }
0xa3: {  	_ =	swait.ge [sflag:s10], $0x400  }
0xa4: {  	[sflag:s10] =	ssyncset.done $0x0  }
0xa5: {  	[sflag:s10] =	ssyncadd.s32 $0xFFFFFC00  }
0xa6: {  	_ =	swait.ge [sflag:s26], $0x400  }
0xa7: {  	[sflag:s26] =	ssyncset.done $0x0  }
0xa8: {  	[sflag:s26] =	ssyncadd.s32 $0xFFFFFC00  }
0xa9: {  	[spmem:s3] =	stream.indirect.scatter.add.f32 [tilespmem:s19], [sflag:$0x3], $0x8, s31, s13, $0xb8;
	[tilespmem:$0xEB80] =	vst v63  }
0xaa: {  	_ =	swait.ge [sflag:s10], $0x400  }
0xab: {  	[sflag:s10] =	ssyncset.done $0x0  }
0xac: {  	[sflag:s10] =	ssyncadd.s32 $0xFFFFFC00  }
0xad: {  	_ =	swait.ge [sflag:s26], $0x400  }
0xae: {  	[sflag:s26] =	ssyncset.done $0x0  }
0xaf: {  	[sflag:s26] =	ssyncadd.s32 $0xFFFFFC00  }
0xb0: {  	[spmem:s3] =	stream.indirect.scatter.add.f32 [tilespmem:s21], [sflag:$0x3], $0x8, s2, s13, $0xb8;
	[tilespmem:$0xEB80] =	vst v63  }
0xb1: {  	_ =	swait.ge [sflag:s10], $0x400  }
0xb2: {  	[sflag:s10] =	ssyncset.done $0x0  }
0xb3: {  	[sflag:s10] =	ssyncadd.s32 $0xFFFFFC00  }
0xb4: {  	_ =	swait.ge [sflag:s26], $0x400  }
0xb5: {  	[sflag:s26] =	ssyncset.done $0x0  }
0xb6: {  	[sflag:s26] =	ssyncadd.s32 $0xFFFFFC00  }
0xb7: {  	[spmem:s3] =	stream.indirect.scatter.add.f32 [tilespmem:s23], [sflag:$0x3], $0x8, s0, s13, $0xb8;
	[tilespmem:$0xEB80] =	vst v63  }
0xb8: {  	_ =	swait.ge [sflag:s10], $0x400  }
0xb9: {  	[sflag:s10] =	ssyncset.done $0x0  }
0xba: {  	[sflag:s10] =	ssyncadd.s32 $0xFFFFFC00  }
0xbb: {  	p0 =	sne.s32 s6, $0x3080;
	_ =	swait.ge [sflag:s26], $0x400  }
.Ltmp0:
0xbc: {  	[sflag:s26] =	ssyncset.done $0x0;
	(pc) =	sbr.rel @p0 .LBB2_2-.Ltmp0, $4  }
0xbd: {  	[sflag:s26] =	ssyncadd.s32 $0xFFFFFC00  }
0xbe: {  	[spmem:s3] =	stream.indirect.scatter.add.f32 [tilespmem:s25], [sflag:$0x3], $0x8, s5, s13, $0xb8;
	[tilespmem:$0xEB80] =	vst v63  }
0xbf: {  	s7 =	smov.u32 s6;
	s6 =	sadd.s32 $0x80, s6;
	_ =	swait.ge [sflag:s10], $0x400  }
0xc0: {  	s8 =	smov.u32 s7;
	s9 =	rddreg [dreg:$0x5];
	[sflag:s10] =	ssyncset.done $0x0  }
0xc1: {  	s6 =	rddreg [dreg:$0x4];
	[sflag:s10] =	ssyncadd.s32 $0xFFFFFC00;
	s7 =	sadd.s32 s8, s9  }
0xc2: {  	[tilespmem:s4], [sflag:$0x2] =	stream.linear.gather [hbm4b:s7+s4], $0x400, $0x38;
	[tilespmem:$0xEB80] =	vst v63  }
0xc3: {  	s6 =	sadd.s32 s8, s6  }
0xc4: {  	[tilespmem:s11], [sflag:$0x2] =	stream.linear.gather [hbm4b:s6+s4], $0x400, $0x38;
	[tilespmem:$0xEB80] =	vst v63  }
0xc5: {  	_ =	swait.ge [sflag:s12], $0x400  }
0xc6: {  	[sflag:s12] =	ssyncset.done $0x0  }
0xc7: {  	[sflag:s12] =	ssyncadd.s32 $0xFFFFFC00  }
0xc8: {  	_ =	swait.ge [sflag:s12], $0x400  }
0xc9: {  	[sflag:s12] =	ssyncset.done $0x0  }
0xca: {  	[sflag:s12] =	ssyncadd.s32 $0xFFFFFC00  }
0xcb: {  	[tilespmem:s14], [sflag:$0x1] =	stream.indirect.gather [hbm4b:s1+s13], $0x8, s4, s13, $0xb8;
	[tilespmem:$0xEB80] =	vst v63  }
0xcc: {  	_ = 	snop  }
0xcd: {  	[tilespmem:s15], [sflag:$0x1] =	stream.indirect.gather [hbm4b:s1+s13], $0x8, s13, s13, $0xb8;
	[tilespmem:$0xEB80] =	vst v63  }
0xce: {  	s7 =	rddreg [dreg:$0x6]  }
0xcf: {  	[tilespmem:s16], [sflag:$0x1] =	stream.indirect.gather [hbm4b:s1+s13], $0x8, s7, s13, $0xb8;
	[tilespmem:$0xEB80] =	vst v63  }
0xd0: {  	s8 =	rddreg [dreg:$0x7]  }
0xd1: {  	[tilespmem:s17], [sflag:$0x1] =	stream.indirect.gather [hbm4b:s1+s13], $0x8, s8, s13, $0xb8;
	[tilespmem:$0xEB80] =	vst v63  }
0xd2: {  	s9 =	simm.s32 $0x200  }
0xd3: {  	[tilespmem:s19], [sflag:$0x1] =	stream.indirect.gather [hbm4b:s1+s13], $0x8, s9, s13, $0xb8;
	[tilespmem:$0xEB80] =	vst v63  }
0xd4: {  	_ = 	snop  }
0xd5: {  	[tilespmem:s21], [sflag:$0x1] =	stream.indirect.gather [hbm4b:s1+s13], $0x8, s20, s13, $0xb8;
	[tilespmem:$0xEB80] =	vst v63  }
0xd6: {  	_ = 	snop  }
0xd7: {  	[tilespmem:s23], [sflag:$0x1] =	stream.indirect.gather [hbm4b:s1+s13], $0x8, s22, s13, $0xb8;
	[tilespmem:$0xEB80] =	vst v63  }
0xd8: {  	_ = 	snop  }
0xd9: {  	[tilespmem:s25], [sflag:$0x1] =	stream.indirect.gather [hbm4b:s1+s13], $0x8, s24, s13, $0xb8;
	[tilespmem:$0xEB80] =	vst v63  }
0xda: {  	_ =	swait.ge [sflag:s26], $0x400  }
0xdb: {  	[sflag:s26] =	ssyncset.done $0x0  }
0xdc: {  	[sflag:s26] =	ssyncadd.s32 $0xFFFFFC00  }
0xdd: {  	[spmem:s3] =	stream.indirect.scatter.add.f32 [tilespmem:s14], [sflag:$0x3], $0x8, s11, s13, $0xb8;
	[tilespmem:$0xEB80] =	vst v63  }
0xde: {  	_ =	swait.ge [sflag:s10], $0x400  }
0xdf: {  	[sflag:s10] =	ssyncset.done $0x0  }
0xe0: {  	[sflag:s10] =	ssyncadd.s32 $0xFFFFFC00  }
0xe1: {  	_ =	swait.ge [sflag:s26], $0x400  }
0xe2: {  	[sflag:s26] =	ssyncset.done $0x0  }
0xe3: {  	[sflag:s26] =	ssyncadd.s32 $0xFFFFFC00  }
0xe4: {  	[spmem:s3] =	stream.indirect.scatter.add.f32 [tilespmem:s15], [sflag:$0x3], $0x8, s28, s13, $0xb8;
	[tilespmem:$0xEB80] =	vst v63  }
0xe5: {  	_ =	swait.ge [sflag:s10], $0x400  }
0xe6: {  	[sflag:s10] =	ssyncset.done $0x0  }
0xe7: {  	[sflag:s10] =	ssyncadd.s32 $0xFFFFFC00  }
0xe8: {  	_ =	swait.ge [sflag:s26], $0x400  }
0xe9: {  	[sflag:s26] =	ssyncset.done $0x0  }
0xea: {  	[sflag:s26] =	ssyncadd.s32 $0xFFFFFC00  }
0xeb: {  	[spmem:s3] =	stream.indirect.scatter.add.f32 [tilespmem:s16], [sflag:$0x3], $0x8, s29, s13, $0xb8;
	[tilespmem:$0xEB80] =	vst v63  }
0xec: {  	_ =	swait.ge [sflag:s10], $0x400  }
0xed: {  	[sflag:s10] =	ssyncset.done $0x0  }
0xee: {  	[sflag:s10] =	ssyncadd.s32 $0xFFFFFC00  }
0xef: {  	_ =	swait.ge [sflag:s26], $0x400  }
0xf0: {  	[sflag:s26] =	ssyncset.done $0x0  }
0xf1: {  	[sflag:s26] =	ssyncadd.s32 $0xFFFFFC00  }
0xf2: {  	[spmem:s3] =	stream.indirect.scatter.add.f32 [tilespmem:s17], [sflag:$0x3], $0x8, s30, s13, $0xb8;
	[tilespmem:$0xEB80] =	vst v63  }
0xf3: {  	_ =	swait.ge [sflag:s10], $0x400  }
0xf4: {  	[sflag:s10] =	ssyncset.done $0x0  }
0xf5: {  	[sflag:s10] =	ssyncadd.s32 $0xFFFFFC00  }
0xf6: {  	_ =	swait.ge [sflag:s26], $0x400  }
0xf7: {  	[sflag:s26] =	ssyncset.done $0x0  }
0xf8: {  	[sflag:s26] =	ssyncadd.s32 $0xFFFFFC00  }
0xf9: {  	[spmem:s3] =	stream.indirect.scatter.add.f32 [tilespmem:s19], [sflag:$0x3], $0x8, s31, s13, $0xb8;
	[tilespmem:$0xEB80] =	vst v63  }
0xfa: {  	_ =	swait.ge [sflag:s10], $0x400  }
0xfb: {  	[sflag:s10] =	ssyncset.done $0x0  }
0xfc: {  	[sflag:s10] =	ssyncadd.s32 $0xFFFFFC00  }
0xfd: {  	_ =	swait.ge [sflag:s26], $0x400  }
0xfe: {  	[sflag:s26] =	ssyncset.done $0x0  }
0xff: {  	[sflag:s26] =	ssyncadd.s32 $0xFFFFFC00  }
0x100: {  	[spmem:s3] =	stream.indirect.scatter.add.f32 [tilespmem:s21], [sflag:$0x3], $0x8, s2, s13, $0xb8;
	[tilespmem:$0xEB80] =	vst v63  }
0x101: {  	_ =	swait.ge [sflag:s10], $0x400  }
0x102: {  	[sflag:s10] =	ssyncset.done $0x0  }
0x103: {  	[sflag:s10] =	ssyncadd.s32 $0xFFFFFC00  }
0x104: {  	_ =	swait.ge [sflag:s26], $0x400  }
0x105: {  	[sflag:s26] =	ssyncset.done $0x0  }
0x106: {  	[sflag:s26] =	ssyncadd.s32 $0xFFFFFC00  }
0x107: {  	[spmem:s3] =	stream.indirect.scatter.add.f32 [tilespmem:s23], [sflag:$0x3], $0x8, s0, s13, $0xb8;
	[tilespmem:$0xEB80] =	vst v63  }
0x108: {  	_ =	swait.ge [sflag:s10], $0x400  }
0x109: {  	[sflag:s10] =	ssyncset.done $0x0  }
0x10a: {  	[sflag:s10] =	ssyncadd.s32 $0xFFFFFC00  }
0x10b: {  	_ =	swait.ge [sflag:s26], $0x400  }
0x10c: {  	[sflag:s26] =	ssyncset.done $0x0  }
0x10d: {  	[sflag:s26] =	ssyncadd.s32 $0xFFFFFC00  }
0x10e: {  	[spmem:s3] =	stream.indirect.scatter.add.f32 [tilespmem:s25], [sflag:$0x3], $0x8, s5, s13, $0xb8;
	[tilespmem:$0xEB80] =	vst v63  }
0x10f: {  	_ =	swait.ge [sflag:s10], $0x400  }
0x110: {  	[sflag:s10] =	ssyncset.done $0x0  }
0x111: {  	[sflag:s10] =	ssyncadd.s32 $0xFFFFFC00  }
0x112: {  	[bflag:$0x0] =	sbarrier.arrive $0xFFFF  }
0x113: {  	s7 =	rddreg [dreg:$0x9]  }
0x114: {  	s18 =	rddreg [dreg:$0xa]  }
0x115: {  	s8 =	rddreg [dreg:$0xc]  }
0x116: {  	[hbm:s18], [sflag:s7] =	dma.local [spmem:s8], $0x1870  }
0x117: {  	_ =	swait.ge [sflag:s10], $0x1870  }
0x118: {  	s6 =	rddreg [dreg:$0xd]  }
0x119: {  	s18 =	rddreg [dreg:$0xb];
	s9 =	sadd.s32 $0x1, s6  }
0x11a: {  	p0 =	sne.s32 s9, s18  }
.Ltmp1:
0x11b: {  	_ = 	snop;
	(pc) =	sbr.rel @p0 .LBB2_1-.Ltmp1, $3  }
0x11c: {  	_ =	sdelay $0x1  }
0x11d: {  	[sflag:s10] =	ssyncset.done $0x0  }
0x11e: {  	[sflag:s10] =	ssyncadd.s32 $0xFFFFE790  }
0x11f: {  	_ =	sfence.sel $0x180000  }
0x120: {  	[bflag:$0x0] =	sbarrier.arrive $0xFFFF  }
0x121: {  	_ =	strace $0x90000050  }
0x122: {  	s0 =	stileid.u32;
	[bflag:$0x2] =	sbarrier.arrive $0xFFFF  }
0x123: {  	p0 =	sne.s32 s0, $0x0;
	s0 =	rddreg [dreg:$0x3]  }
0x124: {  	s0 =	sadd.s32 @!p0 $0x100000, s0  }
0x125: {  	[sflag:s0] =	ssyncadd.tile.s32 @!p0 $0x1;
	_ =	shalt  }
.Lfunc_end2:
_tile_overlayer_lowered:
.L_overlay_start_2:
0x126: {  	(tag) =	ssettag $0x2  }
0x127: {  	s0 =	rddreg [dreg:$0x0];
	s2 =	stileid.u32  }
0x128: {  	s1 =	rddreg [dreg:$0x1];
	p0 =	sne.s32 s2, $0x0  }
0x129: {  	s3 =	rddreg [dreg:$0x2];
	[bflag:$0x3] =	sbarrier.arrive $0xFFFF;
	s2 =	simm.s32 @!p0 $0x1C03  }
0x12a: {  	[timem:s3], [sflag:s2] =	dma.local @!p0 [hbm:s0], s1  }
0x12b: {  	s0 =	simm.s32 @!p0 $0x3  }
0x12c: {  	_ =	swait.ge @!p0 [sflag:s0], s1  }
0x12d: {  	s1 =	ssub.s32 @!p0 $0x0, s1;
	[sflag:s0] =	ssyncset.done @!p0 $0x0  }
0x12e: {  	[sflag:s0] =	ssyncadd.s32 @!p0 s1  }
0x12f: {  	[bflag:$0x3] =	sbarrier.arrive $0xFFFF  }
0x130: {  	_ =	shalt  }

</sc_bundles>
